<compile_context>
chip_gen: v7x
topology: tpu7x:2x2x1
jax: 0.10.2.dev20260603
libtpu: 0.0.44.dev20260713+nightly
codegen_flags: <defaults>
</compile_context>

<pallas_src>
import functools

import jax
import jax.numpy as jnp
from jax import lax
from jax.experimental import pallas as pl
from jax.experimental.pallas import tpu as pltpu
from jax.experimental.pallas import tpu_sc as plsc

N = 10000
N_PAD = 10240
E = 320000
IN_LEN = 128
HID = 64

NC = 2
NS = 16
NW = NC * NS
CHUNK = 128
E_ROWS = 2560
E_REAL_ROWS = E // CHUNK
ROWS_PER_W = E_ROWS // NW
TAIL_OFF = (NW - 1) * ROWS_PER_W
REAL_TAIL = E_REAL_ROWS - TAIL_OFF
PAD_ROWS = E_ROWS - E_REAL_ROWS
TILE_ROWS = N_PAD // NS
DUMMY = N

BLK = 2000
GRID = N // BLK

_mesh = plsc.VectorSubcoreMesh(core_axis_name="c", subcore_axis_name="s")
_sc_params = pltpu.CompilerParams(use_tc_tiling_on_sc=False)



def _load_edges(ei_hbm, pad_hbm, row, w, idx_v):
    @pl.when(w < NW - 1)
    def _():
        pltpu.sync_copy(ei_hbm.at[row, pl.ds(w * ROWS_PER_W, ROWS_PER_W)], idx_v)

    @pl.when(w == NW - 1)
    def _():
        pltpu.sync_copy(ei_hbm.at[row, pl.ds(TAIL_OFF, REAL_TAIL)],
                        idx_v.at[pl.ds(0, REAL_TAIL)])
        pltpu.sync_copy(pad_hbm.at[row], idx_v.at[pl.ds(REAL_TAIL, PAD_ROWS)])


@functools.partial(
    pl.kernel,
    out_type=jax.ShapeDtypeStruct((NC * N_PAD, 16), jnp.float32),
    mesh=_mesh,
    scratch_types=[
        pltpu.VMEM((ROWS_PER_W, CHUNK), jnp.int32),
        pltpu.VMEM((CHUNK, 16), jnp.float32),
        [pltpu.SemaphoreType.DMA] * 4,
        pltpu.VMEM_SHARED((N_PAD, 16), jnp.float32),
    ],
    compiler_params=_sc_params,
)
def _sc_degree(ei_hbm, pad_hbm, ones_hbm, zeros_hbm, deg_hbm,
               dst_v, ones_v, ssems, shared_deg):
    c = lax.axis_index("c")
    s = lax.axis_index("s")
    w = c * NS + s
    pltpu.sync_copy(zeros_hbm, shared_deg.at[pl.ds(s * TILE_ROWS, TILE_ROWS)])
    pltpu.sync_copy(ones_hbm, ones_v)
    _load_edges(ei_hbm, pad_hbm, 1, w, dst_v)
    plsc.subcore_barrier()

    def body(i, carry):
        for k in range(4):
            @pl.when(i >= 1)
            def _(k=k):
                pltpu.make_async_copy(
                    ones_v, shared_deg.at[pl.ds(0, CHUNK)], ssems[k]).wait()
            pltpu.async_copy(ones_v, shared_deg.at[dst_v.at[4 * i + k]],
                             ssems[k], add=True)
        return carry

    lax.fori_loop(0, ROWS_PER_W // 4, body, 0)
    for k in range(4):
        pltpu.make_async_copy(ones_v, shared_deg.at[pl.ds(0, CHUNK)], ssems[k]).wait()
    plsc.subcore_barrier()
    pltpu.sync_copy(
        shared_deg.at[pl.ds(s * TILE_ROWS, TILE_ROWS)],
        deg_hbm.at[pl.ds(c * N_PAD + s * TILE_ROWS, TILE_ROWS)],
    )


@functools.partial(
    pl.kernel,
    out_type=jax.ShapeDtypeStruct((N_PAD, NC * HID), jnp.float32),
    mesh=_mesh,
    scratch_types=[
        pltpu.VMEM((ROWS_PER_W, CHUNK), jnp.int32),
        pltpu.VMEM((ROWS_PER_W, CHUNK), jnp.int32),
        [pltpu.VMEM((CHUNK, HID), jnp.float32)] * 4,
        [pltpu.SemaphoreType.DMA] * 4,
        [pltpu.SemaphoreType.DMA] * 4,
        pltpu.VMEM_SHARED((N_PAD, HID), jnp.float32),
    ],
    compiler_params=_sc_params,
)
def _sc_aggregate(htn_hbm, ei_hbm, pad_hbm, zeros_hbm, agg_hbm,
                  src_v, dst_v, rows, sems, ssems, shared_agg):
    c = lax.axis_index("c")
    s = lax.axis_index("s")
    w = c * NS + s
    _load_edges(ei_hbm, pad_hbm, 0, w, src_v)
    _load_edges(ei_hbm, pad_hbm, 1, w, dst_v)

    for k in range(3):
        pltpu.async_copy(htn_hbm.at[src_v.at[k]], rows[k], sems[k])
    pltpu.sync_copy(zeros_hbm, shared_agg.at[pl.ds(s * TILE_ROWS, TILE_ROWS)])
    plsc.subcore_barrier()

    def body(i, carry):
        j = 4 * i
        for k in range(4):
            q = j + k + 3
            b = (k + 3) % 4

            @pl.when((q >= 4) & (q < ROWS_PER_W))
            def _(b=b):
                pltpu.make_async_copy(
                    rows[b], shared_agg.at[pl.ds(0, CHUNK)], ssems[b]).wait()

            @pl.when(q < ROWS_PER_W)
            def _(q=q, b=b):
                pltpu.async_copy(htn_hbm.at[src_v.at[q]], rows[b], sems[b])

            pltpu.make_async_copy(
                htn_hbm.at[pl.ds(0, CHUNK)], rows[k], sems[k]).wait()
            pltpu.async_copy(rows[k], shared_agg.at[dst_v.at[j + k]],
                             ssems[k], add=True)
        return carry

    lax.fori_loop(0, ROWS_PER_W // 4, body, 0)
    for k in range(4):
        pltpu.make_async_copy(rows[k], shared_agg.at[pl.ds(0, CHUNK)], ssems[k]).wait()
    plsc.subcore_barrier()
    pltpu.sync_copy(
        shared_agg.at[pl.ds(s * TILE_ROWS, TILE_ROWS)],
        agg_hbm.at[pl.ds(s * TILE_ROWS, TILE_ROWS), pl.ds(c * HID, HID)],
    )



def _tc_first_body(x_ref, w_ref, out_ref):
    out_ref[...] = jnp.dot(
        x_ref[...], w_ref[...], preferred_element_type=jnp.float32)


_tc_first = pl.pallas_call(
    _tc_first_body,
    grid=(GRID,),
    in_specs=[
        pl.BlockSpec((BLK, IN_LEN), lambda i: (i, 0)),
        pl.BlockSpec((IN_LEN, HID), lambda i: (0, 0)),
    ],
    out_specs=pl.BlockSpec((BLK, HID), lambda i: (i, 0)),
    out_shape=jax.ShapeDtypeStruct((N, HID), jnp.float32),
)


def _tc_scale_body(deg0_ref, deg1_ref, ht_ref, dinv_ref, htn_ref):
    d = deg0_ref[0][:, 0:1] + deg1_ref[0][:, 0:1] + 1.0
    dinv = jnp.broadcast_to(lax.rsqrt(d), (BLK, HID))
    dinv_ref[...] = dinv
    htn_ref[...] = dinv * ht_ref[...]


_tc_scale = pl.pallas_call(
    _tc_scale_body,
    grid=(GRID,),
    in_specs=[
        pl.BlockSpec((1, BLK, 16), lambda i: (0, i, 0)),
        pl.BlockSpec((1, BLK, 16), lambda i: (1, i, 0)),
        pl.BlockSpec((BLK, HID), lambda i: (i, 0)),
    ],
    out_specs=[
        pl.BlockSpec((BLK, HID), lambda i: (i, 0)),
        pl.BlockSpec((BLK, HID), lambda i: (i, 0)),
    ],
    out_shape=[
        jax.ShapeDtypeStruct((N, HID), jnp.float32),
        jax.ShapeDtypeStruct((N, HID), jnp.float32),
    ],
)


def _tc_mid_body(agg_ref, htnp_ref, dinv_ref, b_ref, w_ref, out_ref):
    a = agg_ref[:, :HID] + agg_ref[:, HID:] + htnp_ref[...]
    h = jnp.maximum(a * dinv_ref[...] + b_ref[...], 0.0)
    out_ref[...] = dinv_ref[...] * jnp.dot(
        h, w_ref[...], preferred_element_type=jnp.float32)


_tc_mid = pl.pallas_call(
    _tc_mid_body,
    grid=(GRID,),
    in_specs=[
        pl.BlockSpec((BLK, NC * HID), lambda i: (i, 0)),
        pl.BlockSpec((BLK, HID), lambda i: (i, 0)),
        pl.BlockSpec((BLK, HID), lambda i: (i, 0)),
        pl.BlockSpec((1, HID), lambda i: (0, 0)),
        pl.BlockSpec((HID, HID), lambda i: (0, 0)),
    ],
    out_specs=pl.BlockSpec((BLK, HID), lambda i: (i, 0)),
    out_shape=jax.ShapeDtypeStruct((N, HID), jnp.float32),
)


def _tc_last_body(agg_ref, htnp_ref, dinv_ref, b_ref, out_ref):
    a = agg_ref[:, :HID] + agg_ref[:, HID:] + htnp_ref[...]
    out_ref[...] = jnp.maximum(a * dinv_ref[...] + b_ref[...], 0.0)


_tc_last = pl.pallas_call(
    _tc_last_body,
    grid=(GRID,),
    in_specs=[
        pl.BlockSpec((BLK, NC * HID), lambda i: (i, 0)),
        pl.BlockSpec((BLK, HID), lambda i: (i, 0)),
        pl.BlockSpec((BLK, HID), lambda i: (i, 0)),
        pl.BlockSpec((1, HID), lambda i: (0, 0)),
    ],
    out_specs=pl.BlockSpec((BLK, HID), lambda i: (i, 0)),
    out_shape=jax.ShapeDtypeStruct((N, HID), jnp.float32),
)



def kernel(X, edge_index, W0, b0, W1, b1, W2, b2, W3, b3, W4, b4):
    ei = jnp.reshape(edge_index, (2, E_REAL_ROWS, CHUNK))
    pad_idx = jnp.arange(PAD_ROWS * CHUNK, dtype=jnp.int32)
    pad_blk = jnp.stack(
        [pad_idx % N, DUMMY + pad_idx % (N_PAD - N)]).reshape(2, PAD_ROWS, CHUNK)
    zeros16 = jnp.zeros((TILE_ROWS, 16), jnp.float32)
    ones16 = jnp.ones((CHUNK, 16), jnp.float32)
    zeros64 = jnp.zeros((TILE_ROWS, HID), jnp.float32)

    deg = _sc_degree(ei, pad_blk, ones16, zeros16).reshape(NC, N_PAD, 16)
    ht0 = _tc_first(X, W0)
    dinv, htn = _tc_scale(deg, deg, ht0)
    Ws = [W1, W2, W3, W4]
    bs = [b0.reshape(1, HID), b1.reshape(1, HID), b2.reshape(1, HID),
          b3.reshape(1, HID), b4.reshape(1, HID)]
    for l in range(4):
        agg = _sc_aggregate(htn, ei, pad_blk, zeros64)
        htn = _tc_mid(agg, htn, dinv, bs[l], Ws[l])
    agg = _sc_aggregate(htn, ei, pad_blk, zeros64)
    return _tc_last(agg, htn, dinv, bs[4])

# --- scband reference (transcript-rebuilt; emitter-appended) ---
"""Pipeline reference for scband-graph-net-19430432047120 (READ-ONLY COPY).

The authoritative reference and input builder live on the scoring server;
editing this copy changes nothing except your own understanding.
"""

import jax, jax.numpy as jnp
import numpy as np

N = 10000
E = 320000
IN_LEN = 128
HID = 64
L = 5


def setup_inputs(seed: int = 0) -> dict:
    key = jax.random.key(seed)
    ks = jax.random.split(key, 2 + 2 * L)
    x = jax.random.normal(ks[0], (N, IN_LEN), dtype=jnp.float32)
    edge_index = jax.random.randint(ks[1], (2, E), 0, N, dtype=jnp.int32)
    inp = {"X": x, "edge_index": edge_index}
    dims = [(IN_LEN, HID)] + [(HID, HID)] * (L - 1)
    for i, (fi, fo) in enumerate(dims):
        W = jax.random.normal(ks[2 + 2 * i], (fi, fo), dtype=jnp.float32) * (1.0 / np.sqrt(fi))
        b = jnp.zeros((fo,), dtype=jnp.float32)
        inp[f"W{i}"] = W
        inp[f"b{i}"] = b
    return inp


def _gcn_layer(H, W, b, src, dst, norm):
    # linear transform
    Ht = H @ W
    # message passing with symmetric normalization (self-loops included in src/dst)
    msg = Ht[src] * norm[:, None]
    out = jnp.zeros((N, Ht.shape[1]), dtype=Ht.dtype).at[dst].add(msg)
    out = out + b
    return jax.nn.relu(out)


def reference(X, edge_index, W0, b0, W1, b1, W2, b2, W3, b3, W4, b4):
    Ws = [W0, W1, W2, W3, W4]
    bs = [b0, b1, b2, b3, b4]
    # add self loops
    loops = jnp.arange(N, dtype=edge_index.dtype)
    src = jnp.concatenate([edge_index[0], loops])
    dst = jnp.concatenate([edge_index[1], loops])
    # symmetric degree normalization D^{-1/2} (A+I) D^{-1/2}
    deg = jnp.zeros((N,), dtype=jnp.float32).at[dst].add(1.0)
    dinv = jax.lax.rsqrt(jnp.maximum(deg, 1.0))
    norm = dinv[src] * dinv[dst]
    H = X
    for W, b in zip(Ws, bs):
        H = _gcn_layer(H, W, b, src, dst, norm)
    return H

if __name__ == "__main__":
    import jax
    _d = setup_inputs()
    print(jax.jit(kernel)(*tuple(_d.values())))

</pallas_src>

<mosaic_0001>
#map = affine_map<(d0, d1) -> (0, 0, 0)>
#map1 = affine_map<(d0, d1) -> (0, 0)>
module attributes {stable_mosaic.version = 14 : i64} {
  func.func @_sc_degree(%arg0: i32, %arg1: i32, %arg2: memref<2x2500x128xi32, #tpu.memory_space<hbm>>, %arg3: memref<2x60x128xi32, #tpu.memory_space<hbm>>, %arg4: memref<128x16xf32, #tpu.memory_space<hbm>>, %arg5: memref<640x16xf32, #tpu.memory_space<hbm>>, %arg6: memref<20480x16xf32, #tpu.memory_space<hbm>>, %arg7: memref<80x128xi32, #tpu.memory_space<vmem>>, %arg8: memref<128x16xf32, #tpu.memory_space<vmem>>, %arg9: memref<!tpu.dma_semaphore, #tpu.memory_space<semaphore_mem>>, %arg10: memref<!tpu.dma_semaphore, #tpu.memory_space<semaphore_mem>>, %arg11: memref<!tpu.dma_semaphore, #tpu.memory_space<semaphore_mem>>, %arg12: memref<!tpu.dma_semaphore, #tpu.memory_space<semaphore_mem>>, %arg13: memref<10240x16xf32, #tpu.memory_space<vmem_shared>>) attributes {dimension_semantics = [#tpu.dimension_semantics<core_parallel>, #tpu.dimension_semantics<subcore_parallel>], iteration_bounds = array<i64: 2, 16>, scalar_prefetch = 0 : i64, scratch_operands = 7 : i64, tpu.core_type = #tpu.core_type<sc_vector_subcore>, window_params = [{transform_indices = #map}, {transform_indices = #map}, {transform_indices = #map1}, {transform_indices = #map1}, {transform_indices = #map1}]} {
    %mul3A = arith.constant 16 : i32
    %mul3A_0 = arith.muli %arg0, %mul3A : i32
    %add3A = arith.addi %mul3A_0, %arg1 : i32
    %mul3A_1 = arith.constant 640 : i32
    %mul3A_2 = arith.muli %arg1, %mul3A_1 : i32
    "tpu.region"() ({
      %run_scoped3A = tpu.sem_alloc : memref<!tpu.dma_semaphore, #tpu.memory_space<semaphore_mem>>
      %dma_start3A = arith.constant 0 : i32
      %dma_start3A_45 = tpu.memref_slice %arg13[%mul3A_2, %dma_start3A] : memref<10240x16xf32, #tpu.memory_space<vmem_shared>> -> memref<640x16xf32, #tpu.memory_space<vmem_shared>>
      tpu.enqueue_dma source(%arg5 : memref<640x16xf32, #tpu.memory_space<hbm>>) target(%dma_start3A_45 : memref<640x16xf32, #tpu.memory_space<vmem_shared>>) target_semaphore(%run_scoped3A : memref<!tpu.dma_semaphore, #tpu.memory_space<semaphore_mem>>)
      %dma_wait3A_46 = arith.constant 0 : i32
      %dma_wait3A_47 = tpu.memref_slice %arg13[%mul3A_2, %dma_wait3A_46] : memref<10240x16xf32, #tpu.memory_space<vmem_shared>> -> memref<640x16xf32, #tpu.memory_space<vmem_shared>>
      tpu.wait_dma2 semaphore(%run_scoped3A : memref<!tpu.dma_semaphore, #tpu.memory_space<semaphore_mem>>) src(%arg5 : memref<640x16xf32, #tpu.memory_space<hbm>>) dst(%dma_wait3A_47 : memref<640x16xf32, #tpu.memory_space<vmem_shared>>)
      tpu.yield
    }) : () -> ()
    "tpu.region"() ({
      %run_scoped3A = tpu.sem_alloc : memref<!tpu.dma_semaphore, #tpu.memory_space<semaphore_mem>>
      tpu.enqueue_dma source(%arg4 : memref<128x16xf32, #tpu.memory_space<hbm>>) target(%arg8 : memref<128x16xf32, #tpu.memory_space<vmem>>) target_semaphore(%run_scoped3A : memref<!tpu.dma_semaphore, #tpu.memory_space<semaphore_mem>>)
      tpu.wait_dma2 semaphore(%run_scoped3A : memref<!tpu.dma_semaphore, #tpu.memory_space<semaphore_mem>>) src(%arg4 : memref<128x16xf32, #tpu.memory_space<hbm>>) dst(%arg8 : memref<128x16xf32, #tpu.memory_space<vmem>>)
      tpu.yield
    }) : () -> ()
    %lt3A = arith.constant 31 : i32
    %lt3A_3 = arith.cmpi slt, %add3A, %lt3A : i32
    %convert_element_type3A = arith.extui %lt3A_3 : i1 to i32
    %cond3A = arith.constant 0 : i32
    %cond3A_4 = arith.cmpi ne, %convert_element_type3A, %cond3A : i32
    scf.if %cond3A_4 {
      %mul3A_45 = arith.constant 80 : i32
      %mul3A_46 = arith.muli %add3A, %mul3A_45 : i32
      %run_scoped3A = arith.constant 1 : i32
      "tpu.region"() ({
        %run_scoped3A_47 = tpu.sem_alloc : memref<!tpu.dma_semaphore, #tpu.memory_space<semaphore_mem>>
        %dma_start3A = arith.constant 0 : i32
        %dma_start3A_48 = tpu.memref_slice %arg2[%run_scoped3A, %mul3A_46, %dma_start3A] : memref<2x2500x128xi32, #tpu.memory_space<hbm>> -> memref<1x80x128xi32, #tpu.memory_space<hbm>>
        %dma_start3A_49 = tpu.memref_squeeze %dma_start3A_48 : memref<1x80x128xi32, #tpu.memory_space<hbm>> -> memref<80x128xi32, #tpu.memory_space<hbm>>
        %dma_start3A_50 = arith.constant 0 : i32
        %dma_start3A_51 = tpu.memref_slice %arg2[%run_scoped3A, %mul3A_46, %dma_start3A_50] : memref<2x2500x128xi32, #tpu.memory_space<hbm>> -> memref<1x80x128xi32, #tpu.memory_space<hbm>>
        %dma_start3A_52 = tpu.memref_squeeze %dma_start3A_51 : memref<1x80x128xi32, #tpu.memory_space<hbm>> -> memref<80x128xi32, #tpu.memory_space<hbm>>
        tpu.enqueue_dma source(%dma_start3A_52 : memref<80x128xi32, #tpu.memory_space<hbm>>) target(%arg7 : memref<80x128xi32, #tpu.memory_space<vmem>>) target_semaphore(%run_scoped3A_47 : memref<!tpu.dma_semaphore, #tpu.memory_space<semaphore_mem>>)
        %dma_wait3A_53 = arith.constant 0 : i32
        %dma_wait3A_54 = tpu.memref_slice %arg2[%run_scoped3A, %mul3A_46, %dma_wait3A_53] : memref<2x2500x128xi32, #tpu.memory_space<hbm>> -> memref<1x80x128xi32, #tpu.memory_space<hbm>>
        %dma_wait3A_55 = tpu.memref_squeeze %dma_wait3A_54 : memref<1x80x128xi32, #tpu.memory_space<hbm>> -> memref<80x128xi32, #tpu.memory_space<hbm>>
        %dma_wait3A_56 = arith.constant 0 : i32
        %dma_wait3A_57 = tpu.memref_slice %arg2[%run_scoped3A, %mul3A_46, %dma_wait3A_56] : memref<2x2500x128xi32, #tpu.memory_space<hbm>> -> memref<1x80x128xi32, #tpu.memory_space<hbm>>
        %dma_wait3A_58 = tpu.memref_squeeze %dma_wait3A_57 : memref<1x80x128xi32, #tpu.memory_space<hbm>> -> memref<80x128xi32, #tpu.memory_space<hbm>>
        tpu.wait_dma2 semaphore(%run_scoped3A_47 : memref<!tpu.dma_semaphore, #tpu.memory_space<semaphore_mem>>) src(%dma_wait3A_58 : memref<80x128xi32, #tpu.memory_space<hbm>>) dst(%arg7 : memref<80x128xi32, #tpu.memory_space<vmem>>)
        tpu.yield
      }) : () -> ()
    } else {
    }
    %eq3A = arith.constant 31 : i32
    %eq3A_5 = arith.cmpi eq, %add3A, %eq3A : i32
    %convert_element_type3A_6 = arith.extui %eq3A_5 : i1 to i32
    %cond3A_7 = arith.constant 0 : i32
    %cond3A_8 = arith.cmpi ne, %convert_element_type3A_6, %cond3A_7 : i32
    scf.if %cond3A_8 {
      %run_scoped3A = arith.constant 1 : i32
      "tpu.region"() ({
        %run_scoped3A_46 = tpu.sem_alloc : memref<!tpu.dma_semaphore, #tpu.memory_space<semaphore_mem>>
        %dma_start3A = arith.constant 0 : i32
        %dma_start3A_47 = arith.constant 0 : i32
        %dma_start3A_48 = tpu.memref_slice %arg7[%dma_start3A, %dma_start3A_47] : memref<80x128xi32, #tpu.memory_space<vmem>> -> memref<20x128xi32, #tpu.memory_space<vmem>>
        %dma_start3A_49 = arith.constant 2480 : i32
        %dma_start3A_50 = arith.constant 0 : i32
        %dma_start3A_51 = tpu.memref_slice %arg2[%run_scoped3A, %dma_start3A_49, %dma_start3A_50] : memref<2x2500x128xi32, #tpu.memory_space<hbm>> -> memref<1x20x128xi32, #tpu.memory_space<hbm>>
        %dma_start3A_52 = tpu.memref_squeeze %dma_start3A_51 : memref<1x20x128xi32, #tpu.memory_space<hbm>> -> memref<20x128xi32, #tpu.memory_space<hbm>>
        %dma_start3A_53 = arith.constant 0 : i32
        %dma_start3A_54 = arith.constant 0 : i32
        %dma_start3A_55 = tpu.memref_slice %arg7[%dma_start3A_53, %dma_start3A_54] : memref<80x128xi32, #tpu.memory_space<vmem>> -> memref<20x128xi32, #tpu.memory_space<vmem>>
        %dma_start3A_56 = arith.constant 2480 : i32
        %dma_start3A_57 = arith.constant 0 : i32
        %dma_start3A_58 = tpu.memref_slice %arg2[%run_scoped3A, %dma_start3A_56, %dma_start3A_57] : memref<2x2500x128xi32, #tpu.memory_space<hbm>> -> memref<1x20x128xi32, #tpu.memory_space<hbm>>
        %dma_start3A_59 = tpu.memref_squeeze %dma_start3A_58 : memref<1x20x128xi32, #tpu.memory_space<hbm>> -> memref<20x128xi32, #tpu.memory_space<hbm>>
        tpu.enqueue_dma source(%dma_start3A_59 : memref<20x128xi32, #tpu.memory_space<hbm>>) target(%dma_start3A_55 : memref<20x128xi32, #tpu.memory_space<vmem>>) target_semaphore(%run_scoped3A_46 : memref<!tpu.dma_semaphore, #tpu.memory_space<semaphore_mem>>)
        %dma_wait3A_60 = arith.constant 0 : i32
        %dma_wait3A_61 = arith.constant 0 : i32
        %dma_wait3A_62 = tpu.memref_slice %arg7[%dma_wait3A_60, %dma_wait3A_61] : memref<80x128xi32, #tpu.memory_space<vmem>> -> memref<20x128xi32, #tpu.memory_space<vmem>>
        %dma_wait3A_63 = arith.constant 2480 : i32
        %dma_wait3A_64 = arith.constant 0 : i32
        %dma_wait3A_65 = tpu.memref_slice %arg2[%run_scoped3A, %dma_wait3A_63, %dma_wait3A_64] : memref<2x2500x128xi32, #tpu.memory_space<hbm>> -> memref<1x20x128xi32, #tpu.memory_space<hbm>>
        %dma_wait3A_66 = tpu.memref_squeeze %dma_wait3A_65 : memref<1x20x128xi32, #tpu.memory_space<hbm>> -> memref<20x128xi32, #tpu.memory_space<hbm>>
        %dma_wait3A_67 = arith.constant 0 : i32
        %dma_wait3A_68 = arith.constant 0 : i32
        %dma_wait3A_69 = tpu.memref_slice %arg7[%dma_wait3A_67, %dma_wait3A_68] : memref<80x128xi32, #tpu.memory_space<vmem>> -> memref<20x128xi32, #tpu.memory_space<vmem>>
        %dma_wait3A_70 = arith.constant 2480 : i32
        %dma_wait3A_71 = arith.constant 0 : i32
        %dma_wait3A_72 = tpu.memref_slice %arg2[%run_scoped3A, %dma_wait3A_70, %dma_wait3A_71] : memref<2x2500x128xi32, #tpu.memory_space<hbm>> -> memref<1x20x128xi32, #tpu.memory_space<hbm>>
        %dma_wait3A_73 = tpu.memref_squeeze %dma_wait3A_72 : memref<1x20x128xi32, #tpu.memory_space<hbm>> -> memref<20x128xi32, #tpu.memory_space<hbm>>
        tpu.wait_dma2 semaphore(%run_scoped3A_46 : memref<!tpu.dma_semaphore, #tpu.memory_space<semaphore_mem>>) src(%dma_wait3A_73 : memref<20x128xi32, #tpu.memory_space<hbm>>) dst(%dma_wait3A_69 : memref<20x128xi32, #tpu.memory_space<vmem>>)
        tpu.yield
      }) : () -> ()
      %run_scoped3A_45 = arith.constant 1 : i32
      "tpu.region"() ({
        %run_scoped3A_46 = tpu.sem_alloc : memref<!tpu.dma_semaphore, #tpu.memory_space<semaphore_mem>>
        %dma_start3A = arith.constant 20 : i32
        %dma_start3A_47 = arith.constant 0 : i32
        %dma_start3A_48 = tpu.memref_slice %arg7[%dma_start3A, %dma_start3A_47] : memref<80x128xi32, #tpu.memory_space<vmem>> -> memref<60x128xi32, #tpu.memory_space<vmem>>
        %dma_start3A_49 = arith.constant 0 : i32
        %dma_start3A_50 = arith.constant 0 : i32
        %dma_start3A_51 = tpu.memref_slice %arg3[%run_scoped3A_45, %dma_start3A_49, %dma_start3A_50] : memref<2x60x128xi32, #tpu.memory_space<hbm>> -> memref<1x60x128xi32, #tpu.memory_space<hbm>>
        %dma_start3A_52 = tpu.memref_squeeze %dma_start3A_51 : memref<1x60x128xi32, #tpu.memory_space<hbm>> -> memref<60x128xi32, #tpu.memory_space<hbm>>
        %dma_start3A_53 = arith.constant 20 : i32
        %dma_start3A_54 = arith.constant 0 : i32
        %dma_start3A_55 = tpu.memref_slice %arg7[%dma_start3A_53, %dma_start3A_54] : memref<80x128xi32, #tpu.memory_space<vmem>> -> memref<60x128xi32, #tpu.memory_space<vmem>>
        %dma_start3A_56 = arith.constant 0 : i32
        %dma_start3A_57 = arith.constant 0 : i32
        %dma_start3A_58 = tpu.memref_slice %arg3[%run_scoped3A_45, %dma_start3A_56, %dma_start3A_57] : memref<2x60x128xi32, #tpu.memory_space<hbm>> -> memref<1x60x128xi32, #tpu.memory_space<hbm>>
        %dma_start3A_59 = tpu.memref_squeeze %dma_start3A_58 : memref<1x60x128xi32, #tpu.memory_space<hbm>> -> memref<60x128xi32, #tpu.memory_space<hbm>>
        tpu.enqueue_dma source(%dma_start3A_59 : memref<60x128xi32, #tpu.memory_space<hbm>>) target(%dma_start3A_55 : memref<60x128xi32, #tpu.memory_space<vmem>>) target_semaphore(%run_scoped3A_46 : memref<!tpu.dma_semaphore, #tpu.memory_space<semaphore_mem>>)
        %dma_wait3A_60 = arith.constant 20 : i32
        %dma_wait3A_61 = arith.constant 0 : i32
        %dma_wait3A_62 = tpu.memref_slice %arg7[%dma_wait3A_60, %dma_wait3A_61] : memref<80x128xi32, #tpu.memory_space<vmem>> -> memref<60x128xi32, #tpu.memory_space<vmem>>
        %dma_wait3A_63 = arith.constant 0 : i32
        %dma_wait3A_64 = arith.constant 0 : i32
        %dma_wait3A_65 = tpu.memref_slice %arg3[%run_scoped3A_45, %dma_wait3A_63, %dma_wait3A_64] : memref<2x60x128xi32, #tpu.memory_space<hbm>> -> memref<1x60x128xi32, #tpu.memory_space<hbm>>
        %dma_wait3A_66 = tpu.memref_squeeze %dma_wait3A_65 : memref<1x60x128xi32, #tpu.memory_space<hbm>> -> memref<60x128xi32, #tpu.memory_space<hbm>>
        %dma_wait3A_67 = arith.constant 20 : i32
        %dma_wait3A_68 = arith.constant 0 : i32
        %dma_wait3A_69 = tpu.memref_slice %arg7[%dma_wait3A_67, %dma_wait3A_68] : memref<80x128xi32, #tpu.memory_space<vmem>> -> memref<60x128xi32, #tpu.memory_space<vmem>>
        %dma_wait3A_70 = arith.constant 0 : i32
        %dma_wait3A_71 = arith.constant 0 : i32
        %dma_wait3A_72 = tpu.memref_slice %arg3[%run_scoped3A_45, %dma_wait3A_70, %dma_wait3A_71] : memref<2x60x128xi32, #tpu.memory_space<hbm>> -> memref<1x60x128xi32, #tpu.memory_space<hbm>>
        %dma_wait3A_73 = tpu.memref_squeeze %dma_wait3A_72 : memref<1x60x128xi32, #tpu.memory_space<hbm>> -> memref<60x128xi32, #tpu.memory_space<hbm>>
        tpu.wait_dma2 semaphore(%run_scoped3A_46 : memref<!tpu.dma_semaphore, #tpu.memory_space<semaphore_mem>>) src(%dma_wait3A_73 : memref<60x128xi32, #tpu.memory_space<hbm>>) dst(%dma_wait3A_69 : memref<60x128xi32, #tpu.memory_space<vmem>>)
        tpu.yield
      }) : () -> ()
    } else {
    }
    %barrier3A = arith.constant 0 : index
    tpu.barrier barrier_id(%barrier3A)
    %scan3A = arith.constant 0 : i32
    %scan3A_9 = arith.constant 0 : i32
    %scan3A_10 = arith.constant 20 : i32
    %scan3A_11 = arith.addi %scan3A_9, %scan3A_10 : i32
    %scan3A_12 = arith.constant 1 : i32
    scf.for %scan3A_45 = %scan3A_9 to %scan3A_11 step %scan3A_12  : i32 {
      %ge3A = arith.constant 1 : i32
      %ge3A_46 = arith.cmpi sge, %scan3A_45, %ge3A : i32
      %convert_element_type3A_47 = arith.extui %ge3A_46 : i1 to i32
      %cond3A_48 = arith.constant 0 : i32
      %cond3A_49 = arith.cmpi ne, %convert_element_type3A_47, %cond3A_48 : i32
      scf.if %cond3A_49 {
        %dma_wait3A_104 = arith.constant 0 : i32
        %dma_wait3A_105 = arith.constant 0 : i32
        %dma_wait3A_106 = tpu.memref_slice %arg13[%dma_wait3A_104, %dma_wait3A_105] : memref<10240x16xf32, #tpu.memory_space<vmem_shared>> -> memref<128x16xf32, #tpu.memory_space<vmem_shared>>
        %dma_wait3A_107 = arith.constant 0 : i32
        %dma_wait3A_108 = arith.constant 0 : i32
        %dma_wait3A_109 = tpu.memref_slice %arg13[%dma_wait3A_107, %dma_wait3A_108] : memref<10240x16xf32, #tpu.memory_space<vmem_shared>> -> memref<128x16xf32, #tpu.memory_space<vmem_shared>>
        tpu.wait_dma2 semaphore(%arg9 : memref<!tpu.dma_semaphore, #tpu.memory_space<semaphore_mem>>) src(%arg8 : memref<128x16xf32, #tpu.memory_space<vmem>>) dst(%dma_wait3A_109 : memref<128x16xf32, #tpu.memory_space<vmem_shared>>)
      } else {
      }
      %mul3A_50 = arith.constant 4 : i32
      %mul3A_51 = arith.muli %mul3A_50, %scan3A_45 : i32
      %add3A_52 = arith.constant 0 : i32
      %add3A_53 = arith.addi %mul3A_51, %add3A_52 : i32
      %dma_start3A = arith.constant 0 : i32
      %dma_start3A_54 = tpu.memref_slice %arg7[%add3A_53, %dma_start3A] : memref<80x128xi32, #tpu.memory_space<vmem>> -> memref<1x128xi32, #tpu.memory_space<vmem>>
      %dma_start3A_55 = tpu.memref_squeeze %dma_start3A_54 : memref<1x128xi32, #tpu.memory_space<vmem>> -> memref<128xi32, #tpu.memory_space<vmem>>
      %dma_start3A_56 = arith.constant 0 : i32
      %dma_start3A_57 = arith.constant 0 : i32
      %dma_start3A_58 = tpu.memref_slice %arg13[%dma_start3A_56, %dma_start3A_57] : memref<10240x16xf32, #tpu.memory_space<vmem_shared>> -> memref<10240x16xf32, #tpu.memory_space<vmem_shared>>
      tpu.enqueue_indirect_dma source(%arg8 : memref<128x16xf32, #tpu.memory_space<vmem>>) target(%dma_start3A_58 : memref<10240x16xf32, #tpu.memory_space<vmem_shared>>) offsets(%dma_start3A_55 : memref<128xi32, #tpu.memory_space<vmem>>) semaphore(%arg9 : memref<!tpu.dma_semaphore, #tpu.memory_space<semaphore_mem>>) {add = true}
      %ge3A_59 = arith.constant 1 : i32
      %ge3A_60 = arith.cmpi sge, %scan3A_45, %ge3A_59 : i32
      %convert_element_type3A_61 = arith.extui %ge3A_60 : i1 to i32
      %cond3A_62 = arith.constant 0 : i32
      %cond3A_63 = arith.cmpi ne, %convert_element_type3A_61, %cond3A_62 : i32
      scf.if %cond3A_63 {
        %dma_wait3A_104 = arith.constant 0 : i32
        %dma_wait3A_105 = arith.constant 0 : i32
        %dma_wait3A_106 = tpu.memref_slice %arg13[%dma_wait3A_104, %dma_wait3A_105] : memref<10240x16xf32, #tpu.memory_space<vmem_shared>> -> memref<128x16xf32, #tpu.memory_space<vmem_shared>>
        %dma_wait3A_107 = arith.constant 0 : i32
        %dma_wait3A_108 = arith.constant 0 : i32
        %dma_wait3A_109 = tpu.memref_slice %arg13[%dma_wait3A_107, %dma_wait3A_108] : memref<10240x16xf32, #tpu.memory_space<vmem_shared>> -> memref<128x16xf32, #tpu.memory_space<vmem_shared>>
        tpu.wait_dma2 semaphore(%arg10 : memref<!tpu.dma_semaphore, #tpu.memory_space<semaphore_mem>>) src(%arg8 : memref<128x16xf32, #tpu.memory_space<vmem>>) dst(%dma_wait3A_109 : memref<128x16xf32, #tpu.memory_space<vmem_shared>>)
      } else {
      }
      %mul3A_64 = arith.constant 4 : i32
      %mul3A_65 = arith.muli %mul3A_64, %scan3A_45 : i32
      %add3A_66 = arith.constant 1 : i32
      %add3A_67 = arith.addi %mul3A_65, %add3A_66 : i32
      %dma_start3A_68 = arith.constant 0 : i32
      %dma_start3A_69 = tpu.memref_slice %arg7[%add3A_67, %dma_start3A_68] : memref<80x128xi32, #tpu.memory_space<vmem>> -> memref<1x128xi32, #tpu.memory_space<vmem>>
      %dma_start3A_70 = tpu.memref_squeeze %dma_start3A_69 : memref<1x128xi32, #tpu.memory_space<vmem>> -> memref<128xi32, #tpu.memory_space<vmem>>
      %dma_start3A_71 = arith.constant 0 : i32
      %dma_start3A_72 = arith.constant 0 : i32
      %dma_start3A_73 = tpu.memref_slice %arg13[%dma_start3A_71, %dma_start3A_72] : memref<10240x16xf32, #tpu.memory_space<vmem_shared>> -> memref<10240x16xf32, #tpu.memory_space<vmem_shared>>
      tpu.enqueue_indirect_dma source(%arg8 : memref<128x16xf32, #tpu.memory_space<vmem>>) target(%dma_start3A_73 : memref<10240x16xf32, #tpu.memory_space<vmem_shared>>) offsets(%dma_start3A_70 : memref<128xi32, #tpu.memory_space<vmem>>) semaphore(%arg10 : memref<!tpu.dma_semaphore, #tpu.memory_space<semaphore_mem>>) {add = true}
      %ge3A_74 = arith.constant 1 : i32
      %ge3A_75 = arith.cmpi sge, %scan3A_45, %ge3A_74 : i32
      %convert_element_type3A_76 = arith.extui %ge3A_75 : i1 to i32
      %cond3A_77 = arith.constant 0 : i32
      %cond3A_78 = arith.cmpi ne, %convert_element_type3A_76, %cond3A_77 : i32
      scf.if %cond3A_78 {
        %dma_wait3A_104 = arith.constant 0 : i32
        %dma_wait3A_105 = arith.constant 0 : i32
        %dma_wait3A_106 = tpu.memref_slice %arg13[%dma_wait3A_104, %dma_wait3A_105] : memref<10240x16xf32, #tpu.memory_space<vmem_shared>> -> memref<128x16xf32, #tpu.memory_space<vmem_shared>>
        %dma_wait3A_107 = arith.constant 0 : i32
        %dma_wait3A_108 = arith.constant 0 : i32
        %dma_wait3A_109 = tpu.memref_slice %arg13[%dma_wait3A_107, %dma_wait3A_108] : memref<10240x16xf32, #tpu.memory_space<vmem_shared>> -> memref<128x16xf32, #tpu.memory_space<vmem_shared>>
        tpu.wait_dma2 semaphore(%arg11 : memref<!tpu.dma_semaphore, #tpu.memory_space<semaphore_mem>>) src(%arg8 : memref<128x16xf32, #tpu.memory_space<vmem>>) dst(%dma_wait3A_109 : memref<128x16xf32, #tpu.memory_space<vmem_shared>>)
      } else {
      }
      %mul3A_79 = arith.constant 4 : i32
      %mul3A_80 = arith.muli %mul3A_79, %scan3A_45 : i32
      %add3A_81 = arith.constant 2 : i32
      %add3A_82 = arith.addi %mul3A_80, %add3A_81 : i32
      %dma_start3A_83 = arith.constant 0 : i32
      %dma_start3A_84 = tpu.memref_slice %arg7[%add3A_82, %dma_start3A_83] : memref<80x128xi32, #tpu.memory_space<vmem>> -> memref<1x128xi32, #tpu.memory_space<vmem>>
      %dma_start3A_85 = tpu.memref_squeeze %dma_start3A_84 : memref<1x128xi32, #tpu.memory_space<vmem>> -> memref<128xi32, #tpu.memory_space<vmem>>
      %dma_start3A_86 = arith.constant 0 : i32
      %dma_start3A_87 = arith.constant 0 : i32
      %dma_start3A_88 = tpu.memref_slice %arg13[%dma_start3A_86, %dma_start3A_87] : memref<10240x16xf32, #tpu.memory_space<vmem_shared>> -> memref<10240x16xf32, #tpu.memory_space<vmem_shared>>
      tpu.enqueue_indirect_dma source(%arg8 : memref<128x16xf32, #tpu.memory_space<vmem>>) target(%dma_start3A_88 : memref<10240x16xf32, #tpu.memory_space<vmem_shared>>) offsets(%dma_start3A_85 : memref<128xi32, #tpu.memory_space<vmem>>) semaphore(%arg11 : memref<!tpu.dma_semaphore, #tpu.memory_space<semaphore_mem>>) {add = true}
      %ge3A_89 = arith.constant 1 : i32
      %ge3A_90 = arith.cmpi sge, %scan3A_45, %ge3A_89 : i32
      %convert_element_type3A_91 = arith.extui %ge3A_90 : i1 to i32
      %cond3A_92 = arith.constant 0 : i32
      %cond3A_93 = arith.cmpi ne, %convert_element_type3A_91, %cond3A_92 : i32
      scf.if %cond3A_93 {
        %dma_wait3A_104 = arith.constant 0 : i32
        %dma_wait3A_105 = arith.constant 0 : i32
        %dma_wait3A_106 = tpu.memref_slice %arg13[%dma_wait3A_104, %dma_wait3A_105] : memref<10240x16xf32, #tpu.memory_space<vmem_shared>> -> memref<128x16xf32, #tpu.memory_space<vmem_shared>>
        %dma_wait3A_107 = arith.constant 0 : i32
        %dma_wait3A_108 = arith.constant 0 : i32
        %dma_wait3A_109 = tpu.memref_slice %arg13[%dma_wait3A_107, %dma_wait3A_108] : memref<10240x16xf32, #tpu.memory_space<vmem_shared>> -> memref<128x16xf32, #tpu.memory_space<vmem_shared>>
        tpu.wait_dma2 semaphore(%arg12 : memref<!tpu.dma_semaphore, #tpu.memory_space<semaphore_mem>>) src(%arg8 : memref<128x16xf32, #tpu.memory_space<vmem>>) dst(%dma_wait3A_109 : memref<128x16xf32, #tpu.memory_space<vmem_shared>>)
      } else {
      }
      %mul3A_94 = arith.constant 4 : i32
      %mul3A_95 = arith.muli %mul3A_94, %scan3A_45 : i32
      %add3A_96 = arith.constant 3 : i32
      %add3A_97 = arith.addi %mul3A_95, %add3A_96 : i32
      %dma_start3A_98 = arith.constant 0 : i32
      %dma_start3A_99 = tpu.memref_slice %arg7[%add3A_97, %dma_start3A_98] : memref<80x128xi32, #tpu.memory_space<vmem>> -> memref<1x128xi32, #tpu.memory_space<vmem>>
      %dma_start3A_100 = tpu.memref_squeeze %dma_start3A_99 : memref<1x128xi32, #tpu.memory_space<vmem>> -> memref<128xi32, #tpu.memory_space<vmem>>
      %dma_start3A_101 = arith.constant 0 : i32
      %dma_start3A_102 = arith.constant 0 : i32
      %dma_start3A_103 = tpu.memref_slice %arg13[%dma_start3A_101, %dma_start3A_102] : memref<10240x16xf32, #tpu.memory_space<vmem_shared>> -> memref<10240x16xf32, #tpu.memory_space<vmem_shared>>
      tpu.enqueue_indirect_dma source(%arg8 : memref<128x16xf32, #tpu.memory_space<vmem>>) target(%dma_start3A_103 : memref<10240x16xf32, #tpu.memory_space<vmem_shared>>) offsets(%dma_start3A_100 : memref<128xi32, #tpu.memory_space<vmem>>) semaphore(%arg12 : memref<!tpu.dma_semaphore, #tpu.memory_space<semaphore_mem>>) {add = true}
    }
    %scan3A_13 = arith.constant 20 : i32
    %dma_wait3A = arith.constant 0 : i32
    %dma_wait3A_14 = arith.constant 0 : i32
    %dma_wait3A_15 = tpu.memref_slice %arg13[%dma_wait3A, %dma_wait3A_14] : memref<10240x16xf32, #tpu.memory_space<vmem_shared>> -> memref<128x16xf32, #tpu.memory_space<vmem_shared>>
    %dma_wait3A_16 = arith.constant 0 : i32
    %dma_wait3A_17 = arith.constant 0 : i32
    %dma_wait3A_18 = tpu.memref_slice %arg13[%dma_wait3A_16, %dma_wait3A_17] : memref<10240x16xf32, #tpu.memory_space<vmem_shared>> -> memref<128x16xf32, #tpu.memory_space<vmem_shared>>
    tpu.wait_dma2 semaphore(%arg9 : memref<!tpu.dma_semaphore, #tpu.memory_space<semaphore_mem>>) src(%arg8 : memref<128x16xf32, #tpu.memory_space<vmem>>) dst(%dma_wait3A_18 : memref<128x16xf32, #tpu.memory_space<vmem_shared>>)
    %dma_wait3A_19 = arith.constant 0 : i32
    %dma_wait3A_20 = arith.constant 0 : i32
    %dma_wait3A_21 = tpu.memref_slice %arg13[%dma_wait3A_19, %dma_wait3A_20] : memref<10240x16xf32, #tpu.memory_space<vmem_shared>> -> memref<128x16xf32, #tpu.memory_space<vmem_shared>>
    %dma_wait3A_22 = arith.constant 0 : i32
    %dma_wait3A_23 = arith.constant 0 : i32
    %dma_wait3A_24 = tpu.memref_slice %arg13[%dma_wait3A_22, %dma_wait3A_23] : memref<10240x16xf32, #tpu.memory_space<vmem_shared>> -> memref<128x16xf32, #tpu.memory_space<vmem_shared>>
    tpu.wait_dma2 semaphore(%arg10 : memref<!tpu.dma_semaphore, #tpu.memory_space<semaphore_mem>>) src(%arg8 : memref<128x16xf32, #tpu.memory_space<vmem>>) dst(%dma_wait3A_24 : memref<128x16xf32, #tpu.memory_space<vmem_shared>>)
    %dma_wait3A_25 = arith.constant 0 : i32
    %dma_wait3A_26 = arith.constant 0 : i32
    %dma_wait3A_27 = tpu.memref_slice %arg13[%dma_wait3A_25, %dma_wait3A_26] : memref<10240x16xf32, #tpu.memory_space<vmem_shared>> -> memref<128x16xf32, #tpu.memory_space<vmem_shared>>
    %dma_wait3A_28 = arith.constant 0 : i32
    %dma_wait3A_29 = arith.constant 0 : i32
    %dma_wait3A_30 = tpu.memref_slice %arg13[%dma_wait3A_28, %dma_wait3A_29] : memref<10240x16xf32, #tpu.memory_space<vmem_shared>> -> memref<128x16xf32, #tpu.memory_space<vmem_shared>>
    tpu.wait_dma2 semaphore(%arg11 : memref<!tpu.dma_semaphore, #tpu.memory_space<semaphore_mem>>) src(%arg8 : memref<128x16xf32, #tpu.memory_space<vmem>>) dst(%dma_wait3A_30 : memref<128x16xf32, #tpu.memory_space<vmem_shared>>)
    %dma_wait3A_31 = arith.constant 0 : i32
    %dma_wait3A_32 = arith.constant 0 : i32
    %dma_wait3A_33 = tpu.memref_slice %arg13[%dma_wait3A_31, %dma_wait3A_32] : memref<10240x16xf32, #tpu.memory_space<vmem_shared>> -> memref<128x16xf32, #tpu.memory_space<vmem_shared>>
    %dma_wait3A_34 = arith.constant 0 : i32
    %dma_wait3A_35 = arith.constant 0 : i32
    %dma_wait3A_36 = tpu.memref_slice %arg13[%dma_wait3A_34, %dma_wait3A_35] : memref<10240x16xf32, #tpu.memory_space<vmem_shared>> -> memref<128x16xf32, #tpu.memory_space<vmem_shared>>
    tpu.wait_dma2 semaphore(%arg12 : memref<!tpu.dma_semaphore, #tpu.memory_space<semaphore_mem>>) src(%arg8 : memref<128x16xf32, #tpu.memory_space<vmem>>) dst(%dma_wait3A_36 : memref<128x16xf32, #tpu.memory_space<vmem_shared>>)
    %barrier3A_37 = arith.constant 0 : index
    tpu.barrier barrier_id(%barrier3A_37)
    %mul3A_38 = arith.constant 640 : i32
    %mul3A_39 = arith.muli %arg1, %mul3A_38 : i32
    %mul3A_40 = arith.constant 10240 : i32
    %mul3A_41 = arith.muli %arg0, %mul3A_40 : i32
    %mul3A_42 = arith.constant 640 : i32
    %mul3A_43 = arith.muli %arg1, %mul3A_42 : i32
    %add3A_44 = arith.addi %mul3A_41, %mul3A_43 : i32
    "tpu.region"() ({
      %run_scoped3A = tpu.sem_alloc : memref<!tpu.dma_semaphore, #tpu.memory_space<semaphore_mem>>
      %dma_start3A = arith.constant 0 : i32
      %dma_start3A_45 = tpu.memref_slice %arg6[%add3A_44, %dma_start3A] : memref<20480x16xf32, #tpu.memory_space<hbm>> -> memref<640x16xf32, #tpu.memory_space<hbm>>
      %dma_start3A_46 = arith.constant 0 : i32
      %dma_start3A_47 = tpu.memref_slice %arg13[%mul3A_39, %dma_start3A_46] : memref<10240x16xf32, #tpu.memory_space<vmem_shared>> -> memref<640x16xf32, #tpu.memory_space<vmem_shared>>
      tpu.enqueue_dma source(%dma_start3A_47 : memref<640x16xf32, #tpu.memory_space<vmem_shared>>) target(%dma_start3A_45 : memref<640x16xf32, #tpu.memory_space<hbm>>) target_semaphore(%run_scoped3A : memref<!tpu.dma_semaphore, #tpu.memory_space<semaphore_mem>>)
      %dma_wait3A_48 = arith.constant 0 : i32
      %dma_wait3A_49 = tpu.memref_slice %arg6[%add3A_44, %dma_wait3A_48] : memref<20480x16xf32, #tpu.memory_space<hbm>> -> memref<640x16xf32, #tpu.memory_space<hbm>>
      %dma_wait3A_50 = arith.constant 0 : i32
      %dma_wait3A_51 = tpu.memref_slice %arg13[%mul3A_39, %dma_wait3A_50] : memref<10240x16xf32, #tpu.memory_space<vmem_shared>> -> memref<640x16xf32, #tpu.memory_space<vmem_shared>>
      tpu.wait_dma2 semaphore(%run_scoped3A : memref<!tpu.dma_semaphore, #tpu.memory_space<semaphore_mem>>) src(%dma_wait3A_51 : memref<640x16xf32, #tpu.memory_space<vmem_shared>>) dst(%dma_wait3A_49 : memref<640x16xf32, #tpu.memory_space<hbm>>)
      tpu.yield
    }) : () -> ()
    return
  }
}

#map = affine_map<(d0, d1) -> (0, 0)>
#map1 = affine_map<(d0, d1) -> (0, 0, 0)>
module attributes {stable_mosaic.version = 14 : i64} {
  func.func @_sc_aggregate(%arg0: i32, %arg1: i32, %arg2: memref<10000x64xf32, #tpu.memory_space<hbm>>, %arg3: memref<2x2500x128xi32, #tpu.memory_space<hbm>>, %arg4: memref<2x60x128xi32, #tpu.memory_space<hbm>>, %arg5: memref<640x64xf32, #tpu.memory_space<hbm>>, %arg6: memref<10240x128xf32, #tpu.memory_space<hbm>>, %arg7: memref<80x128xi32, #tpu.memory_space<vmem>>, %arg8: memref<80x128xi32, #tpu.memory_space<vmem>>, %arg9: memref<128x64xf32, #tpu.memory_space<vmem>>, %arg10: memref<128x64xf32, #tpu.memory_space<vmem>>, %arg11: memref<128x64xf32, #tpu.memory_space<vmem>>, %arg12: memref<128x64xf32, #tpu.memory_space<vmem>>, %arg13: memref<!tpu.dma_semaphore, #tpu.memory_space<semaphore_mem>>, %arg14: memref<!tpu.dma_semaphore, #tpu.memory_space<semaphore_mem>>, %arg15: memref<!tpu.dma_semaphore, #tpu.memory_space<semaphore_mem>>, %arg16: memref<!tpu.dma_semaphore, #tpu.memory_space<semaphore_mem>>, %arg17: memref<!tpu.dma_semaphore, #tpu.memory_space<semaphore_mem>>, %arg18: memref<!tpu.dma_semaphore, #tpu.memory_space<semaphore_mem>>, %arg19: memref<!tpu.dma_semaphore, #tpu.memory_space<semaphore_mem>>, %arg20: memref<!tpu.dma_semaphore, #tpu.memory_space<semaphore_mem>>, %arg21: memref<10240x64xf32, #tpu.memory_space<vmem_shared>>) attributes {dimension_semantics = [#tpu.dimension_semantics<core_parallel>, #tpu.dimension_semantics<subcore_parallel>], iteration_bounds = array<i64: 2, 16>, scalar_prefetch = 0 : i64, scratch_operands = 15 : i64, tpu.core_type = #tpu.core_type<sc_vector_subcore>, window_params = [{transform_indices = #map}, {transform_indices = #map1}, {transform_indices = #map1}, {transform_indices = #map}, {transform_indices = #map}]} {
    %mul3A = arith.constant 16 : i32
    %mul3A_0 = arith.muli %arg0, %mul3A : i32
    %add3A = arith.addi %mul3A_0, %arg1 : i32
    %lt3A = arith.constant 31 : i32
    %lt3A_1 = arith.cmpi slt, %add3A, %lt3A : i32
    %convert_element_type3A = arith.extui %lt3A_1 : i1 to i32
    %cond3A = arith.constant 0 : i32
    %cond3A_2 = arith.cmpi ne, %convert_element_type3A, %cond3A : i32
    scf.if %cond3A_2 {
      %mul3A_74 = arith.constant 80 : i32
      %mul3A_75 = arith.muli %add3A, %mul3A_74 : i32
      %run_scoped3A = arith.constant 0 : i32
      "tpu.region"() ({
        %run_scoped3A_76 = tpu.sem_alloc : memref<!tpu.dma_semaphore, #tpu.memory_space<semaphore_mem>>
        %dma_start3A_77 = arith.constant 0 : i32
        %dma_start3A_78 = tpu.memref_slice %arg3[%run_scoped3A, %mul3A_75, %dma_start3A_77] : memref<2x2500x128xi32, #tpu.memory_space<hbm>> -> memref<1x80x128xi32, #tpu.memory_space<hbm>>
        %dma_start3A_79 = tpu.memref_squeeze %dma_start3A_78 : memref<1x80x128xi32, #tpu.memory_space<hbm>> -> memref<80x128xi32, #tpu.memory_space<hbm>>
        %dma_start3A_80 = arith.constant 0 : i32
        %dma_start3A_81 = tpu.memref_slice %arg3[%run_scoped3A, %mul3A_75, %dma_start3A_80] : memref<2x2500x128xi32, #tpu.memory_space<hbm>> -> memref<1x80x128xi32, #tpu.memory_space<hbm>>
        %dma_start3A_82 = tpu.memref_squeeze %dma_start3A_81 : memref<1x80x128xi32, #tpu.memory_space<hbm>> -> memref<80x128xi32, #tpu.memory_space<hbm>>
        tpu.enqueue_dma source(%dma_start3A_82 : memref<80x128xi32, #tpu.memory_space<hbm>>) target(%arg7 : memref<80x128xi32, #tpu.memory_space<vmem>>) target_semaphore(%run_scoped3A_76 : memref<!tpu.dma_semaphore, #tpu.memory_space<semaphore_mem>>)
        %dma_wait3A_83 = arith.constant 0 : i32
        %dma_wait3A_84 = tpu.memref_slice %arg3[%run_scoped3A, %mul3A_75, %dma_wait3A_83] : memref<2x2500x128xi32, #tpu.memory_space<hbm>> -> memref<1x80x128xi32, #tpu.memory_space<hbm>>
        %dma_wait3A_85 = tpu.memref_squeeze %dma_wait3A_84 : memref<1x80x128xi32, #tpu.memory_space<hbm>> -> memref<80x128xi32, #tpu.memory_space<hbm>>
        %dma_wait3A_86 = arith.constant 0 : i32
        %dma_wait3A_87 = tpu.memref_slice %arg3[%run_scoped3A, %mul3A_75, %dma_wait3A_86] : memref<2x2500x128xi32, #tpu.memory_space<hbm>> -> memref<1x80x128xi32, #tpu.memory_space<hbm>>
        %dma_wait3A_88 = tpu.memref_squeeze %dma_wait3A_87 : memref<1x80x128xi32, #tpu.memory_space<hbm>> -> memref<80x128xi32, #tpu.memory_space<hbm>>
        tpu.wait_dma2 semaphore(%run_scoped3A_76 : memref<!tpu.dma_semaphore, #tpu.memory_space<semaphore_mem>>) src(%dma_wait3A_88 : memref<80x128xi32, #tpu.memory_space<hbm>>) dst(%arg7 : memref<80x128xi32, #tpu.memory_space<vmem>>)
        tpu.yield
      }) : () -> ()
    } else {
    }
    %eq3A = arith.constant 31 : i32
    %eq3A_3 = arith.cmpi eq, %add3A, %eq3A : i32
    %convert_element_type3A_4 = arith.extui %eq3A_3 : i1 to i32
    %cond3A_5 = arith.constant 0 : i32
    %cond3A_6 = arith.cmpi ne, %convert_element_type3A_4, %cond3A_5 : i32
    scf.if %cond3A_6 {
      %run_scoped3A = arith.constant 0 : i32
      "tpu.region"() ({
        %run_scoped3A_75 = tpu.sem_alloc : memref<!tpu.dma_semaphore, #tpu.memory_space<semaphore_mem>>
        %dma_start3A_76 = arith.constant 0 : i32
        %dma_start3A_77 = arith.constant 0 : i32
        %dma_start3A_78 = tpu.memref_slice %arg7[%dma_start3A_76, %dma_start3A_77] : memref<80x128xi32, #tpu.memory_space<vmem>> -> memref<20x128xi32, #tpu.memory_space<vmem>>
        %dma_start3A_79 = arith.constant 2480 : i32
        %dma_start3A_80 = arith.constant 0 : i32
        %dma_start3A_81 = tpu.memref_slice %arg3[%run_scoped3A, %dma_start3A_79, %dma_start3A_80] : memref<2x2500x128xi32, #tpu.memory_space<hbm>> -> memref<1x20x128xi32, #tpu.memory_space<hbm>>
        %dma_start3A_82 = tpu.memref_squeeze %dma_start3A_81 : memref<1x20x128xi32, #tpu.memory_space<hbm>> -> memref<20x128xi32, #tpu.memory_space<hbm>>
        %dma_start3A_83 = arith.constant 0 : i32
        %dma_start3A_84 = arith.constant 0 : i32
        %dma_start3A_85 = tpu.memref_slice %arg7[%dma_start3A_83, %dma_start3A_84] : memref<80x128xi32, #tpu.memory_space<vmem>> -> memref<20x128xi32, #tpu.memory_space<vmem>>
        %dma_start3A_86 = arith.constant 2480 : i32
        %dma_start3A_87 = arith.constant 0 : i32
        %dma_start3A_88 = tpu.memref_slice %arg3[%run_scoped3A, %dma_start3A_86, %dma_start3A_87] : memref<2x2500x128xi32, #tpu.memory_space<hbm>> -> memref<1x20x128xi32, #tpu.memory_space<hbm>>
        %dma_start3A_89 = tpu.memref_squeeze %dma_start3A_88 : memref<1x20x128xi32, #tpu.memory_space<hbm>> -> memref<20x128xi32, #tpu.memory_space<hbm>>
        tpu.enqueue_dma source(%dma_start3A_89 : memref<20x128xi32, #tpu.memory_space<hbm>>) target(%dma_start3A_85 : memref<20x128xi32, #tpu.memory_space<vmem>>) target_semaphore(%run_scoped3A_75 : memref<!tpu.dma_semaphore, #tpu.memory_space<semaphore_mem>>)
        %dma_wait3A_90 = arith.constant 0 : i32
        %dma_wait3A_91 = arith.constant 0 : i32
        %dma_wait3A_92 = tpu.memref_slice %arg7[%dma_wait3A_90, %dma_wait3A_91] : memref<80x128xi32, #tpu.memory_space<vmem>> -> memref<20x128xi32, #tpu.memory_space<vmem>>
        %dma_wait3A_93 = arith.constant 2480 : i32
        %dma_wait3A_94 = arith.constant 0 : i32
        %dma_wait3A_95 = tpu.memref_slice %arg3[%run_scoped3A, %dma_wait3A_93, %dma_wait3A_94] : memref<2x2500x128xi32, #tpu.memory_space<hbm>> -> memref<1x20x128xi32, #tpu.memory_space<hbm>>
        %dma_wait3A_96 = tpu.memref_squeeze %dma_wait3A_95 : memref<1x20x128xi32, #tpu.memory_space<hbm>> -> memref<20x128xi32, #tpu.memory_space<hbm>>
        %dma_wait3A_97 = arith.constant 0 : i32
        %dma_wait3A_98 = arith.constant 0 : i32
        %dma_wait3A_99 = tpu.memref_slice %arg7[%dma_wait3A_97, %dma_wait3A_98] : memref<80x128xi32, #tpu.memory_space<vmem>> -> memref<20x128xi32, #tpu.memory_space<vmem>>
        %dma_wait3A_100 = arith.constant 2480 : i32
        %dma_wait3A_101 = arith.constant 0 : i32
        %dma_wait3A_102 = tpu.memref_slice %arg3[%run_scoped3A, %dma_wait3A_100, %dma_wait3A_101] : memref<2x2500x128xi32, #tpu.memory_space<hbm>> -> memref<1x20x128xi32, #tpu.memory_space<hbm>>
        %dma_wait3A_103 = tpu.memref_squeeze %dma_wait3A_102 : memref<1x20x128xi32, #tpu.memory_space<hbm>> -> memref<20x128xi32, #tpu.memory_space<hbm>>
        tpu.wait_dma2 semaphore(%run_scoped3A_75 : memref<!tpu.dma_semaphore, #tpu.memory_space<semaphore_mem>>) src(%dma_wait3A_103 : memref<20x128xi32, #tpu.memory_space<hbm>>) dst(%dma_wait3A_99 : memref<20x128xi32, #tpu.memory_space<vmem>>)
        tpu.yield
      }) : () -> ()
      %run_scoped3A_74 = arith.constant 0 : i32
      "tpu.region"() ({
        %run_scoped3A_75 = tpu.sem_alloc : memref<!tpu.dma_semaphore, #tpu.memory_space<semaphore_mem>>
        %dma_start3A_76 = arith.constant 20 : i32
        %dma_start3A_77 = arith.constant 0 : i32
        %dma_start3A_78 = tpu.memref_slice %arg7[%dma_start3A_76, %dma_start3A_77] : memref<80x128xi32, #tpu.memory_space<vmem>> -> memref<60x128xi32, #tpu.memory_space<vmem>>
        %dma_start3A_79 = arith.constant 0 : i32
        %dma_start3A_80 = arith.constant 0 : i32
        %dma_start3A_81 = tpu.memref_slice %arg4[%run_scoped3A_74, %dma_start3A_79, %dma_start3A_80] : memref<2x60x128xi32, #tpu.memory_space<hbm>> -> memref<1x60x128xi32, #tpu.memory_space<hbm>>
        %dma_start3A_82 = tpu.memref_squeeze %dma_start3A_81 : memref<1x60x128xi32, #tpu.memory_space<hbm>> -> memref<60x128xi32, #tpu.memory_space<hbm>>
        %dma_start3A_83 = arith.constant 20 : i32
        %dma_start3A_84 = arith.constant 0 : i32
        %dma_start3A_85 = tpu.memref_slice %arg7[%dma_start3A_83, %dma_start3A_84] : memref<80x128xi32, #tpu.memory_space<vmem>> -> memref<60x128xi32, #tpu.memory_space<vmem>>
        %dma_start3A_86 = arith.constant 0 : i32
        %dma_start3A_87 = arith.constant 0 : i32
        %dma_start3A_88 = tpu.memref_slice %arg4[%run_scoped3A_74, %dma_start3A_86, %dma_start3A_87] : memref<2x60x128xi32, #tpu.memory_space<hbm>> -> memref<1x60x128xi32, #tpu.memory_space<hbm>>
        %dma_start3A_89 = tpu.memref_squeeze %dma_start3A_88 : memref<1x60x128xi32, #tpu.memory_space<hbm>> -> memref<60x128xi32, #tpu.memory_space<hbm>>
        tpu.enqueue_dma source(%dma_start3A_89 : memref<60x128xi32, #tpu.memory_space<hbm>>) target(%dma_start3A_85 : memref<60x128xi32, #tpu.memory_space<vmem>>) target_semaphore(%run_scoped3A_75 : memref<!tpu.dma_semaphore, #tpu.memory_space<semaphore_mem>>)
        %dma_wait3A_90 = arith.constant 20 : i32
        %dma_wait3A_91 = arith.constant 0 : i32
        %dma_wait3A_92 = tpu.memref_slice %arg7[%dma_wait3A_90, %dma_wait3A_91] : memref<80x128xi32, #tpu.memory_space<vmem>> -> memref<60x128xi32, #tpu.memory_space<vmem>>
        %dma_wait3A_93 = arith.constant 0 : i32
        %dma_wait3A_94 = arith.constant 0 : i32
        %dma_wait3A_95 = tpu.memref_slice %arg4[%run_scoped3A_74, %dma_wait3A_93, %dma_wait3A_94] : memref<2x60x128xi32, #tpu.memory_space<hbm>> -> memref<1x60x128xi32, #tpu.memory_space<hbm>>
        %dma_wait3A_96 = tpu.memref_squeeze %dma_wait3A_95 : memref<1x60x128xi32, #tpu.memory_space<hbm>> -> memref<60x128xi32, #tpu.memory_space<hbm>>
        %dma_wait3A_97 = arith.constant 20 : i32
        %dma_wait3A_98 = arith.constant 0 : i32
        %dma_wait3A_99 = tpu.memref_slice %arg7[%dma_wait3A_97, %dma_wait3A_98] : memref<80x128xi32, #tpu.memory_space<vmem>> -> memref<60x128xi32, #tpu.memory_space<vmem>>
        %dma_wait3A_100 = arith.constant 0 : i32
        %dma_wait3A_101 = arith.constant 0 : i32
        %dma_wait3A_102 = tpu.memref_slice %arg4[%run_scoped3A_74, %dma_wait3A_100, %dma_wait3A_101] : memref<2x60x128xi32, #tpu.memory_space<hbm>> -> memref<1x60x128xi32, #tpu.memory_space<hbm>>
        %dma_wait3A_103 = tpu.memref_squeeze %dma_wait3A_102 : memref<1x60x128xi32, #tpu.memory_space<hbm>> -> memref<60x128xi32, #tpu.memory_space<hbm>>
        tpu.wait_dma2 semaphore(%run_scoped3A_75 : memref<!tpu.dma_semaphore, #tpu.memory_space<semaphore_mem>>) src(%dma_wait3A_103 : memref<60x128xi32, #tpu.memory_space<hbm>>) dst(%dma_wait3A_99 : memref<60x128xi32, #tpu.memory_space<vmem>>)
        tpu.yield
      }) : () -> ()
    } else {
    }
    %lt3A_7 = arith.constant 31 : i32
    %lt3A_8 = arith.cmpi slt, %add3A, %lt3A_7 : i32
    %convert_element_type3A_9 = arith.extui %lt3A_8 : i1 to i32
    %cond3A_10 = arith.constant 0 : i32
    %cond3A_11 = arith.cmpi ne, %convert_element_type3A_9, %cond3A_10 : i32
    scf.if %cond3A_11 {
      %mul3A_74 = arith.constant 80 : i32
      %mul3A_75 = arith.muli %add3A, %mul3A_74 : i32
      %run_scoped3A = arith.constant 1 : i32
      "tpu.region"() ({
        %run_scoped3A_76 = tpu.sem_alloc : memref<!tpu.dma_semaphore, #tpu.memory_space<semaphore_mem>>
        %dma_start3A_77 = arith.constant 0 : i32
        %dma_start3A_78 = tpu.memref_slice %arg3[%run_scoped3A, %mul3A_75, %dma_start3A_77] : memref<2x2500x128xi32, #tpu.memory_space<hbm>> -> memref<1x80x128xi32, #tpu.memory_space<hbm>>
        %dma_start3A_79 = tpu.memref_squeeze %dma_start3A_78 : memref<1x80x128xi32, #tpu.memory_space<hbm>> -> memref<80x128xi32, #tpu.memory_space<hbm>>
        %dma_start3A_80 = arith.constant 0 : i32
        %dma_start3A_81 = tpu.memref_slice %arg3[%run_scoped3A, %mul3A_75, %dma_start3A_80] : memref<2x2500x128xi32, #tpu.memory_space<hbm>> -> memref<1x80x128xi32, #tpu.memory_space<hbm>>
        %dma_start3A_82 = tpu.memref_squeeze %dma_start3A_81 : memref<1x80x128xi32, #tpu.memory_space<hbm>> -> memref<80x128xi32, #tpu.memory_space<hbm>>
        tpu.enqueue_dma source(%dma_start3A_82 : memref<80x128xi32, #tpu.memory_space<hbm>>) target(%arg8 : memref<80x128xi32, #tpu.memory_space<vmem>>) target_semaphore(%run_scoped3A_76 : memref<!tpu.dma_semaphore, #tpu.memory_space<semaphore_mem>>)
        %dma_wait3A_83 = arith.constant 0 : i32
        %dma_wait3A_84 = tpu.memref_slice %arg3[%run_scoped3A, %mul3A_75, %dma_wait3A_83] : memref<2x2500x128xi32, #tpu.memory_space<hbm>> -> memref<1x80x128xi32, #tpu.memory_space<hbm>>
        %dma_wait3A_85 = tpu.memref_squeeze %dma_wait3A_84 : memref<1x80x128xi32, #tpu.memory_space<hbm>> -> memref<80x128xi32, #tpu.memory_space<hbm>>
        %dma_wait3A_86 = arith.constant 0 : i32
        %dma_wait3A_87 = tpu.memref_slice %arg3[%run_scoped3A, %mul3A_75, %dma_wait3A_86] : memref<2x2500x128xi32, #tpu.memory_space<hbm>> -> memref<1x80x128xi32, #tpu.memory_space<hbm>>
        %dma_wait3A_88 = tpu.memref_squeeze %dma_wait3A_87 : memref<1x80x128xi32, #tpu.memory_space<hbm>> -> memref<80x128xi32, #tpu.memory_space<hbm>>
        tpu.wait_dma2 semaphore(%run_scoped3A_76 : memref<!tpu.dma_semaphore, #tpu.memory_space<semaphore_mem>>) src(%dma_wait3A_88 : memref<80x128xi32, #tpu.memory_space<hbm>>) dst(%arg8 : memref<80x128xi32, #tpu.memory_space<vmem>>)
        tpu.yield
      }) : () -> ()
    } else {
    }
    %eq3A_12 = arith.constant 31 : i32
    %eq3A_13 = arith.cmpi eq, %add3A, %eq3A_12 : i32
    %convert_element_type3A_14 = arith.extui %eq3A_13 : i1 to i32
    %cond3A_15 = arith.constant 0 : i32
    %cond3A_16 = arith.cmpi ne, %convert_element_type3A_14, %cond3A_15 : i32
    scf.if %cond3A_16 {
      %run_scoped3A = arith.constant 1 : i32
      "tpu.region"() ({
        %run_scoped3A_75 = tpu.sem_alloc : memref<!tpu.dma_semaphore, #tpu.memory_space<semaphore_mem>>
        %dma_start3A_76 = arith.constant 0 : i32
        %dma_start3A_77 = arith.constant 0 : i32
        %dma_start3A_78 = tpu.memref_slice %arg8[%dma_start3A_76, %dma_start3A_77] : memref<80x128xi32, #tpu.memory_space<vmem>> -> memref<20x128xi32, #tpu.memory_space<vmem>>
        %dma_start3A_79 = arith.constant 2480 : i32
        %dma_start3A_80 = arith.constant 0 : i32
        %dma_start3A_81 = tpu.memref_slice %arg3[%run_scoped3A, %dma_start3A_79, %dma_start3A_80] : memref<2x2500x128xi32, #tpu.memory_space<hbm>> -> memref<1x20x128xi32, #tpu.memory_space<hbm>>
        %dma_start3A_82 = tpu.memref_squeeze %dma_start3A_81 : memref<1x20x128xi32, #tpu.memory_space<hbm>> -> memref<20x128xi32, #tpu.memory_space<hbm>>
        %dma_start3A_83 = arith.constant 0 : i32
        %dma_start3A_84 = arith.constant 0 : i32
        %dma_start3A_85 = tpu.memref_slice %arg8[%dma_start3A_83, %dma_start3A_84] : memref<80x128xi32, #tpu.memory_space<vmem>> -> memref<20x128xi32, #tpu.memory_space<vmem>>
        %dma_start3A_86 = arith.constant 2480 : i32
        %dma_start3A_87 = arith.constant 0 : i32
        %dma_start3A_88 = tpu.memref_slice %arg3[%run_scoped3A, %dma_start3A_86, %dma_start3A_87] : memref<2x2500x128xi32, #tpu.memory_space<hbm>> -> memref<1x20x128xi32, #tpu.memory_space<hbm>>
        %dma_start3A_89 = tpu.memref_squeeze %dma_start3A_88 : memref<1x20x128xi32, #tpu.memory_space<hbm>> -> memref<20x128xi32, #tpu.memory_space<hbm>>
        tpu.enqueue_dma source(%dma_start3A_89 : memref<20x128xi32, #tpu.memory_space<hbm>>) target(%dma_start3A_85 : memref<20x128xi32, #tpu.memory_space<vmem>>) target_semaphore(%run_scoped3A_75 : memref<!tpu.dma_semaphore, #tpu.memory_space<semaphore_mem>>)
        %dma_wait3A_90 = arith.constant 0 : i32
        %dma_wait3A_91 = arith.constant 0 : i32
        %dma_wait3A_92 = tpu.memref_slice %arg8[%dma_wait3A_90, %dma_wait3A_91] : memref<80x128xi32, #tpu.memory_space<vmem>> -> memref<20x128xi32, #tpu.memory_space<vmem>>
        %dma_wait3A_93 = arith.constant 2480 : i32
        %dma_wait3A_94 = arith.constant 0 : i32
        %dma_wait3A_95 = tpu.memref_slice %arg3[%run_scoped3A, %dma_wait3A_93, %dma_wait3A_94] : memref<2x2500x128xi32, #tpu.memory_space<hbm>> -> memref<1x20x128xi32, #tpu.memory_space<hbm>>
        %dma_wait3A_96 = tpu.memref_squeeze %dma_wait3A_95 : memref<1x20x128xi32, #tpu.memory_space<hbm>> -> memref<20x128xi32, #tpu.memory_space<hbm>>
        %dma_wait3A_97 = arith.constant 0 : i32
        %dma_wait3A_98 = arith.constant 0 : i32
        %dma_wait3A_99 = tpu.memref_slice %arg8[%dma_wait3A_97, %dma_wait3A_98] : memref<80x128xi32, #tpu.memory_space<vmem>> -> memref<20x128xi32, #tpu.memory_space<vmem>>
        %dma_wait3A_100 = arith.constant 2480 : i32
        %dma_wait3A_101 = arith.constant 0 : i32
        %dma_wait3A_102 = tpu.memref_slice %arg3[%run_scoped3A, %dma_wait3A_100, %dma_wait3A_101] : memref<2x2500x128xi32, #tpu.memory_space<hbm>> -> memref<1x20x128xi32, #tpu.memory_space<hbm>>
        %dma_wait3A_103 = tpu.memref_squeeze %dma_wait3A_102 : memref<1x20x128xi32, #tpu.memory_space<hbm>> -> memref<20x128xi32, #tpu.memory_space<hbm>>
        tpu.wait_dma2 semaphore(%run_scoped3A_75 : memref<!tpu.dma_semaphore, #tpu.memory_space<semaphore_mem>>) src(%dma_wait3A_103 : memref<20x128xi32, #tpu.memory_space<hbm>>) dst(%dma_wait3A_99 : memref<20x128xi32, #tpu.memory_space<vmem>>)
        tpu.yield
      }) : () -> ()
      %run_scoped3A_74 = arith.constant 1 : i32
      "tpu.region"() ({
        %run_scoped3A_75 = tpu.sem_alloc : memref<!tpu.dma_semaphore, #tpu.memory_space<semaphore_mem>>
        %dma_start3A_76 = arith.constant 20 : i32
        %dma_start3A_77 = arith.constant 0 : i32
        %dma_start3A_78 = tpu.memref_slice %arg8[%dma_start3A_76, %dma_start3A_77] : memref<80x128xi32, #tpu.memory_space<vmem>> -> memref<60x128xi32, #tpu.memory_space<vmem>>
        %dma_start3A_79 = arith.constant 0 : i32
        %dma_start3A_80 = arith.constant 0 : i32
        %dma_start3A_81 = tpu.memref_slice %arg4[%run_scoped3A_74, %dma_start3A_79, %dma_start3A_80] : memref<2x60x128xi32, #tpu.memory_space<hbm>> -> memref<1x60x128xi32, #tpu.memory_space<hbm>>
        %dma_start3A_82 = tpu.memref_squeeze %dma_start3A_81 : memref<1x60x128xi32, #tpu.memory_space<hbm>> -> memref<60x128xi32, #tpu.memory_space<hbm>>
        %dma_start3A_83 = arith.constant 20 : i32
        %dma_start3A_84 = arith.constant 0 : i32
        %dma_start3A_85 = tpu.memref_slice %arg8[%dma_start3A_83, %dma_start3A_84] : memref<80x128xi32, #tpu.memory_space<vmem>> -> memref<60x128xi32, #tpu.memory_space<vmem>>
        %dma_start3A_86 = arith.constant 0 : i32
        %dma_start3A_87 = arith.constant 0 : i32
        %dma_start3A_88 = tpu.memref_slice %arg4[%run_scoped3A_74, %dma_start3A_86, %dma_start3A_87] : memref<2x60x128xi32, #tpu.memory_space<hbm>> -> memref<1x60x128xi32, #tpu.memory_space<hbm>>
        %dma_start3A_89 = tpu.memref_squeeze %dma_start3A_88 : memref<1x60x128xi32, #tpu.memory_space<hbm>> -> memref<60x128xi32, #tpu.memory_space<hbm>>
        tpu.enqueue_dma source(%dma_start3A_89 : memref<60x128xi32, #tpu.memory_space<hbm>>) target(%dma_start3A_85 : memref<60x128xi32, #tpu.memory_space<vmem>>) target_semaphore(%run_scoped3A_75 : memref<!tpu.dma_semaphore, #tpu.memory_space<semaphore_mem>>)
        %dma_wait3A_90 = arith.constant 20 : i32
        %dma_wait3A_91 = arith.constant 0 : i32
        %dma_wait3A_92 = tpu.memref_slice %arg8[%dma_wait3A_90, %dma_wait3A_91] : memref<80x128xi32, #tpu.memory_space<vmem>> -> memref<60x128xi32, #tpu.memory_space<vmem>>
        %dma_wait3A_93 = arith.constant 0 : i32
        %dma_wait3A_94 = arith.constant 0 : i32
        %dma_wait3A_95 = tpu.memref_slice %arg4[%run_scoped3A_74, %dma_wait3A_93, %dma_wait3A_94] : memref<2x60x128xi32, #tpu.memory_space<hbm>> -> memref<1x60x128xi32, #tpu.memory_space<hbm>>
        %dma_wait3A_96 = tpu.memref_squeeze %dma_wait3A_95 : memref<1x60x128xi32, #tpu.memory_space<hbm>> -> memref<60x128xi32, #tpu.memory_space<hbm>>
        %dma_wait3A_97 = arith.constant 20 : i32
        %dma_wait3A_98 = arith.constant 0 : i32
        %dma_wait3A_99 = tpu.memref_slice %arg8[%dma_wait3A_97, %dma_wait3A_98] : memref<80x128xi32, #tpu.memory_space<vmem>> -> memref<60x128xi32, #tpu.memory_space<vmem>>
        %dma_wait3A_100 = arith.constant 0 : i32
        %dma_wait3A_101 = arith.constant 0 : i32
        %dma_wait3A_102 = tpu.memref_slice %arg4[%run_scoped3A_74, %dma_wait3A_100, %dma_wait3A_101] : memref<2x60x128xi32, #tpu.memory_space<hbm>> -> memref<1x60x128xi32, #tpu.memory_space<hbm>>
        %dma_wait3A_103 = tpu.memref_squeeze %dma_wait3A_102 : memref<1x60x128xi32, #tpu.memory_space<hbm>> -> memref<60x128xi32, #tpu.memory_space<hbm>>
        tpu.wait_dma2 semaphore(%run_scoped3A_75 : memref<!tpu.dma_semaphore, #tpu.memory_space<semaphore_mem>>) src(%dma_wait3A_103 : memref<60x128xi32, #tpu.memory_space<hbm>>) dst(%dma_wait3A_99 : memref<60x128xi32, #tpu.memory_space<vmem>>)
        tpu.yield
      }) : () -> ()
    } else {
    }
    %dma_start3A = arith.constant 0 : i32
    %dma_start3A_17 = arith.constant 0 : i32
    %dma_start3A_18 = tpu.memref_slice %arg7[%dma_start3A, %dma_start3A_17] : memref<80x128xi32, #tpu.memory_space<vmem>> -> memref<1x128xi32, #tpu.memory_space<vmem>>
    %dma_start3A_19 = tpu.memref_squeeze %dma_start3A_18 : memref<1x128xi32, #tpu.memory_space<vmem>> -> memref<128xi32, #tpu.memory_space<vmem>>
    %dma_start3A_20 = arith.constant 0 : i32
    %dma_start3A_21 = arith.constant 0 : i32
    %dma_start3A_22 = tpu.memref_slice %arg2[%dma_start3A_20, %dma_start3A_21] : memref<10000x64xf32, #tpu.memory_space<hbm>> -> memref<10000x64xf32, #tpu.memory_space<hbm>>
    tpu.enqueue_indirect_dma source(%dma_start3A_22 : memref<10000x64xf32, #tpu.memory_space<hbm>>) target(%arg9 : memref<128x64xf32, #tpu.memory_space<vmem>>) offsets(%dma_start3A_19 : memref<128xi32, #tpu.memory_space<vmem>>) semaphore(%arg13 : memref<!tpu.dma_semaphore, #tpu.memory_space<semaphore_mem>>)
    %dma_start3A_23 = arith.constant 1 : i32
    %dma_start3A_24 = arith.constant 0 : i32
    %dma_start3A_25 = tpu.memref_slice %arg7[%dma_start3A_23, %dma_start3A_24] : memref<80x128xi32, #tpu.memory_space<vmem>> -> memref<1x128xi32, #tpu.memory_space<vmem>>
    %dma_start3A_26 = tpu.memref_squeeze %dma_start3A_25 : memref<1x128xi32, #tpu.memory_space<vmem>> -> memref<128xi32, #tpu.memory_space<vmem>>
    %dma_start3A_27 = arith.constant 0 : i32
    %dma_start3A_28 = arith.constant 0 : i32
    %dma_start3A_29 = tpu.memref_slice %arg2[%dma_start3A_27, %dma_start3A_28] : memref<10000x64xf32, #tpu.memory_space<hbm>> -> memref<10000x64xf32, #tpu.memory_space<hbm>>
    tpu.enqueue_indirect_dma source(%dma_start3A_29 : memref<10000x64xf32, #tpu.memory_space<hbm>>) target(%arg10 : memref<128x64xf32, #tpu.memory_space<vmem>>) offsets(%dma_start3A_26 : memref<128xi32, #tpu.memory_space<vmem>>) semaphore(%arg14 : memref<!tpu.dma_semaphore, #tpu.memory_space<semaphore_mem>>)
    %dma_start3A_30 = arith.constant 2 : i32
    %dma_start3A_31 = arith.constant 0 : i32
    %dma_start3A_32 = tpu.memref_slice %arg7[%dma_start3A_30, %dma_start3A_31] : memref<80x128xi32, #tpu.memory_space<vmem>> -> memref<1x128xi32, #tpu.memory_space<vmem>>
    %dma_start3A_33 = tpu.memref_squeeze %dma_start3A_32 : memref<1x128xi32, #tpu.memory_space<vmem>> -> memref<128xi32, #tpu.memory_space<vmem>>
    %dma_start3A_34 = arith.constant 0 : i32
    %dma_start3A_35 = arith.constant 0 : i32
    %dma_start3A_36 = tpu.memref_slice %arg2[%dma_start3A_34, %dma_start3A_35] : memref<10000x64xf32, #tpu.memory_space<hbm>> -> memref<10000x64xf32, #tpu.memory_space<hbm>>
    tpu.enqueue_indirect_dma source(%dma_start3A_36 : memref<10000x64xf32, #tpu.memory_space<hbm>>) target(%arg11 : memref<128x64xf32, #tpu.memory_space<vmem>>) offsets(%dma_start3A_33 : memref<128xi32, #tpu.memory_space<vmem>>) semaphore(%arg15 : memref<!tpu.dma_semaphore, #tpu.memory_space<semaphore_mem>>)
    %mul3A_37 = arith.constant 640 : i32
    %mul3A_38 = arith.muli %arg1, %mul3A_37 : i32
    "tpu.region"() ({
      %run_scoped3A = tpu.sem_alloc : memref<!tpu.dma_semaphore, #tpu.memory_space<semaphore_mem>>
      %dma_start3A_74 = arith.constant 0 : i32
      %dma_start3A_75 = tpu.memref_slice %arg21[%mul3A_38, %dma_start3A_74] : memref<10240x64xf32, #tpu.memory_space<vmem_shared>> -> memref<640x64xf32, #tpu.memory_space<vmem_shared>>
      tpu.enqueue_dma source(%arg5 : memref<640x64xf32, #tpu.memory_space<hbm>>) target(%dma_start3A_75 : memref<640x64xf32, #tpu.memory_space<vmem_shared>>) target_semaphore(%run_scoped3A : memref<!tpu.dma_semaphore, #tpu.memory_space<semaphore_mem>>)
      %dma_wait3A_76 = arith.constant 0 : i32
      %dma_wait3A_77 = tpu.memref_slice %arg21[%mul3A_38, %dma_wait3A_76] : memref<10240x64xf32, #tpu.memory_space<vmem_shared>> -> memref<640x64xf32, #tpu.memory_space<vmem_shared>>
      tpu.wait_dma2 semaphore(%run_scoped3A : memref<!tpu.dma_semaphore, #tpu.memory_space<semaphore_mem>>) src(%arg5 : memref<640x64xf32, #tpu.memory_space<hbm>>) dst(%dma_wait3A_77 : memref<640x64xf32, #tpu.memory_space<vmem_shared>>)
      tpu.yield
    }) : () -> ()
    %barrier3A = arith.constant 0 : index
    tpu.barrier barrier_id(%barrier3A)
    %scan3A = arith.constant 0 : i32
    %scan3A_39 = arith.constant 0 : i32
    %scan3A_40 = arith.constant 20 : i32
    %scan3A_41 = arith.addi %scan3A_39, %scan3A_40 : i32
    %scan3A_42 = arith.constant 1 : i32
    scf.for %scan3A_74 = %scan3A_39 to %scan3A_41 step %scan3A_42  : i32 {
      %mul3A_75 = arith.constant 4 : i32
      %mul3A_76 = arith.muli %mul3A_75, %scan3A_74 : i32
      %add3A_77 = arith.constant 0 : i32
      %add3A_78 = arith.addi %mul3A_76, %add3A_77 : i32
      %add3A_79 = arith.constant 3 : i32
      %add3A_80 = arith.addi %add3A_78, %add3A_79 : i32
      %ge3A = arith.constant 4 : i32
      %ge3A_81 = arith.cmpi sge, %add3A_80, %ge3A : i32
      %lt3A_82 = arith.constant 80 : i32
      %lt3A_83 = arith.cmpi slt, %add3A_80, %lt3A_82 : i32
      %and3A = arith.andi %ge3A_81, %lt3A_83 : i1
      %convert_element_type3A_84 = arith.extui %and3A : i1 to i32
      %cond3A_85 = arith.constant 0 : i32
      %cond3A_86 = arith.cmpi ne, %convert_element_type3A_84, %cond3A_85 : i32
      scf.if %cond3A_86 {
        %dma_wait3A_199 = arith.constant 0 : i32
        %dma_wait3A_200 = arith.constant 0 : i32
        %dma_wait3A_201 = tpu.memref_slice %arg21[%dma_wait3A_199, %dma_wait3A_200] : memref<10240x64xf32, #tpu.memory_space<vmem_shared>> -> memref<128x64xf32, #tpu.memory_space<vmem_shared>>
        %dma_wait3A_202 = arith.constant 0 : i32
        %dma_wait3A_203 = arith.constant 0 : i32
        %dma_wait3A_204 = tpu.memref_slice %arg21[%dma_wait3A_202, %dma_wait3A_203] : memref<10240x64xf32, #tpu.memory_space<vmem_shared>> -> memref<128x64xf32, #tpu.memory_space<vmem_shared>>
        tpu.wait_dma2 semaphore(%arg20 : memref<!tpu.dma_semaphore, #tpu.memory_space<semaphore_mem>>) src(%arg12 : memref<128x64xf32, #tpu.memory_space<vmem>>) dst(%dma_wait3A_204 : memref<128x64xf32, #tpu.memory_space<vmem_shared>>)
      } else {
      }
      %lt3A_87 = arith.constant 80 : i32
      %lt3A_88 = arith.cmpi slt, %add3A_80, %lt3A_87 : i32
      %convert_element_type3A_89 = arith.extui %lt3A_88 : i1 to i32
      %cond3A_90 = arith.constant 0 : i32
      %cond3A_91 = arith.cmpi ne, %convert_element_type3A_89, %cond3A_90 : i32
      scf.if %cond3A_91 {
        %dma_start3A_199 = arith.constant 0 : i32
        %dma_start3A_200 = tpu.memref_slice %arg7[%add3A_80, %dma_start3A_199] : memref<80x128xi32, #tpu.memory_space<vmem>> -> memref<1x128xi32, #tpu.memory_space<vmem>>
        %dma_start3A_201 = tpu.memref_squeeze %dma_start3A_200 : memref<1x128xi32, #tpu.memory_space<vmem>> -> memref<128xi32, #tpu.memory_space<vmem>>
        %dma_start3A_202 = arith.constant 0 : i32
        %dma_start3A_203 = arith.constant 0 : i32
        %dma_start3A_204 = tpu.memref_slice %arg2[%dma_start3A_202, %dma_start3A_203] : memref<10000x64xf32, #tpu.memory_space<hbm>> -> memref<10000x64xf32, #tpu.memory_space<hbm>>
        tpu.enqueue_indirect_dma source(%dma_start3A_204 : memref<10000x64xf32, #tpu.memory_space<hbm>>) target(%arg12 : memref<128x64xf32, #tpu.memory_space<vmem>>) offsets(%dma_start3A_201 : memref<128xi32, #tpu.memory_space<vmem>>) semaphore(%arg16 : memref<!tpu.dma_semaphore, #tpu.memory_space<semaphore_mem>>)
      } else {
      }
      %dma_wait3A_92 = arith.constant 0 : i32
      %dma_wait3A_93 = arith.constant 0 : i32
      %dma_wait3A_94 = tpu.memref_slice %arg2[%dma_wait3A_92, %dma_wait3A_93] : memref<10000x64xf32, #tpu.memory_space<hbm>> -> memref<128x64xf32, #tpu.memory_space<hbm>>
      %dma_wait3A_95 = arith.constant 0 : i32
      %dma_wait3A_96 = arith.constant 0 : i32
      %dma_wait3A_97 = tpu.memref_slice %arg2[%dma_wait3A_95, %dma_wait3A_96] : memref<10000x64xf32, #tpu.memory_space<hbm>> -> memref<128x64xf32, #tpu.memory_space<hbm>>
      tpu.wait_dma2 semaphore(%arg13 : memref<!tpu.dma_semaphore, #tpu.memory_space<semaphore_mem>>) src(%dma_wait3A_97 : memref<128x64xf32, #tpu.memory_space<hbm>>) dst(%arg9 : memref<128x64xf32, #tpu.memory_space<vmem>>)
      %add3A_98 = arith.constant 0 : i32
      %add3A_99 = arith.addi %mul3A_76, %add3A_98 : i32
      %dma_start3A_100 = arith.constant 0 : i32
      %dma_start3A_101 = tpu.memref_slice %arg8[%add3A_99, %dma_start3A_100] : memref<80x128xi32, #tpu.memory_space<vmem>> -> memref<1x128xi32, #tpu.memory_space<vmem>>
      %dma_start3A_102 = tpu.memref_squeeze %dma_start3A_101 : memref<1x128xi32, #tpu.memory_space<vmem>> -> memref<128xi32, #tpu.memory_space<vmem>>
      %dma_start3A_103 = arith.constant 0 : i32
      %dma_start3A_104 = arith.constant 0 : i32
      %dma_start3A_105 = tpu.memref_slice %arg21[%dma_start3A_103, %dma_start3A_104] : memref<10240x64xf32, #tpu.memory_space<vmem_shared>> -> memref<10240x64xf32, #tpu.memory_space<vmem_shared>>
      tpu.enqueue_indirect_dma source(%arg9 : memref<128x64xf32, #tpu.memory_space<vmem>>) target(%dma_start3A_105 : memref<10240x64xf32, #tpu.memory_space<vmem_shared>>) offsets(%dma_start3A_102 : memref<128xi32, #tpu.memory_space<vmem>>) semaphore(%arg17 : memref<!tpu.dma_semaphore, #tpu.memory_space<semaphore_mem>>) {add = true}
      %add3A_106 = arith.constant 1 : i32
      %add3A_107 = arith.addi %mul3A_76, %add3A_106 : i32
      %add3A_108 = arith.constant 3 : i32
      %add3A_109 = arith.addi %add3A_107, %add3A_108 : i32
      %ge3A_110 = arith.constant 4 : i32
      %ge3A_111 = arith.cmpi sge, %add3A_109, %ge3A_110 : i32
      %lt3A_112 = arith.constant 80 : i32
      %lt3A_113 = arith.cmpi slt, %add3A_109, %lt3A_112 : i32
      %and3A_114 = arith.andi %ge3A_111, %lt3A_113 : i1
      %convert_element_type3A_115 = arith.extui %and3A_114 : i1 to i32
      %cond3A_116 = arith.constant 0 : i32
      %cond3A_117 = arith.cmpi ne, %convert_element_type3A_115, %cond3A_116 : i32
      scf.if %cond3A_117 {
        %dma_wait3A_199 = arith.constant 0 : i32
        %dma_wait3A_200 = arith.constant 0 : i32
        %dma_wait3A_201 = tpu.memref_slice %arg21[%dma_wait3A_199, %dma_wait3A_200] : memref<10240x64xf32, #tpu.memory_space<vmem_shared>> -> memref<128x64xf32, #tpu.memory_space<vmem_shared>>
        %dma_wait3A_202 = arith.constant 0 : i32
        %dma_wait3A_203 = arith.constant 0 : i32
        %dma_wait3A_204 = tpu.memref_slice %arg21[%dma_wait3A_202, %dma_wait3A_203] : memref<10240x64xf32, #tpu.memory_space<vmem_shared>> -> memref<128x64xf32, #tpu.memory_space<vmem_shared>>
        tpu.wait_dma2 semaphore(%arg17 : memref<!tpu.dma_semaphore, #tpu.memory_space<semaphore_mem>>) src(%arg9 : memref<128x64xf32, #tpu.memory_space<vmem>>) dst(%dma_wait3A_204 : memref<128x64xf32, #tpu.memory_space<vmem_shared>>)
      } else {
      }
      %lt3A_118 = arith.constant 80 : i32
      %lt3A_119 = arith.cmpi slt, %add3A_109, %lt3A_118 : i32
      %convert_element_type3A_120 = arith.extui %lt3A_119 : i1 to i32
      %cond3A_121 = arith.constant 0 : i32
      %cond3A_122 = arith.cmpi ne, %convert_element_type3A_120, %cond3A_121 : i32
      scf.if %cond3A_122 {
        %dma_start3A_199 = arith.constant 0 : i32
        %dma_start3A_200 = tpu.memref_slice %arg7[%add3A_109, %dma_start3A_199] : memref<80x128xi32, #tpu.memory_space<vmem>> -> memref<1x128xi32, #tpu.memory_space<vmem>>
        %dma_start3A_201 = tpu.memref_squeeze %dma_start3A_200 : memref<1x128xi32, #tpu.memory_space<vmem>> -> memref<128xi32, #tpu.memory_space<vmem>>
        %dma_start3A_202 = arith.constant 0 : i32
        %dma_start3A_203 = arith.constant 0 : i32
        %dma_start3A_204 = tpu.memref_slice %arg2[%dma_start3A_202, %dma_start3A_203] : memref<10000x64xf32, #tpu.memory_space<hbm>> -> memref<10000x64xf32, #tpu.memory_space<hbm>>
        tpu.enqueue_indirect_dma source(%dma_start3A_204 : memref<10000x64xf32, #tpu.memory_space<hbm>>) target(%arg9 : memref<128x64xf32, #tpu.memory_space<vmem>>) offsets(%dma_start3A_201 : memref<128xi32, #tpu.memory_space<vmem>>) semaphore(%arg13 : memref<!tpu.dma_semaphore, #tpu.memory_space<semaphore_mem>>)
      } else {
      }
      %dma_wait3A_123 = arith.constant 0 : i32
      %dma_wait3A_124 = arith.constant 0 : i32
      %dma_wait3A_125 = tpu.memref_slice %arg2[%dma_wait3A_123, %dma_wait3A_124] : memref<10000x64xf32, #tpu.memory_space<hbm>> -> memref<128x64xf32, #tpu.memory_space<hbm>>
      %dma_wait3A_126 = arith.constant 0 : i32
      %dma_wait3A_127 = arith.constant 0 : i32
      %dma_wait3A_128 = tpu.memref_slice %arg2[%dma_wait3A_126, %dma_wait3A_127] : memref<10000x64xf32, #tpu.memory_space<hbm>> -> memref<128x64xf32, #tpu.memory_space<hbm>>
      tpu.wait_dma2 semaphore(%arg14 : memref<!tpu.dma_semaphore, #tpu.memory_space<semaphore_mem>>) src(%dma_wait3A_128 : memref<128x64xf32, #tpu.memory_space<hbm>>) dst(%arg10 : memref<128x64xf32, #tpu.memory_space<vmem>>)
      %add3A_129 = arith.constant 1 : i32
      %add3A_130 = arith.addi %mul3A_76, %add3A_129 : i32
      %dma_start3A_131 = arith.constant 0 : i32
      %dma_start3A_132 = tpu.memref_slice %arg8[%add3A_130, %dma_start3A_131] : memref<80x128xi32, #tpu.memory_space<vmem>> -> memref<1x128xi32, #tpu.memory_space<vmem>>
      %dma_start3A_133 = tpu.memref_squeeze %dma_start3A_132 : memref<1x128xi32, #tpu.memory_space<vmem>> -> memref<128xi32, #tpu.memory_space<vmem>>
      %dma_start3A_134 = arith.constant 0 : i32
      %dma_start3A_135 = arith.constant 0 : i32
      %dma_start3A_136 = tpu.memref_slice %arg21[%dma_start3A_134, %dma_start3A_135] : memref<10240x64xf32, #tpu.memory_space<vmem_shared>> -> memref<10240x64xf32, #tpu.memory_space<vmem_shared>>
      tpu.enqueue_indirect_dma source(%arg10 : memref<128x64xf32, #tpu.memory_space<vmem>>) target(%dma_start3A_136 : memref<10240x64xf32, #tpu.memory_space<vmem_shared>>) offsets(%dma_start3A_133 : memref<128xi32, #tpu.memory_space<vmem>>) semaphore(%arg18 : memref<!tpu.dma_semaphore, #tpu.memory_space<semaphore_mem>>) {add = true}
      %add3A_137 = arith.constant 2 : i32
      %add3A_138 = arith.addi %mul3A_76, %add3A_137 : i32
      %add3A_139 = arith.constant 3 : i32
      %add3A_140 = arith.addi %add3A_138, %add3A_139 : i32
      %ge3A_141 = arith.constant 4 : i32
      %ge3A_142 = arith.cmpi sge, %add3A_140, %ge3A_141 : i32
      %lt3A_143 = arith.constant 80 : i32
      %lt3A_144 = arith.cmpi slt, %add3A_140, %lt3A_143 : i32
      %and3A_145 = arith.andi %ge3A_142, %lt3A_144 : i1
      %convert_element_type3A_146 = arith.extui %and3A_145 : i1 to i32
      %cond3A_147 = arith.constant 0 : i32
      %cond3A_148 = arith.cmpi ne, %convert_element_type3A_146, %cond3A_147 : i32
      scf.if %cond3A_148 {
        %dma_wait3A_199 = arith.constant 0 : i32
        %dma_wait3A_200 = arith.constant 0 : i32
        %dma_wait3A_201 = tpu.memref_slice %arg21[%dma_wait3A_199, %dma_wait3A_200] : memref<10240x64xf32, #tpu.memory_space<vmem_shared>> -> memref<128x64xf32, #tpu.memory_space<vmem_shared>>
        %dma_wait3A_202 = arith.constant 0 : i32
        %dma_wait3A_203 = arith.constant 0 : i32
        %dma_wait3A_204 = tpu.memref_slice %arg21[%dma_wait3A_202, %dma_wait3A_203] : memref<10240x64xf32, #tpu.memory_space<vmem_shared>> -> memref<128x64xf32, #tpu.memory_space<vmem_shared>>
        tpu.wait_dma2 semaphore(%arg18 : memref<!tpu.dma_semaphore, #tpu.memory_space<semaphore_mem>>) src(%arg10 : memref<128x64xf32, #tpu.memory_space<vmem>>) dst(%dma_wait3A_204 : memref<128x64xf32, #tpu.memory_space<vmem_shared>>)
      } else {
      }
      %lt3A_149 = arith.constant 80 : i32
      %lt3A_150 = arith.cmpi slt, %add3A_140, %lt3A_149 : i32
      %convert_element_type3A_151 = arith.extui %lt3A_150 : i1 to i32
      %cond3A_152 = arith.constant 0 : i32
      %cond3A_153 = arith.cmpi ne, %convert_element_type3A_151, %cond3A_152 : i32
      scf.if %cond3A_153 {
        %dma_start3A_199 = arith.constant 0 : i32
        %dma_start3A_200 = tpu.memref_slice %arg7[%add3A_140, %dma_start3A_199] : memref<80x128xi32, #tpu.memory_space<vmem>> -> memref<1x128xi32, #tpu.memory_space<vmem>>
        %dma_start3A_201 = tpu.memref_squeeze %dma_start3A_200 : memref<1x128xi32, #tpu.memory_space<vmem>> -> memref<128xi32, #tpu.memory_space<vmem>>
        %dma_start3A_202 = arith.constant 0 : i32
        %dma_start3A_203 = arith.constant 0 : i32
        %dma_start3A_204 = tpu.memref_slice %arg2[%dma_start3A_202, %dma_start3A_203] : memref<10000x64xf32, #tpu.memory_space<hbm>> -> memref<10000x64xf32, #tpu.memory_space<hbm>>
        tpu.enqueue_indirect_dma source(%dma_start3A_204 : memref<10000x64xf32, #tpu.memory_space<hbm>>) target(%arg10 : memref<128x64xf32, #tpu.memory_space<vmem>>) offsets(%dma_start3A_201 : memref<128xi32, #tpu.memory_space<vmem>>) semaphore(%arg14 : memref<!tpu.dma_semaphore, #tpu.memory_space<semaphore_mem>>)
      } else {
      }
      %dma_wait3A_154 = arith.constant 0 : i32
      %dma_wait3A_155 = arith.constant 0 : i32
      %dma_wait3A_156 = tpu.memref_slice %arg2[%dma_wait3A_154, %dma_wait3A_155] : memref<10000x64xf32, #tpu.memory_space<hbm>> -> memref<128x64xf32, #tpu.memory_space<hbm>>
      %dma_wait3A_157 = arith.constant 0 : i32
      %dma_wait3A_158 = arith.constant 0 : i32
      %dma_wait3A_159 = tpu.memref_slice %arg2[%dma_wait3A_157, %dma_wait3A_158] : memref<10000x64xf32, #tpu.memory_space<hbm>> -> memref<128x64xf32, #tpu.memory_space<hbm>>
      tpu.wait_dma2 semaphore(%arg15 : memref<!tpu.dma_semaphore, #tpu.memory_space<semaphore_mem>>) src(%dma_wait3A_159 : memref<128x64xf32, #tpu.memory_space<hbm>>) dst(%arg11 : memref<128x64xf32, #tpu.memory_space<vmem>>)
      %add3A_160 = arith.constant 2 : i32
      %add3A_161 = arith.addi %mul3A_76, %add3A_160 : i32
      %dma_start3A_162 = arith.constant 0 : i32
      %dma_start3A_163 = tpu.memref_slice %arg8[%add3A_161, %dma_start3A_162] : memref<80x128xi32, #tpu.memory_space<vmem>> -> memref<1x128xi32, #tpu.memory_space<vmem>>
      %dma_start3A_164 = tpu.memref_squeeze %dma_start3A_163 : memref<1x128xi32, #tpu.memory_space<vmem>> -> memref<128xi32, #tpu.memory_space<vmem>>
      %dma_start3A_165 = arith.constant 0 : i32
      %dma_start3A_166 = arith.constant 0 : i32
      %dma_start3A_167 = tpu.memref_slice %arg21[%dma_start3A_165, %dma_start3A_166] : memref<10240x64xf32, #tpu.memory_space<vmem_shared>> -> memref<10240x64xf32, #tpu.memory_space<vmem_shared>>
      tpu.enqueue_indirect_dma source(%arg11 : memref<128x64xf32, #tpu.memory_space<vmem>>) target(%dma_start3A_167 : memref<10240x64xf32, #tpu.memory_space<vmem_shared>>) offsets(%dma_start3A_164 : memref<128xi32, #tpu.memory_space<vmem>>) semaphore(%arg19 : memref<!tpu.dma_semaphore, #tpu.memory_space<semaphore_mem>>) {add = true}
      %add3A_168 = arith.constant 3 : i32
      %add3A_169 = arith.addi %mul3A_76, %add3A_168 : i32
      %add3A_170 = arith.constant 3 : i32
      %add3A_171 = arith.addi %add3A_169, %add3A_170 : i32
      %ge3A_172 = arith.constant 4 : i32
      %ge3A_173 = arith.cmpi sge, %add3A_171, %ge3A_172 : i32
      %lt3A_174 = arith.constant 80 : i32
      %lt3A_175 = arith.cmpi slt, %add3A_171, %lt3A_174 : i32
      %and3A_176 = arith.andi %ge3A_173, %lt3A_175 : i1
      %convert_element_type3A_177 = arith.extui %and3A_176 : i1 to i32
      %cond3A_178 = arith.constant 0 : i32
      %cond3A_179 = arith.cmpi ne, %convert_element_type3A_177, %cond3A_178 : i32
      scf.if %cond3A_179 {
        %dma_wait3A_199 = arith.constant 0 : i32
        %dma_wait3A_200 = arith.constant 0 : i32
        %dma_wait3A_201 = tpu.memref_slice %arg21[%dma_wait3A_199, %dma_wait3A_200] : memref<10240x64xf32, #tpu.memory_space<vmem_shared>> -> memref<128x64xf32, #tpu.memory_space<vmem_shared>>
        %dma_wait3A_202 = arith.constant 0 : i32
        %dma_wait3A_203 = arith.constant 0 : i32
        %dma_wait3A_204 = tpu.memref_slice %arg21[%dma_wait3A_202, %dma_wait3A_203] : memref<10240x64xf32, #tpu.memory_space<vmem_shared>> -> memref<128x64xf32, #tpu.memory_space<vmem_shared>>
        tpu.wait_dma2 semaphore(%arg19 : memref<!tpu.dma_semaphore, #tpu.memory_space<semaphore_mem>>) src(%arg11 : memref<128x64xf32, #tpu.memory_space<vmem>>) dst(%dma_wait3A_204 : memref<128x64xf32, #tpu.memory_space<vmem_shared>>)
      } else {
      }
      %lt3A_180 = arith.constant 80 : i32
      %lt3A_181 = arith.cmpi slt, %add3A_171, %lt3A_180 : i32
      %convert_element_type3A_182 = arith.extui %lt3A_181 : i1 to i32
      %cond3A_183 = arith.constant 0 : i32
      %cond3A_184 = arith.cmpi ne, %convert_element_type3A_182, %cond3A_183 : i32
      scf.if %cond3A_184 {
        %dma_start3A_199 = arith.constant 0 : i32
        %dma_start3A_200 = tpu.memref_slice %arg7[%add3A_171, %dma_start3A_199] : memref<80x128xi32, #tpu.memory_space<vmem>> -> memref<1x128xi32, #tpu.memory_space<vmem>>
        %dma_start3A_201 = tpu.memref_squeeze %dma_start3A_200 : memref<1x128xi32, #tpu.memory_space<vmem>> -> memref<128xi32, #tpu.memory_space<vmem>>
        %dma_start3A_202 = arith.constant 0 : i32
        %dma_start3A_203 = arith.constant 0 : i32
        %dma_start3A_204 = tpu.memref_slice %arg2[%dma_start3A_202, %dma_start3A_203] : memref<10000x64xf32, #tpu.memory_space<hbm>> -> memref<10000x64xf32, #tpu.memory_space<hbm>>
        tpu.enqueue_indirect_dma source(%dma_start3A_204 : memref<10000x64xf32, #tpu.memory_space<hbm>>) target(%arg11 : memref<128x64xf32, #tpu.memory_space<vmem>>) offsets(%dma_start3A_201 : memref<128xi32, #tpu.memory_space<vmem>>) semaphore(%arg15 : memref<!tpu.dma_semaphore, #tpu.memory_space<semaphore_mem>>)
      } else {
      }
      %dma_wait3A_185 = arith.constant 0 : i32
      %dma_wait3A_186 = arith.constant 0 : i32
      %dma_wait3A_187 = tpu.memref_slice %arg2[%dma_wait3A_185, %dma_wait3A_186] : memref<10000x64xf32, #tpu.memory_space<hbm>> -> memref<128x64xf32, #tpu.memory_space<hbm>>
      %dma_wait3A_188 = arith.constant 0 : i32
      %dma_wait3A_189 = arith.constant 0 : i32
      %dma_wait3A_190 = tpu.memref_slice %arg2[%dma_wait3A_188, %dma_wait3A_189] : memref<10000x64xf32, #tpu.memory_space<hbm>> -> memref<128x64xf32, #tpu.memory_space<hbm>>
      tpu.wait_dma2 semaphore(%arg16 : memref<!tpu.dma_semaphore, #tpu.memory_space<semaphore_mem>>) src(%dma_wait3A_190 : memref<128x64xf32, #tpu.memory_space<hbm>>) dst(%arg12 : memref<128x64xf32, #tpu.memory_space<vmem>>)
      %add3A_191 = arith.constant 3 : i32
      %add3A_192 = arith.addi %mul3A_76, %add3A_191 : i32
      %dma_start3A_193 = arith.constant 0 : i32
      %dma_start3A_194 = tpu.memref_slice %arg8[%add3A_192, %dma_start3A_193] : memref<80x128xi32, #tpu.memory_space<vmem>> -> memref<1x128xi32, #tpu.memory_space<vmem>>
      %dma_start3A_195 = tpu.memref_squeeze %dma_start3A_194 : memref<1x128xi32, #tpu.memory_space<vmem>> -> memref<128xi32, #tpu.memory_space<vmem>>
      %dma_start3A_196 = arith.constant 0 : i32
      %dma_start3A_197 = arith.constant 0 : i32
      %dma_start3A_198 = tpu.memref_slice %arg21[%dma_start3A_196, %dma_start3A_197] : memref<10240x64xf32, #tpu.memory_space<vmem_shared>> -> memref<10240x64xf32, #tpu.memory_space<vmem_shared>>
      tpu.enqueue_indirect_dma source(%arg12 : memref<128x64xf32, #tpu.memory_space<vmem>>) target(%dma_start3A_198 : memref<10240x64xf32, #tpu.memory_space<vmem_shared>>) offsets(%dma_start3A_195 : memref<128xi32, #tpu.memory_space<vmem>>) semaphore(%arg20 : memref<!tpu.dma_semaphore, #tpu.memory_space<semaphore_mem>>) {add = true}
    }
    %scan3A_43 = arith.constant 20 : i32
    %dma_wait3A = arith.constant 0 : i32
    %dma_wait3A_44 = arith.constant 0 : i32
    %dma_wait3A_45 = tpu.memref_slice %arg21[%dma_wait3A, %dma_wait3A_44] : memref<10240x64xf32, #tpu.memory_space<vmem_shared>> -> memref<128x64xf32, #tpu.memory_space<vmem_shared>>
    %dma_wait3A_46 = arith.constant 0 : i32
    %dma_wait3A_47 = arith.constant 0 : i32
    %dma_wait3A_48 = tpu.memref_slice %arg21[%dma_wait3A_46, %dma_wait3A_47] : memref<10240x64xf32, #tpu.memory_space<vmem_shared>> -> memref<128x64xf32, #tpu.memory_space<vmem_shared>>
    tpu.wait_dma2 semaphore(%arg17 : memref<!tpu.dma_semaphore, #tpu.memory_space<semaphore_mem>>) src(%arg9 : memref<128x64xf32, #tpu.memory_space<vmem>>) dst(%dma_wait3A_48 : memref<128x64xf32, #tpu.memory_space<vmem_shared>>)
    %dma_wait3A_49 = arith.constant 0 : i32
    %dma_wait3A_50 = arith.constant 0 : i32
    %dma_wait3A_51 = tpu.memref_slice %arg21[%dma_wait3A_49, %dma_wait3A_50] : memref<10240x64xf32, #tpu.memory_space<vmem_shared>> -> memref<128x64xf32, #tpu.memory_space<vmem_shared>>
    %dma_wait3A_52 = arith.constant 0 : i32
    %dma_wait3A_53 = arith.constant 0 : i32
    %dma_wait3A_54 = tpu.memref_slice %arg21[%dma_wait3A_52, %dma_wait3A_53] : memref<10240x64xf32, #tpu.memory_space<vmem_shared>> -> memref<128x64xf32, #tpu.memory_space<vmem_shared>>
    tpu.wait_dma2 semaphore(%arg18 : memref<!tpu.dma_semaphore, #tpu.memory_space<semaphore_mem>>) src(%arg10 : memref<128x64xf32, #tpu.memory_space<vmem>>) dst(%dma_wait3A_54 : memref<128x64xf32, #tpu.memory_space<vmem_shared>>)
    %dma_wait3A_55 = arith.constant 0 : i32
    %dma_wait3A_56 = arith.constant 0 : i32
    %dma_wait3A_57 = tpu.memref_slice %arg21[%dma_wait3A_55, %dma_wait3A_56] : memref<10240x64xf32, #tpu.memory_space<vmem_shared>> -> memref<128x64xf32, #tpu.memory_space<vmem_shared>>
    %dma_wait3A_58 = arith.constant 0 : i32
    %dma_wait3A_59 = arith.constant 0 : i32
    %dma_wait3A_60 = tpu.memref_slice %arg21[%dma_wait3A_58, %dma_wait3A_59] : memref<10240x64xf32, #tpu.memory_space<vmem_shared>> -> memref<128x64xf32, #tpu.memory_space<vmem_shared>>
    tpu.wait_dma2 semaphore(%arg19 : memref<!tpu.dma_semaphore, #tpu.memory_space<semaphore_mem>>) src(%arg11 : memref<128x64xf32, #tpu.memory_space<vmem>>) dst(%dma_wait3A_60 : memref<128x64xf32, #tpu.memory_space<vmem_shared>>)
    %dma_wait3A_61 = arith.constant 0 : i32
    %dma_wait3A_62 = arith.constant 0 : i32
    %dma_wait3A_63 = tpu.memref_slice %arg21[%dma_wait3A_61, %dma_wait3A_62] : memref<10240x64xf32, #tpu.memory_space<vmem_shared>> -> memref<128x64xf32, #tpu.memory_space<vmem_shared>>
    %dma_wait3A_64 = arith.constant 0 : i32
    %dma_wait3A_65 = arith.constant 0 : i32
    %dma_wait3A_66 = tpu.memref_slice %arg21[%dma_wait3A_64, %dma_wait3A_65] : memref<10240x64xf32, #tpu.memory_space<vmem_shared>> -> memref<128x64xf32, #tpu.memory_space<vmem_shared>>
    tpu.wait_dma2 semaphore(%arg20 : memref<!tpu.dma_semaphore, #tpu.memory_space<semaphore_mem>>) src(%arg12 : memref<128x64xf32, #tpu.memory_space<vmem>>) dst(%dma_wait3A_66 : memref<128x64xf32, #tpu.memory_space<vmem_shared>>)
    %barrier3A_67 = arith.constant 0 : index
    tpu.barrier barrier_id(%barrier3A_67)
    %mul3A_68 = arith.constant 640 : i32
    %mul3A_69 = arith.muli %arg1, %mul3A_68 : i32
    %mul3A_70 = arith.constant 640 : i32
    %mul3A_71 = arith.muli %arg1, %mul3A_70 : i32
    %mul3A_72 = arith.constant 64 : i32
    %mul3A_73 = arith.muli %arg0, %mul3A_72 : i32
    "tpu.region"() ({
      %run_scoped3A = tpu.sem_alloc : memref<!tpu.dma_semaphore, #tpu.memory_space<semaphore_mem>>
      %dma_start3A_74 = tpu.memref_slice %arg6[%mul3A_71, %mul3A_73] : memref<10240x128xf32, #tpu.memory_space<hbm>> -> memref<640x64xf32, #tpu.memory_space<hbm>>
      %dma_start3A_75 = arith.constant 0 : i32
      %dma_start3A_76 = tpu.memref_slice %arg21[%mul3A_69, %dma_start3A_75] : memref<10240x64xf32, #tpu.memory_space<vmem_shared>> -> memref<640x64xf32, #tpu.memory_space<vmem_shared>>
      tpu.enqueue_dma source(%dma_start3A_76 : memref<640x64xf32, #tpu.memory_space<vmem_shared>>) target(%dma_start3A_74 : memref<640x64xf32, #tpu.memory_space<hbm>>) target_semaphore(%run_scoped3A : memref<!tpu.dma_semaphore, #tpu.memory_space<semaphore_mem>>)
      %dma_wait3A_77 = tpu.memref_slice %arg6[%mul3A_71, %mul3A_73] : memref<10240x128xf32, #tpu.memory_space<hbm>> -> memref<640x64xf32, #tpu.memory_space<hbm>>
      %dma_wait3A_78 = arith.constant 0 : i32
      %dma_wait3A_79 = tpu.memref_slice %arg21[%mul3A_69, %dma_wait3A_78] : memref<10240x64xf32, #tpu.memory_space<vmem_shared>> -> memref<640x64xf32, #tpu.memory_space<vmem_shared>>
      tpu.wait_dma2 semaphore(%run_scoped3A : memref<!tpu.dma_semaphore, #tpu.memory_space<semaphore_mem>>) src(%dma_wait3A_79 : memref<640x64xf32, #tpu.memory_space<vmem_shared>>) dst(%dma_wait3A_77 : memref<640x64xf32, #tpu.memory_space<hbm>>)
      tpu.yield
    }) : () -> ()
    return
  }
}

#map = affine_map<(d0, d1) -> (0, 0)>
#map1 = affine_map<(d0, d1) -> (0, 0, 0)>
module attributes {stable_mosaic.version = 14 : i64} {
  func.func @_sc_aggregate(%arg0: i32, %arg1: i32, %arg2: memref<10000x64xf32, #tpu.memory_space<hbm>>, %arg3: memref<2x2500x128xi32, #tpu.memory_space<hbm>>, %arg4: memref<2x60x128xi32, #tpu.memory_space<hbm>>, %arg5: memref<640x64xf32, #tpu.memory_space<hbm>>, %arg6: memref<10240x128xf32, #tpu.memory_space<hbm>>, %arg7: memref<80x128xi32, #tpu.memory_space<vmem>>, %arg8: memref<80x128xi32, #tpu.memory_space<vmem>>, %arg9: memref<128x64xf32, #tpu.memory_space<vmem>>, %arg10: memref<128x64xf32, #tpu.memory_space<vmem>>, %arg11: memref<128x64xf32, #tpu.memory_space<vmem>>, %arg12: memref<128x64xf32, #tpu.memory_space<vmem>>, %arg13: memref<!tpu.dma_semaphore, #tpu.memory_space<semaphore_mem>>, %arg14: memref<!tpu.dma_semaphore, #tpu.memory_space<semaphore_mem>>, %arg15: memref<!tpu.dma_semaphore, #tpu.memory_space<semaphore_mem>>, %arg16: memref<!tpu.dma_semaphore, #tpu.memory_space<semaphore_mem>>, %arg17: memref<!tpu.dma_semaphore, #tpu.memory_space<semaphore_mem>>, %arg18: memref<!tpu.dma_semaphore, #tpu.memory_space<semaphore_mem>>, %arg19: memref<!tpu.dma_semaphore, #tpu.memory_space<semaphore_mem>>, %arg20: memref<!tpu.dma_semaphore, #tpu.memory_space<semaphore_mem>>, %arg21: memref<10240x64xf32, #tpu.memory_space<vmem_shared>>) attributes {dimension_semantics = [#tpu.dimension_semantics<core_parallel>, #tpu.dimension_semantics<subcore_parallel>], iteration_bounds = array<i64: 2, 16>, scalar_prefetch = 0 : i64, scratch_operands = 15 : i64, tpu.core_type = #tpu.core_type<sc_vector_subcore>, window_params = [{transform_indices = #map}, {transform_indices = #map1}, {transform_indices = #map1}, {transform_indices = #map}, {transform_indices = #map}]} {
    %mul3A = arith.constant 16 : i32
    %mul3A_0 = arith.muli %arg0, %mul3A : i32
    %add3A = arith.addi %mul3A_0, %arg1 : i32
    %lt3A = arith.constant 31 : i32
    %lt3A_1 = arith.cmpi slt, %add3A, %lt3A : i32
    %convert_element_type3A = arith.extui %lt3A_1 : i1 to i32
    %cond3A = arith.constant 0 : i32
    %cond3A_2 = arith.cmpi ne, %convert_element_type3A, %cond3A : i32
    scf.if %cond3A_2 {
      %mul3A_74 = arith.constant 80 : i32
      %mul3A_75 = arith.muli %add3A, %mul3A_74 : i32
      %run_scoped3A = arith.constant 0 : i32
      "tpu.region"() ({
        %run_scoped3A_76 = tpu.sem_alloc : memref<!tpu.dma_semaphore, #tpu.memory_space<semaphore_mem>>
        %dma_start3A_77 = arith.constant 0 : i32
        %dma_start3A_78 = tpu.memref_slice %arg3[%run_scoped3A, %mul3A_75, %dma_start3A_77] : memref<2x2500x128xi32, #tpu.memory_space<hbm>> -> memref<1x80x128xi32, #tpu.memory_space<hbm>>
        %dma_start3A_79 = tpu.memref_squeeze %dma_start3A_78 : memref<1x80x128xi32, #tpu.memory_space<hbm>> -> memref<80x128xi32, #tpu.memory_space<hbm>>
        %dma_start3A_80 = arith.constant 0 : i32
        %dma_start3A_81 = tpu.memref_slice %arg3[%run_scoped3A, %mul3A_75, %dma_start3A_80] : memref<2x2500x128xi32, #tpu.memory_space<hbm>> -> memref<1x80x128xi32, #tpu.memory_space<hbm>>
        %dma_start3A_82 = tpu.memref_squeeze %dma_start3A_81 : memref<1x80x128xi32, #tpu.memory_space<hbm>> -> memref<80x128xi32, #tpu.memory_space<hbm>>
        tpu.enqueue_dma source(%dma_start3A_82 : memref<80x128xi32, #tpu.memory_space<hbm>>) target(%arg7 : memref<80x128xi32, #tpu.memory_space<vmem>>) target_semaphore(%run_scoped3A_76 : memref<!tpu.dma_semaphore, #tpu.memory_space<semaphore_mem>>)
        %dma_wait3A_83 = arith.constant 0 : i32
        %dma_wait3A_84 = tpu.memref_slice %arg3[%run_scoped3A, %mul3A_75, %dma_wait3A_83] : memref<2x2500x128xi32, #tpu.memory_space<hbm>> -> memref<1x80x128xi32, #tpu.memory_space<hbm>>
        %dma_wait3A_85 = tpu.memref_squeeze %dma_wait3A_84 : memref<1x80x128xi32, #tpu.memory_space<hbm>> -> memref<80x128xi32, #tpu.memory_space<hbm>>
        %dma_wait3A_86 = arith.constant 0 : i32
        %dma_wait3A_87 = tpu.memref_slice %arg3[%run_scoped3A, %mul3A_75, %dma_wait3A_86] : memref<2x2500x128xi32, #tpu.memory_space<hbm>> -> memref<1x80x128xi32, #tpu.memory_space<hbm>>
        %dma_wait3A_88 = tpu.memref_squeeze %dma_wait3A_87 : memref<1x80x128xi32, #tpu.memory_space<hbm>> -> memref<80x128xi32, #tpu.memory_space<hbm>>
        tpu.wait_dma2 semaphore(%run_scoped3A_76 : memref<!tpu.dma_semaphore, #tpu.memory_space<semaphore_mem>>) src(%dma_wait3A_88 : memref<80x128xi32, #tpu.memory_space<hbm>>) dst(%arg7 : memref<80x128xi32, #tpu.memory_space<vmem>>)
        tpu.yield
      }) : () -> ()
    } else {
    }
    %eq3A = arith.constant 31 : i32
    %eq3A_3 = arith.cmpi eq, %add3A, %eq3A : i32
    %convert_element_type3A_4 = arith.extui %eq3A_3 : i1 to i32
    %cond3A_5 = arith.constant 0 : i32
    %cond3A_6 = arith.cmpi ne, %convert_element_type3A_4, %cond3A_5 : i32
    scf.if %cond3A_6 {
      %run_scoped3A = arith.constant 0 : i32
      "tpu.region"() ({
        %run_scoped3A_75 = tpu.sem_alloc : memref<!tpu.dma_semaphore, #tpu.memory_space<semaphore_mem>>
        %dma_start3A_76 = arith.constant 0 : i32
        %dma_start3A_77 = arith.constant 0 : i32
        %dma_start3A_78 = tpu.memref_slice %arg7[%dma_start3A_76, %dma_start3A_77] : memref<80x128xi32, #tpu.memory_space<vmem>> -> memref<20x128xi32, #tpu.memory_space<vmem>>
        %dma_start3A_79 = arith.constant 2480 : i32
        %dma_start3A_80 = arith.constant 0 : i32
        %dma_start3A_81 = tpu.memref_slice %arg3[%run_scoped3A, %dma_start3A_79, %dma_start3A_80] : memref<2x2500x128xi32, #tpu.memory_space<hbm>> -> memref<1x20x128xi32, #tpu.memory_space<hbm>>
        %dma_start3A_82 = tpu.memref_squeeze %dma_start3A_81 : memref<1x20x128xi32, #tpu.memory_space<hbm>> -> memref<20x128xi32, #tpu.memory_space<hbm>>
        %dma_start3A_83 = arith.constant 0 : i32
        %dma_start3A_84 = arith.constant 0 : i32
        %dma_start3A_85 = tpu.memref_slice %arg7[%dma_start3A_83, %dma_start3A_84] : memref<80x128xi32, #tpu.memory_space<vmem>> -> memref<20x128xi32, #tpu.memory_space<vmem>>
        %dma_start3A_86 = arith.constant 2480 : i32
        %dma_start3A_87 = arith.constant 0 : i32
        %dma_start3A_88 = tpu.memref_slice %arg3[%run_scoped3A, %dma_start3A_86, %dma_start3A_87] : memref<2x2500x128xi32, #tpu.memory_space<hbm>> -> memref<1x20x128xi32, #tpu.memory_space<hbm>>
        %dma_start3A_89 = tpu.memref_squeeze %dma_start3A_88 : memref<1x20x128xi32, #tpu.memory_space<hbm>> -> memref<20x128xi32, #tpu.memory_space<hbm>>
        tpu.enqueue_dma source(%dma_start3A_89 : memref<20x128xi32, #tpu.memory_space<hbm>>) target(%dma_start3A_85 : memref<20x128xi32, #tpu.memory_space<vmem>>) target_semaphore(%run_scoped3A_75 : memref<!tpu.dma_semaphore, #tpu.memory_space<semaphore_mem>>)
        %dma_wait3A_90 = arith.constant 0 : i32
        %dma_wait3A_91 = arith.constant 0 : i32
        %dma_wait3A_92 = tpu.memref_slice %arg7[%dma_wait3A_90, %dma_wait3A_91] : memref<80x128xi32, #tpu.memory_space<vmem>> -> memref<20x128xi32, #tpu.memory_space<vmem>>
        %dma_wait3A_93 = arith.constant 2480 : i32
        %dma_wait3A_94 = arith.constant 0 : i32
        %dma_wait3A_95 = tpu.memref_slice %arg3[%run_scoped3A, %dma_wait3A_93, %dma_wait3A_94] : memref<2x2500x128xi32, #tpu.memory_space<hbm>> -> memref<1x20x128xi32, #tpu.memory_space<hbm>>
        %dma_wait3A_96 = tpu.memref_squeeze %dma_wait3A_95 : memref<1x20x128xi32, #tpu.memory_space<hbm>> -> memref<20x128xi32, #tpu.memory_space<hbm>>
        %dma_wait3A_97 = arith.constant 0 : i32
        %dma_wait3A_98 = arith.constant 0 : i32
        %dma_wait3A_99 = tpu.memref_slice %arg7[%dma_wait3A_97, %dma_wait3A_98] : memref<80x128xi32, #tpu.memory_space<vmem>> -> memref<20x128xi32, #tpu.memory_space<vmem>>
        %dma_wait3A_100 = arith.constant 2480 : i32
        %dma_wait3A_101 = arith.constant 0 : i32
        %dma_wait3A_102 = tpu.memref_slice %arg3[%run_scoped3A, %dma_wait3A_100, %dma_wait3A_101] : memref<2x2500x128xi32, #tpu.memory_space<hbm>> -> memref<1x20x128xi32, #tpu.memory_space<hbm>>
        %dma_wait3A_103 = tpu.memref_squeeze %dma_wait3A_102 : memref<1x20x128xi32, #tpu.memory_space<hbm>> -> memref<20x128xi32, #tpu.memory_space<hbm>>
        tpu.wait_dma2 semaphore(%run_scoped3A_75 : memref<!tpu.dma_semaphore, #tpu.memory_space<semaphore_mem>>) src(%dma_wait3A_103 : memref<20x128xi32, #tpu.memory_space<hbm>>) dst(%dma_wait3A_99 : memref<20x128xi32, #tpu.memory_space<vmem>>)
        tpu.yield
      }) : () -> ()
      %run_scoped3A_74 = arith.constant 0 : i32
      "tpu.region"() ({
        %run_scoped3A_75 = tpu.sem_alloc : memref<!tpu.dma_semaphore, #tpu.memory_space<semaphore_mem>>
        %dma_start3A_76 = arith.constant 20 : i32
        %dma_start3A_77 = arith.constant 0 : i32
        %dma_start3A_78 = tpu.memref_slice %arg7[%dma_start3A_76, %dma_start3A_77] : memref<80x128xi32, #tpu.memory_space<vmem>> -> memref<60x128xi32, #tpu.memory_space<vmem>>
        %dma_start3A_79 = arith.constant 0 : i32
        %dma_start3A_80 = arith.constant 0 : i32
        %dma_start3A_81 = tpu.memref_slice %arg4[%run_scoped3A_74, %dma_start3A_79, %dma_start3A_80] : memref<2x60x128xi32, #tpu.memory_space<hbm>> -> memref<1x60x128xi32, #tpu.memory_space<hbm>>
        %dma_start3A_82 = tpu.memref_squeeze %dma_start3A_81 : memref<1x60x128xi32, #tpu.memory_space<hbm>> -> memref<60x128xi32, #tpu.memory_space<hbm>>
        %dma_start3A_83 = arith.constant 20 : i32
        %dma_start3A_84 = arith.constant 0 : i32
        %dma_start3A_85 = tpu.memref_slice %arg7[%dma_start3A_83, %dma_start3A_84] : memref<80x128xi32, #tpu.memory_space<vmem>> -> memref<60x128xi32, #tpu.memory_space<vmem>>
        %dma_start3A_86 = arith.constant 0 : i32
        %dma_start3A_87 = arith.constant 0 : i32
        %dma_start3A_88 = tpu.memref_slice %arg4[%run_scoped3A_74, %dma_start3A_86, %dma_start3A_87] : memref<2x60x128xi32, #tpu.memory_space<hbm>> -> memref<1x60x128xi32, #tpu.memory_space<hbm>>
        %dma_start3A_89 = tpu.memref_squeeze %dma_start3A_88 : memref<1x60x128xi32, #tpu.memory_space<hbm>> -> memref<60x128xi32, #tpu.memory_space<hbm>>
        tpu.enqueue_dma source(%dma_start3A_89 : memref<60x128xi32, #tpu.memory_space<hbm>>) target(%dma_start3A_85 : memref<60x128xi32, #tpu.memory_space<vmem>>) target_semaphore(%run_scoped3A_75 : memref<!tpu.dma_semaphore, #tpu.memory_space<semaphore_mem>>)
        %dma_wait3A_90 = arith.constant 20 : i32
        %dma_wait3A_91 = arith.constant 0 : i32
        %dma_wait3A_92 = tpu.memref_slice %arg7[%dma_wait3A_90, %dma_wait3A_91] : memref<80x128xi32, #tpu.memory_space<vmem>> -> memref<60x128xi32, #tpu.memory_space<vmem>>
        %dma_wait3A_93 = arith.constant 0 : i32
        %dma_wait3A_94 = arith.constant 0 : i32
        %dma_wait3A_95 = tpu.memref_slice %arg4[%run_scoped3A_74, %dma_wait3A_93, %dma_wait3A_94] : memref<2x60x128xi32, #tpu.memory_space<hbm>> -> memref<1x60x128xi32, #tpu.memory_space<hbm>>
        %dma_wait3A_96 = tpu.memref_squeeze %dma_wait3A_95 : memref<1x60x128xi32, #tpu.memory_space<hbm>> -> memref<60x128xi32, #tpu.memory_space<hbm>>
        %dma_wait3A_97 = arith.constant 20 : i32
        %dma_wait3A_98 = arith.constant 0 : i32
        %dma_wait3A_99 = tpu.memref_slice %arg7[%dma_wait3A_97, %dma_wait3A_98] : memref<80x128xi32, #tpu.memory_space<vmem>> -> memref<60x128xi32, #tpu.memory_space<vmem>>
        %dma_wait3A_100 = arith.constant 0 : i32
        %dma_wait3A_101 = arith.constant 0 : i32
        %dma_wait3A_102 = tpu.memref_slice %arg4[%run_scoped3A_74, %dma_wait3A_100, %dma_wait3A_101] : memref<2x60x128xi32, #tpu.memory_space<hbm>> -> memref<1x60x128xi32, #tpu.memory_space<hbm>>
        %dma_wait3A_103 = tpu.memref_squeeze %dma_wait3A_102 : memref<1x60x128xi32, #tpu.memory_space<hbm>> -> memref<60x128xi32, #tpu.memory_space<hbm>>
        tpu.wait_dma2 semaphore(%run_scoped3A_75 : memref<!tpu.dma_semaphore, #tpu.memory_space<semaphore_mem>>) src(%dma_wait3A_103 : memref<60x128xi32, #tpu.memory_space<hbm>>) dst(%dma_wait3A_99 : memref<60x128xi32, #tpu.memory_space<vmem>>)
        tpu.yield
      }) : () -> ()
    } else {
    }
    %lt3A_7 = arith.constant 31 : i32
    %lt3A_8 = arith.cmpi slt, %add3A, %lt3A_7 : i32
    %convert_element_type3A_9 = arith.extui %lt3A_8 : i1 to i32
    %cond3A_10 = arith.constant 0 : i32
    %cond3A_11 = arith.cmpi ne, %convert_element_type3A_9, %cond3A_10 : i32
    scf.if %cond3A_11 {
      %mul3A_74 = arith.constant 80 : i32
      %mul3A_75 = arith.muli %add3A, %mul3A_74 : i32
      %run_scoped3A = arith.constant 1 : i32
      "tpu.region"() ({
        %run_scoped3A_76 = tpu.sem_alloc : memref<!tpu.dma_semaphore, #tpu.memory_space<semaphore_mem>>
        %dma_start3A_77 = arith.constant 0 : i32
        %dma_start3A_78 = tpu.memref_slice %arg3[%run_scoped3A, %mul3A_75, %dma_start3A_77] : memref<2x2500x128xi32, #tpu.memory_space<hbm>> -> memref<1x80x128xi32, #tpu.memory_space<hbm>>
        %dma_start3A_79 = tpu.memref_squeeze %dma_start3A_78 : memref<1x80x128xi32, #tpu.memory_space<hbm>> -> memref<80x128xi32, #tpu.memory_space<hbm>>
        %dma_start3A_80 = arith.constant 0 : i32
        %dma_start3A_81 = tpu.memref_slice %arg3[%run_scoped3A, %mul3A_75, %dma_start3A_80] : memref<2x2500x128xi32, #tpu.memory_space<hbm>> -> memref<1x80x128xi32, #tpu.memory_space<hbm>>
        %dma_start3A_82 = tpu.memref_squeeze %dma_start3A_81 : memref<1x80x128xi32, #tpu.memory_space<hbm>> -> memref<80x128xi32, #tpu.memory_space<hbm>>
        tpu.enqueue_dma source(%dma_start3A_82 : memref<80x128xi32, #tpu.memory_space<hbm>>) target(%arg8 : memref<80x128xi32, #tpu.memory_space<vmem>>) target_semaphore(%run_scoped3A_76 : memref<!tpu.dma_semaphore, #tpu.memory_space<semaphore_mem>>)
        %dma_wait3A_83 = arith.constant 0 : i32
        %dma_wait3A_84 = tpu.memref_slice %arg3[%run_scoped3A, %mul3A_75, %dma_wait3A_83] : memref<2x2500x128xi32, #tpu.memory_space<hbm>> -> memref<1x80x128xi32, #tpu.memory_space<hbm>>
        %dma_wait3A_85 = tpu.memref_squeeze %dma_wait3A_84 : memref<1x80x128xi32, #tpu.memory_space<hbm>> -> memref<80x128xi32, #tpu.memory_space<hbm>>
        %dma_wait3A_86 = arith.constant 0 : i32
        %dma_wait3A_87 = tpu.memref_slice %arg3[%run_scoped3A, %mul3A_75, %dma_wait3A_86] : memref<2x2500x128xi32, #tpu.memory_space<hbm>> -> memref<1x80x128xi32, #tpu.memory_space<hbm>>
        %dma_wait3A_88 = tpu.memref_squeeze %dma_wait3A_87 : memref<1x80x128xi32, #tpu.memory_space<hbm>> -> memref<80x128xi32, #tpu.memory_space<hbm>>
        tpu.wait_dma2 semaphore(%run_scoped3A_76 : memref<!tpu.dma_semaphore, #tpu.memory_space<semaphore_mem>>) src(%dma_wait3A_88 : memref<80x128xi32, #tpu.memory_space<hbm>>) dst(%arg8 : memref<80x128xi32, #tpu.memory_space<vmem>>)
        tpu.yield
      }) : () -> ()
    } else {
    }
    %eq3A_12 = arith.constant 31 : i32
    %eq3A_13 = arith.cmpi eq, %add3A, %eq3A_12 : i32
    %convert_element_type3A_14 = arith.extui %eq3A_13 : i1 to i32
    %cond3A_15 = arith.constant 0 : i32
    %cond3A_16 = arith.cmpi ne, %convert_element_type3A_14, %cond3A_15 : i32
    scf.if %cond3A_16 {
      %run_scoped3A = arith.constant 1 : i32
      "tpu.region"() ({
        %run_scoped3A_75 = tpu.sem_alloc : memref<!tpu.dma_semaphore, #tpu.memory_space<semaphore_mem>>
        %dma_start3A_76 = arith.constant 0 : i32
        %dma_start3A_77 = arith.constant 0 : i32
        %dma_start3A_78 = tpu.memref_slice %arg8[%dma_start3A_76, %dma_start3A_77] : memref<80x128xi32, #tpu.memory_space<vmem>> -> memref<20x128xi32, #tpu.memory_space<vmem>>
        %dma_start3A_79 = arith.constant 2480 : i32
        %dma_start3A_80 = arith.constant 0 : i32
        %dma_start3A_81 = tpu.memref_slice %arg3[%run_scoped3A, %dma_start3A_79, %dma_start3A_80] : memref<2x2500x128xi32, #tpu.memory_space<hbm>> -> memref<1x20x128xi32, #tpu.memory_space<hbm>>
        %dma_start3A_82 = tpu.memref_squeeze %dma_start3A_81 : memref<1x20x128xi32, #tpu.memory_space<hbm>> -> memref<20x128xi32, #tpu.memory_space<hbm>>
        %dma_start3A_83 = arith.constant 0 : i32
        %dma_start3A_84 = arith.constant 0 : i32
        %dma_start3A_85 = tpu.memref_slice %arg8[%dma_start3A_83, %dma_start3A_84] : memref<80x128xi32, #tpu.memory_space<vmem>> -> memref<20x128xi32, #tpu.memory_space<vmem>>
        %dma_start3A_86 = arith.constant 2480 : i32
        %dma_start3A_87 = arith.constant 0 : i32
        %dma_start3A_88 = tpu.memref_slice %arg3[%run_scoped3A, %dma_start3A_86, %dma_start3A_87] : memref<2x2500x128xi32, #tpu.memory_space<hbm>> -> memref<1x20x128xi32, #tpu.memory_space<hbm>>
        %dma_start3A_89 = tpu.memref_squeeze %dma_start3A_88 : memref<1x20x128xi32, #tpu.memory_space<hbm>> -> memref<20x128xi32, #tpu.memory_space<hbm>>
        tpu.enqueue_dma source(%dma_start3A_89 : memref<20x128xi32, #tpu.memory_space<hbm>>) target(%dma_start3A_85 : memref<20x128xi32, #tpu.memory_space<vmem>>) target_semaphore(%run_scoped3A_75 : memref<!tpu.dma_semaphore, #tpu.memory_space<semaphore_mem>>)
        %dma_wait3A_90 = arith.constant 0 : i32
        %dma_wait3A_91 = arith.constant 0 : i32
        %dma_wait3A_92 = tpu.memref_slice %arg8[%dma_wait3A_90, %dma_wait3A_91] : memref<80x128xi32, #tpu.memory_space<vmem>> -> memref<20x128xi32, #tpu.memory_space<vmem>>
        %dma_wait3A_93 = arith.constant 2480 : i32
        %dma_wait3A_94 = arith.constant 0 : i32
        %dma_wait3A_95 = tpu.memref_slice %arg3[%run_scoped3A, %dma_wait3A_93, %dma_wait3A_94] : memref<2x2500x128xi32, #tpu.memory_space<hbm>> -> memref<1x20x128xi32, #tpu.memory_space<hbm>>
        %dma_wait3A_96 = tpu.memref_squeeze %dma_wait3A_95 : memref<1x20x128xi32, #tpu.memory_space<hbm>> -> memref<20x128xi32, #tpu.memory_space<hbm>>
        %dma_wait3A_97 = arith.constant 0 : i32
        %dma_wait3A_98 = arith.constant 0 : i32
        %dma_wait3A_99 = tpu.memref_slice %arg8[%dma_wait3A_97, %dma_wait3A_98] : memref<80x128xi32, #tpu.memory_space<vmem>> -> memref<20x128xi32, #tpu.memory_space<vmem>>
        %dma_wait3A_100 = arith.constant 2480 : i32
        %dma_wait3A_101 = arith.constant 0 : i32
        %dma_wait3A_102 = tpu.memref_slice %arg3[%run_scoped3A, %dma_wait3A_100, %dma_wait3A_101] : memref<2x2500x128xi32, #tpu.memory_space<hbm>> -> memref<1x20x128xi32, #tpu.memory_space<hbm>>
        %dma_wait3A_103 = tpu.memref_squeeze %dma_wait3A_102 : memref<1x20x128xi32, #tpu.memory_space<hbm>> -> memref<20x128xi32, #tpu.memory_space<hbm>>
        tpu.wait_dma2 semaphore(%run_scoped3A_75 : memref<!tpu.dma_semaphore, #tpu.memory_space<semaphore_mem>>) src(%dma_wait3A_103 : memref<20x128xi32, #tpu.memory_space<hbm>>) dst(%dma_wait3A_99 : memref<20x128xi32, #tpu.memory_space<vmem>>)
        tpu.yield
      }) : () -> ()
      %run_scoped3A_74 = arith.constant 1 : i32
      "tpu.region"() ({
        %run_scoped3A_75 = tpu.sem_alloc : memref<!tpu.dma_semaphore, #tpu.memory_space<semaphore_mem>>
        %dma_start3A_76 = arith.constant 20 : i32
        %dma_start3A_77 = arith.constant 0 : i32
        %dma_start3A_78 = tpu.memref_slice %arg8[%dma_start3A_76, %dma_start3A_77] : memref<80x128xi32, #tpu.memory_space<vmem>> -> memref<60x128xi32, #tpu.memory_space<vmem>>
        %dma_start3A_79 = arith.constant 0 : i32
        %dma_start3A_80 = arith.constant 0 : i32
        %dma_start3A_81 = tpu.memref_slice %arg4[%run_scoped3A_74, %dma_start3A_79, %dma_start3A_80] : memref<2x60x128xi32, #tpu.memory_space<hbm>> -> memref<1x60x128xi32, #tpu.memory_space<hbm>>
        %dma_start3A_82 = tpu.memref_squeeze %dma_start3A_81 : memref<1x60x128xi32, #tpu.memory_space<hbm>> -> memref<60x128xi32, #tpu.memory_space<hbm>>
        %dma_start3A_83 = arith.constant 20 : i32
        %dma_start3A_84 = arith.constant 0 : i32
        %dma_start3A_85 = tpu.memref_slice %arg8[%dma_start3A_83, %dma_start3A_84] : memref<80x128xi32, #tpu.memory_space<vmem>> -> memref<60x128xi32, #tpu.memory_space<vmem>>
        %dma_start3A_86 = arith.constant 0 : i32
        %dma_start3A_87 = arith.constant 0 : i32
        %dma_start3A_88 = tpu.memref_slice %arg4[%run_scoped3A_74, %dma_start3A_86, %dma_start3A_87] : memref<2x60x128xi32, #tpu.memory_space<hbm>> -> memref<1x60x128xi32, #tpu.memory_space<hbm>>
        %dma_start3A_89 = tpu.memref_squeeze %dma_start3A_88 : memref<1x60x128xi32, #tpu.memory_space<hbm>> -> memref<60x128xi32, #tpu.memory_space<hbm>>
        tpu.enqueue_dma source(%dma_start3A_89 : memref<60x128xi32, #tpu.memory_space<hbm>>) target(%dma_start3A_85 : memref<60x128xi32, #tpu.memory_space<vmem>>) target_semaphore(%run_scoped3A_75 : memref<!tpu.dma_semaphore, #tpu.memory_space<semaphore_mem>>)
        %dma_wait3A_90 = arith.constant 20 : i32
        %dma_wait3A_91 = arith.constant 0 : i32
        %dma_wait3A_92 = tpu.memref_slice %arg8[%dma_wait3A_90, %dma_wait3A_91] : memref<80x128xi32, #tpu.memory_space<vmem>> -> memref<60x128xi32, #tpu.memory_space<vmem>>
        %dma_wait3A_93 = arith.constant 0 : i32
        %dma_wait3A_94 = arith.constant 0 : i32
        %dma_wait3A_95 = tpu.memref_slice %arg4[%run_scoped3A_74, %dma_wait3A_93, %dma_wait3A_94] : memref<2x60x128xi32, #tpu.memory_space<hbm>> -> memref<1x60x128xi32, #tpu.memory_space<hbm>>
        %dma_wait3A_96 = tpu.memref_squeeze %dma_wait3A_95 : memref<1x60x128xi32, #tpu.memory_space<hbm>> -> memref<60x128xi32, #tpu.memory_space<hbm>>
        %dma_wait3A_97 = arith.constant 20 : i32
        %dma_wait3A_98 = arith.constant 0 : i32
        %dma_wait3A_99 = tpu.memref_slice %arg8[%dma_wait3A_97, %dma_wait3A_98] : memref<80x128xi32, #tpu.memory_space<vmem>> -> memref<60x128xi32, #tpu.memory_space<vmem>>
        %dma_wait3A_100 = arith.constant 0 : i32
        %dma_wait3A_101 = arith.constant 0 : i32
        %dma_wait3A_102 = tpu.memref_slice %arg4[%run_scoped3A_74, %dma_wait3A_100, %dma_wait3A_101] : memref<2x60x128xi32, #tpu.memory_space<hbm>> -> memref<1x60x128xi32, #tpu.memory_space<hbm>>
        %dma_wait3A_103 = tpu.memref_squeeze %dma_wait3A_102 : memref<1x60x128xi32, #tpu.memory_space<hbm>> -> memref<60x128xi32, #tpu.memory_space<hbm>>
        tpu.wait_dma2 semaphore(%run_scoped3A_75 : memref<!tpu.dma_semaphore, #tpu.memory_space<semaphore_mem>>) src(%dma_wait3A_103 : memref<60x128xi32, #tpu.memory_space<hbm>>) dst(%dma_wait3A_99 : memref<60x128xi32, #tpu.memory_space<vmem>>)
        tpu.yield
      }) : () -> ()
    } else {
    }
    %dma_start3A = arith.constant 0 : i32
    %dma_start3A_17 = arith.constant 0 : i32
    %dma_start3A_18 = tpu.memref_slice %arg7[%dma_start3A, %dma_start3A_17] : memref<80x128xi32, #tpu.memory_space<vmem>> -> memref<1x128xi32, #tpu.memory_space<vmem>>
    %dma_start3A_19 = tpu.memref_squeeze %dma_start3A_18 : memref<1x128xi32, #tpu.memory_space<vmem>> -> memref<128xi32, #tpu.memory_space<vmem>>
    %dma_start3A_20 = arith.constant 0 : i32
    %dma_start3A_21 = arith.constant 0 : i32
    %dma_start3A_22 = tpu.memref_slice %arg2[%dma_start3A_20, %dma_start3A_21] : memref<10000x64xf32, #tpu.memory_space<hbm>> -> memref<10000x64xf32, #tpu.memory_space<hbm>>
    tpu.enqueue_indirect_dma source(%dma_start3A_22 : memref<10000x64xf32, #tpu.memory_space<hbm>>) target(%arg9 : memref<128x64xf32, #tpu.memory_space<vmem>>) offsets(%dma_start3A_19 : memref<128xi32, #tpu.memory_space<vmem>>) semaphore(%arg13 : memref<!tpu.dma_semaphore, #tpu.memory_space<semaphore_mem>>)
    %dma_start3A_23 = arith.constant 1 : i32
    %dma_start3A_24 = arith.constant 0 : i32
    %dma_start3A_25 = tpu.memref_slice %arg7[%dma_start3A_23, %dma_start3A_24] : memref<80x128xi32, #tpu.memory_space<vmem>> -> memref<1x128xi32, #tpu.memory_space<vmem>>
    %dma_start3A_26 = tpu.memref_squeeze %dma_start3A_25 : memref<1x128xi32, #tpu.memory_space<vmem>> -> memref<128xi32, #tpu.memory_space<vmem>>
    %dma_start3A_27 = arith.constant 0 : i32
    %dma_start3A_28 = arith.constant 0 : i32
    %dma_start3A_29 = tpu.memref_slice %arg2[%dma_start3A_27, %dma_start3A_28] : memref<10000x64xf32, #tpu.memory_space<hbm>> -> memref<10000x64xf32, #tpu.memory_space<hbm>>
    tpu.enqueue_indirect_dma source(%dma_start3A_29 : memref<10000x64xf32, #tpu.memory_space<hbm>>) target(%arg10 : memref<128x64xf32, #tpu.memory_space<vmem>>) offsets(%dma_start3A_26 : memref<128xi32, #tpu.memory_space<vmem>>) semaphore(%arg14 : memref<!tpu.dma_semaphore, #tpu.memory_space<semaphore_mem>>)
    %dma_start3A_30 = arith.constant 2 : i32
    %dma_start3A_31 = arith.constant 0 : i32
    %dma_start3A_32 = tpu.memref_slice %arg7[%dma_start3A_30, %dma_start3A_31] : memref<80x128xi32, #tpu.memory_space<vmem>> -> memref<1x128xi32, #tpu.memory_space<vmem>>
    %dma_start3A_33 = tpu.memref_squeeze %dma_start3A_32 : memref<1x128xi32, #tpu.memory_space<vmem>> -> memref<128xi32, #tpu.memory_space<vmem>>
    %dma_start3A_34 = arith.constant 0 : i32
    %dma_start3A_35 = arith.constant 0 : i32
    %dma_start3A_36 = tpu.memref_slice %arg2[%dma_start3A_34, %dma_start3A_35] : memref<10000x64xf32, #tpu.memory_space<hbm>> -> memref<10000x64xf32, #tpu.memory_space<hbm>>
    tpu.enqueue_indirect_dma source(%dma_start3A_36 : memref<10000x64xf32, #tpu.memory_space<hbm>>) target(%arg11 : memref<128x64xf32, #tpu.memory_space<vmem>>) offsets(%dma_start3A_33 : memref<128xi32, #tpu.memory_space<vmem>>) semaphore(%arg15 : memref<!tpu.dma_semaphore, #tpu.memory_space<semaphore_mem>>)
    %mul3A_37 = arith.constant 640 : i32
    %mul3A_38 = arith.muli %arg1, %mul3A_37 : i32
    "tpu.region"() ({
      %run_scoped3A = tpu.sem_alloc : memref<!tpu.dma_semaphore, #tpu.memory_space<semaphore_mem>>
      %dma_start3A_74 = arith.constant 0 : i32
      %dma_start3A_75 = tpu.memref_slice %arg21[%mul3A_38, %dma_start3A_74] : memref<10240x64xf32, #tpu.memory_space<vmem_shared>> -> memref<640x64xf32, #tpu.memory_space<vmem_shared>>
      tpu.enqueue_dma source(%arg5 : memref<640x64xf32, #tpu.memory_space<hbm>>) target(%dma_start3A_75 : memref<640x64xf32, #tpu.memory_space<vmem_shared>>) target_semaphore(%run_scoped3A : memref<!tpu.dma_semaphore, #tpu.memory_space<semaphore_mem>>)
      %dma_wait3A_76 = arith.constant 0 : i32
      %dma_wait3A_77 = tpu.memref_slice %arg21[%mul3A_38, %dma_wait3A_76] : memref<10240x64xf32, #tpu.memory_space<vmem_shared>> -> memref<640x64xf32, #tpu.memory_space<vmem_shared>>
      tpu.wait_dma2 semaphore(%run_scoped3A : memref<!tpu.dma_semaphore, #tpu.memory_space<semaphore_mem>>) src(%arg5 : memref<640x64xf32, #tpu.memory_space<hbm>>) dst(%dma_wait3A_77 : memref<640x64xf32, #tpu.memory_space<vmem_shared>>)
      tpu.yield
    }) : () -> ()
    %barrier3A = arith.constant 0 : index
    tpu.barrier barrier_id(%barrier3A)
    %scan3A = arith.constant 0 : i32
    %scan3A_39 = arith.constant 0 : i32
    %scan3A_40 = arith.constant 20 : i32
    %scan3A_41 = arith.addi %scan3A_39, %scan3A_40 : i32
    %scan3A_42 = arith.constant 1 : i32
    scf.for %scan3A_74 = %scan3A_39 to %scan3A_41 step %scan3A_42  : i32 {
      %mul3A_75 = arith.constant 4 : i32
      %mul3A_76 = arith.muli %mul3A_75, %scan3A_74 : i32
      %add3A_77 = arith.constant 0 : i32
      %add3A_78 = arith.addi %mul3A_76, %add3A_77 : i32
      %add3A_79 = arith.constant 3 : i32
      %add3A_80 = arith.addi %add3A_78, %add3A_79 : i32
      %ge3A = arith.constant 4 : i32
      %ge3A_81 = arith.cmpi sge, %add3A_80, %ge3A : i32
      %lt3A_82 = arith.constant 80 : i32
      %lt3A_83 = arith.cmpi slt, %add3A_80, %lt3A_82 : i32
      %and3A = arith.andi %ge3A_81, %lt3A_83 : i1
      %convert_element_type3A_84 = arith.extui %and3A : i1 to i32
      %cond3A_85 = arith.constant 0 : i32
      %cond3A_86 = arith.cmpi ne, %convert_element_type3A_84, %cond3A_85 : i32
      scf.if %cond3A_86 {
        %dma_wait3A_199 = arith.constant 0 : i32
        %dma_wait3A_200 = arith.constant 0 : i32
        %dma_wait3A_201 = tpu.memref_slice %arg21[%dma_wait3A_199, %dma_wait3A_200] : memref<10240x64xf32, #tpu.memory_space<vmem_shared>> -> memref<128x64xf32, #tpu.memory_space<vmem_shared>>
        %dma_wait3A_202 = arith.constant 0 : i32
        %dma_wait3A_203 = arith.constant 0 : i32
        %dma_wait3A_204 = tpu.memref_slice %arg21[%dma_wait3A_202, %dma_wait3A_203] : memref<10240x64xf32, #tpu.memory_space<vmem_shared>> -> memref<128x64xf32, #tpu.memory_space<vmem_shared>>
        tpu.wait_dma2 semaphore(%arg20 : memref<!tpu.dma_semaphore, #tpu.memory_space<semaphore_mem>>) src(%arg12 : memref<128x64xf32, #tpu.memory_space<vmem>>) dst(%dma_wait3A_204 : memref<128x64xf32, #tpu.memory_space<vmem_shared>>)
      } else {
      }
      %lt3A_87 = arith.constant 80 : i32
      %lt3A_88 = arith.cmpi slt, %add3A_80, %lt3A_87 : i32
      %convert_element_type3A_89 = arith.extui %lt3A_88 : i1 to i32
      %cond3A_90 = arith.constant 0 : i32
      %cond3A_91 = arith.cmpi ne, %convert_element_type3A_89, %cond3A_90 : i32
      scf.if %cond3A_91 {
        %dma_start3A_199 = arith.constant 0 : i32
        %dma_start3A_200 = tpu.memref_slice %arg7[%add3A_80, %dma_start3A_199] : memref<80x128xi32, #tpu.memory_space<vmem>> -> memref<1x128xi32, #tpu.memory_space<vmem>>
        %dma_start3A_201 = tpu.memref_squeeze %dma_start3A_200 : memref<1x128xi32, #tpu.memory_space<vmem>> -> memref<128xi32, #tpu.memory_space<vmem>>
        %dma_start3A_202 = arith.constant 0 : i32
        %dma_start3A_203 = arith.constant 0 : i32
        %dma_start3A_204 = tpu.memref_slice %arg2[%dma_start3A_202, %dma_start3A_203] : memref<10000x64xf32, #tpu.memory_space<hbm>> -> memref<10000x64xf32, #tpu.memory_space<hbm>>
        tpu.enqueue_indirect_dma source(%dma_start3A_204 : memref<10000x64xf32, #tpu.memory_space<hbm>>) target(%arg12 : memref<128x64xf32, #tpu.memory_space<vmem>>) offsets(%dma_start3A_201 : memref<128xi32, #tpu.memory_space<vmem>>) semaphore(%arg16 : memref<!tpu.dma_semaphore, #tpu.memory_space<semaphore_mem>>)
      } else {
      }
      %dma_wait3A_92 = arith.constant 0 : i32
      %dma_wait3A_93 = arith.constant 0 : i32
      %dma_wait3A_94 = tpu.memref_slice %arg2[%dma_wait3A_92, %dma_wait3A_93] : memref<10000x64xf32, #tpu.memory_space<hbm>> -> memref<128x64xf32, #tpu.memory_space<hbm>>
      %dma_wait3A_95 = arith.constant 0 : i32
      %dma_wait3A_96 = arith.constant 0 : i32
      %dma_wait3A_97 = tpu.memref_slice %arg2[%dma_wait3A_95, %dma_wait3A_96] : memref<10000x64xf32, #tpu.memory_space<hbm>> -> memref<128x64xf32, #tpu.memory_space<hbm>>
      tpu.wait_dma2 semaphore(%arg13 : memref<!tpu.dma_semaphore, #tpu.memory_space<semaphore_mem>>) src(%dma_wait3A_97 : memref<128x64xf32, #tpu.memory_space<hbm>>) dst(%arg9 : memref<128x64xf32, #tpu.memory_space<vmem>>)
      %add3A_98 = arith.constant 0 : i32
      %add3A_99 = arith.addi %mul3A_76, %add3A_98 : i32
      %dma_start3A_100 = arith.constant 0 : i32
      %dma_start3A_101 = tpu.memref_slice %arg8[%add3A_99, %dma_start3A_100] : memref<80x128xi32, #tpu.memory_space<vmem>> -> memref<1x128xi32, #tpu.memory_space<vmem>>
      %dma_start3A_102 = tpu.memref_squeeze %dma_start3A_101 : memref<1x128xi32, #tpu.memory_space<vmem>> -> memref<128xi32, #tpu.memory_space<vmem>>
      %dma_start3A_103 = arith.constant 0 : i32
      %dma_start3A_104 = arith.constant 0 : i32
      %dma_start3A_105 = tpu.memref_slice %arg21[%dma_start3A_103, %dma_start3A_104] : memref<10240x64xf32, #tpu.memory_space<vmem_shared>> -> memref<10240x64xf32, #tpu.memory_space<vmem_shared>>
      tpu.enqueue_indirect_dma source(%arg9 : memref<128x64xf32, #tpu.memory_space<vmem>>) target(%dma_start3A_105 : memref<10240x64xf32, #tpu.memory_space<vmem_shared>>) offsets(%dma_start3A_102 : memref<128xi32, #tpu.memory_space<vmem>>) semaphore(%arg17 : memref<!tpu.dma_semaphore, #tpu.memory_space<semaphore_mem>>) {add = true}
      %add3A_106 = arith.constant 1 : i32
      %add3A_107 = arith.addi %mul3A_76, %add3A_106 : i32
      %add3A_108 = arith.constant 3 : i32
      %add3A_109 = arith.addi %add3A_107, %add3A_108 : i32
      %ge3A_110 = arith.constant 4 : i32
      %ge3A_111 = arith.cmpi sge, %add3A_109, %ge3A_110 : i32
      %lt3A_112 = arith.constant 80 : i32
      %lt3A_113 = arith.cmpi slt, %add3A_109, %lt3A_112 : i32
      %and3A_114 = arith.andi %ge3A_111, %lt3A_113 : i1
      %convert_element_type3A_115 = arith.extui %and3A_114 : i1 to i32
      %cond3A_116 = arith.constant 0 : i32
      %cond3A_117 = arith.cmpi ne, %convert_element_type3A_115, %cond3A_116 : i32
      scf.if %cond3A_117 {
        %dma_wait3A_199 = arith.constant 0 : i32
        %dma_wait3A_200 = arith.constant 0 : i32
        %dma_wait3A_201 = tpu.memref_slice %arg21[%dma_wait3A_199, %dma_wait3A_200] : memref<10240x64xf32, #tpu.memory_space<vmem_shared>> -> memref<128x64xf32, #tpu.memory_space<vmem_shared>>
        %dma_wait3A_202 = arith.constant 0 : i32
        %dma_wait3A_203 = arith.constant 0 : i32
        %dma_wait3A_204 = tpu.memref_slice %arg21[%dma_wait3A_202, %dma_wait3A_203] : memref<10240x64xf32, #tpu.memory_space<vmem_shared>> -> memref<128x64xf32, #tpu.memory_space<vmem_shared>>
        tpu.wait_dma2 semaphore(%arg17 : memref<!tpu.dma_semaphore, #tpu.memory_space<semaphore_mem>>) src(%arg9 : memref<128x64xf32, #tpu.memory_space<vmem>>) dst(%dma_wait3A_204 : memref<128x64xf32, #tpu.memory_space<vmem_shared>>)
      } else {
      }
      %lt3A_118 = arith.constant 80 : i32
      %lt3A_119 = arith.cmpi slt, %add3A_109, %lt3A_118 : i32
      %convert_element_type3A_120 = arith.extui %lt3A_119 : i1 to i32
      %cond3A_121 = arith.constant 0 : i32
      %cond3A_122 = arith.cmpi ne, %convert_element_type3A_120, %cond3A_121 : i32
      scf.if %cond3A_122 {
        %dma_start3A_199 = arith.constant 0 : i32
        %dma_start3A_200 = tpu.memref_slice %arg7[%add3A_109, %dma_start3A_199] : memref<80x128xi32, #tpu.memory_space<vmem>> -> memref<1x128xi32, #tpu.memory_space<vmem>>
        %dma_start3A_201 = tpu.memref_squeeze %dma_start3A_200 : memref<1x128xi32, #tpu.memory_space<vmem>> -> memref<128xi32, #tpu.memory_space<vmem>>
        %dma_start3A_202 = arith.constant 0 : i32
        %dma_start3A_203 = arith.constant 0 : i32
        %dma_start3A_204 = tpu.memref_slice %arg2[%dma_start3A_202, %dma_start3A_203] : memref<10000x64xf32, #tpu.memory_space<hbm>> -> memref<10000x64xf32, #tpu.memory_space<hbm>>
        tpu.enqueue_indirect_dma source(%dma_start3A_204 : memref<10000x64xf32, #tpu.memory_space<hbm>>) target(%arg9 : memref<128x64xf32, #tpu.memory_space<vmem>>) offsets(%dma_start3A_201 : memref<128xi32, #tpu.memory_space<vmem>>) semaphore(%arg13 : memref<!tpu.dma_semaphore, #tpu.memory_space<semaphore_mem>>)
      } else {
      }
      %dma_wait3A_123 = arith.constant 0 : i32
      %dma_wait3A_124 = arith.constant 0 : i32
      %dma_wait3A_125 = tpu.memref_slice %arg2[%dma_wait3A_123, %dma_wait3A_124] : memref<10000x64xf32, #tpu.memory_space<hbm>> -> memref<128x64xf32, #tpu.memory_space<hbm>>
      %dma_wait3A_126 = arith.constant 0 : i32
      %dma_wait3A_127 = arith.constant 0 : i32
      %dma_wait3A_128 = tpu.memref_slice %arg2[%dma_wait3A_126, %dma_wait3A_127] : memref<10000x64xf32, #tpu.memory_space<hbm>> -> memref<128x64xf32, #tpu.memory_space<hbm>>
      tpu.wait_dma2 semaphore(%arg14 : memref<!tpu.dma_semaphore, #tpu.memory_space<semaphore_mem>>) src(%dma_wait3A_128 : memref<128x64xf32, #tpu.memory_space<hbm>>) dst(%arg10 : memref<128x64xf32, #tpu.memory_space<vmem>>)
      %add3A_129 = arith.constant 1 : i32
      %add3A_130 = arith.addi %mul3A_76, %add3A_129 : i32
      %dma_start3A_131 = arith.constant 0 : i32
      %dma_start3A_132 = tpu.memref_slice %arg8[%add3A_130, %dma_start3A_131] : memref<80x128xi32, #tpu.memory_space<vmem>> -> memref<1x128xi32, #tpu.memory_space<vmem>>
      %dma_start3A_133 = tpu.memref_squeeze %dma_start3A_132 : memref<1x128xi32, #tpu.memory_space<vmem>> -> memref<128xi32, #tpu.memory_space<vmem>>
      %dma_start3A_134 = arith.constant 0 : i32
      %dma_start3A_135 = arith.constant 0 : i32
      %dma_start3A_136 = tpu.memref_slice %arg21[%dma_start3A_134, %dma_start3A_135] : memref<10240x64xf32, #tpu.memory_space<vmem_shared>> -> memref<10240x64xf32, #tpu.memory_space<vmem_shared>>
      tpu.enqueue_indirect_dma source(%arg10 : memref<128x64xf32, #tpu.memory_space<vmem>>) target(%dma_start3A_136 : memref<10240x64xf32, #tpu.memory_space<vmem_shared>>) offsets(%dma_start3A_133 : memref<128xi32, #tpu.memory_space<vmem>>) semaphore(%arg18 : memref<!tpu.dma_semaphore, #tpu.memory_space<semaphore_mem>>) {add = true}
      %add3A_137 = arith.constant 2 : i32
      %add3A_138 = arith.addi %mul3A_76, %add3A_137 : i32
      %add3A_139 = arith.constant 3 : i32
      %add3A_140 = arith.addi %add3A_138, %add3A_139 : i32
      %ge3A_141 = arith.constant 4 : i32
      %ge3A_142 = arith.cmpi sge, %add3A_140, %ge3A_141 : i32
      %lt3A_143 = arith.constant 80 : i32
      %lt3A_144 = arith.cmpi slt, %add3A_140, %lt3A_143 : i32
      %and3A_145 = arith.andi %ge3A_142, %lt3A_144 : i1
      %convert_element_type3A_146 = arith.extui %and3A_145 : i1 to i32
      %cond3A_147 = arith.constant 0 : i32
      %cond3A_148 = arith.cmpi ne, %convert_element_type3A_146, %cond3A_147 : i32
      scf.if %cond3A_148 {
        %dma_wait3A_199 = arith.constant 0 : i32
        %dma_wait3A_200 = arith.constant 0 : i32
        %dma_wait3A_201 = tpu.memref_slice %arg21[%dma_wait3A_199, %dma_wait3A_200] : memref<10240x64xf32, #tpu.memory_space<vmem_shared>> -> memref<128x64xf32, #tpu.memory_space<vmem_shared>>
        %dma_wait3A_202 = arith.constant 0 : i32
        %dma_wait3A_203 = arith.constant 0 : i32
        %dma_wait3A_204 = tpu.memref_slice %arg21[%dma_wait3A_202, %dma_wait3A_203] : memref<10240x64xf32, #tpu.memory_space<vmem_shared>> -> memref<128x64xf32, #tpu.memory_space<vmem_shared>>
        tpu.wait_dma2 semaphore(%arg18 : memref<!tpu.dma_semaphore, #tpu.memory_space<semaphore_mem>>) src(%arg10 : memref<128x64xf32, #tpu.memory_space<vmem>>) dst(%dma_wait3A_204 : memref<128x64xf32, #tpu.memory_space<vmem_shared>>)
      } else {
      }
      %lt3A_149 = arith.constant 80 : i32
      %lt3A_150 = arith.cmpi slt, %add3A_140, %lt3A_149 : i32
      %convert_element_type3A_151 = arith.extui %lt3A_150 : i1 to i32
      %cond3A_152 = arith.constant 0 : i32
      %cond3A_153 = arith.cmpi ne, %convert_element_type3A_151, %cond3A_152 : i32
      scf.if %cond3A_153 {
        %dma_start3A_199 = arith.constant 0 : i32
        %dma_start3A_200 = tpu.memref_slice %arg7[%add3A_140, %dma_start3A_199] : memref<80x128xi32, #tpu.memory_space<vmem>> -> memref<1x128xi32, #tpu.memory_space<vmem>>
        %dma_start3A_201 = tpu.memref_squeeze %dma_start3A_200 : memref<1x128xi32, #tpu.memory_space<vmem>> -> memref<128xi32, #tpu.memory_space<vmem>>
        %dma_start3A_202 = arith.constant 0 : i32
        %dma_start3A_203 = arith.constant 0 : i32
        %dma_start3A_204 = tpu.memref_slice %arg2[%dma_start3A_202, %dma_start3A_203] : memref<10000x64xf32, #tpu.memory_space<hbm>> -> memref<10000x64xf32, #tpu.memory_space<hbm>>
        tpu.enqueue_indirect_dma source(%dma_start3A_204 : memref<10000x64xf32, #tpu.memory_space<hbm>>) target(%arg10 : memref<128x64xf32, #tpu.memory_space<vmem>>) offsets(%dma_start3A_201 : memref<128xi32, #tpu.memory_space<vmem>>) semaphore(%arg14 : memref<!tpu.dma_semaphore, #tpu.memory_space<semaphore_mem>>)
      } else {
      }
      %dma_wait3A_154 = arith.constant 0 : i32
      %dma_wait3A_155 = arith.constant 0 : i32
      %dma_wait3A_156 = tpu.memref_slice %arg2[%dma_wait3A_154, %dma_wait3A_155] : memref<10000x64xf32, #tpu.memory_space<hbm>> -> memref<128x64xf32, #tpu.memory_space<hbm>>
      %dma_wait3A_157 = arith.constant 0 : i32
      %dma_wait3A_158 = arith.constant 0 : i32
      %dma_wait3A_159 = tpu.memref_slice %arg2[%dma_wait3A_157, %dma_wait3A_158] : memref<10000x64xf32, #tpu.memory_space<hbm>> -> memref<128x64xf32, #tpu.memory_space<hbm>>
      tpu.wait_dma2 semaphore(%arg15 : memref<!tpu.dma_semaphore, #tpu.memory_space<semaphore_mem>>) src(%dma_wait3A_159 : memref<128x64xf32, #tpu.memory_space<hbm>>) dst(%arg11 : memref<128x64xf32, #tpu.memory_space<vmem>>)
      %add3A_160 = arith.constant 2 : i32
      %add3A_161 = arith.addi %mul3A_76, %add3A_160 : i32
      %dma_start3A_162 = arith.constant 0 : i32
      %dma_start3A_163 = tpu.memref_slice %arg8[%add3A_161, %dma_start3A_162] : memref<80x128xi32, #tpu.memory_space<vmem>> -> memref<1x128xi32, #tpu.memory_space<vmem>>
      %dma_start3A_164 = tpu.memref_squeeze %dma_start3A_163 : memref<1x128xi32, #tpu.memory_space<vmem>> -> memref<128xi32, #tpu.memory_space<vmem>>
      %dma_start3A_165 = arith.constant 0 : i32
      %dma_start3A_166 = arith.constant 0 : i32
      %dma_start3A_167 = tpu.memref_slice %arg21[%dma_start3A_165, %dma_start3A_166] : memref<10240x64xf32, #tpu.memory_space<vmem_shared>> -> memref<10240x64xf32, #tpu.memory_space<vmem_shared>>
      tpu.enqueue_indirect_dma source(%arg11 : memref<128x64xf32, #tpu.memory_space<vmem>>) target(%dma_start3A_167 : memref<10240x64xf32, #tpu.memory_space<vmem_shared>>) offsets(%dma_start3A_164 : memref<128xi32, #tpu.memory_space<vmem>>) semaphore(%arg19 : memref<!tpu.dma_semaphore, #tpu.memory_space<semaphore_mem>>) {add = true}
      %add3A_168 = arith.constant 3 : i32
      %add3A_169 = arith.addi %mul3A_76, %add3A_168 : i32
      %add3A_170 = arith.constant 3 : i32
      %add3A_171 = arith.addi %add3A_169, %add3A_170 : i32
      %ge3A_172 = arith.constant 4 : i32
      %ge3A_173 = arith.cmpi sge, %add3A_171, %ge3A_172 : i32
      %lt3A_174 = arith.constant 80 : i32
      %lt3A_175 = arith.cmpi slt, %add3A_171, %lt3A_174 : i32
      %and3A_176 = arith.andi %ge3A_173, %lt3A_175 : i1
      %convert_element_type3A_177 = arith.extui %and3A_176 : i1 to i32
      %cond3A_178 = arith.constant 0 : i32
      %cond3A_179 = arith.cmpi ne, %convert_element_type3A_177, %cond3A_178 : i32
      scf.if %cond3A_179 {
        %dma_wait3A_199 = arith.constant 0 : i32
        %dma_wait3A_200 = arith.constant 0 : i32
        %dma_wait3A_201 = tpu.memref_slice %arg21[%dma_wait3A_199, %dma_wait3A_200] : memref<10240x64xf32, #tpu.memory_space<vmem_shared>> -> memref<128x64xf32, #tpu.memory_space<vmem_shared>>
        %dma_wait3A_202 = arith.constant 0 : i32
        %dma_wait3A_203 = arith.constant 0 : i32
        %dma_wait3A_204 = tpu.memref_slice %arg21[%dma_wait3A_202, %dma_wait3A_203] : memref<10240x64xf32, #tpu.memory_space<vmem_shared>> -> memref<128x64xf32, #tpu.memory_space<vmem_shared>>
        tpu.wait_dma2 semaphore(%arg19 : memref<!tpu.dma_semaphore, #tpu.memory_space<semaphore_mem>>) src(%arg11 : memref<128x64xf32, #tpu.memory_space<vmem>>) dst(%dma_wait3A_204 : memref<128x64xf32, #tpu.memory_space<vmem_shared>>)
      } else {
      }
      %lt3A_180 = arith.constant 80 : i32
      %lt3A_181 = arith.cmpi slt, %add3A_171, %lt3A_180 : i32
      %convert_element_type3A_182 = arith.extui %lt3A_181 : i1 to i32
      %cond3A_183 = arith.constant 0 : i32
      %cond3A_184 = arith.cmpi ne, %convert_element_type3A_182, %cond3A_183 : i32
      scf.if %cond3A_184 {
        %dma_start3A_199 = arith.constant 0 : i32
        %dma_start3A_200 = tpu.memref_slice %arg7[%add3A_171, %dma_start3A_199] : memref<80x128xi32, #tpu.memory_space<vmem>> -> memref<1x128xi32, #tpu.memory_space<vmem>>
        %dma_start3A_201 = tpu.memref_squeeze %dma_start3A_200 : memref<1x128xi32, #tpu.memory_space<vmem>> -> memref<128xi32, #tpu.memory_space<vmem>>
        %dma_start3A_202 = arith.constant 0 : i32
        %dma_start3A_203 = arith.constant 0 : i32
        %dma_start3A_204 = tpu.memref_slice %arg2[%dma_start3A_202, %dma_start3A_203] : memref<10000x64xf32, #tpu.memory_space<hbm>> -> memref<10000x64xf32, #tpu.memory_space<hbm>>
        tpu.enqueue_indirect_dma source(%dma_start3A_204 : memref<10000x64xf32, #tpu.memory_space<hbm>>) target(%arg11 : memref<128x64xf32, #tpu.memory_space<vmem>>) offsets(%dma_start3A_201 : memref<128xi32, #tpu.memory_space<vmem>>) semaphore(%arg15 : memref<!tpu.dma_semaphore, #tpu.memory_space<semaphore_mem>>)
      } else {
      }
      %dma_wait3A_185 = arith.constant 0 : i32
      %dma_wait3A_186 = arith.constant 0 : i32
      %dma_wait3A_187 = tpu.memref_slice %arg2[%dma_wait3A_185, %dma_wait3A_186] : memref<10000x64xf32, #tpu.memory_space<hbm>> -> memref<128x64xf32, #tpu.memory_space<hbm>>
      %dma_wait3A_188 = arith.constant 0 : i32
      %dma_wait3A_189 = arith.constant 0 : i32
      %dma_wait3A_190 = tpu.memref_slice %arg2[%dma_wait3A_188, %dma_wait3A_189] : memref<10000x64xf32, #tpu.memory_space<hbm>> -> memref<128x64xf32, #tpu.memory_space<hbm>>
      tpu.wait_dma2 semaphore(%arg16 : memref<!tpu.dma_semaphore, #tpu.memory_space<semaphore_mem>>) src(%dma_wait3A_190 : memref<128x64xf32, #tpu.memory_space<hbm>>) dst(%arg12 : memref<128x64xf32, #tpu.memory_space<vmem>>)
      %add3A_191 = arith.constant 3 : i32
      %add3A_192 = arith.addi %mul3A_76, %add3A_191 : i32
      %dma_start3A_193 = arith.constant 0 : i32
      %dma_start3A_194 = tpu.memref_slice %arg8[%add3A_192, %dma_start3A_193] : memref<80x128xi32, #tpu.memory_space<vmem>> -> memref<1x128xi32, #tpu.memory_space<vmem>>
      %dma_start3A_195 = tpu.memref_squeeze %dma_start3A_194 : memref<1x128xi32, #tpu.memory_space<vmem>> -> memref<128xi32, #tpu.memory_space<vmem>>
      %dma_start3A_196 = arith.constant 0 : i32
      %dma_start3A_197 = arith.constant 0 : i32
      %dma_start3A_198 = tpu.memref_slice %arg21[%dma_start3A_196, %dma_start3A_197] : memref<10240x64xf32, #tpu.memory_space<vmem_shared>> -> memref<10240x64xf32, #tpu.memory_space<vmem_shared>>
      tpu.enqueue_indirect_dma source(%arg12 : memref<128x64xf32, #tpu.memory_space<vmem>>) target(%dma_start3A_198 : memref<10240x64xf32, #tpu.memory_space<vmem_shared>>) offsets(%dma_start3A_195 : memref<128xi32, #tpu.memory_space<vmem>>) semaphore(%arg20 : memref<!tpu.dma_semaphore, #tpu.memory_space<semaphore_mem>>) {add = true}
    }
    %scan3A_43 = arith.constant 20 : i32
    %dma_wait3A = arith.constant 0 : i32
    %dma_wait3A_44 = arith.constant 0 : i32
    %dma_wait3A_45 = tpu.memref_slice %arg21[%dma_wait3A, %dma_wait3A_44] : memref<10240x64xf32, #tpu.memory_space<vmem_shared>> -> memref<128x64xf32, #tpu.memory_space<vmem_shared>>
    %dma_wait3A_46 = arith.constant 0 : i32
    %dma_wait3A_47 = arith.constant 0 : i32
    %dma_wait3A_48 = tpu.memref_slice %arg21[%dma_wait3A_46, %dma_wait3A_47] : memref<10240x64xf32, #tpu.memory_space<vmem_shared>> -> memref<128x64xf32, #tpu.memory_space<vmem_shared>>
    tpu.wait_dma2 semaphore(%arg17 : memref<!tpu.dma_semaphore, #tpu.memory_space<semaphore_mem>>) src(%arg9 : memref<128x64xf32, #tpu.memory_space<vmem>>) dst(%dma_wait3A_48 : memref<128x64xf32, #tpu.memory_space<vmem_shared>>)
    %dma_wait3A_49 = arith.constant 0 : i32
    %dma_wait3A_50 = arith.constant 0 : i32
    %dma_wait3A_51 = tpu.memref_slice %arg21[%dma_wait3A_49, %dma_wait3A_50] : memref<10240x64xf32, #tpu.memory_space<vmem_shared>> -> memref<128x64xf32, #tpu.memory_space<vmem_shared>>
    %dma_wait3A_52 = arith.constant 0 : i32
    %dma_wait3A_53 = arith.constant 0 : i32
    %dma_wait3A_54 = tpu.memref_slice %arg21[%dma_wait3A_52, %dma_wait3A_53] : memref<10240x64xf32, #tpu.memory_space<vmem_shared>> -> memref<128x64xf32, #tpu.memory_space<vmem_shared>>
    tpu.wait_dma2 semaphore(%arg18 : memref<!tpu.dma_semaphore, #tpu.memory_space<semaphore_mem>>) src(%arg10 : memref<128x64xf32, #tpu.memory_space<vmem>>) dst(%dma_wait3A_54 : memref<128x64xf32, #tpu.memory_space<vmem_shared>>)
    %dma_wait3A_55 = arith.constant 0 : i32
    %dma_wait3A_56 = arith.constant 0 : i32
    %dma_wait3A_57 = tpu.memref_slice %arg21[%dma_wait3A_55, %dma_wait3A_56] : memref<10240x64xf32, #tpu.memory_space<vmem_shared>> -> memref<128x64xf32, #tpu.memory_space<vmem_shared>>
    %dma_wait3A_58 = arith.constant 0 : i32
    %dma_wait3A_59 = arith.constant 0 : i32
    %dma_wait3A_60 = tpu.memref_slice %arg21[%dma_wait3A_58, %dma_wait3A_59] : memref<10240x64xf32, #tpu.memory_space<vmem_shared>> -> memref<128x64xf32, #tpu.memory_space<vmem_shared>>
    tpu.wait_dma2 semaphore(%arg19 : memref<!tpu.dma_semaphore, #tpu.memory_space<semaphore_mem>>) src(%arg11 : memref<128x64xf32, #tpu.memory_space<vmem>>) dst(%dma_wait3A_60 : memref<128x64xf32, #tpu.memory_space<vmem_shared>>)
    %dma_wait3A_61 = arith.constant 0 : i32
    %dma_wait3A_62 = arith.constant 0 : i32
    %dma_wait3A_63 = tpu.memref_slice %arg21[%dma_wait3A_61, %dma_wait3A_62] : memref<10240x64xf32, #tpu.memory_space<vmem_shared>> -> memref<128x64xf32, #tpu.memory_space<vmem_shared>>
    %dma_wait3A_64 = arith.constant 0 : i32
    %dma_wait3A_65 = arith.constant 0 : i32
    %dma_wait3A_66 = tpu.memref_slice %arg21[%dma_wait3A_64, %dma_wait3A_65] : memref<10240x64xf32, #tpu.memory_space<vmem_shared>> -> memref<128x64xf32, #tpu.memory_space<vmem_shared>>
    tpu.wait_dma2 semaphore(%arg20 : memref<!tpu.dma_semaphore, #tpu.memory_space<semaphore_mem>>) src(%arg12 : memref<128x64xf32, #tpu.memory_space<vmem>>) dst(%dma_wait3A_66 : memref<128x64xf32, #tpu.memory_space<vmem_shared>>)
    %barrier3A_67 = arith.constant 0 : index
    tpu.barrier barrier_id(%barrier3A_67)
    %mul3A_68 = arith.constant 640 : i32
    %mul3A_69 = arith.muli %arg1, %mul3A_68 : i32
    %mul3A_70 = arith.constant 640 : i32
    %mul3A_71 = arith.muli %arg1, %mul3A_70 : i32
    %mul3A_72 = arith.constant 64 : i32
    %mul3A_73 = arith.muli %arg0, %mul3A_72 : i32
    "tpu.region"() ({
      %run_scoped3A = tpu.sem_alloc : memref<!tpu.dma_semaphore, #tpu.memory_space<semaphore_mem>>
      %dma_start3A_74 = tpu.memref_slice %arg6[%mul3A_71, %mul3A_73] : memref<10240x128xf32, #tpu.memory_space<hbm>> -> memref<640x64xf32, #tpu.memory_space<hbm>>
      %dma_start3A_75 = arith.constant 0 : i32
      %dma_start3A_76 = tpu.memref_slice %arg21[%mul3A_69, %dma_start3A_75] : memref<10240x64xf32, #tpu.memory_space<vmem_shared>> -> memref<640x64xf32, #tpu.memory_space<vmem_shared>>
      tpu.enqueue_dma source(%dma_start3A_76 : memref<640x64xf32, #tpu.memory_space<vmem_shared>>) target(%dma_start3A_74 : memref<640x64xf32, #tpu.memory_space<hbm>>) target_semaphore(%run_scoped3A : memref<!tpu.dma_semaphore, #tpu.memory_space<semaphore_mem>>)
      %dma_wait3A_77 = tpu.memref_slice %arg6[%mul3A_71, %mul3A_73] : memref<10240x128xf32, #tpu.memory_space<hbm>> -> memref<640x64xf32, #tpu.memory_space<hbm>>
      %dma_wait3A_78 = arith.constant 0 : i32
      %dma_wait3A_79 = tpu.memref_slice %arg21[%mul3A_69, %dma_wait3A_78] : memref<10240x64xf32, #tpu.memory_space<vmem_shared>> -> memref<640x64xf32, #tpu.memory_space<vmem_shared>>
      tpu.wait_dma2 semaphore(%run_scoped3A : memref<!tpu.dma_semaphore, #tpu.memory_space<semaphore_mem>>) src(%dma_wait3A_79 : memref<640x64xf32, #tpu.memory_space<vmem_shared>>) dst(%dma_wait3A_77 : memref<640x64xf32, #tpu.memory_space<hbm>>)
      tpu.yield
    }) : () -> ()
    return
  }
}

#map = affine_map<(d0, d1) -> (0, 0)>
#map1 = affine_map<(d0, d1) -> (0, 0, 0)>
module attributes {stable_mosaic.version = 14 : i64} {
  func.func @_sc_aggregate(%arg0: i32, %arg1: i32, %arg2: memref<10000x64xf32, #tpu.memory_space<hbm>>, %arg3: memref<2x2500x128xi32, #tpu.memory_space<hbm>>, %arg4: memref<2x60x128xi32, #tpu.memory_space<hbm>>, %arg5: memref<640x64xf32, #tpu.memory_space<hbm>>, %arg6: memref<10240x128xf32, #tpu.memory_space<hbm>>, %arg7: memref<80x128xi32, #tpu.memory_space<vmem>>, %arg8: memref<80x128xi32, #tpu.memory_space<vmem>>, %arg9: memref<128x64xf32, #tpu.memory_space<vmem>>, %arg10: memref<128x64xf32, #tpu.memory_space<vmem>>, %arg11: memref<128x64xf32, #tpu.memory_space<vmem>>, %arg12: memref<128x64xf32, #tpu.memory_space<vmem>>, %arg13: memref<!tpu.dma_semaphore, #tpu.memory_space<semaphore_mem>>, %arg14: memref<!tpu.dma_semaphore, #tpu.memory_space<semaphore_mem>>, %arg15: memref<!tpu.dma_semaphore, #tpu.memory_space<semaphore_mem>>, %arg16: memref<!tpu.dma_semaphore, #tpu.memory_space<semaphore_mem>>, %arg17: memref<!tpu.dma_semaphore, #tpu.memory_space<semaphore_mem>>, %arg18: memref<!tpu.dma_semaphore, #tpu.memory_space<semaphore_mem>>, %arg19: memref<!tpu.dma_semaphore, #tpu.memory_space<semaphore_mem>>, %arg20: memref<!tpu.dma_semaphore, #tpu.memory_space<semaphore_mem>>, %arg21: memref<10240x64xf32, #tpu.memory_space<vmem_shared>>) attributes {dimension_semantics = [#tpu.dimension_semantics<core_parallel>, #tpu.dimension_semantics<subcore_parallel>], iteration_bounds = array<i64: 2, 16>, scalar_prefetch = 0 : i64, scratch_operands = 15 : i64, tpu.core_type = #tpu.core_type<sc_vector_subcore>, window_params = [{transform_indices = #map}, {transform_indices = #map1}, {transform_indices = #map1}, {transform_indices = #map}, {transform_indices = #map}]} {
    %mul3A = arith.constant 16 : i32
    %mul3A_0 = arith.muli %arg0, %mul3A : i32
    %add3A = arith.addi %mul3A_0, %arg1 : i32
    %lt3A = arith.constant 31 : i32
    %lt3A_1 = arith.cmpi slt, %add3A, %lt3A : i32
    %convert_element_type3A = arith.extui %lt3A_1 : i1 to i32
    %cond3A = arith.constant 0 : i32
    %cond3A_2 = arith.cmpi ne, %convert_element_type3A, %cond3A : i32
    scf.if %cond3A_2 {
      %mul3A_74 = arith.constant 80 : i32
      %mul3A_75 = arith.muli %add3A, %mul3A_74 : i32
      %run_scoped3A = arith.constant 0 : i32
      "tpu.region"() ({
        %run_scoped3A_76 = tpu.sem_alloc : memref<!tpu.dma_semaphore, #tpu.memory_space<semaphore_mem>>
        %dma_start3A_77 = arith.constant 0 : i32
        %dma_start3A_78 = tpu.memref_slice %arg3[%run_scoped3A, %mul3A_75, %dma_start3A_77] : memref<2x2500x128xi32, #tpu.memory_space<hbm>> -> memref<1x80x128xi32, #tpu.memory_space<hbm>>
        %dma_start3A_79 = tpu.memref_squeeze %dma_start3A_78 : memref<1x80x128xi32, #tpu.memory_space<hbm>> -> memref<80x128xi32, #tpu.memory_space<hbm>>
        %dma_start3A_80 = arith.constant 0 : i32
        %dma_start3A_81 = tpu.memref_slice %arg3[%run_scoped3A, %mul3A_75, %dma_start3A_80] : memref<2x2500x128xi32, #tpu.memory_space<hbm>> -> memref<1x80x128xi32, #tpu.memory_space<hbm>>
        %dma_start3A_82 = tpu.memref_squeeze %dma_start3A_81 : memref<1x80x128xi32, #tpu.memory_space<hbm>> -> memref<80x128xi32, #tpu.memory_space<hbm>>
        tpu.enqueue_dma source(%dma_start3A_82 : memref<80x128xi32, #tpu.memory_space<hbm>>) target(%arg7 : memref<80x128xi32, #tpu.memory_space<vmem>>) target_semaphore(%run_scoped3A_76 : memref<!tpu.dma_semaphore, #tpu.memory_space<semaphore_mem>>)
        %dma_wait3A_83 = arith.constant 0 : i32
        %dma_wait3A_84 = tpu.memref_slice %arg3[%run_scoped3A, %mul3A_75, %dma_wait3A_83] : memref<2x2500x128xi32, #tpu.memory_space<hbm>> -> memref<1x80x128xi32, #tpu.memory_space<hbm>>
        %dma_wait3A_85 = tpu.memref_squeeze %dma_wait3A_84 : memref<1x80x128xi32, #tpu.memory_space<hbm>> -> memref<80x128xi32, #tpu.memory_space<hbm>>
        %dma_wait3A_86 = arith.constant 0 : i32
        %dma_wait3A_87 = tpu.memref_slice %arg3[%run_scoped3A, %mul3A_75, %dma_wait3A_86] : memref<2x2500x128xi32, #tpu.memory_space<hbm>> -> memref<1x80x128xi32, #tpu.memory_space<hbm>>
        %dma_wait3A_88 = tpu.memref_squeeze %dma_wait3A_87 : memref<1x80x128xi32, #tpu.memory_space<hbm>> -> memref<80x128xi32, #tpu.memory_space<hbm>>
        tpu.wait_dma2 semaphore(%run_scoped3A_76 : memref<!tpu.dma_semaphore, #tpu.memory_space<semaphore_mem>>) src(%dma_wait3A_88 : memref<80x128xi32, #tpu.memory_space<hbm>>) dst(%arg7 : memref<80x128xi32, #tpu.memory_space<vmem>>)
        tpu.yield
      }) : () -> ()
    } else {
    }
    %eq3A = arith.constant 31 : i32
    %eq3A_3 = arith.cmpi eq, %add3A, %eq3A : i32
    %convert_element_type3A_4 = arith.extui %eq3A_3 : i1 to i32
    %cond3A_5 = arith.constant 0 : i32
    %cond3A_6 = arith.cmpi ne, %convert_element_type3A_4, %cond3A_5 : i32
    scf.if %cond3A_6 {
      %run_scoped3A = arith.constant 0 : i32
      "tpu.region"() ({
        %run_scoped3A_75 = tpu.sem_alloc : memref<!tpu.dma_semaphore, #tpu.memory_space<semaphore_mem>>
        %dma_start3A_76 = arith.constant 0 : i32
        %dma_start3A_77 = arith.constant 0 : i32
        %dma_start3A_78 = tpu.memref_slice %arg7[%dma_start3A_76, %dma_start3A_77] : memref<80x128xi32, #tpu.memory_space<vmem>> -> memref<20x128xi32, #tpu.memory_space<vmem>>
        %dma_start3A_79 = arith.constant 2480 : i32
        %dma_start3A_80 = arith.constant 0 : i32
        %dma_start3A_81 = tpu.memref_slice %arg3[%run_scoped3A, %dma_start3A_79, %dma_start3A_80] : memref<2x2500x128xi32, #tpu.memory_space<hbm>> -> memref<1x20x128xi32, #tpu.memory_space<hbm>>
        %dma_start3A_82 = tpu.memref_squeeze %dma_start3A_81 : memref<1x20x128xi32, #tpu.memory_space<hbm>> -> memref<20x128xi32, #tpu.memory_space<hbm>>
        %dma_start3A_83 = arith.constant 0 : i32
        %dma_start3A_84 = arith.constant 0 : i32
        %dma_start3A_85 = tpu.memref_slice %arg7[%dma_start3A_83, %dma_start3A_84] : memref<80x128xi32, #tpu.memory_space<vmem>> -> memref<20x128xi32, #tpu.memory_space<vmem>>
        %dma_start3A_86 = arith.constant 2480 : i32
        %dma_start3A_87 = arith.constant 0 : i32
        %dma_start3A_88 = tpu.memref_slice %arg3[%run_scoped3A, %dma_start3A_86, %dma_start3A_87] : memref<2x2500x128xi32, #tpu.memory_space<hbm>> -> memref<1x20x128xi32, #tpu.memory_space<hbm>>
        %dma_start3A_89 = tpu.memref_squeeze %dma_start3A_88 : memref<1x20x128xi32, #tpu.memory_space<hbm>> -> memref<20x128xi32, #tpu.memory_space<hbm>>
        tpu.enqueue_dma source(%dma_start3A_89 : memref<20x128xi32, #tpu.memory_space<hbm>>) target(%dma_start3A_85 : memref<20x128xi32, #tpu.memory_space<vmem>>) target_semaphore(%run_scoped3A_75 : memref<!tpu.dma_semaphore, #tpu.memory_space<semaphore_mem>>)
        %dma_wait3A_90 = arith.constant 0 : i32
        %dma_wait3A_91 = arith.constant 0 : i32
        %dma_wait3A_92 = tpu.memref_slice %arg7[%dma_wait3A_90, %dma_wait3A_91] : memref<80x128xi32, #tpu.memory_space<vmem>> -> memref<20x128xi32, #tpu.memory_space<vmem>>
        %dma_wait3A_93 = arith.constant 2480 : i32
        %dma_wait3A_94 = arith.constant 0 : i32
        %dma_wait3A_95 = tpu.memref_slice %arg3[%run_scoped3A, %dma_wait3A_93, %dma_wait3A_94] : memref<2x2500x128xi32, #tpu.memory_space<hbm>> -> memref<1x20x128xi32, #tpu.memory_space<hbm>>
        %dma_wait3A_96 = tpu.memref_squeeze %dma_wait3A_95 : memref<1x20x128xi32, #tpu.memory_space<hbm>> -> memref<20x128xi32, #tpu.memory_space<hbm>>
        %dma_wait3A_97 = arith.constant 0 : i32
        %dma_wait3A_98 = arith.constant 0 : i32
        %dma_wait3A_99 = tpu.memref_slice %arg7[%dma_wait3A_97, %dma_wait3A_98] : memref<80x128xi32, #tpu.memory_space<vmem>> -> memref<20x128xi32, #tpu.memory_space<vmem>>
        %dma_wait3A_100 = arith.constant 2480 : i32
        %dma_wait3A_101 = arith.constant 0 : i32
        %dma_wait3A_102 = tpu.memref_slice %arg3[%run_scoped3A, %dma_wait3A_100, %dma_wait3A_101] : memref<2x2500x128xi32, #tpu.memory_space<hbm>> -> memref<1x20x128xi32, #tpu.memory_space<hbm>>
        %dma_wait3A_103 = tpu.memref_squeeze %dma_wait3A_102 : memref<1x20x128xi32, #tpu.memory_space<hbm>> -> memref<20x128xi32, #tpu.memory_space<hbm>>
        tpu.wait_dma2 semaphore(%run_scoped3A_75 : memref<!tpu.dma_semaphore, #tpu.memory_space<semaphore_mem>>) src(%dma_wait3A_103 : memref<20x128xi32, #tpu.memory_space<hbm>>) dst(%dma_wait3A_99 : memref<20x128xi32, #tpu.memory_space<vmem>>)
        tpu.yield
      }) : () -> ()
      %run_scoped3A_74 = arith.constant 0 : i32
      "tpu.region"() ({
        %run_scoped3A_75 = tpu.sem_alloc : memref<!tpu.dma_semaphore, #tpu.memory_space<semaphore_mem>>
        %dma_start3A_76 = arith.constant 20 : i32
        %dma_start3A_77 = arith.constant 0 : i32
        %dma_start3A_78 = tpu.memref_slice %arg7[%dma_start3A_76, %dma_start3A_77] : memref<80x128xi32, #tpu.memory_space<vmem>> -> memref<60x128xi32, #tpu.memory_space<vmem>>
        %dma_start3A_79 = arith.constant 0 : i32
        %dma_start3A_80 = arith.constant 0 : i32
        %dma_start3A_81 = tpu.memref_slice %arg4[%run_scoped3A_74, %dma_start3A_79, %dma_start3A_80] : memref<2x60x128xi32, #tpu.memory_space<hbm>> -> memref<1x60x128xi32, #tpu.memory_space<hbm>>
        %dma_start3A_82 = tpu.memref_squeeze %dma_start3A_81 : memref<1x60x128xi32, #tpu.memory_space<hbm>> -> memref<60x128xi32, #tpu.memory_space<hbm>>
        %dma_start3A_83 = arith.constant 20 : i32
        %dma_start3A_84 = arith.constant 0 : i32
        %dma_start3A_85 = tpu.memref_slice %arg7[%dma_start3A_83, %dma_start3A_84] : memref<80x128xi32, #tpu.memory_space<vmem>> -> memref<60x128xi32, #tpu.memory_space<vmem>>
        %dma_start3A_86 = arith.constant 0 : i32
        %dma_start3A_87 = arith.constant 0 : i32
        %dma_start3A_88 = tpu.memref_slice %arg4[%run_scoped3A_74, %dma_start3A_86, %dma_start3A_87] : memref<2x60x128xi32, #tpu.memory_space<hbm>> -> memref<1x60x128xi32, #tpu.memory_space<hbm>>
        %dma_start3A_89 = tpu.memref_squeeze %dma_start3A_88 : memref<1x60x128xi32, #tpu.memory_space<hbm>> -> memref<60x128xi32, #tpu.memory_space<hbm>>
        tpu.enqueue_dma source(%dma_start3A_89 : memref<60x128xi32, #tpu.memory_space<hbm>>) target(%dma_start3A_85 : memref<60x128xi32, #tpu.memory_space<vmem>>) target_semaphore(%run_scoped3A_75 : memref<!tpu.dma_semaphore, #tpu.memory_space<semaphore_mem>>)
        %dma_wait3A_90 = arith.constant 20 : i32
        %dma_wait3A_91 = arith.constant 0 : i32
        %dma_wait3A_92 = tpu.memref_slice %arg7[%dma_wait3A_90, %dma_wait3A_91] : memref<80x128xi32, #tpu.memory_space<vmem>> -> memref<60x128xi32, #tpu.memory_space<vmem>>
        %dma_wait3A_93 = arith.constant 0 : i32
        %dma_wait3A_94 = arith.constant 0 : i32
        %dma_wait3A_95 = tpu.memref_slice %arg4[%run_scoped3A_74, %dma_wait3A_93, %dma_wait3A_94] : memref<2x60x128xi32, #tpu.memory_space<hbm>> -> memref<1x60x128xi32, #tpu.memory_space<hbm>>
        %dma_wait3A_96 = tpu.memref_squeeze %dma_wait3A_95 : memref<1x60x128xi32, #tpu.memory_space<hbm>> -> memref<60x128xi32, #tpu.memory_space<hbm>>
        %dma_wait3A_97 = arith.constant 20 : i32
        %dma_wait3A_98 = arith.constant 0 : i32
        %dma_wait3A_99 = tpu.memref_slice %arg7[%dma_wait3A_97, %dma_wait3A_98] : memref<80x128xi32, #tpu.memory_space<vmem>> -> memref<60x128xi32, #tpu.memory_space<vmem>>
        %dma_wait3A_100 = arith.constant 0 : i32
        %dma_wait3A_101 = arith.constant 0 : i32
        %dma_wait3A_102 = tpu.memref_slice %arg4[%run_scoped3A_74, %dma_wait3A_100, %dma_wait3A_101] : memref<2x60x128xi32, #tpu.memory_space<hbm>> -> memref<1x60x128xi32, #tpu.memory_space<hbm>>
        %dma_wait3A_103 = tpu.memref_squeeze %dma_wait3A_102 : memref<1x60x128xi32, #tpu.memory_space<hbm>> -> memref<60x128xi32, #tpu.memory_space<hbm>>
        tpu.wait_dma2 semaphore(%run_scoped3A_75 : memref<!tpu.dma_semaphore, #tpu.memory_space<semaphore_mem>>) src(%dma_wait3A_103 : memref<60x128xi32, #tpu.memory_space<hbm>>) dst(%dma_wait3A_99 : memref<60x128xi32, #tpu.memory_space<vmem>>)
        tpu.yield
      }) : () -> ()
    } else {
    }
    %lt3A_7 = arith.constant 31 : i32
    %lt3A_8 = arith.cmpi slt, %add3A, %lt3A_7 : i32
    %convert_element_type3A_9 = arith.extui %lt3A_8 : i1 to i32
    %cond3A_10 = arith.constant 0 : i32
    %cond3A_11 = arith.cmpi ne, %convert_element_type3A_9, %cond3A_10 : i32
    scf.if %cond3A_11 {
      %mul3A_74 = arith.constant 80 : i32
      %mul3A_75 = arith.muli %add3A, %mul3A_74 : i32
      %run_scoped3A = arith.constant 1 : i32
      "tpu.region"() ({
        %run_scoped3A_76 = tpu.sem_alloc : memref<!tpu.dma_semaphore, #tpu.memory_space<semaphore_mem>>
        %dma_start3A_77 = arith.constant 0 : i32
        %dma_start3A_78 = tpu.memref_slice %arg3[%run_scoped3A, %mul3A_75, %dma_start3A_77] : memref<2x2500x128xi32, #tpu.memory_space<hbm>> -> memref<1x80x128xi32, #tpu.memory_space<hbm>>
        %dma_start3A_79 = tpu.memref_squeeze %dma_start3A_78 : memref<1x80x128xi32, #tpu.memory_space<hbm>> -> memref<80x128xi32, #tpu.memory_space<hbm>>
        %dma_start3A_80 = arith.constant 0 : i32
        %dma_start3A_81 = tpu.memref_slice %arg3[%run_scoped3A, %mul3A_75, %dma_start3A_80] : memref<2x2500x128xi32, #tpu.memory_space<hbm>> -> memref<1x80x128xi32, #tpu.memory_space<hbm>>
        %dma_start3A_82 = tpu.memref_squeeze %dma_start3A_81 : memref<1x80x128xi32, #tpu.memory_space<hbm>> -> memref<80x128xi32, #tpu.memory_space<hbm>>
        tpu.enqueue_dma source(%dma_start3A_82 : memref<80x128xi32, #tpu.memory_space<hbm>>) target(%arg8 : memref<80x128xi32, #tpu.memory_space<vmem>>) target_semaphore(%run_scoped3A_76 : memref<!tpu.dma_semaphore, #tpu.memory_space<semaphore_mem>>)
        %dma_wait3A_83 = arith.constant 0 : i32
        %dma_wait3A_84 = tpu.memref_slice %arg3[%run_scoped3A, %mul3A_75, %dma_wait3A_83] : memref<2x2500x128xi32, #tpu.memory_space<hbm>> -> memref<1x80x128xi32, #tpu.memory_space<hbm>>
        %dma_wait3A_85 = tpu.memref_squeeze %dma_wait3A_84 : memref<1x80x128xi32, #tpu.memory_space<hbm>> -> memref<80x128xi32, #tpu.memory_space<hbm>>
        %dma_wait3A_86 = arith.constant 0 : i32
        %dma_wait3A_87 = tpu.memref_slice %arg3[%run_scoped3A, %mul3A_75, %dma_wait3A_86] : memref<2x2500x128xi32, #tpu.memory_space<hbm>> -> memref<1x80x128xi32, #tpu.memory_space<hbm>>
        %dma_wait3A_88 = tpu.memref_squeeze %dma_wait3A_87 : memref<1x80x128xi32, #tpu.memory_space<hbm>> -> memref<80x128xi32, #tpu.memory_space<hbm>>
        tpu.wait_dma2 semaphore(%run_scoped3A_76 : memref<!tpu.dma_semaphore, #tpu.memory_space<semaphore_mem>>) src(%dma_wait3A_88 : memref<80x128xi32, #tpu.memory_space<hbm>>) dst(%arg8 : memref<80x128xi32, #tpu.memory_space<vmem>>)
        tpu.yield
      }) : () -> ()
    } else {
    }
    %eq3A_12 = arith.constant 31 : i32
    %eq3A_13 = arith.cmpi eq, %add3A, %eq3A_12 : i32
    %convert_element_type3A_14 = arith.extui %eq3A_13 : i1 to i32
    %cond3A_15 = arith.constant 0 : i32
    %cond3A_16 = arith.cmpi ne, %convert_element_type3A_14, %cond3A_15 : i32
    scf.if %cond3A_16 {
      %run_scoped3A = arith.constant 1 : i32
      "tpu.region"() ({
        %run_scoped3A_75 = tpu.sem_alloc : memref<!tpu.dma_semaphore, #tpu.memory_space<semaphore_mem>>
        %dma_start3A_76 = arith.constant 0 : i32
        %dma_start3A_77 = arith.constant 0 : i32
        %dma_start3A_78 = tpu.memref_slice %arg8[%dma_start3A_76, %dma_start3A_77] : memref<80x128xi32, #tpu.memory_space<vmem>> -> memref<20x128xi32, #tpu.memory_space<vmem>>
        %dma_start3A_79 = arith.constant 2480 : i32
        %dma_start3A_80 = arith.constant 0 : i32
        %dma_start3A_81 = tpu.memref_slice %arg3[%run_scoped3A, %dma_start3A_79, %dma_start3A_80] : memref<2x2500x128xi32, #tpu.memory_space<hbm>> -> memref<1x20x128xi32, #tpu.memory_space<hbm>>
        %dma_start3A_82 = tpu.memref_squeeze %dma_start3A_81 : memref<1x20x128xi32, #tpu.memory_space<hbm>> -> memref<20x128xi32, #tpu.memory_space<hbm>>
        %dma_start3A_83 = arith.constant 0 : i32
        %dma_start3A_84 = arith.constant 0 : i32
        %dma_start3A_85 = tpu.memref_slice %arg8[%dma_start3A_83, %dma_start3A_84] : memref<80x128xi32, #tpu.memory_space<vmem>> -> memref<20x128xi32, #tpu.memory_space<vmem>>
        %dma_start3A_86 = arith.constant 2480 : i32
        %dma_start3A_87 = arith.constant 0 : i32
        %dma_start3A_88 = tpu.memref_slice %arg3[%run_scoped3A, %dma_start3A_86, %dma_start3A_87] : memref<2x2500x128xi32, #tpu.memory_space<hbm>> -> memref<1x20x128xi32, #tpu.memory_space<hbm>>
        %dma_start3A_89 = tpu.memref_squeeze %dma_start3A_88 : memref<1x20x128xi32, #tpu.memory_space<hbm>> -> memref<20x128xi32, #tpu.memory_space<hbm>>
        tpu.enqueue_dma source(%dma_start3A_89 : memref<20x128xi32, #tpu.memory_space<hbm>>) target(%dma_start3A_85 : memref<20x128xi32, #tpu.memory_space<vmem>>) target_semaphore(%run_scoped3A_75 : memref<!tpu.dma_semaphore, #tpu.memory_space<semaphore_mem>>)
        %dma_wait3A_90 = arith.constant 0 : i32
        %dma_wait3A_91 = arith.constant 0 : i32
        %dma_wait3A_92 = tpu.memref_slice %arg8[%dma_wait3A_90, %dma_wait3A_91] : memref<80x128xi32, #tpu.memory_space<vmem>> -> memref<20x128xi32, #tpu.memory_space<vmem>>
        %dma_wait3A_93 = arith.constant 2480 : i32
        %dma_wait3A_94 = arith.constant 0 : i32
        %dma_wait3A_95 = tpu.memref_slice %arg3[%run_scoped3A, %dma_wait3A_93, %dma_wait3A_94] : memref<2x2500x128xi32, #tpu.memory_space<hbm>> -> memref<1x20x128xi32, #tpu.memory_space<hbm>>
        %dma_wait3A_96 = tpu.memref_squeeze %dma_wait3A_95 : memref<1x20x128xi32, #tpu.memory_space<hbm>> -> memref<20x128xi32, #tpu.memory_space<hbm>>
        %dma_wait3A_97 = arith.constant 0 : i32
        %dma_wait3A_98 = arith.constant 0 : i32
        %dma_wait3A_99 = tpu.memref_slice %arg8[%dma_wait3A_97, %dma_wait3A_98] : memref<80x128xi32, #tpu.memory_space<vmem>> -> memref<20x128xi32, #tpu.memory_space<vmem>>
        %dma_wait3A_100 = arith.constant 2480 : i32
        %dma_wait3A_101 = arith.constant 0 : i32
        %dma_wait3A_102 = tpu.memref_slice %arg3[%run_scoped3A, %dma_wait3A_100, %dma_wait3A_101] : memref<2x2500x128xi32, #tpu.memory_space<hbm>> -> memref<1x20x128xi32, #tpu.memory_space<hbm>>
        %dma_wait3A_103 = tpu.memref_squeeze %dma_wait3A_102 : memref<1x20x128xi32, #tpu.memory_space<hbm>> -> memref<20x128xi32, #tpu.memory_space<hbm>>
        tpu.wait_dma2 semaphore(%run_scoped3A_75 : memref<!tpu.dma_semaphore, #tpu.memory_space<semaphore_mem>>) src(%dma_wait3A_103 : memref<20x128xi32, #tpu.memory_space<hbm>>) dst(%dma_wait3A_99 : memref<20x128xi32, #tpu.memory_space<vmem>>)
        tpu.yield
      }) : () -> ()
      %run_scoped3A_74 = arith.constant 1 : i32
      "tpu.region"() ({
        %run_scoped3A_75 = tpu.sem_alloc : memref<!tpu.dma_semaphore, #tpu.memory_space<semaphore_mem>>
        %dma_start3A_76 = arith.constant 20 : i32
        %dma_start3A_77 = arith.constant 0 : i32
        %dma_start3A_78 = tpu.memref_slice %arg8[%dma_start3A_76, %dma_start3A_77] : memref<80x128xi32, #tpu.memory_space<vmem>> -> memref<60x128xi32, #tpu.memory_space<vmem>>
        %dma_start3A_79 = arith.constant 0 : i32
        %dma_start3A_80 = arith.constant 0 : i32
        %dma_start3A_81 = tpu.memref_slice %arg4[%run_scoped3A_74, %dma_start3A_79, %dma_start3A_80] : memref<2x60x128xi32, #tpu.memory_space<hbm>> -> memref<1x60x128xi32, #tpu.memory_space<hbm>>
        %dma_start3A_82 = tpu.memref_squeeze %dma_start3A_81 : memref<1x60x128xi32, #tpu.memory_space<hbm>> -> memref<60x128xi32, #tpu.memory_space<hbm>>
        %dma_start3A_83 = arith.constant 20 : i32
        %dma_start3A_84 = arith.constant 0 : i32
        %dma_start3A_85 = tpu.memref_slice %arg8[%dma_start3A_83, %dma_start3A_84] : memref<80x128xi32, #tpu.memory_space<vmem>> -> memref<60x128xi32, #tpu.memory_space<vmem>>
        %dma_start3A_86 = arith.constant 0 : i32
        %dma_start3A_87 = arith.constant 0 : i32
        %dma_start3A_88 = tpu.memref_slice %arg4[%run_scoped3A_74, %dma_start3A_86, %dma_start3A_87] : memref<2x60x128xi32, #tpu.memory_space<hbm>> -> memref<1x60x128xi32, #tpu.memory_space<hbm>>
        %dma_start3A_89 = tpu.memref_squeeze %dma_start3A_88 : memref<1x60x128xi32, #tpu.memory_space<hbm>> -> memref<60x128xi32, #tpu.memory_space<hbm>>
        tpu.enqueue_dma source(%dma_start3A_89 : memref<60x128xi32, #tpu.memory_space<hbm>>) target(%dma_start3A_85 : memref<60x128xi32, #tpu.memory_space<vmem>>) target_semaphore(%run_scoped3A_75 : memref<!tpu.dma_semaphore, #tpu.memory_space<semaphore_mem>>)
        %dma_wait3A_90 = arith.constant 20 : i32
        %dma_wait3A_91 = arith.constant 0 : i32
        %dma_wait3A_92 = tpu.memref_slice %arg8[%dma_wait3A_90, %dma_wait3A_91] : memref<80x128xi32, #tpu.memory_space<vmem>> -> memref<60x128xi32, #tpu.memory_space<vmem>>
        %dma_wait3A_93 = arith.constant 0 : i32
        %dma_wait3A_94 = arith.constant 0 : i32
        %dma_wait3A_95 = tpu.memref_slice %arg4[%run_scoped3A_74, %dma_wait3A_93, %dma_wait3A_94] : memref<2x60x128xi32, #tpu.memory_space<hbm>> -> memref<1x60x128xi32, #tpu.memory_space<hbm>>
        %dma_wait3A_96 = tpu.memref_squeeze %dma_wait3A_95 : memref<1x60x128xi32, #tpu.memory_space<hbm>> -> memref<60x128xi32, #tpu.memory_space<hbm>>
        %dma_wait3A_97 = arith.constant 20 : i32
        %dma_wait3A_98 = arith.constant 0 : i32
        %dma_wait3A_99 = tpu.memref_slice %arg8[%dma_wait3A_97, %dma_wait3A_98] : memref<80x128xi32, #tpu.memory_space<vmem>> -> memref<60x128xi32, #tpu.memory_space<vmem>>
        %dma_wait3A_100 = arith.constant 0 : i32
        %dma_wait3A_101 = arith.constant 0 : i32
        %dma_wait3A_102 = tpu.memref_slice %arg4[%run_scoped3A_74, %dma_wait3A_100, %dma_wait3A_101] : memref<2x60x128xi32, #tpu.memory_space<hbm>> -> memref<1x60x128xi32, #tpu.memory_space<hbm>>
        %dma_wait3A_103 = tpu.memref_squeeze %dma_wait3A_102 : memref<1x60x128xi32, #tpu.memory_space<hbm>> -> memref<60x128xi32, #tpu.memory_space<hbm>>
        tpu.wait_dma2 semaphore(%run_scoped3A_75 : memref<!tpu.dma_semaphore, #tpu.memory_space<semaphore_mem>>) src(%dma_wait3A_103 : memref<60x128xi32, #tpu.memory_space<hbm>>) dst(%dma_wait3A_99 : memref<60x128xi32, #tpu.memory_space<vmem>>)
        tpu.yield
      }) : () -> ()
    } else {
    }
    %dma_start3A = arith.constant 0 : i32
    %dma_start3A_17 = arith.constant 0 : i32
    %dma_start3A_18 = tpu.memref_slice %arg7[%dma_start3A, %dma_start3A_17] : memref<80x128xi32, #tpu.memory_space<vmem>> -> memref<1x128xi32, #tpu.memory_space<vmem>>
    %dma_start3A_19 = tpu.memref_squeeze %dma_start3A_18 : memref<1x128xi32, #tpu.memory_space<vmem>> -> memref<128xi32, #tpu.memory_space<vmem>>
    %dma_start3A_20 = arith.constant 0 : i32
    %dma_start3A_21 = arith.constant 0 : i32
    %dma_start3A_22 = tpu.memref_slice %arg2[%dma_start3A_20, %dma_start3A_21] : memref<10000x64xf32, #tpu.memory_space<hbm>> -> memref<10000x64xf32, #tpu.memory_space<hbm>>
    tpu.enqueue_indirect_dma source(%dma_start3A_22 : memref<10000x64xf32, #tpu.memory_space<hbm>>) target(%arg9 : memref<128x64xf32, #tpu.memory_space<vmem>>) offsets(%dma_start3A_19 : memref<128xi32, #tpu.memory_space<vmem>>) semaphore(%arg13 : memref<!tpu.dma_semaphore, #tpu.memory_space<semaphore_mem>>)
    %dma_start3A_23 = arith.constant 1 : i32
    %dma_start3A_24 = arith.constant 0 : i32
    %dma_start3A_25 = tpu.memref_slice %arg7[%dma_start3A_23, %dma_start3A_24] : memref<80x128xi32, #tpu.memory_space<vmem>> -> memref<1x128xi32, #tpu.memory_space<vmem>>
    %dma_start3A_26 = tpu.memref_squeeze %dma_start3A_25 : memref<1x128xi32, #tpu.memory_space<vmem>> -> memref<128xi32, #tpu.memory_space<vmem>>
    %dma_start3A_27 = arith.constant 0 : i32
    %dma_start3A_28 = arith.constant 0 : i32
    %dma_start3A_29 = tpu.memref_slice %arg2[%dma_start3A_27, %dma_start3A_28] : memref<10000x64xf32, #tpu.memory_space<hbm>> -> memref<10000x64xf32, #tpu.memory_space<hbm>>
    tpu.enqueue_indirect_dma source(%dma_start3A_29 : memref<10000x64xf32, #tpu.memory_space<hbm>>) target(%arg10 : memref<128x64xf32, #tpu.memory_space<vmem>>) offsets(%dma_start3A_26 : memref<128xi32, #tpu.memory_space<vmem>>) semaphore(%arg14 : memref<!tpu.dma_semaphore, #tpu.memory_space<semaphore_mem>>)
    %dma_start3A_30 = arith.constant 2 : i32
    %dma_start3A_31 = arith.constant 0 : i32
    %dma_start3A_32 = tpu.memref_slice %arg7[%dma_start3A_30, %dma_start3A_31] : memref<80x128xi32, #tpu.memory_space<vmem>> -> memref<1x128xi32, #tpu.memory_space<vmem>>
    %dma_start3A_33 = tpu.memref_squeeze %dma_start3A_32 : memref<1x128xi32, #tpu.memory_space<vmem>> -> memref<128xi32, #tpu.memory_space<vmem>>
    %dma_start3A_34 = arith.constant 0 : i32
    %dma_start3A_35 = arith.constant 0 : i32
    %dma_start3A_36 = tpu.memref_slice %arg2[%dma_start3A_34, %dma_start3A_35] : memref<10000x64xf32, #tpu.memory_space<hbm>> -> memref<10000x64xf32, #tpu.memory_space<hbm>>
    tpu.enqueue_indirect_dma source(%dma_start3A_36 : memref<10000x64xf32, #tpu.memory_space<hbm>>) target(%arg11 : memref<128x64xf32, #tpu.memory_space<vmem>>) offsets(%dma_start3A_33 : memref<128xi32, #tpu.memory_space<vmem>>) semaphore(%arg15 : memref<!tpu.dma_semaphore, #tpu.memory_space<semaphore_mem>>)
    %mul3A_37 = arith.constant 640 : i32
    %mul3A_38 = arith.muli %arg1, %mul3A_37 : i32
    "tpu.region"() ({
      %run_scoped3A = tpu.sem_alloc : memref<!tpu.dma_semaphore, #tpu.memory_space<semaphore_mem>>
      %dma_start3A_74 = arith.constant 0 : i32
      %dma_start3A_75 = tpu.memref_slice %arg21[%mul3A_38, %dma_start3A_74] : memref<10240x64xf32, #tpu.memory_space<vmem_shared>> -> memref<640x64xf32, #tpu.memory_space<vmem_shared>>
      tpu.enqueue_dma source(%arg5 : memref<640x64xf32, #tpu.memory_space<hbm>>) target(%dma_start3A_75 : memref<640x64xf32, #tpu.memory_space<vmem_shared>>) target_semaphore(%run_scoped3A : memref<!tpu.dma_semaphore, #tpu.memory_space<semaphore_mem>>)
      %dma_wait3A_76 = arith.constant 0 : i32
      %dma_wait3A_77 = tpu.memref_slice %arg21[%mul3A_38, %dma_wait3A_76] : memref<10240x64xf32, #tpu.memory_space<vmem_shared>> -> memref<640x64xf32, #tpu.memory_space<vmem_shared>>
      tpu.wait_dma2 semaphore(%run_scoped3A : memref<!tpu.dma_semaphore, #tpu.memory_space<semaphore_mem>>) src(%arg5 : memref<640x64xf32, #tpu.memory_space<hbm>>) dst(%dma_wait3A_77 : memref<640x64xf32, #tpu.memory_space<vmem_shared>>)
      tpu.yield
    }) : () -> ()
    %barrier3A = arith.constant 0 : index
    tpu.barrier barrier_id(%barrier3A)
    %scan3A = arith.constant 0 : i32
    %scan3A_39 = arith.constant 0 : i32
    %scan3A_40 = arith.constant 20 : i32
    %scan3A_41 = arith.addi %scan3A_39, %scan3A_40 : i32
    %scan3A_42 = arith.constant 1 : i32
    scf.for %scan3A_74 = %scan3A_39 to %scan3A_41 step %scan3A_42  : i32 {
      %mul3A_75 = arith.constant 4 : i32
      %mul3A_76 = arith.muli %mul3A_75, %scan3A_74 : i32
      %add3A_77 = arith.constant 0 : i32
      %add3A_78 = arith.addi %mul3A_76, %add3A_77 : i32
      %add3A_79 = arith.constant 3 : i32
      %add3A_80 = arith.addi %add3A_78, %add3A_79 : i32
      %ge3A = arith.constant 4 : i32
      %ge3A_81 = arith.cmpi sge, %add3A_80, %ge3A : i32
      %lt3A_82 = arith.constant 80 : i32
      %lt3A_83 = arith.cmpi slt, %add3A_80, %lt3A_82 : i32
      %and3A = arith.andi %ge3A_81, %lt3A_83 : i1
      %convert_element_type3A_84 = arith.extui %and3A : i1 to i32
      %cond3A_85 = arith.constant 0 : i32
      %cond3A_86 = arith.cmpi ne, %convert_element_type3A_84, %cond3A_85 : i32
      scf.if %cond3A_86 {
        %dma_wait3A_199 = arith.constant 0 : i32
        %dma_wait3A_200 = arith.constant 0 : i32
        %dma_wait3A_201 = tpu.memref_slice %arg21[%dma_wait3A_199, %dma_wait3A_200] : memref<10240x64xf32, #tpu.memory_space<vmem_shared>> -> memref<128x64xf32, #tpu.memory_space<vmem_shared>>
        %dma_wait3A_202 = arith.constant 0 : i32
        %dma_wait3A_203 = arith.constant 0 : i32
        %dma_wait3A_204 = tpu.memref_slice %arg21[%dma_wait3A_202, %dma_wait3A_203] : memref<10240x64xf32, #tpu.memory_space<vmem_shared>> -> memref<128x64xf32, #tpu.memory_space<vmem_shared>>
        tpu.wait_dma2 semaphore(%arg20 : memref<!tpu.dma_semaphore, #tpu.memory_space<semaphore_mem>>) src(%arg12 : memref<128x64xf32, #tpu.memory_space<vmem>>) dst(%dma_wait3A_204 : memref<128x64xf32, #tpu.memory_space<vmem_shared>>)
      } else {
      }
      %lt3A_87 = arith.constant 80 : i32
      %lt3A_88 = arith.cmpi slt, %add3A_80, %lt3A_87 : i32
      %convert_element_type3A_89 = arith.extui %lt3A_88 : i1 to i32
      %cond3A_90 = arith.constant 0 : i32
      %cond3A_91 = arith.cmpi ne, %convert_element_type3A_89, %cond3A_90 : i32
      scf.if %cond3A_91 {
        %dma_start3A_199 = arith.constant 0 : i32
        %dma_start3A_200 = tpu.memref_slice %arg7[%add3A_80, %dma_start3A_199] : memref<80x128xi32, #tpu.memory_space<vmem>> -> memref<1x128xi32, #tpu.memory_space<vmem>>
        %dma_start3A_201 = tpu.memref_squeeze %dma_start3A_200 : memref<1x128xi32, #tpu.memory_space<vmem>> -> memref<128xi32, #tpu.memory_space<vmem>>
        %dma_start3A_202 = arith.constant 0 : i32
        %dma_start3A_203 = arith.constant 0 : i32
        %dma_start3A_204 = tpu.memref_slice %arg2[%dma_start3A_202, %dma_start3A_203] : memref<10000x64xf32, #tpu.memory_space<hbm>> -> memref<10000x64xf32, #tpu.memory_space<hbm>>
        tpu.enqueue_indirect_dma source(%dma_start3A_204 : memref<10000x64xf32, #tpu.memory_space<hbm>>) target(%arg12 : memref<128x64xf32, #tpu.memory_space<vmem>>) offsets(%dma_start3A_201 : memref<128xi32, #tpu.memory_space<vmem>>) semaphore(%arg16 : memref<!tpu.dma_semaphore, #tpu.memory_space<semaphore_mem>>)
      } else {
      }
      %dma_wait3A_92 = arith.constant 0 : i32
      %dma_wait3A_93 = arith.constant 0 : i32
      %dma_wait3A_94 = tpu.memref_slice %arg2[%dma_wait3A_92, %dma_wait3A_93] : memref<10000x64xf32, #tpu.memory_space<hbm>> -> memref<128x64xf32, #tpu.memory_space<hbm>>
      %dma_wait3A_95 = arith.constant 0 : i32
      %dma_wait3A_96 = arith.constant 0 : i32
      %dma_wait3A_97 = tpu.memref_slice %arg2[%dma_wait3A_95, %dma_wait3A_96] : memref<10000x64xf32, #tpu.memory_space<hbm>> -> memref<128x64xf32, #tpu.memory_space<hbm>>
      tpu.wait_dma2 semaphore(%arg13 : memref<!tpu.dma_semaphore, #tpu.memory_space<semaphore_mem>>) src(%dma_wait3A_97 : memref<128x64xf32, #tpu.memory_space<hbm>>) dst(%arg9 : memref<128x64xf32, #tpu.memory_space<vmem>>)
      %add3A_98 = arith.constant 0 : i32
      %add3A_99 = arith.addi %mul3A_76, %add3A_98 : i32
      %dma_start3A_100 = arith.constant 0 : i32
      %dma_start3A_101 = tpu.memref_slice %arg8[%add3A_99, %dma_start3A_100] : memref<80x128xi32, #tpu.memory_space<vmem>> -> memref<1x128xi32, #tpu.memory_space<vmem>>
      %dma_start3A_102 = tpu.memref_squeeze %dma_start3A_101 : memref<1x128xi32, #tpu.memory_space<vmem>> -> memref<128xi32, #tpu.memory_space<vmem>>
      %dma_start3A_103 = arith.constant 0 : i32
      %dma_start3A_104 = arith.constant 0 : i32
      %dma_start3A_105 = tpu.memref_slice %arg21[%dma_start3A_103, %dma_start3A_104] : memref<10240x64xf32, #tpu.memory_space<vmem_shared>> -> memref<10240x64xf32, #tpu.memory_space<vmem_shared>>
      tpu.enqueue_indirect_dma source(%arg9 : memref<128x64xf32, #tpu.memory_space<vmem>>) target(%dma_start3A_105 : memref<10240x64xf32, #tpu.memory_space<vmem_shared>>) offsets(%dma_start3A_102 : memref<128xi32, #tpu.memory_space<vmem>>) semaphore(%arg17 : memref<!tpu.dma_semaphore, #tpu.memory_space<semaphore_mem>>) {add = true}
      %add3A_106 = arith.constant 1 : i32
      %add3A_107 = arith.addi %mul3A_76, %add3A_106 : i32
      %add3A_108 = arith.constant 3 : i32
      %add3A_109 = arith.addi %add3A_107, %add3A_108 : i32
      %ge3A_110 = arith.constant 4 : i32
      %ge3A_111 = arith.cmpi sge, %add3A_109, %ge3A_110 : i32
      %lt3A_112 = arith.constant 80 : i32
      %lt3A_113 = arith.cmpi slt, %add3A_109, %lt3A_112 : i32
      %and3A_114 = arith.andi %ge3A_111, %lt3A_113 : i1
      %convert_element_type3A_115 = arith.extui %and3A_114 : i1 to i32
      %cond3A_116 = arith.constant 0 : i32
      %cond3A_117 = arith.cmpi ne, %convert_element_type3A_115, %cond3A_116 : i32
      scf.if %cond3A_117 {
        %dma_wait3A_199 = arith.constant 0 : i32
        %dma_wait3A_200 = arith.constant 0 : i32
        %dma_wait3A_201 = tpu.memref_slice %arg21[%dma_wait3A_199, %dma_wait3A_200] : memref<10240x64xf32, #tpu.memory_space<vmem_shared>> -> memref<128x64xf32, #tpu.memory_space<vmem_shared>>
        %dma_wait3A_202 = arith.constant 0 : i32
        %dma_wait3A_203 = arith.constant 0 : i32
        %dma_wait3A_204 = tpu.memref_slice %arg21[%dma_wait3A_202, %dma_wait3A_203] : memref<10240x64xf32, #tpu.memory_space<vmem_shared>> -> memref<128x64xf32, #tpu.memory_space<vmem_shared>>
        tpu.wait_dma2 semaphore(%arg17 : memref<!tpu.dma_semaphore, #tpu.memory_space<semaphore_mem>>) src(%arg9 : memref<128x64xf32, #tpu.memory_space<vmem>>) dst(%dma_wait3A_204 : memref<128x64xf32, #tpu.memory_space<vmem_shared>>)
      } else {
      }
      %lt3A_118 = arith.constant 80 : i32
      %lt3A_119 = arith.cmpi slt, %add3A_109, %lt3A_118 : i32
      %convert_element_type3A_120 = arith.extui %lt3A_119 : i1 to i32
      %cond3A_121 = arith.constant 0 : i32
      %cond3A_122 = arith.cmpi ne, %convert_element_type3A_120, %cond3A_121 : i32
      scf.if %cond3A_122 {
        %dma_start3A_199 = arith.constant 0 : i32
        %dma_start3A_200 = tpu.memref_slice %arg7[%add3A_109, %dma_start3A_199] : memref<80x128xi32, #tpu.memory_space<vmem>> -> memref<1x128xi32, #tpu.memory_space<vmem>>
        %dma_start3A_201 = tpu.memref_squeeze %dma_start3A_200 : memref<1x128xi32, #tpu.memory_space<vmem>> -> memref<128xi32, #tpu.memory_space<vmem>>
        %dma_start3A_202 = arith.constant 0 : i32
        %dma_start3A_203 = arith.constant 0 : i32
        %dma_start3A_204 = tpu.memref_slice %arg2[%dma_start3A_202, %dma_start3A_203] : memref<10000x64xf32, #tpu.memory_space<hbm>> -> memref<10000x64xf32, #tpu.memory_space<hbm>>
        tpu.enqueue_indirect_dma source(%dma_start3A_204 : memref<10000x64xf32, #tpu.memory_space<hbm>>) target(%arg9 : memref<128x64xf32, #tpu.memory_space<vmem>>) offsets(%dma_start3A_201 : memref<128xi32, #tpu.memory_space<vmem>>) semaphore(%arg13 : memref<!tpu.dma_semaphore, #tpu.memory_space<semaphore_mem>>)
      } else {
      }
      %dma_wait3A_123 = arith.constant 0 : i32
      %dma_wait3A_124 = arith.constant 0 : i32
      %dma_wait3A_125 = tpu.memref_slice %arg2[%dma_wait3A_123, %dma_wait3A_124] : memref<10000x64xf32, #tpu.memory_space<hbm>> -> memref<128x64xf32, #tpu.memory_space<hbm>>
      %dma_wait3A_126 = arith.constant 0 : i32
      %dma_wait3A_127 = arith.constant 0 : i32
      %dma_wait3A_128 = tpu.memref_slice %arg2[%dma_wait3A_126, %dma_wait3A_127] : memref<10000x64xf32, #tpu.memory_space<hbm>> -> memref<128x64xf32, #tpu.memory_space<hbm>>
      tpu.wait_dma2 semaphore(%arg14 : memref<!tpu.dma_semaphore, #tpu.memory_space<semaphore_mem>>) src(%dma_wait3A_128 : memref<128x64xf32, #tpu.memory_space<hbm>>) dst(%arg10 : memref<128x64xf32, #tpu.memory_space<vmem>>)
      %add3A_129 = arith.constant 1 : i32
      %add3A_130 = arith.addi %mul3A_76, %add3A_129 : i32
      %dma_start3A_131 = arith.constant 0 : i32
      %dma_start3A_132 = tpu.memref_slice %arg8[%add3A_130, %dma_start3A_131] : memref<80x128xi32, #tpu.memory_space<vmem>> -> memref<1x128xi32, #tpu.memory_space<vmem>>
      %dma_start3A_133 = tpu.memref_squeeze %dma_start3A_132 : memref<1x128xi32, #tpu.memory_space<vmem>> -> memref<128xi32, #tpu.memory_space<vmem>>
      %dma_start3A_134 = arith.constant 0 : i32
      %dma_start3A_135 = arith.constant 0 : i32
      %dma_start3A_136 = tpu.memref_slice %arg21[%dma_start3A_134, %dma_start3A_135] : memref<10240x64xf32, #tpu.memory_space<vmem_shared>> -> memref<10240x64xf32, #tpu.memory_space<vmem_shared>>
      tpu.enqueue_indirect_dma source(%arg10 : memref<128x64xf32, #tpu.memory_space<vmem>>) target(%dma_start3A_136 : memref<10240x64xf32, #tpu.memory_space<vmem_shared>>) offsets(%dma_start3A_133 : memref<128xi32, #tpu.memory_space<vmem>>) semaphore(%arg18 : memref<!tpu.dma_semaphore, #tpu.memory_space<semaphore_mem>>) {add = true}
      %add3A_137 = arith.constant 2 : i32
      %add3A_138 = arith.addi %mul3A_76, %add3A_137 : i32
      %add3A_139 = arith.constant 3 : i32
      %add3A_140 = arith.addi %add3A_138, %add3A_139 : i32
      %ge3A_141 = arith.constant 4 : i32
      %ge3A_142 = arith.cmpi sge, %add3A_140, %ge3A_141 : i32
      %lt3A_143 = arith.constant 80 : i32
      %lt3A_144 = arith.cmpi slt, %add3A_140, %lt3A_143 : i32
      %and3A_145 = arith.andi %ge3A_142, %lt3A_144 : i1
      %convert_element_type3A_146 = arith.extui %and3A_145 : i1 to i32
      %cond3A_147 = arith.constant 0 : i32
      %cond3A_148 = arith.cmpi ne, %convert_element_type3A_146, %cond3A_147 : i32
      scf.if %cond3A_148 {
        %dma_wait3A_199 = arith.constant 0 : i32
        %dma_wait3A_200 = arith.constant 0 : i32
        %dma_wait3A_201 = tpu.memref_slice %arg21[%dma_wait3A_199, %dma_wait3A_200] : memref<10240x64xf32, #tpu.memory_space<vmem_shared>> -> memref<128x64xf32, #tpu.memory_space<vmem_shared>>
        %dma_wait3A_202 = arith.constant 0 : i32
        %dma_wait3A_203 = arith.constant 0 : i32
        %dma_wait3A_204 = tpu.memref_slice %arg21[%dma_wait3A_202, %dma_wait3A_203] : memref<10240x64xf32, #tpu.memory_space<vmem_shared>> -> memref<128x64xf32, #tpu.memory_space<vmem_shared>>
        tpu.wait_dma2 semaphore(%arg18 : memref<!tpu.dma_semaphore, #tpu.memory_space<semaphore_mem>>) src(%arg10 : memref<128x64xf32, #tpu.memory_space<vmem>>) dst(%dma_wait3A_204 : memref<128x64xf32, #tpu.memory_space<vmem_shared>>)
      } else {
      }
      %lt3A_149 = arith.constant 80 : i32
      %lt3A_150 = arith.cmpi slt, %add3A_140, %lt3A_149 : i32
      %convert_element_type3A_151 = arith.extui %lt3A_150 : i1 to i32
      %cond3A_152 = arith.constant 0 : i32
      %cond3A_153 = arith.cmpi ne, %convert_element_type3A_151, %cond3A_152 : i32
      scf.if %cond3A_153 {
        %dma_start3A_199 = arith.constant 0 : i32
        %dma_start3A_200 = tpu.memref_slice %arg7[%add3A_140, %dma_start3A_199] : memref<80x128xi32, #tpu.memory_space<vmem>> -> memref<1x128xi32, #tpu.memory_space<vmem>>
        %dma_start3A_201 = tpu.memref_squeeze %dma_start3A_200 : memref<1x128xi32, #tpu.memory_space<vmem>> -> memref<128xi32, #tpu.memory_space<vmem>>
        %dma_start3A_202 = arith.constant 0 : i32
        %dma_start3A_203 = arith.constant 0 : i32
        %dma_start3A_204 = tpu.memref_slice %arg2[%dma_start3A_202, %dma_start3A_203] : memref<10000x64xf32, #tpu.memory_space<hbm>> -> memref<10000x64xf32, #tpu.memory_space<hbm>>
        tpu.enqueue_indirect_dma source(%dma_start3A_204 : memref<10000x64xf32, #tpu.memory_space<hbm>>) target(%arg10 : memref<128x64xf32, #tpu.memory_space<vmem>>) offsets(%dma_start3A_201 : memref<128xi32, #tpu.memory_space<vmem>>) semaphore(%arg14 : memref<!tpu.dma_semaphore, #tpu.memory_space<semaphore_mem>>)
      } else {
      }
      %dma_wait3A_154 = arith.constant 0 : i32
      %dma_wait3A_155 = arith.constant 0 : i32
      %dma_wait3A_156 = tpu.memref_slice %arg2[%dma_wait3A_154, %dma_wait3A_155] : memref<10000x64xf32, #tpu.memory_space<hbm>> -> memref<128x64xf32, #tpu.memory_space<hbm>>
      %dma_wait3A_157 = arith.constant 0 : i32
      %dma_wait3A_158 = arith.constant 0 : i32
      %dma_wait3A_159 = tpu.memref_slice %arg2[%dma_wait3A_157, %dma_wait3A_158] : memref<10000x64xf32, #tpu.memory_space<hbm>> -> memref<128x64xf32, #tpu.memory_space<hbm>>
      tpu.wait_dma2 semaphore(%arg15 : memref<!tpu.dma_semaphore, #tpu.memory_space<semaphore_mem>>) src(%dma_wait3A_159 : memref<128x64xf32, #tpu.memory_space<hbm>>) dst(%arg11 : memref<128x64xf32, #tpu.memory_space<vmem>>)
      %add3A_160 = arith.constant 2 : i32
      %add3A_161 = arith.addi %mul3A_76, %add3A_160 : i32
      %dma_start3A_162 = arith.constant 0 : i32
      %dma_start3A_163 = tpu.memref_slice %arg8[%add3A_161, %dma_start3A_162] : memref<80x128xi32, #tpu.memory_space<vmem>> -> memref<1x128xi32, #tpu.memory_space<vmem>>
      %dma_start3A_164 = tpu.memref_squeeze %dma_start3A_163 : memref<1x128xi32, #tpu.memory_space<vmem>> -> memref<128xi32, #tpu.memory_space<vmem>>
      %dma_start3A_165 = arith.constant 0 : i32
      %dma_start3A_166 = arith.constant 0 : i32
      %dma_start3A_167 = tpu.memref_slice %arg21[%dma_start3A_165, %dma_start3A_166] : memref<10240x64xf32, #tpu.memory_space<vmem_shared>> -> memref<10240x64xf32, #tpu.memory_space<vmem_shared>>
      tpu.enqueue_indirect_dma source(%arg11 : memref<128x64xf32, #tpu.memory_space<vmem>>) target(%dma_start3A_167 : memref<10240x64xf32, #tpu.memory_space<vmem_shared>>) offsets(%dma_start3A_164 : memref<128xi32, #tpu.memory_space<vmem>>) semaphore(%arg19 : memref<!tpu.dma_semaphore, #tpu.memory_space<semaphore_mem>>) {add = true}
      %add3A_168 = arith.constant 3 : i32
      %add3A_169 = arith.addi %mul3A_76, %add3A_168 : i32
      %add3A_170 = arith.constant 3 : i32
      %add3A_171 = arith.addi %add3A_169, %add3A_170 : i32
      %ge3A_172 = arith.constant 4 : i32
      %ge3A_173 = arith.cmpi sge, %add3A_171, %ge3A_172 : i32
      %lt3A_174 = arith.constant 80 : i32
      %lt3A_175 = arith.cmpi slt, %add3A_171, %lt3A_174 : i32
      %and3A_176 = arith.andi %ge3A_173, %lt3A_175 : i1
      %convert_element_type3A_177 = arith.extui %and3A_176 : i1 to i32
      %cond3A_178 = arith.constant 0 : i32
      %cond3A_179 = arith.cmpi ne, %convert_element_type3A_177, %cond3A_178 : i32
      scf.if %cond3A_179 {
        %dma_wait3A_199 = arith.constant 0 : i32
        %dma_wait3A_200 = arith.constant 0 : i32
        %dma_wait3A_201 = tpu.memref_slice %arg21[%dma_wait3A_199, %dma_wait3A_200] : memref<10240x64xf32, #tpu.memory_space<vmem_shared>> -> memref<128x64xf32, #tpu.memory_space<vmem_shared>>
        %dma_wait3A_202 = arith.constant 0 : i32
        %dma_wait3A_203 = arith.constant 0 : i32
        %dma_wait3A_204 = tpu.memref_slice %arg21[%dma_wait3A_202, %dma_wait3A_203] : memref<10240x64xf32, #tpu.memory_space<vmem_shared>> -> memref<128x64xf32, #tpu.memory_space<vmem_shared>>
        tpu.wait_dma2 semaphore(%arg19 : memref<!tpu.dma_semaphore, #tpu.memory_space<semaphore_mem>>) src(%arg11 : memref<128x64xf32, #tpu.memory_space<vmem>>) dst(%dma_wait3A_204 : memref<128x64xf32, #tpu.memory_space<vmem_shared>>)
      } else {
      }
      %lt3A_180 = arith.constant 80 : i32
      %lt3A_181 = arith.cmpi slt, %add3A_171, %lt3A_180 : i32
      %convert_element_type3A_182 = arith.extui %lt3A_181 : i1 to i32
      %cond3A_183 = arith.constant 0 : i32
      %cond3A_184 = arith.cmpi ne, %convert_element_type3A_182, %cond3A_183 : i32
      scf.if %cond3A_184 {
        %dma_start3A_199 = arith.constant 0 : i32
        %dma_start3A_200 = tpu.memref_slice %arg7[%add3A_171, %dma_start3A_199] : memref<80x128xi32, #tpu.memory_space<vmem>> -> memref<1x128xi32, #tpu.memory_space<vmem>>
        %dma_start3A_201 = tpu.memref_squeeze %dma_start3A_200 : memref<1x128xi32, #tpu.memory_space<vmem>> -> memref<128xi32, #tpu.memory_space<vmem>>
        %dma_start3A_202 = arith.constant 0 : i32
        %dma_start3A_203 = arith.constant 0 : i32
        %dma_start3A_204 = tpu.memref_slice %arg2[%dma_start3A_202, %dma_start3A_203] : memref<10000x64xf32, #tpu.memory_space<hbm>> -> memref<10000x64xf32, #tpu.memory_space<hbm>>
        tpu.enqueue_indirect_dma source(%dma_start3A_204 : memref<10000x64xf32, #tpu.memory_space<hbm>>) target(%arg11 : memref<128x64xf32, #tpu.memory_space<vmem>>) offsets(%dma_start3A_201 : memref<128xi32, #tpu.memory_space<vmem>>) semaphore(%arg15 : memref<!tpu.dma_semaphore, #tpu.memory_space<semaphore_mem>>)
      } else {
      }
      %dma_wait3A_185 = arith.constant 0 : i32
      %dma_wait3A_186 = arith.constant 0 : i32
      %dma_wait3A_187 = tpu.memref_slice %arg2[%dma_wait3A_185, %dma_wait3A_186] : memref<10000x64xf32, #tpu.memory_space<hbm>> -> memref<128x64xf32, #tpu.memory_space<hbm>>
      %dma_wait3A_188 = arith.constant 0 : i32
      %dma_wait3A_189 = arith.constant 0 : i32
      %dma_wait3A_190 = tpu.memref_slice %arg2[%dma_wait3A_188, %dma_wait3A_189] : memref<10000x64xf32, #tpu.memory_space<hbm>> -> memref<128x64xf32, #tpu.memory_space<hbm>>
      tpu.wait_dma2 semaphore(%arg16 : memref<!tpu.dma_semaphore, #tpu.memory_space<semaphore_mem>>) src(%dma_wait3A_190 : memref<128x64xf32, #tpu.memory_space<hbm>>) dst(%arg12 : memref<128x64xf32, #tpu.memory_space<vmem>>)
      %add3A_191 = arith.constant 3 : i32
      %add3A_192 = arith.addi %mul3A_76, %add3A_191 : i32
      %dma_start3A_193 = arith.constant 0 : i32
      %dma_start3A_194 = tpu.memref_slice %arg8[%add3A_192, %dma_start3A_193] : memref<80x128xi32, #tpu.memory_space<vmem>> -> memref<1x128xi32, #tpu.memory_space<vmem>>
      %dma_start3A_195 = tpu.memref_squeeze %dma_start3A_194 : memref<1x128xi32, #tpu.memory_space<vmem>> -> memref<128xi32, #tpu.memory_space<vmem>>
      %dma_start3A_196 = arith.constant 0 : i32
      %dma_start3A_197 = arith.constant 0 : i32
      %dma_start3A_198 = tpu.memref_slice %arg21[%dma_start3A_196, %dma_start3A_197] : memref<10240x64xf32, #tpu.memory_space<vmem_shared>> -> memref<10240x64xf32, #tpu.memory_space<vmem_shared>>
      tpu.enqueue_indirect_dma source(%arg12 : memref<128x64xf32, #tpu.memory_space<vmem>>) target(%dma_start3A_198 : memref<10240x64xf32, #tpu.memory_space<vmem_shared>>) offsets(%dma_start3A_195 : memref<128xi32, #tpu.memory_space<vmem>>) semaphore(%arg20 : memref<!tpu.dma_semaphore, #tpu.memory_space<semaphore_mem>>) {add = true}
    }
    %scan3A_43 = arith.constant 20 : i32
    %dma_wait3A = arith.constant 0 : i32
    %dma_wait3A_44 = arith.constant 0 : i32
    %dma_wait3A_45 = tpu.memref_slice %arg21[%dma_wait3A, %dma_wait3A_44] : memref<10240x64xf32, #tpu.memory_space<vmem_shared>> -> memref<128x64xf32, #tpu.memory_space<vmem_shared>>
    %dma_wait3A_46 = arith.constant 0 : i32
    %dma_wait3A_47 = arith.constant 0 : i32
    %dma_wait3A_48 = tpu.memref_slice %arg21[%dma_wait3A_46, %dma_wait3A_47] : memref<10240x64xf32, #tpu.memory_space<vmem_shared>> -> memref<128x64xf32, #tpu.memory_space<vmem_shared>>
    tpu.wait_dma2 semaphore(%arg17 : memref<!tpu.dma_semaphore, #tpu.memory_space<semaphore_mem>>) src(%arg9 : memref<128x64xf32, #tpu.memory_space<vmem>>) dst(%dma_wait3A_48 : memref<128x64xf32, #tpu.memory_space<vmem_shared>>)
    %dma_wait3A_49 = arith.constant 0 : i32
    %dma_wait3A_50 = arith.constant 0 : i32
    %dma_wait3A_51 = tpu.memref_slice %arg21[%dma_wait3A_49, %dma_wait3A_50] : memref<10240x64xf32, #tpu.memory_space<vmem_shared>> -> memref<128x64xf32, #tpu.memory_space<vmem_shared>>
    %dma_wait3A_52 = arith.constant 0 : i32
    %dma_wait3A_53 = arith.constant 0 : i32
    %dma_wait3A_54 = tpu.memref_slice %arg21[%dma_wait3A_52, %dma_wait3A_53] : memref<10240x64xf32, #tpu.memory_space<vmem_shared>> -> memref<128x64xf32, #tpu.memory_space<vmem_shared>>
    tpu.wait_dma2 semaphore(%arg18 : memref<!tpu.dma_semaphore, #tpu.memory_space<semaphore_mem>>) src(%arg10 : memref<128x64xf32, #tpu.memory_space<vmem>>) dst(%dma_wait3A_54 : memref<128x64xf32, #tpu.memory_space<vmem_shared>>)
    %dma_wait3A_55 = arith.constant 0 : i32
    %dma_wait3A_56 = arith.constant 0 : i32
    %dma_wait3A_57 = tpu.memref_slice %arg21[%dma_wait3A_55, %dma_wait3A_56] : memref<10240x64xf32, #tpu.memory_space<vmem_shared>> -> memref<128x64xf32, #tpu.memory_space<vmem_shared>>
    %dma_wait3A_58 = arith.constant 0 : i32
    %dma_wait3A_59 = arith.constant 0 : i32
    %dma_wait3A_60 = tpu.memref_slice %arg21[%dma_wait3A_58, %dma_wait3A_59] : memref<10240x64xf32, #tpu.memory_space<vmem_shared>> -> memref<128x64xf32, #tpu.memory_space<vmem_shared>>
    tpu.wait_dma2 semaphore(%arg19 : memref<!tpu.dma_semaphore, #tpu.memory_space<semaphore_mem>>) src(%arg11 : memref<128x64xf32, #tpu.memory_space<vmem>>) dst(%dma_wait3A_60 : memref<128x64xf32, #tpu.memory_space<vmem_shared>>)
    %dma_wait3A_61 = arith.constant 0 : i32
    %dma_wait3A_62 = arith.constant 0 : i32
    %dma_wait3A_63 = tpu.memref_slice %arg21[%dma_wait3A_61, %dma_wait3A_62] : memref<10240x64xf32, #tpu.memory_space<vmem_shared>> -> memref<128x64xf32, #tpu.memory_space<vmem_shared>>
    %dma_wait3A_64 = arith.constant 0 : i32
    %dma_wait3A_65 = arith.constant 0 : i32
    %dma_wait3A_66 = tpu.memref_slice %arg21[%dma_wait3A_64, %dma_wait3A_65] : memref<10240x64xf32, #tpu.memory_space<vmem_shared>> -> memref<128x64xf32, #tpu.memory_space<vmem_shared>>
    tpu.wait_dma2 semaphore(%arg20 : memref<!tpu.dma_semaphore, #tpu.memory_space<semaphore_mem>>) src(%arg12 : memref<128x64xf32, #tpu.memory_space<vmem>>) dst(%dma_wait3A_66 : memref<128x64xf32, #tpu.memory_space<vmem_shared>>)
    %barrier3A_67 = arith.constant 0 : index
    tpu.barrier barrier_id(%barrier3A_67)
    %mul3A_68 = arith.constant 640 : i32
    %mul3A_69 = arith.muli %arg1, %mul3A_68 : i32
    %mul3A_70 = arith.constant 640 : i32
    %mul3A_71 = arith.muli %arg1, %mul3A_70 : i32
    %mul3A_72 = arith.constant 64 : i32
    %mul3A_73 = arith.muli %arg0, %mul3A_72 : i32
    "tpu.region"() ({
      %run_scoped3A = tpu.sem_alloc : memref<!tpu.dma_semaphore, #tpu.memory_space<semaphore_mem>>
      %dma_start3A_74 = tpu.memref_slice %arg6[%mul3A_71, %mul3A_73] : memref<10240x128xf32, #tpu.memory_space<hbm>> -> memref<640x64xf32, #tpu.memory_space<hbm>>
      %dma_start3A_75 = arith.constant 0 : i32
      %dma_start3A_76 = tpu.memref_slice %arg21[%mul3A_69, %dma_start3A_75] : memref<10240x64xf32, #tpu.memory_space<vmem_shared>> -> memref<640x64xf32, #tpu.memory_space<vmem_shared>>
      tpu.enqueue_dma source(%dma_start3A_76 : memref<640x64xf32, #tpu.memory_space<vmem_shared>>) target(%dma_start3A_74 : memref<640x64xf32, #tpu.memory_space<hbm>>) target_semaphore(%run_scoped3A : memref<!tpu.dma_semaphore, #tpu.memory_space<semaphore_mem>>)
      %dma_wait3A_77 = tpu.memref_slice %arg6[%mul3A_71, %mul3A_73] : memref<10240x128xf32, #tpu.memory_space<hbm>> -> memref<640x64xf32, #tpu.memory_space<hbm>>
      %dma_wait3A_78 = arith.constant 0 : i32
      %dma_wait3A_79 = tpu.memref_slice %arg21[%mul3A_69, %dma_wait3A_78] : memref<10240x64xf32, #tpu.memory_space<vmem_shared>> -> memref<640x64xf32, #tpu.memory_space<vmem_shared>>
      tpu.wait_dma2 semaphore(%run_scoped3A : memref<!tpu.dma_semaphore, #tpu.memory_space<semaphore_mem>>) src(%dma_wait3A_79 : memref<640x64xf32, #tpu.memory_space<vmem_shared>>) dst(%dma_wait3A_77 : memref<640x64xf32, #tpu.memory_space<hbm>>)
      tpu.yield
    }) : () -> ()
    return
  }
}

#map = affine_map<(d0, d1) -> (0, 0)>
#map1 = affine_map<(d0, d1) -> (0, 0, 0)>
module attributes {stable_mosaic.version = 14 : i64} {
  func.func @_sc_aggregate(%arg0: i32, %arg1: i32, %arg2: memref<10000x64xf32, #tpu.memory_space<hbm>>, %arg3: memref<2x2500x128xi32, #tpu.memory_space<hbm>>, %arg4: memref<2x60x128xi32, #tpu.memory_space<hbm>>, %arg5: memref<640x64xf32, #tpu.memory_space<hbm>>, %arg6: memref<10240x128xf32, #tpu.memory_space<hbm>>, %arg7: memref<80x128xi32, #tpu.memory_space<vmem>>, %arg8: memref<80x128xi32, #tpu.memory_space<vmem>>, %arg9: memref<128x64xf32, #tpu.memory_space<vmem>>, %arg10: memref<128x64xf32, #tpu.memory_space<vmem>>, %arg11: memref<128x64xf32, #tpu.memory_space<vmem>>, %arg12: memref<128x64xf32, #tpu.memory_space<vmem>>, %arg13: memref<!tpu.dma_semaphore, #tpu.memory_space<semaphore_mem>>, %arg14: memref<!tpu.dma_semaphore, #tpu.memory_space<semaphore_mem>>, %arg15: memref<!tpu.dma_semaphore, #tpu.memory_space<semaphore_mem>>, %arg16: memref<!tpu.dma_semaphore, #tpu.memory_space<semaphore_mem>>, %arg17: memref<!tpu.dma_semaphore, #tpu.memory_space<semaphore_mem>>, %arg18: memref<!tpu.dma_semaphore, #tpu.memory_space<semaphore_mem>>, %arg19: memref<!tpu.dma_semaphore, #tpu.memory_space<semaphore_mem>>, %arg20: memref<!tpu.dma_semaphore, #tpu.memory_space<semaphore_mem>>, %arg21: memref<10240x64xf32, #tpu.memory_space<vmem_shared>>) attributes {dimension_semantics = [#tpu.dimension_semantics<core_parallel>, #tpu.dimension_semantics<subcore_parallel>], iteration_bounds = array<i64: 2, 16>, scalar_prefetch = 0 : i64, scratch_operands = 15 : i64, tpu.core_type = #tpu.core_type<sc_vector_subcore>, window_params = [{transform_indices = #map}, {transform_indices = #map1}, {transform_indices = #map1}, {transform_indices = #map}, {transform_indices = #map}]} {
    %mul3A = arith.constant 16 : i32
    %mul3A_0 = arith.muli %arg0, %mul3A : i32
    %add3A = arith.addi %mul3A_0, %arg1 : i32
    %lt3A = arith.constant 31 : i32
    %lt3A_1 = arith.cmpi slt, %add3A, %lt3A : i32
    %convert_element_type3A = arith.extui %lt3A_1 : i1 to i32
    %cond3A = arith.constant 0 : i32
    %cond3A_2 = arith.cmpi ne, %convert_element_type3A, %cond3A : i32
    scf.if %cond3A_2 {
      %mul3A_74 = arith.constant 80 : i32
      %mul3A_75 = arith.muli %add3A, %mul3A_74 : i32
      %run_scoped3A = arith.constant 0 : i32
      "tpu.region"() ({
        %run_scoped3A_76 = tpu.sem_alloc : memref<!tpu.dma_semaphore, #tpu.memory_space<semaphore_mem>>
        %dma_start3A_77 = arith.constant 0 : i32
        %dma_start3A_78 = tpu.memref_slice %arg3[%run_scoped3A, %mul3A_75, %dma_start3A_77] : memref<2x2500x128xi32, #tpu.memory_space<hbm>> -> memref<1x80x128xi32, #tpu.memory_space<hbm>>
        %dma_start3A_79 = tpu.memref_squeeze %dma_start3A_78 : memref<1x80x128xi32, #tpu.memory_space<hbm>> -> memref<80x128xi32, #tpu.memory_space<hbm>>
        %dma_start3A_80 = arith.constant 0 : i32
        %dma_start3A_81 = tpu.memref_slice %arg3[%run_scoped3A, %mul3A_75, %dma_start3A_80] : memref<2x2500x128xi32, #tpu.memory_space<hbm>> -> memref<1x80x128xi32, #tpu.memory_space<hbm>>
        %dma_start3A_82 = tpu.memref_squeeze %dma_start3A_81 : memref<1x80x128xi32, #tpu.memory_space<hbm>> -> memref<80x128xi32, #tpu.memory_space<hbm>>
        tpu.enqueue_dma source(%dma_start3A_82 : memref<80x128xi32, #tpu.memory_space<hbm>>) target(%arg7 : memref<80x128xi32, #tpu.memory_space<vmem>>) target_semaphore(%run_scoped3A_76 : memref<!tpu.dma_semaphore, #tpu.memory_space<semaphore_mem>>)
        %dma_wait3A_83 = arith.constant 0 : i32
        %dma_wait3A_84 = tpu.memref_slice %arg3[%run_scoped3A, %mul3A_75, %dma_wait3A_83] : memref<2x2500x128xi32, #tpu.memory_space<hbm>> -> memref<1x80x128xi32, #tpu.memory_space<hbm>>
        %dma_wait3A_85 = tpu.memref_squeeze %dma_wait3A_84 : memref<1x80x128xi32, #tpu.memory_space<hbm>> -> memref<80x128xi32, #tpu.memory_space<hbm>>
        %dma_wait3A_86 = arith.constant 0 : i32
        %dma_wait3A_87 = tpu.memref_slice %arg3[%run_scoped3A, %mul3A_75, %dma_wait3A_86] : memref<2x2500x128xi32, #tpu.memory_space<hbm>> -> memref<1x80x128xi32, #tpu.memory_space<hbm>>
        %dma_wait3A_88 = tpu.memref_squeeze %dma_wait3A_87 : memref<1x80x128xi32, #tpu.memory_space<hbm>> -> memref<80x128xi32, #tpu.memory_space<hbm>>
        tpu.wait_dma2 semaphore(%run_scoped3A_76 : memref<!tpu.dma_semaphore, #tpu.memory_space<semaphore_mem>>) src(%dma_wait3A_88 : memref<80x128xi32, #tpu.memory_space<hbm>>) dst(%arg7 : memref<80x128xi32, #tpu.memory_space<vmem>>)
        tpu.yield
      }) : () -> ()
    } else {
    }
    %eq3A = arith.constant 31 : i32
    %eq3A_3 = arith.cmpi eq, %add3A, %eq3A : i32
    %convert_element_type3A_4 = arith.extui %eq3A_3 : i1 to i32
    %cond3A_5 = arith.constant 0 : i32
    %cond3A_6 = arith.cmpi ne, %convert_element_type3A_4, %cond3A_5 : i32
    scf.if %cond3A_6 {
      %run_scoped3A = arith.constant 0 : i32
      "tpu.region"() ({
        %run_scoped3A_75 = tpu.sem_alloc : memref<!tpu.dma_semaphore, #tpu.memory_space<semaphore_mem>>
        %dma_start3A_76 = arith.constant 0 : i32
        %dma_start3A_77 = arith.constant 0 : i32
        %dma_start3A_78 = tpu.memref_slice %arg7[%dma_start3A_76, %dma_start3A_77] : memref<80x128xi32, #tpu.memory_space<vmem>> -> memref<20x128xi32, #tpu.memory_space<vmem>>
        %dma_start3A_79 = arith.constant 2480 : i32
        %dma_start3A_80 = arith.constant 0 : i32
        %dma_start3A_81 = tpu.memref_slice %arg3[%run_scoped3A, %dma_start3A_79, %dma_start3A_80] : memref<2x2500x128xi32, #tpu.memory_space<hbm>> -> memref<1x20x128xi32, #tpu.memory_space<hbm>>
        %dma_start3A_82 = tpu.memref_squeeze %dma_start3A_81 : memref<1x20x128xi32, #tpu.memory_space<hbm>> -> memref<20x128xi32, #tpu.memory_space<hbm>>
        %dma_start3A_83 = arith.constant 0 : i32
        %dma_start3A_84 = arith.constant 0 : i32
        %dma_start3A_85 = tpu.memref_slice %arg7[%dma_start3A_83, %dma_start3A_84] : memref<80x128xi32, #tpu.memory_space<vmem>> -> memref<20x128xi32, #tpu.memory_space<vmem>>
        %dma_start3A_86 = arith.constant 2480 : i32
        %dma_start3A_87 = arith.constant 0 : i32
        %dma_start3A_88 = tpu.memref_slice %arg3[%run_scoped3A, %dma_start3A_86, %dma_start3A_87] : memref<2x2500x128xi32, #tpu.memory_space<hbm>> -> memref<1x20x128xi32, #tpu.memory_space<hbm>>
        %dma_start3A_89 = tpu.memref_squeeze %dma_start3A_88 : memref<1x20x128xi32, #tpu.memory_space<hbm>> -> memref<20x128xi32, #tpu.memory_space<hbm>>
        tpu.enqueue_dma source(%dma_start3A_89 : memref<20x128xi32, #tpu.memory_space<hbm>>) target(%dma_start3A_85 : memref<20x128xi32, #tpu.memory_space<vmem>>) target_semaphore(%run_scoped3A_75 : memref<!tpu.dma_semaphore, #tpu.memory_space<semaphore_mem>>)
        %dma_wait3A_90 = arith.constant 0 : i32
        %dma_wait3A_91 = arith.constant 0 : i32
        %dma_wait3A_92 = tpu.memref_slice %arg7[%dma_wait3A_90, %dma_wait3A_91] : memref<80x128xi32, #tpu.memory_space<vmem>> -> memref<20x128xi32, #tpu.memory_space<vmem>>
        %dma_wait3A_93 = arith.constant 2480 : i32
        %dma_wait3A_94 = arith.constant 0 : i32
        %dma_wait3A_95 = tpu.memref_slice %arg3[%run_scoped3A, %dma_wait3A_93, %dma_wait3A_94] : memref<2x2500x128xi32, #tpu.memory_space<hbm>> -> memref<1x20x128xi32, #tpu.memory_space<hbm>>
        %dma_wait3A_96 = tpu.memref_squeeze %dma_wait3A_95 : memref<1x20x128xi32, #tpu.memory_space<hbm>> -> memref<20x128xi32, #tpu.memory_space<hbm>>
        %dma_wait3A_97 = arith.constant 0 : i32
        %dma_wait3A_98 = arith.constant 0 : i32
        %dma_wait3A_99 = tpu.memref_slice %arg7[%dma_wait3A_97, %dma_wait3A_98] : memref<80x128xi32, #tpu.memory_space<vmem>> -> memref<20x128xi32, #tpu.memory_space<vmem>>
        %dma_wait3A_100 = arith.constant 2480 : i32
        %dma_wait3A_101 = arith.constant 0 : i32
        %dma_wait3A_102 = tpu.memref_slice %arg3[%run_scoped3A, %dma_wait3A_100, %dma_wait3A_101] : memref<2x2500x128xi32, #tpu.memory_space<hbm>> -> memref<1x20x128xi32, #tpu.memory_space<hbm>>
        %dma_wait3A_103 = tpu.memref_squeeze %dma_wait3A_102 : memref<1x20x128xi32, #tpu.memory_space<hbm>> -> memref<20x128xi32, #tpu.memory_space<hbm>>
        tpu.wait_dma2 semaphore(%run_scoped3A_75 : memref<!tpu.dma_semaphore, #tpu.memory_space<semaphore_mem>>) src(%dma_wait3A_103 : memref<20x128xi32, #tpu.memory_space<hbm>>) dst(%dma_wait3A_99 : memref<20x128xi32, #tpu.memory_space<vmem>>)
        tpu.yield
      }) : () -> ()
      %run_scoped3A_74 = arith.constant 0 : i32
      "tpu.region"() ({
        %run_scoped3A_75 = tpu.sem_alloc : memref<!tpu.dma_semaphore, #tpu.memory_space<semaphore_mem>>
        %dma_start3A_76 = arith.constant 20 : i32
        %dma_start3A_77 = arith.constant 0 : i32
        %dma_start3A_78 = tpu.memref_slice %arg7[%dma_start3A_76, %dma_start3A_77] : memref<80x128xi32, #tpu.memory_space<vmem>> -> memref<60x128xi32, #tpu.memory_space<vmem>>
        %dma_start3A_79 = arith.constant 0 : i32
        %dma_start3A_80 = arith.constant 0 : i32
        %dma_start3A_81 = tpu.memref_slice %arg4[%run_scoped3A_74, %dma_start3A_79, %dma_start3A_80] : memref<2x60x128xi32, #tpu.memory_space<hbm>> -> memref<1x60x128xi32, #tpu.memory_space<hbm>>
        %dma_start3A_82 = tpu.memref_squeeze %dma_start3A_81 : memref<1x60x128xi32, #tpu.memory_space<hbm>> -> memref<60x128xi32, #tpu.memory_space<hbm>>
        %dma_start3A_83 = arith.constant 20 : i32
        %dma_start3A_84 = arith.constant 0 : i32
        %dma_start3A_85 = tpu.memref_slice %arg7[%dma_start3A_83, %dma_start3A_84] : memref<80x128xi32, #tpu.memory_space<vmem>> -> memref<60x128xi32, #tpu.memory_space<vmem>>
        %dma_start3A_86 = arith.constant 0 : i32
        %dma_start3A_87 = arith.constant 0 : i32
        %dma_start3A_88 = tpu.memref_slice %arg4[%run_scoped3A_74, %dma_start3A_86, %dma_start3A_87] : memref<2x60x128xi32, #tpu.memory_space<hbm>> -> memref<1x60x128xi32, #tpu.memory_space<hbm>>
        %dma_start3A_89 = tpu.memref_squeeze %dma_start3A_88 : memref<1x60x128xi32, #tpu.memory_space<hbm>> -> memref<60x128xi32, #tpu.memory_space<hbm>>
        tpu.enqueue_dma source(%dma_start3A_89 : memref<60x128xi32, #tpu.memory_space<hbm>>) target(%dma_start3A_85 : memref<60x128xi32, #tpu.memory_space<vmem>>) target_semaphore(%run_scoped3A_75 : memref<!tpu.dma_semaphore, #tpu.memory_space<semaphore_mem>>)
        %dma_wait3A_90 = arith.constant 20 : i32
        %dma_wait3A_91 = arith.constant 0 : i32
        %dma_wait3A_92 = tpu.memref_slice %arg7[%dma_wait3A_90, %dma_wait3A_91] : memref<80x128xi32, #tpu.memory_space<vmem>> -> memref<60x128xi32, #tpu.memory_space<vmem>>
        %dma_wait3A_93 = arith.constant 0 : i32
        %dma_wait3A_94 = arith.constant 0 : i32
        %dma_wait3A_95 = tpu.memref_slice %arg4[%run_scoped3A_74, %dma_wait3A_93, %dma_wait3A_94] : memref<2x60x128xi32, #tpu.memory_space<hbm>> -> memref<1x60x128xi32, #tpu.memory_space<hbm>>
        %dma_wait3A_96 = tpu.memref_squeeze %dma_wait3A_95 : memref<1x60x128xi32, #tpu.memory_space<hbm>> -> memref<60x128xi32, #tpu.memory_space<hbm>>
        %dma_wait3A_97 = arith.constant 20 : i32
        %dma_wait3A_98 = arith.constant 0 : i32
        %dma_wait3A_99 = tpu.memref_slice %arg7[%dma_wait3A_97, %dma_wait3A_98] : memref<80x128xi32, #tpu.memory_space<vmem>> -> memref<60x128xi32, #tpu.memory_space<vmem>>
        %dma_wait3A_100 = arith.constant 0 : i32
        %dma_wait3A_101 = arith.constant 0 : i32
        %dma_wait3A_102 = tpu.memref_slice %arg4[%run_scoped3A_74, %dma_wait3A_100, %dma_wait3A_101] : memref<2x60x128xi32, #tpu.memory_space<hbm>> -> memref<1x60x128xi32, #tpu.memory_space<hbm>>
        %dma_wait3A_103 = tpu.memref_squeeze %dma_wait3A_102 : memref<1x60x128xi32, #tpu.memory_space<hbm>> -> memref<60x128xi32, #tpu.memory_space<hbm>>
        tpu.wait_dma2 semaphore(%run_scoped3A_75 : memref<!tpu.dma_semaphore, #tpu.memory_space<semaphore_mem>>) src(%dma_wait3A_103 : memref<60x128xi32, #tpu.memory_space<hbm>>) dst(%dma_wait3A_99 : memref<60x128xi32, #tpu.memory_space<vmem>>)
        tpu.yield
      }) : () -> ()
    } else {
    }
    %lt3A_7 = arith.constant 31 : i32
    %lt3A_8 = arith.cmpi slt, %add3A, %lt3A_7 : i32
    %convert_element_type3A_9 = arith.extui %lt3A_8 : i1 to i32
    %cond3A_10 = arith.constant 0 : i32
    %cond3A_11 = arith.cmpi ne, %convert_element_type3A_9, %cond3A_10 : i32
    scf.if %cond3A_11 {
      %mul3A_74 = arith.constant 80 : i32
      %mul3A_75 = arith.muli %add3A, %mul3A_74 : i32
      %run_scoped3A = arith.constant 1 : i32
      "tpu.region"() ({
        %run_scoped3A_76 = tpu.sem_alloc : memref<!tpu.dma_semaphore, #tpu.memory_space<semaphore_mem>>
        %dma_start3A_77 = arith.constant 0 : i32
        %dma_start3A_78 = tpu.memref_slice %arg3[%run_scoped3A, %mul3A_75, %dma_start3A_77] : memref<2x2500x128xi32, #tpu.memory_space<hbm>> -> memref<1x80x128xi32, #tpu.memory_space<hbm>>
        %dma_start3A_79 = tpu.memref_squeeze %dma_start3A_78 : memref<1x80x128xi32, #tpu.memory_space<hbm>> -> memref<80x128xi32, #tpu.memory_space<hbm>>
        %dma_start3A_80 = arith.constant 0 : i32
        %dma_start3A_81 = tpu.memref_slice %arg3[%run_scoped3A, %mul3A_75, %dma_start3A_80] : memref<2x2500x128xi32, #tpu.memory_space<hbm>> -> memref<1x80x128xi32, #tpu.memory_space<hbm>>
        %dma_start3A_82 = tpu.memref_squeeze %dma_start3A_81 : memref<1x80x128xi32, #tpu.memory_space<hbm>> -> memref<80x128xi32, #tpu.memory_space<hbm>>
        tpu.enqueue_dma source(%dma_start3A_82 : memref<80x128xi32, #tpu.memory_space<hbm>>) target(%arg8 : memref<80x128xi32, #tpu.memory_space<vmem>>) target_semaphore(%run_scoped3A_76 : memref<!tpu.dma_semaphore, #tpu.memory_space<semaphore_mem>>)
        %dma_wait3A_83 = arith.constant 0 : i32
        %dma_wait3A_84 = tpu.memref_slice %arg3[%run_scoped3A, %mul3A_75, %dma_wait3A_83] : memref<2x2500x128xi32, #tpu.memory_space<hbm>> -> memref<1x80x128xi32, #tpu.memory_space<hbm>>
        %dma_wait3A_85 = tpu.memref_squeeze %dma_wait3A_84 : memref<1x80x128xi32, #tpu.memory_space<hbm>> -> memref<80x128xi32, #tpu.memory_space<hbm>>
        %dma_wait3A_86 = arith.constant 0 : i32
        %dma_wait3A_87 = tpu.memref_slice %arg3[%run_scoped3A, %mul3A_75, %dma_wait3A_86] : memref<2x2500x128xi32, #tpu.memory_space<hbm>> -> memref<1x80x128xi32, #tpu.memory_space<hbm>>
        %dma_wait3A_88 = tpu.memref_squeeze %dma_wait3A_87 : memref<1x80x128xi32, #tpu.memory_space<hbm>> -> memref<80x128xi32, #tpu.memory_space<hbm>>
        tpu.wait_dma2 semaphore(%run_scoped3A_76 : memref<!tpu.dma_semaphore, #tpu.memory_space<semaphore_mem>>) src(%dma_wait3A_88 : memref<80x128xi32, #tpu.memory_space<hbm>>) dst(%arg8 : memref<80x128xi32, #tpu.memory_space<vmem>>)
        tpu.yield
      }) : () -> ()
    } else {
    }
    %eq3A_12 = arith.constant 31 : i32
    %eq3A_13 = arith.cmpi eq, %add3A, %eq3A_12 : i32
    %convert_element_type3A_14 = arith.extui %eq3A_13 : i1 to i32
    %cond3A_15 = arith.constant 0 : i32
    %cond3A_16 = arith.cmpi ne, %convert_element_type3A_14, %cond3A_15 : i32
    scf.if %cond3A_16 {
      %run_scoped3A = arith.constant 1 : i32
      "tpu.region"() ({
        %run_scoped3A_75 = tpu.sem_alloc : memref<!tpu.dma_semaphore, #tpu.memory_space<semaphore_mem>>
        %dma_start3A_76 = arith.constant 0 : i32
        %dma_start3A_77 = arith.constant 0 : i32
        %dma_start3A_78 = tpu.memref_slice %arg8[%dma_start3A_76, %dma_start3A_77] : memref<80x128xi32, #tpu.memory_space<vmem>> -> memref<20x128xi32, #tpu.memory_space<vmem>>
        %dma_start3A_79 = arith.constant 2480 : i32
        %dma_start3A_80 = arith.constant 0 : i32
        %dma_start3A_81 = tpu.memref_slice %arg3[%run_scoped3A, %dma_start3A_79, %dma_start3A_80] : memref<2x2500x128xi32, #tpu.memory_space<hbm>> -> memref<1x20x128xi32, #tpu.memory_space<hbm>>
        %dma_start3A_82 = tpu.memref_squeeze %dma_start3A_81 : memref<1x20x128xi32, #tpu.memory_space<hbm>> -> memref<20x128xi32, #tpu.memory_space<hbm>>
        %dma_start3A_83 = arith.constant 0 : i32
        %dma_start3A_84 = arith.constant 0 : i32
        %dma_start3A_85 = tpu.memref_slice %arg8[%dma_start3A_83, %dma_start3A_84] : memref<80x128xi32, #tpu.memory_space<vmem>> -> memref<20x128xi32, #tpu.memory_space<vmem>>
        %dma_start3A_86 = arith.constant 2480 : i32
        %dma_start3A_87 = arith.constant 0 : i32
        %dma_start3A_88 = tpu.memref_slice %arg3[%run_scoped3A, %dma_start3A_86, %dma_start3A_87] : memref<2x2500x128xi32, #tpu.memory_space<hbm>> -> memref<1x20x128xi32, #tpu.memory_space<hbm>>
        %dma_start3A_89 = tpu.memref_squeeze %dma_start3A_88 : memref<1x20x128xi32, #tpu.memory_space<hbm>> -> memref<20x128xi32, #tpu.memory_space<hbm>>
        tpu.enqueue_dma source(%dma_start3A_89 : memref<20x128xi32, #tpu.memory_space<hbm>>) target(%dma_start3A_85 : memref<20x128xi32, #tpu.memory_space<vmem>>) target_semaphore(%run_scoped3A_75 : memref<!tpu.dma_semaphore, #tpu.memory_space<semaphore_mem>>)
        %dma_wait3A_90 = arith.constant 0 : i32
        %dma_wait3A_91 = arith.constant 0 : i32
        %dma_wait3A_92 = tpu.memref_slice %arg8[%dma_wait3A_90, %dma_wait3A_91] : memref<80x128xi32, #tpu.memory_space<vmem>> -> memref<20x128xi32, #tpu.memory_space<vmem>>
        %dma_wait3A_93 = arith.constant 2480 : i32
        %dma_wait3A_94 = arith.constant 0 : i32
        %dma_wait3A_95 = tpu.memref_slice %arg3[%run_scoped3A, %dma_wait3A_93, %dma_wait3A_94] : memref<2x2500x128xi32, #tpu.memory_space<hbm>> -> memref<1x20x128xi32, #tpu.memory_space<hbm>>
        %dma_wait3A_96 = tpu.memref_squeeze %dma_wait3A_95 : memref<1x20x128xi32, #tpu.memory_space<hbm>> -> memref<20x128xi32, #tpu.memory_space<hbm>>
        %dma_wait3A_97 = arith.constant 0 : i32
        %dma_wait3A_98 = arith.constant 0 : i32
        %dma_wait3A_99 = tpu.memref_slice %arg8[%dma_wait3A_97, %dma_wait3A_98] : memref<80x128xi32, #tpu.memory_space<vmem>> -> memref<20x128xi32, #tpu.memory_space<vmem>>
        %dma_wait3A_100 = arith.constant 2480 : i32
        %dma_wait3A_101 = arith.constant 0 : i32
        %dma_wait3A_102 = tpu.memref_slice %arg3[%run_scoped3A, %dma_wait3A_100, %dma_wait3A_101] : memref<2x2500x128xi32, #tpu.memory_space<hbm>> -> memref<1x20x128xi32, #tpu.memory_space<hbm>>
        %dma_wait3A_103 = tpu.memref_squeeze %dma_wait3A_102 : memref<1x20x128xi32, #tpu.memory_space<hbm>> -> memref<20x128xi32, #tpu.memory_space<hbm>>
        tpu.wait_dma2 semaphore(%run_scoped3A_75 : memref<!tpu.dma_semaphore, #tpu.memory_space<semaphore_mem>>) src(%dma_wait3A_103 : memref<20x128xi32, #tpu.memory_space<hbm>>) dst(%dma_wait3A_99 : memref<20x128xi32, #tpu.memory_space<vmem>>)
        tpu.yield
      }) : () -> ()
      %run_scoped3A_74 = arith.constant 1 : i32
      "tpu.region"() ({
        %run_scoped3A_75 = tpu.sem_alloc : memref<!tpu.dma_semaphore, #tpu.memory_space<semaphore_mem>>
        %dma_start3A_76 = arith.constant 20 : i32
        %dma_start3A_77 = arith.constant 0 : i32
        %dma_start3A_78 = tpu.memref_slice %arg8[%dma_start3A_76, %dma_start3A_77] : memref<80x128xi32, #tpu.memory_space<vmem>> -> memref<60x128xi32, #tpu.memory_space<vmem>>
        %dma_start3A_79 = arith.constant 0 : i32
        %dma_start3A_80 = arith.constant 0 : i32
        %dma_start3A_81 = tpu.memref_slice %arg4[%run_scoped3A_74, %dma_start3A_79, %dma_start3A_80] : memref<2x60x128xi32, #tpu.memory_space<hbm>> -> memref<1x60x128xi32, #tpu.memory_space<hbm>>
        %dma_start3A_82 = tpu.memref_squeeze %dma_start3A_81 : memref<1x60x128xi32, #tpu.memory_space<hbm>> -> memref<60x128xi32, #tpu.memory_space<hbm>>
        %dma_start3A_83 = arith.constant 20 : i32
        %dma_start3A_84 = arith.constant 0 : i32
        %dma_start3A_85 = tpu.memref_slice %arg8[%dma_start3A_83, %dma_start3A_84] : memref<80x128xi32, #tpu.memory_space<vmem>> -> memref<60x128xi32, #tpu.memory_space<vmem>>
        %dma_start3A_86 = arith.constant 0 : i32
        %dma_start3A_87 = arith.constant 0 : i32
        %dma_start3A_88 = tpu.memref_slice %arg4[%run_scoped3A_74, %dma_start3A_86, %dma_start3A_87] : memref<2x60x128xi32, #tpu.memory_space<hbm>> -> memref<1x60x128xi32, #tpu.memory_space<hbm>>
        %dma_start3A_89 = tpu.memref_squeeze %dma_start3A_88 : memref<1x60x128xi32, #tpu.memory_space<hbm>> -> memref<60x128xi32, #tpu.memory_space<hbm>>
        tpu.enqueue_dma source(%dma_start3A_89 : memref<60x128xi32, #tpu.memory_space<hbm>>) target(%dma_start3A_85 : memref<60x128xi32, #tpu.memory_space<vmem>>) target_semaphore(%run_scoped3A_75 : memref<!tpu.dma_semaphore, #tpu.memory_space<semaphore_mem>>)
        %dma_wait3A_90 = arith.constant 20 : i32
        %dma_wait3A_91 = arith.constant 0 : i32
        %dma_wait3A_92 = tpu.memref_slice %arg8[%dma_wait3A_90, %dma_wait3A_91] : memref<80x128xi32, #tpu.memory_space<vmem>> -> memref<60x128xi32, #tpu.memory_space<vmem>>
        %dma_wait3A_93 = arith.constant 0 : i32
        %dma_wait3A_94 = arith.constant 0 : i32
        %dma_wait3A_95 = tpu.memref_slice %arg4[%run_scoped3A_74, %dma_wait3A_93, %dma_wait3A_94] : memref<2x60x128xi32, #tpu.memory_space<hbm>> -> memref<1x60x128xi32, #tpu.memory_space<hbm>>
        %dma_wait3A_96 = tpu.memref_squeeze %dma_wait3A_95 : memref<1x60x128xi32, #tpu.memory_space<hbm>> -> memref<60x128xi32, #tpu.memory_space<hbm>>
        %dma_wait3A_97 = arith.constant 20 : i32
        %dma_wait3A_98 = arith.constant 0 : i32
        %dma_wait3A_99 = tpu.memref_slice %arg8[%dma_wait3A_97, %dma_wait3A_98] : memref<80x128xi32, #tpu.memory_space<vmem>> -> memref<60x128xi32, #tpu.memory_space<vmem>>
        %dma_wait3A_100 = arith.constant 0 : i32
        %dma_wait3A_101 = arith.constant 0 : i32
        %dma_wait3A_102 = tpu.memref_slice %arg4[%run_scoped3A_74, %dma_wait3A_100, %dma_wait3A_101] : memref<2x60x128xi32, #tpu.memory_space<hbm>> -> memref<1x60x128xi32, #tpu.memory_space<hbm>>
        %dma_wait3A_103 = tpu.memref_squeeze %dma_wait3A_102 : memref<1x60x128xi32, #tpu.memory_space<hbm>> -> memref<60x128xi32, #tpu.memory_space<hbm>>
        tpu.wait_dma2 semaphore(%run_scoped3A_75 : memref<!tpu.dma_semaphore, #tpu.memory_space<semaphore_mem>>) src(%dma_wait3A_103 : memref<60x128xi32, #tpu.memory_space<hbm>>) dst(%dma_wait3A_99 : memref<60x128xi32, #tpu.memory_space<vmem>>)
        tpu.yield
      }) : () -> ()
    } else {
    }
    %dma_start3A = arith.constant 0 : i32
    %dma_start3A_17 = arith.constant 0 : i32
    %dma_start3A_18 = tpu.memref_slice %arg7[%dma_start3A, %dma_start3A_17] : memref<80x128xi32, #tpu.memory_space<vmem>> -> memref<1x128xi32, #tpu.memory_space<vmem>>
    %dma_start3A_19 = tpu.memref_squeeze %dma_start3A_18 : memref<1x128xi32, #tpu.memory_space<vmem>> -> memref<128xi32, #tpu.memory_space<vmem>>
    %dma_start3A_20 = arith.constant 0 : i32
    %dma_start3A_21 = arith.constant 0 : i32
    %dma_start3A_22 = tpu.memref_slice %arg2[%dma_start3A_20, %dma_start3A_21] : memref<10000x64xf32, #tpu.memory_space<hbm>> -> memref<10000x64xf32, #tpu.memory_space<hbm>>
    tpu.enqueue_indirect_dma source(%dma_start3A_22 : memref<10000x64xf32, #tpu.memory_space<hbm>>) target(%arg9 : memref<128x64xf32, #tpu.memory_space<vmem>>) offsets(%dma_start3A_19 : memref<128xi32, #tpu.memory_space<vmem>>) semaphore(%arg13 : memref<!tpu.dma_semaphore, #tpu.memory_space<semaphore_mem>>)
    %dma_start3A_23 = arith.constant 1 : i32
    %dma_start3A_24 = arith.constant 0 : i32
    %dma_start3A_25 = tpu.memref_slice %arg7[%dma_start3A_23, %dma_start3A_24] : memref<80x128xi32, #tpu.memory_space<vmem>> -> memref<1x128xi32, #tpu.memory_space<vmem>>
    %dma_start3A_26 = tpu.memref_squeeze %dma_start3A_25 : memref<1x128xi32, #tpu.memory_space<vmem>> -> memref<128xi32, #tpu.memory_space<vmem>>
    %dma_start3A_27 = arith.constant 0 : i32
    %dma_start3A_28 = arith.constant 0 : i32
    %dma_start3A_29 = tpu.memref_slice %arg2[%dma_start3A_27, %dma_start3A_28] : memref<10000x64xf32, #tpu.memory_space<hbm>> -> memref<10000x64xf32, #tpu.memory_space<hbm>>
    tpu.enqueue_indirect_dma source(%dma_start3A_29 : memref<10000x64xf32, #tpu.memory_space<hbm>>) target(%arg10 : memref<128x64xf32, #tpu.memory_space<vmem>>) offsets(%dma_start3A_26 : memref<128xi32, #tpu.memory_space<vmem>>) semaphore(%arg14 : memref<!tpu.dma_semaphore, #tpu.memory_space<semaphore_mem>>)
    %dma_start3A_30 = arith.constant 2 : i32
    %dma_start3A_31 = arith.constant 0 : i32
    %dma_start3A_32 = tpu.memref_slice %arg7[%dma_start3A_30, %dma_start3A_31] : memref<80x128xi32, #tpu.memory_space<vmem>> -> memref<1x128xi32, #tpu.memory_space<vmem>>
    %dma_start3A_33 = tpu.memref_squeeze %dma_start3A_32 : memref<1x128xi32, #tpu.memory_space<vmem>> -> memref<128xi32, #tpu.memory_space<vmem>>
    %dma_start3A_34 = arith.constant 0 : i32
    %dma_start3A_35 = arith.constant 0 : i32
    %dma_start3A_36 = tpu.memref_slice %arg2[%dma_start3A_34, %dma_start3A_35] : memref<10000x64xf32, #tpu.memory_space<hbm>> -> memref<10000x64xf32, #tpu.memory_space<hbm>>
    tpu.enqueue_indirect_dma source(%dma_start3A_36 : memref<10000x64xf32, #tpu.memory_space<hbm>>) target(%arg11 : memref<128x64xf32, #tpu.memory_space<vmem>>) offsets(%dma_start3A_33 : memref<128xi32, #tpu.memory_space<vmem>>) semaphore(%arg15 : memref<!tpu.dma_semaphore, #tpu.memory_space<semaphore_mem>>)
    %mul3A_37 = arith.constant 640 : i32
    %mul3A_38 = arith.muli %arg1, %mul3A_37 : i32
    "tpu.region"() ({
      %run_scoped3A = tpu.sem_alloc : memref<!tpu.dma_semaphore, #tpu.memory_space<semaphore_mem>>
      %dma_start3A_74 = arith.constant 0 : i32
      %dma_start3A_75 = tpu.memref_slice %arg21[%mul3A_38, %dma_start3A_74] : memref<10240x64xf32, #tpu.memory_space<vmem_shared>> -> memref<640x64xf32, #tpu.memory_space<vmem_shared>>
      tpu.enqueue_dma source(%arg5 : memref<640x64xf32, #tpu.memory_space<hbm>>) target(%dma_start3A_75 : memref<640x64xf32, #tpu.memory_space<vmem_shared>>) target_semaphore(%run_scoped3A : memref<!tpu.dma_semaphore, #tpu.memory_space<semaphore_mem>>)
      %dma_wait3A_76 = arith.constant 0 : i32
      %dma_wait3A_77 = tpu.memref_slice %arg21[%mul3A_38, %dma_wait3A_76] : memref<10240x64xf32, #tpu.memory_space<vmem_shared>> -> memref<640x64xf32, #tpu.memory_space<vmem_shared>>
      tpu.wait_dma2 semaphore(%run_scoped3A : memref<!tpu.dma_semaphore, #tpu.memory_space<semaphore_mem>>) src(%arg5 : memref<640x64xf32, #tpu.memory_space<hbm>>) dst(%dma_wait3A_77 : memref<640x64xf32, #tpu.memory_space<vmem_shared>>)
      tpu.yield
    }) : () -> ()
    %barrier3A = arith.constant 0 : index
    tpu.barrier barrier_id(%barrier3A)
    %scan3A = arith.constant 0 : i32
    %scan3A_39 = arith.constant 0 : i32
    %scan3A_40 = arith.constant 20 : i32
    %scan3A_41 = arith.addi %scan3A_39, %scan3A_40 : i32
    %scan3A_42 = arith.constant 1 : i32
    scf.for %scan3A_74 = %scan3A_39 to %scan3A_41 step %scan3A_42  : i32 {
      %mul3A_75 = arith.constant 4 : i32
      %mul3A_76 = arith.muli %mul3A_75, %scan3A_74 : i32
      %add3A_77 = arith.constant 0 : i32
      %add3A_78 = arith.addi %mul3A_76, %add3A_77 : i32
      %add3A_79 = arith.constant 3 : i32
      %add3A_80 = arith.addi %add3A_78, %add3A_79 : i32
      %ge3A = arith.constant 4 : i32
      %ge3A_81 = arith.cmpi sge, %add3A_80, %ge3A : i32
      %lt3A_82 = arith.constant 80 : i32
      %lt3A_83 = arith.cmpi slt, %add3A_80, %lt3A_82 : i32
      %and3A = arith.andi %ge3A_81, %lt3A_83 : i1
      %convert_element_type3A_84 = arith.extui %and3A : i1 to i32
      %cond3A_85 = arith.constant 0 : i32
      %cond3A_86 = arith.cmpi ne, %convert_element_type3A_84, %cond3A_85 : i32
      scf.if %cond3A_86 {
        %dma_wait3A_199 = arith.constant 0 : i32
        %dma_wait3A_200 = arith.constant 0 : i32
        %dma_wait3A_201 = tpu.memref_slice %arg21[%dma_wait3A_199, %dma_wait3A_200] : memref<10240x64xf32, #tpu.memory_space<vmem_shared>> -> memref<128x64xf32, #tpu.memory_space<vmem_shared>>
        %dma_wait3A_202 = arith.constant 0 : i32
        %dma_wait3A_203 = arith.constant 0 : i32
        %dma_wait3A_204 = tpu.memref_slice %arg21[%dma_wait3A_202, %dma_wait3A_203] : memref<10240x64xf32, #tpu.memory_space<vmem_shared>> -> memref<128x64xf32, #tpu.memory_space<vmem_shared>>
        tpu.wait_dma2 semaphore(%arg20 : memref<!tpu.dma_semaphore, #tpu.memory_space<semaphore_mem>>) src(%arg12 : memref<128x64xf32, #tpu.memory_space<vmem>>) dst(%dma_wait3A_204 : memref<128x64xf32, #tpu.memory_space<vmem_shared>>)
      } else {
      }
      %lt3A_87 = arith.constant 80 : i32
      %lt3A_88 = arith.cmpi slt, %add3A_80, %lt3A_87 : i32
      %convert_element_type3A_89 = arith.extui %lt3A_88 : i1 to i32
      %cond3A_90 = arith.constant 0 : i32
      %cond3A_91 = arith.cmpi ne, %convert_element_type3A_89, %cond3A_90 : i32
      scf.if %cond3A_91 {
        %dma_start3A_199 = arith.constant 0 : i32
        %dma_start3A_200 = tpu.memref_slice %arg7[%add3A_80, %dma_start3A_199] : memref<80x128xi32, #tpu.memory_space<vmem>> -> memref<1x128xi32, #tpu.memory_space<vmem>>
        %dma_start3A_201 = tpu.memref_squeeze %dma_start3A_200 : memref<1x128xi32, #tpu.memory_space<vmem>> -> memref<128xi32, #tpu.memory_space<vmem>>
        %dma_start3A_202 = arith.constant 0 : i32
        %dma_start3A_203 = arith.constant 0 : i32
        %dma_start3A_204 = tpu.memref_slice %arg2[%dma_start3A_202, %dma_start3A_203] : memref<10000x64xf32, #tpu.memory_space<hbm>> -> memref<10000x64xf32, #tpu.memory_space<hbm>>
        tpu.enqueue_indirect_dma source(%dma_start3A_204 : memref<10000x64xf32, #tpu.memory_space<hbm>>) target(%arg12 : memref<128x64xf32, #tpu.memory_space<vmem>>) offsets(%dma_start3A_201 : memref<128xi32, #tpu.memory_space<vmem>>) semaphore(%arg16 : memref<!tpu.dma_semaphore, #tpu.memory_space<semaphore_mem>>)
      } else {
      }
      %dma_wait3A_92 = arith.constant 0 : i32
      %dma_wait3A_93 = arith.constant 0 : i32
      %dma_wait3A_94 = tpu.memref_slice %arg2[%dma_wait3A_92, %dma_wait3A_93] : memref<10000x64xf32, #tpu.memory_space<hbm>> -> memref<128x64xf32, #tpu.memory_space<hbm>>
      %dma_wait3A_95 = arith.constant 0 : i32
      %dma_wait3A_96 = arith.constant 0 : i32
      %dma_wait3A_97 = tpu.memref_slice %arg2[%dma_wait3A_95, %dma_wait3A_96] : memref<10000x64xf32, #tpu.memory_space<hbm>> -> memref<128x64xf32, #tpu.memory_space<hbm>>
      tpu.wait_dma2 semaphore(%arg13 : memref<!tpu.dma_semaphore, #tpu.memory_space<semaphore_mem>>) src(%dma_wait3A_97 : memref<128x64xf32, #tpu.memory_space<hbm>>) dst(%arg9 : memref<128x64xf32, #tpu.memory_space<vmem>>)
      %add3A_98 = arith.constant 0 : i32
      %add3A_99 = arith.addi %mul3A_76, %add3A_98 : i32
      %dma_start3A_100 = arith.constant 0 : i32
      %dma_start3A_101 = tpu.memref_slice %arg8[%add3A_99, %dma_start3A_100] : memref<80x128xi32, #tpu.memory_space<vmem>> -> memref<1x128xi32, #tpu.memory_space<vmem>>
      %dma_start3A_102 = tpu.memref_squeeze %dma_start3A_101 : memref<1x128xi32, #tpu.memory_space<vmem>> -> memref<128xi32, #tpu.memory_space<vmem>>
      %dma_start3A_103 = arith.constant 0 : i32
      %dma_start3A_104 = arith.constant 0 : i32
      %dma_start3A_105 = tpu.memref_slice %arg21[%dma_start3A_103, %dma_start3A_104] : memref<10240x64xf32, #tpu.memory_space<vmem_shared>> -> memref<10240x64xf32, #tpu.memory_space<vmem_shared>>
      tpu.enqueue_indirect_dma source(%arg9 : memref<128x64xf32, #tpu.memory_space<vmem>>) target(%dma_start3A_105 : memref<10240x64xf32, #tpu.memory_space<vmem_shared>>) offsets(%dma_start3A_102 : memref<128xi32, #tpu.memory_space<vmem>>) semaphore(%arg17 : memref<!tpu.dma_semaphore, #tpu.memory_space<semaphore_mem>>) {add = true}
      %add3A_106 = arith.constant 1 : i32
      %add3A_107 = arith.addi %mul3A_76, %add3A_106 : i32
      %add3A_108 = arith.constant 3 : i32
      %add3A_109 = arith.addi %add3A_107, %add3A_108 : i32
      %ge3A_110 = arith.constant 4 : i32
      %ge3A_111 = arith.cmpi sge, %add3A_109, %ge3A_110 : i32
      %lt3A_112 = arith.constant 80 : i32
      %lt3A_113 = arith.cmpi slt, %add3A_109, %lt3A_112 : i32
      %and3A_114 = arith.andi %ge3A_111, %lt3A_113 : i1
      %convert_element_type3A_115 = arith.extui %and3A_114 : i1 to i32
      %cond3A_116 = arith.constant 0 : i32
      %cond3A_117 = arith.cmpi ne, %convert_element_type3A_115, %cond3A_116 : i32
      scf.if %cond3A_117 {
        %dma_wait3A_199 = arith.constant 0 : i32
        %dma_wait3A_200 = arith.constant 0 : i32
        %dma_wait3A_201 = tpu.memref_slice %arg21[%dma_wait3A_199, %dma_wait3A_200] : memref<10240x64xf32, #tpu.memory_space<vmem_shared>> -> memref<128x64xf32, #tpu.memory_space<vmem_shared>>
        %dma_wait3A_202 = arith.constant 0 : i32
        %dma_wait3A_203 = arith.constant 0 : i32
        %dma_wait3A_204 = tpu.memref_slice %arg21[%dma_wait3A_202, %dma_wait3A_203] : memref<10240x64xf32, #tpu.memory_space<vmem_shared>> -> memref<128x64xf32, #tpu.memory_space<vmem_shared>>
        tpu.wait_dma2 semaphore(%arg17 : memref<!tpu.dma_semaphore, #tpu.memory_space<semaphore_mem>>) src(%arg9 : memref<128x64xf32, #tpu.memory_space<vmem>>) dst(%dma_wait3A_204 : memref<128x64xf32, #tpu.memory_space<vmem_shared>>)
      } else {
      }
      %lt3A_118 = arith.constant 80 : i32
      %lt3A_119 = arith.cmpi slt, %add3A_109, %lt3A_118 : i32
      %convert_element_type3A_120 = arith.extui %lt3A_119 : i1 to i32
      %cond3A_121 = arith.constant 0 : i32
      %cond3A_122 = arith.cmpi ne, %convert_element_type3A_120, %cond3A_121 : i32
      scf.if %cond3A_122 {
        %dma_start3A_199 = arith.constant 0 : i32
        %dma_start3A_200 = tpu.memref_slice %arg7[%add3A_109, %dma_start3A_199] : memref<80x128xi32, #tpu.memory_space<vmem>> -> memref<1x128xi32, #tpu.memory_space<vmem>>
        %dma_start3A_201 = tpu.memref_squeeze %dma_start3A_200 : memref<1x128xi32, #tpu.memory_space<vmem>> -> memref<128xi32, #tpu.memory_space<vmem>>
        %dma_start3A_202 = arith.constant 0 : i32
        %dma_start3A_203 = arith.constant 0 : i32
        %dma_start3A_204 = tpu.memref_slice %arg2[%dma_start3A_202, %dma_start3A_203] : memref<10000x64xf32, #tpu.memory_space<hbm>> -> memref<10000x64xf32, #tpu.memory_space<hbm>>
        tpu.enqueue_indirect_dma source(%dma_start3A_204 : memref<10000x64xf32, #tpu.memory_space<hbm>>) target(%arg9 : memref<128x64xf32, #tpu.memory_space<vmem>>) offsets(%dma_start3A_201 : memref<128xi32, #tpu.memory_space<vmem>>) semaphore(%arg13 : memref<!tpu.dma_semaphore, #tpu.memory_space<semaphore_mem>>)
      } else {
      }
      %dma_wait3A_123 = arith.constant 0 : i32
      %dma_wait3A_124 = arith.constant 0 : i32
      %dma_wait3A_125 = tpu.memref_slice %arg2[%dma_wait3A_123, %dma_wait3A_124] : memref<10000x64xf32, #tpu.memory_space<hbm>> -> memref<128x64xf32, #tpu.memory_space<hbm>>
      %dma_wait3A_126 = arith.constant 0 : i32
      %dma_wait3A_127 = arith.constant 0 : i32
      %dma_wait3A_128 = tpu.memref_slice %arg2[%dma_wait3A_126, %dma_wait3A_127] : memref<10000x64xf32, #tpu.memory_space<hbm>> -> memref<128x64xf32, #tpu.memory_space<hbm>>
      tpu.wait_dma2 semaphore(%arg14 : memref<!tpu.dma_semaphore, #tpu.memory_space<semaphore_mem>>) src(%dma_wait3A_128 : memref<128x64xf32, #tpu.memory_space<hbm>>) dst(%arg10 : memref<128x64xf32, #tpu.memory_space<vmem>>)
      %add3A_129 = arith.constant 1 : i32
      %add3A_130 = arith.addi %mul3A_76, %add3A_129 : i32
      %dma_start3A_131 = arith.constant 0 : i32
      %dma_start3A_132 = tpu.memref_slice %arg8[%add3A_130, %dma_start3A_131] : memref<80x128xi32, #tpu.memory_space<vmem>> -> memref<1x128xi32, #tpu.memory_space<vmem>>
      %dma_start3A_133 = tpu.memref_squeeze %dma_start3A_132 : memref<1x128xi32, #tpu.memory_space<vmem>> -> memref<128xi32, #tpu.memory_space<vmem>>
      %dma_start3A_134 = arith.constant 0 : i32
      %dma_start3A_135 = arith.constant 0 : i32
      %dma_start3A_136 = tpu.memref_slice %arg21[%dma_start3A_134, %dma_start3A_135] : memref<10240x64xf32, #tpu.memory_space<vmem_shared>> -> memref<10240x64xf32, #tpu.memory_space<vmem_shared>>
      tpu.enqueue_indirect_dma source(%arg10 : memref<128x64xf32, #tpu.memory_space<vmem>>) target(%dma_start3A_136 : memref<10240x64xf32, #tpu.memory_space<vmem_shared>>) offsets(%dma_start3A_133 : memref<128xi32, #tpu.memory_space<vmem>>) semaphore(%arg18 : memref<!tpu.dma_semaphore, #tpu.memory_space<semaphore_mem>>) {add = true}
      %add3A_137 = arith.constant 2 : i32
      %add3A_138 = arith.addi %mul3A_76, %add3A_137 : i32
      %add3A_139 = arith.constant 3 : i32
      %add3A_140 = arith.addi %add3A_138, %add3A_139 : i32
      %ge3A_141 = arith.constant 4 : i32
      %ge3A_142 = arith.cmpi sge, %add3A_140, %ge3A_141 : i32
      %lt3A_143 = arith.constant 80 : i32
      %lt3A_144 = arith.cmpi slt, %add3A_140, %lt3A_143 : i32
      %and3A_145 = arith.andi %ge3A_142, %lt3A_144 : i1
      %convert_element_type3A_146 = arith.extui %and3A_145 : i1 to i32
      %cond3A_147 = arith.constant 0 : i32
      %cond3A_148 = arith.cmpi ne, %convert_element_type3A_146, %cond3A_147 : i32
      scf.if %cond3A_148 {
        %dma_wait3A_199 = arith.constant 0 : i32
        %dma_wait3A_200 = arith.constant 0 : i32
        %dma_wait3A_201 = tpu.memref_slice %arg21[%dma_wait3A_199, %dma_wait3A_200] : memref<10240x64xf32, #tpu.memory_space<vmem_shared>> -> memref<128x64xf32, #tpu.memory_space<vmem_shared>>
        %dma_wait3A_202 = arith.constant 0 : i32
        %dma_wait3A_203 = arith.constant 0 : i32
        %dma_wait3A_204 = tpu.memref_slice %arg21[%dma_wait3A_202, %dma_wait3A_203] : memref<10240x64xf32, #tpu.memory_space<vmem_shared>> -> memref<128x64xf32, #tpu.memory_space<vmem_shared>>
        tpu.wait_dma2 semaphore(%arg18 : memref<!tpu.dma_semaphore, #tpu.memory_space<semaphore_mem>>) src(%arg10 : memref<128x64xf32, #tpu.memory_space<vmem>>) dst(%dma_wait3A_204 : memref<128x64xf32, #tpu.memory_space<vmem_shared>>)
      } else {
      }
      %lt3A_149 = arith.constant 80 : i32
      %lt3A_150 = arith.cmpi slt, %add3A_140, %lt3A_149 : i32
      %convert_element_type3A_151 = arith.extui %lt3A_150 : i1 to i32
      %cond3A_152 = arith.constant 0 : i32
      %cond3A_153 = arith.cmpi ne, %convert_element_type3A_151, %cond3A_152 : i32
      scf.if %cond3A_153 {
        %dma_start3A_199 = arith.constant 0 : i32
        %dma_start3A_200 = tpu.memref_slice %arg7[%add3A_140, %dma_start3A_199] : memref<80x128xi32, #tpu.memory_space<vmem>> -> memref<1x128xi32, #tpu.memory_space<vmem>>
        %dma_start3A_201 = tpu.memref_squeeze %dma_start3A_200 : memref<1x128xi32, #tpu.memory_space<vmem>> -> memref<128xi32, #tpu.memory_space<vmem>>
        %dma_start3A_202 = arith.constant 0 : i32
        %dma_start3A_203 = arith.constant 0 : i32
        %dma_start3A_204 = tpu.memref_slice %arg2[%dma_start3A_202, %dma_start3A_203] : memref<10000x64xf32, #tpu.memory_space<hbm>> -> memref<10000x64xf32, #tpu.memory_space<hbm>>
        tpu.enqueue_indirect_dma source(%dma_start3A_204 : memref<10000x64xf32, #tpu.memory_space<hbm>>) target(%arg10 : memref<128x64xf32, #tpu.memory_space<vmem>>) offsets(%dma_start3A_201 : memref<128xi32, #tpu.memory_space<vmem>>) semaphore(%arg14 : memref<!tpu.dma_semaphore, #tpu.memory_space<semaphore_mem>>)
      } else {
      }
      %dma_wait3A_154 = arith.constant 0 : i32
      %dma_wait3A_155 = arith.constant 0 : i32
      %dma_wait3A_156 = tpu.memref_slice %arg2[%dma_wait3A_154, %dma_wait3A_155] : memref<10000x64xf32, #tpu.memory_space<hbm>> -> memref<128x64xf32, #tpu.memory_space<hbm>>
      %dma_wait3A_157 = arith.constant 0 : i32
      %dma_wait3A_158 = arith.constant 0 : i32
      %dma_wait3A_159 = tpu.memref_slice %arg2[%dma_wait3A_157, %dma_wait3A_158] : memref<10000x64xf32, #tpu.memory_space<hbm>> -> memref<128x64xf32, #tpu.memory_space<hbm>>
      tpu.wait_dma2 semaphore(%arg15 : memref<!tpu.dma_semaphore, #tpu.memory_space<semaphore_mem>>) src(%dma_wait3A_159 : memref<128x64xf32, #tpu.memory_space<hbm>>) dst(%arg11 : memref<128x64xf32, #tpu.memory_space<vmem>>)
      %add3A_160 = arith.constant 2 : i32
      %add3A_161 = arith.addi %mul3A_76, %add3A_160 : i32
      %dma_start3A_162 = arith.constant 0 : i32
      %dma_start3A_163 = tpu.memref_slice %arg8[%add3A_161, %dma_start3A_162] : memref<80x128xi32, #tpu.memory_space<vmem>> -> memref<1x128xi32, #tpu.memory_space<vmem>>
      %dma_start3A_164 = tpu.memref_squeeze %dma_start3A_163 : memref<1x128xi32, #tpu.memory_space<vmem>> -> memref<128xi32, #tpu.memory_space<vmem>>
      %dma_start3A_165 = arith.constant 0 : i32
      %dma_start3A_166 = arith.constant 0 : i32
      %dma_start3A_167 = tpu.memref_slice %arg21[%dma_start3A_165, %dma_start3A_166] : memref<10240x64xf32, #tpu.memory_space<vmem_shared>> -> memref<10240x64xf32, #tpu.memory_space<vmem_shared>>
      tpu.enqueue_indirect_dma source(%arg11 : memref<128x64xf32, #tpu.memory_space<vmem>>) target(%dma_start3A_167 : memref<10240x64xf32, #tpu.memory_space<vmem_shared>>) offsets(%dma_start3A_164 : memref<128xi32, #tpu.memory_space<vmem>>) semaphore(%arg19 : memref<!tpu.dma_semaphore, #tpu.memory_space<semaphore_mem>>) {add = true}
      %add3A_168 = arith.constant 3 : i32
      %add3A_169 = arith.addi %mul3A_76, %add3A_168 : i32
      %add3A_170 = arith.constant 3 : i32
      %add3A_171 = arith.addi %add3A_169, %add3A_170 : i32
      %ge3A_172 = arith.constant 4 : i32
      %ge3A_173 = arith.cmpi sge, %add3A_171, %ge3A_172 : i32
      %lt3A_174 = arith.constant 80 : i32
      %lt3A_175 = arith.cmpi slt, %add3A_171, %lt3A_174 : i32
      %and3A_176 = arith.andi %ge3A_173, %lt3A_175 : i1
      %convert_element_type3A_177 = arith.extui %and3A_176 : i1 to i32
      %cond3A_178 = arith.constant 0 : i32
      %cond3A_179 = arith.cmpi ne, %convert_element_type3A_177, %cond3A_178 : i32
      scf.if %cond3A_179 {
        %dma_wait3A_199 = arith.constant 0 : i32
        %dma_wait3A_200 = arith.constant 0 : i32
        %dma_wait3A_201 = tpu.memref_slice %arg21[%dma_wait3A_199, %dma_wait3A_200] : memref<10240x64xf32, #tpu.memory_space<vmem_shared>> -> memref<128x64xf32, #tpu.memory_space<vmem_shared>>
        %dma_wait3A_202 = arith.constant 0 : i32
        %dma_wait3A_203 = arith.constant 0 : i32
        %dma_wait3A_204 = tpu.memref_slice %arg21[%dma_wait3A_202, %dma_wait3A_203] : memref<10240x64xf32, #tpu.memory_space<vmem_shared>> -> memref<128x64xf32, #tpu.memory_space<vmem_shared>>
        tpu.wait_dma2 semaphore(%arg19 : memref<!tpu.dma_semaphore, #tpu.memory_space<semaphore_mem>>) src(%arg11 : memref<128x64xf32, #tpu.memory_space<vmem>>) dst(%dma_wait3A_204 : memref<128x64xf32, #tpu.memory_space<vmem_shared>>)
      } else {
      }
      %lt3A_180 = arith.constant 80 : i32
      %lt3A_181 = arith.cmpi slt, %add3A_171, %lt3A_180 : i32
      %convert_element_type3A_182 = arith.extui %lt3A_181 : i1 to i32
      %cond3A_183 = arith.constant 0 : i32
      %cond3A_184 = arith.cmpi ne, %convert_element_type3A_182, %cond3A_183 : i32
      scf.if %cond3A_184 {
        %dma_start3A_199 = arith.constant 0 : i32
        %dma_start3A_200 = tpu.memref_slice %arg7[%add3A_171, %dma_start3A_199] : memref<80x128xi32, #tpu.memory_space<vmem>> -> memref<1x128xi32, #tpu.memory_space<vmem>>
        %dma_start3A_201 = tpu.memref_squeeze %dma_start3A_200 : memref<1x128xi32, #tpu.memory_space<vmem>> -> memref<128xi32, #tpu.memory_space<vmem>>
        %dma_start3A_202 = arith.constant 0 : i32
        %dma_start3A_203 = arith.constant 0 : i32
        %dma_start3A_204 = tpu.memref_slice %arg2[%dma_start3A_202, %dma_start3A_203] : memref<10000x64xf32, #tpu.memory_space<hbm>> -> memref<10000x64xf32, #tpu.memory_space<hbm>>
        tpu.enqueue_indirect_dma source(%dma_start3A_204 : memref<10000x64xf32, #tpu.memory_space<hbm>>) target(%arg11 : memref<128x64xf32, #tpu.memory_space<vmem>>) offsets(%dma_start3A_201 : memref<128xi32, #tpu.memory_space<vmem>>) semaphore(%arg15 : memref<!tpu.dma_semaphore, #tpu.memory_space<semaphore_mem>>)
      } else {
      }
      %dma_wait3A_185 = arith.constant 0 : i32
      %dma_wait3A_186 = arith.constant 0 : i32
      %dma_wait3A_187 = tpu.memref_slice %arg2[%dma_wait3A_185, %dma_wait3A_186] : memref<10000x64xf32, #tpu.memory_space<hbm>> -> memref<128x64xf32, #tpu.memory_space<hbm>>
      %dma_wait3A_188 = arith.constant 0 : i32
      %dma_wait3A_189 = arith.constant 0 : i32
      %dma_wait3A_190 = tpu.memref_slice %arg2[%dma_wait3A_188, %dma_wait3A_189] : memref<10000x64xf32, #tpu.memory_space<hbm>> -> memref<128x64xf32, #tpu.memory_space<hbm>>
      tpu.wait_dma2 semaphore(%arg16 : memref<!tpu.dma_semaphore, #tpu.memory_space<semaphore_mem>>) src(%dma_wait3A_190 : memref<128x64xf32, #tpu.memory_space<hbm>>) dst(%arg12 : memref<128x64xf32, #tpu.memory_space<vmem>>)
      %add3A_191 = arith.constant 3 : i32
      %add3A_192 = arith.addi %mul3A_76, %add3A_191 : i32
      %dma_start3A_193 = arith.constant 0 : i32
      %dma_start3A_194 = tpu.memref_slice %arg8[%add3A_192, %dma_start3A_193] : memref<80x128xi32, #tpu.memory_space<vmem>> -> memref<1x128xi32, #tpu.memory_space<vmem>>
      %dma_start3A_195 = tpu.memref_squeeze %dma_start3A_194 : memref<1x128xi32, #tpu.memory_space<vmem>> -> memref<128xi32, #tpu.memory_space<vmem>>
      %dma_start3A_196 = arith.constant 0 : i32
      %dma_start3A_197 = arith.constant 0 : i32
      %dma_start3A_198 = tpu.memref_slice %arg21[%dma_start3A_196, %dma_start3A_197] : memref<10240x64xf32, #tpu.memory_space<vmem_shared>> -> memref<10240x64xf32, #tpu.memory_space<vmem_shared>>
      tpu.enqueue_indirect_dma source(%arg12 : memref<128x64xf32, #tpu.memory_space<vmem>>) target(%dma_start3A_198 : memref<10240x64xf32, #tpu.memory_space<vmem_shared>>) offsets(%dma_start3A_195 : memref<128xi32, #tpu.memory_space<vmem>>) semaphore(%arg20 : memref<!tpu.dma_semaphore, #tpu.memory_space<semaphore_mem>>) {add = true}
    }
    %scan3A_43 = arith.constant 20 : i32
    %dma_wait3A = arith.constant 0 : i32
    %dma_wait3A_44 = arith.constant 0 : i32
    %dma_wait3A_45 = tpu.memref_slice %arg21[%dma_wait3A, %dma_wait3A_44] : memref<10240x64xf32, #tpu.memory_space<vmem_shared>> -> memref<128x64xf32, #tpu.memory_space<vmem_shared>>
    %dma_wait3A_46 = arith.constant 0 : i32
    %dma_wait3A_47 = arith.constant 0 : i32
    %dma_wait3A_48 = tpu.memref_slice %arg21[%dma_wait3A_46, %dma_wait3A_47] : memref<10240x64xf32, #tpu.memory_space<vmem_shared>> -> memref<128x64xf32, #tpu.memory_space<vmem_shared>>
    tpu.wait_dma2 semaphore(%arg17 : memref<!tpu.dma_semaphore, #tpu.memory_space<semaphore_mem>>) src(%arg9 : memref<128x64xf32, #tpu.memory_space<vmem>>) dst(%dma_wait3A_48 : memref<128x64xf32, #tpu.memory_space<vmem_shared>>)
    %dma_wait3A_49 = arith.constant 0 : i32
    %dma_wait3A_50 = arith.constant 0 : i32
    %dma_wait3A_51 = tpu.memref_slice %arg21[%dma_wait3A_49, %dma_wait3A_50] : memref<10240x64xf32, #tpu.memory_space<vmem_shared>> -> memref<128x64xf32, #tpu.memory_space<vmem_shared>>
    %dma_wait3A_52 = arith.constant 0 : i32
    %dma_wait3A_53 = arith.constant 0 : i32
    %dma_wait3A_54 = tpu.memref_slice %arg21[%dma_wait3A_52, %dma_wait3A_53] : memref<10240x64xf32, #tpu.memory_space<vmem_shared>> -> memref<128x64xf32, #tpu.memory_space<vmem_shared>>
    tpu.wait_dma2 semaphore(%arg18 : memref<!tpu.dma_semaphore, #tpu.memory_space<semaphore_mem>>) src(%arg10 : memref<128x64xf32, #tpu.memory_space<vmem>>) dst(%dma_wait3A_54 : memref<128x64xf32, #tpu.memory_space<vmem_shared>>)
    %dma_wait3A_55 = arith.constant 0 : i32
    %dma_wait3A_56 = arith.constant 0 : i32
    %dma_wait3A_57 = tpu.memref_slice %arg21[%dma_wait3A_55, %dma_wait3A_56] : memref<10240x64xf32, #tpu.memory_space<vmem_shared>> -> memref<128x64xf32, #tpu.memory_space<vmem_shared>>
    %dma_wait3A_58 = arith.constant 0 : i32
    %dma_wait3A_59 = arith.constant 0 : i32
    %dma_wait3A_60 = tpu.memref_slice %arg21[%dma_wait3A_58, %dma_wait3A_59] : memref<10240x64xf32, #tpu.memory_space<vmem_shared>> -> memref<128x64xf32, #tpu.memory_space<vmem_shared>>
    tpu.wait_dma2 semaphore(%arg19 : memref<!tpu.dma_semaphore, #tpu.memory_space<semaphore_mem>>) src(%arg11 : memref<128x64xf32, #tpu.memory_space<vmem>>) dst(%dma_wait3A_60 : memref<128x64xf32, #tpu.memory_space<vmem_shared>>)
    %dma_wait3A_61 = arith.constant 0 : i32
    %dma_wait3A_62 = arith.constant 0 : i32
    %dma_wait3A_63 = tpu.memref_slice %arg21[%dma_wait3A_61, %dma_wait3A_62] : memref<10240x64xf32, #tpu.memory_space<vmem_shared>> -> memref<128x64xf32, #tpu.memory_space<vmem_shared>>
    %dma_wait3A_64 = arith.constant 0 : i32
    %dma_wait3A_65 = arith.constant 0 : i32
    %dma_wait3A_66 = tpu.memref_slice %arg21[%dma_wait3A_64, %dma_wait3A_65] : memref<10240x64xf32, #tpu.memory_space<vmem_shared>> -> memref<128x64xf32, #tpu.memory_space<vmem_shared>>
    tpu.wait_dma2 semaphore(%arg20 : memref<!tpu.dma_semaphore, #tpu.memory_space<semaphore_mem>>) src(%arg12 : memref<128x64xf32, #tpu.memory_space<vmem>>) dst(%dma_wait3A_66 : memref<128x64xf32, #tpu.memory_space<vmem_shared>>)
    %barrier3A_67 = arith.constant 0 : index
    tpu.barrier barrier_id(%barrier3A_67)
    %mul3A_68 = arith.constant 640 : i32
    %mul3A_69 = arith.muli %arg1, %mul3A_68 : i32
    %mul3A_70 = arith.constant 640 : i32
    %mul3A_71 = arith.muli %arg1, %mul3A_70 : i32
    %mul3A_72 = arith.constant 64 : i32
    %mul3A_73 = arith.muli %arg0, %mul3A_72 : i32
    "tpu.region"() ({
      %run_scoped3A = tpu.sem_alloc : memref<!tpu.dma_semaphore, #tpu.memory_space<semaphore_mem>>
      %dma_start3A_74 = tpu.memref_slice %arg6[%mul3A_71, %mul3A_73] : memref<10240x128xf32, #tpu.memory_space<hbm>> -> memref<640x64xf32, #tpu.memory_space<hbm>>
      %dma_start3A_75 = arith.constant 0 : i32
      %dma_start3A_76 = tpu.memref_slice %arg21[%mul3A_69, %dma_start3A_75] : memref<10240x64xf32, #tpu.memory_space<vmem_shared>> -> memref<640x64xf32, #tpu.memory_space<vmem_shared>>
      tpu.enqueue_dma source(%dma_start3A_76 : memref<640x64xf32, #tpu.memory_space<vmem_shared>>) target(%dma_start3A_74 : memref<640x64xf32, #tpu.memory_space<hbm>>) target_semaphore(%run_scoped3A : memref<!tpu.dma_semaphore, #tpu.memory_space<semaphore_mem>>)
      %dma_wait3A_77 = tpu.memref_slice %arg6[%mul3A_71, %mul3A_73] : memref<10240x128xf32, #tpu.memory_space<hbm>> -> memref<640x64xf32, #tpu.memory_space<hbm>>
      %dma_wait3A_78 = arith.constant 0 : i32
      %dma_wait3A_79 = tpu.memref_slice %arg21[%mul3A_69, %dma_wait3A_78] : memref<10240x64xf32, #tpu.memory_space<vmem_shared>> -> memref<640x64xf32, #tpu.memory_space<vmem_shared>>
      tpu.wait_dma2 semaphore(%run_scoped3A : memref<!tpu.dma_semaphore, #tpu.memory_space<semaphore_mem>>) src(%dma_wait3A_79 : memref<640x64xf32, #tpu.memory_space<vmem_shared>>) dst(%dma_wait3A_77 : memref<640x64xf32, #tpu.memory_space<hbm>>)
      tpu.yield
    }) : () -> ()
    return
  }
}

#map = affine_map<(d0, d1) -> (0, 0)>
#map1 = affine_map<(d0, d1) -> (0, 0, 0)>
module attributes {stable_mosaic.version = 14 : i64} {
  func.func @_sc_aggregate(%arg0: i32, %arg1: i32, %arg2: memref<10000x64xf32, #tpu.memory_space<hbm>>, %arg3: memref<2x2500x128xi32, #tpu.memory_space<hbm>>, %arg4: memref<2x60x128xi32, #tpu.memory_space<hbm>>, %arg5: memref<640x64xf32, #tpu.memory_space<hbm>>, %arg6: memref<10240x128xf32, #tpu.memory_space<hbm>>, %arg7: memref<80x128xi32, #tpu.memory_space<vmem>>, %arg8: memref<80x128xi32, #tpu.memory_space<vmem>>, %arg9: memref<128x64xf32, #tpu.memory_space<vmem>>, %arg10: memref<128x64xf32, #tpu.memory_space<vmem>>, %arg11: memref<128x64xf32, #tpu.memory_space<vmem>>, %arg12: memref<128x64xf32, #tpu.memory_space<vmem>>, %arg13: memref<!tpu.dma_semaphore, #tpu.memory_space<semaphore_mem>>, %arg14: memref<!tpu.dma_semaphore, #tpu.memory_space<semaphore_mem>>, %arg15: memref<!tpu.dma_semaphore, #tpu.memory_space<semaphore_mem>>, %arg16: memref<!tpu.dma_semaphore, #tpu.memory_space<semaphore_mem>>, %arg17: memref<!tpu.dma_semaphore, #tpu.memory_space<semaphore_mem>>, %arg18: memref<!tpu.dma_semaphore, #tpu.memory_space<semaphore_mem>>, %arg19: memref<!tpu.dma_semaphore, #tpu.memory_space<semaphore_mem>>, %arg20: memref<!tpu.dma_semaphore, #tpu.memory_space<semaphore_mem>>, %arg21: memref<10240x64xf32, #tpu.memory_space<vmem_shared>>) attributes {dimension_semantics = [#tpu.dimension_semantics<core_parallel>, #tpu.dimension_semantics<subcore_parallel>], iteration_bounds = array<i64: 2, 16>, scalar_prefetch = 0 : i64, scratch_operands = 15 : i64, tpu.core_type = #tpu.core_type<sc_vector_subcore>, window_params = [{transform_indices = #map}, {transform_indices = #map1}, {transform_indices = #map1}, {transform_indices = #map}, {transform_indices = #map}]} {
    %mul3A = arith.constant 16 : i32
    %mul3A_0 = arith.muli %arg0, %mul3A : i32
    %add3A = arith.addi %mul3A_0, %arg1 : i32
    %lt3A = arith.constant 31 : i32
    %lt3A_1 = arith.cmpi slt, %add3A, %lt3A : i32
    %convert_element_type3A = arith.extui %lt3A_1 : i1 to i32
    %cond3A = arith.constant 0 : i32
    %cond3A_2 = arith.cmpi ne, %convert_element_type3A, %cond3A : i32
    scf.if %cond3A_2 {
      %mul3A_74 = arith.constant 80 : i32
      %mul3A_75 = arith.muli %add3A, %mul3A_74 : i32
      %run_scoped3A = arith.constant 0 : i32
      "tpu.region"() ({
        %run_scoped3A_76 = tpu.sem_alloc : memref<!tpu.dma_semaphore, #tpu.memory_space<semaphore_mem>>
        %dma_start3A_77 = arith.constant 0 : i32
        %dma_start3A_78 = tpu.memref_slice %arg3[%run_scoped3A, %mul3A_75, %dma_start3A_77] : memref<2x2500x128xi32, #tpu.memory_space<hbm>> -> memref<1x80x128xi32, #tpu.memory_space<hbm>>
        %dma_start3A_79 = tpu.memref_squeeze %dma_start3A_78 : memref<1x80x128xi32, #tpu.memory_space<hbm>> -> memref<80x128xi32, #tpu.memory_space<hbm>>
        %dma_start3A_80 = arith.constant 0 : i32
        %dma_start3A_81 = tpu.memref_slice %arg3[%run_scoped3A, %mul3A_75, %dma_start3A_80] : memref<2x2500x128xi32, #tpu.memory_space<hbm>> -> memref<1x80x128xi32, #tpu.memory_space<hbm>>
        %dma_start3A_82 = tpu.memref_squeeze %dma_start3A_81 : memref<1x80x128xi32, #tpu.memory_space<hbm>> -> memref<80x128xi32, #tpu.memory_space<hbm>>
        tpu.enqueue_dma source(%dma_start3A_82 : memref<80x128xi32, #tpu.memory_space<hbm>>) target(%arg7 : memref<80x128xi32, #tpu.memory_space<vmem>>) target_semaphore(%run_scoped3A_76 : memref<!tpu.dma_semaphore, #tpu.memory_space<semaphore_mem>>)
        %dma_wait3A_83 = arith.constant 0 : i32
        %dma_wait3A_84 = tpu.memref_slice %arg3[%run_scoped3A, %mul3A_75, %dma_wait3A_83] : memref<2x2500x128xi32, #tpu.memory_space<hbm>> -> memref<1x80x128xi32, #tpu.memory_space<hbm>>
        %dma_wait3A_85 = tpu.memref_squeeze %dma_wait3A_84 : memref<1x80x128xi32, #tpu.memory_space<hbm>> -> memref<80x128xi32, #tpu.memory_space<hbm>>
        %dma_wait3A_86 = arith.constant 0 : i32
        %dma_wait3A_87 = tpu.memref_slice %arg3[%run_scoped3A, %mul3A_75, %dma_wait3A_86] : memref<2x2500x128xi32, #tpu.memory_space<hbm>> -> memref<1x80x128xi32, #tpu.memory_space<hbm>>
        %dma_wait3A_88 = tpu.memref_squeeze %dma_wait3A_87 : memref<1x80x128xi32, #tpu.memory_space<hbm>> -> memref<80x128xi32, #tpu.memory_space<hbm>>
        tpu.wait_dma2 semaphore(%run_scoped3A_76 : memref<!tpu.dma_semaphore, #tpu.memory_space<semaphore_mem>>) src(%dma_wait3A_88 : memref<80x128xi32, #tpu.memory_space<hbm>>) dst(%arg7 : memref<80x128xi32, #tpu.memory_space<vmem>>)
        tpu.yield
      }) : () -> ()
    } else {
    }
    %eq3A = arith.constant 31 : i32
    %eq3A_3 = arith.cmpi eq, %add3A, %eq3A : i32
    %convert_element_type3A_4 = arith.extui %eq3A_3 : i1 to i32
    %cond3A_5 = arith.constant 0 : i32
    %cond3A_6 = arith.cmpi ne, %convert_element_type3A_4, %cond3A_5 : i32
    scf.if %cond3A_6 {
      %run_scoped3A = arith.constant 0 : i32
      "tpu.region"() ({
        %run_scoped3A_75 = tpu.sem_alloc : memref<!tpu.dma_semaphore, #tpu.memory_space<semaphore_mem>>
        %dma_start3A_76 = arith.constant 0 : i32
        %dma_start3A_77 = arith.constant 0 : i32
        %dma_start3A_78 = tpu.memref_slice %arg7[%dma_start3A_76, %dma_start3A_77] : memref<80x128xi32, #tpu.memory_space<vmem>> -> memref<20x128xi32, #tpu.memory_space<vmem>>
        %dma_start3A_79 = arith.constant 2480 : i32
        %dma_start3A_80 = arith.constant 0 : i32
        %dma_start3A_81 = tpu.memref_slice %arg3[%run_scoped3A, %dma_start3A_79, %dma_start3A_80] : memref<2x2500x128xi32, #tpu.memory_space<hbm>> -> memref<1x20x128xi32, #tpu.memory_space<hbm>>
        %dma_start3A_82 = tpu.memref_squeeze %dma_start3A_81 : memref<1x20x128xi32, #tpu.memory_space<hbm>> -> memref<20x128xi32, #tpu.memory_space<hbm>>
        %dma_start3A_83 = arith.constant 0 : i32
        %dma_start3A_84 = arith.constant 0 : i32
        %dma_start3A_85 = tpu.memref_slice %arg7[%dma_start3A_83, %dma_start3A_84] : memref<80x128xi32, #tpu.memory_space<vmem>> -> memref<20x128xi32, #tpu.memory_space<vmem>>
        %dma_start3A_86 = arith.constant 2480 : i32
        %dma_start3A_87 = arith.constant 0 : i32
        %dma_start3A_88 = tpu.memref_slice %arg3[%run_scoped3A, %dma_start3A_86, %dma_start3A_87] : memref<2x2500x128xi32, #tpu.memory_space<hbm>> -> memref<1x20x128xi32, #tpu.memory_space<hbm>>
        %dma_start3A_89 = tpu.memref_squeeze %dma_start3A_88 : memref<1x20x128xi32, #tpu.memory_space<hbm>> -> memref<20x128xi32, #tpu.memory_space<hbm>>
        tpu.enqueue_dma source(%dma_start3A_89 : memref<20x128xi32, #tpu.memory_space<hbm>>) target(%dma_start3A_85 : memref<20x128xi32, #tpu.memory_space<vmem>>) target_semaphore(%run_scoped3A_75 : memref<!tpu.dma_semaphore, #tpu.memory_space<semaphore_mem>>)
        %dma_wait3A_90 = arith.constant 0 : i32
        %dma_wait3A_91 = arith.constant 0 : i32
        %dma_wait3A_92 = tpu.memref_slice %arg7[%dma_wait3A_90, %dma_wait3A_91] : memref<80x128xi32, #tpu.memory_space<vmem>> -> memref<20x128xi32, #tpu.memory_space<vmem>>
        %dma_wait3A_93 = arith.constant 2480 : i32
        %dma_wait3A_94 = arith.constant 0 : i32
        %dma_wait3A_95 = tpu.memref_slice %arg3[%run_scoped3A, %dma_wait3A_93, %dma_wait3A_94] : memref<2x2500x128xi32, #tpu.memory_space<hbm>> -> memref<1x20x128xi32, #tpu.memory_space<hbm>>
        %dma_wait3A_96 = tpu.memref_squeeze %dma_wait3A_95 : memref<1x20x128xi32, #tpu.memory_space<hbm>> -> memref<20x128xi32, #tpu.memory_space<hbm>>
        %dma_wait3A_97 = arith.constant 0 : i32
        %dma_wait3A_98 = arith.constant 0 : i32
        %dma_wait3A_99 = tpu.memref_slice %arg7[%dma_wait3A_97, %dma_wait3A_98] : memref<80x128xi32, #tpu.memory_space<vmem>> -> memref<20x128xi32, #tpu.memory_space<vmem>>
        %dma_wait3A_100 = arith.constant 2480 : i32
        %dma_wait3A_101 = arith.constant 0 : i32
        %dma_wait3A_102 = tpu.memref_slice %arg3[%run_scoped3A, %dma_wait3A_100, %dma_wait3A_101] : memref<2x2500x128xi32, #tpu.memory_space<hbm>> -> memref<1x20x128xi32, #tpu.memory_space<hbm>>
        %dma_wait3A_103 = tpu.memref_squeeze %dma_wait3A_102 : memref<1x20x128xi32, #tpu.memory_space<hbm>> -> memref<20x128xi32, #tpu.memory_space<hbm>>
        tpu.wait_dma2 semaphore(%run_scoped3A_75 : memref<!tpu.dma_semaphore, #tpu.memory_space<semaphore_mem>>) src(%dma_wait3A_103 : memref<20x128xi32, #tpu.memory_space<hbm>>) dst(%dma_wait3A_99 : memref<20x128xi32, #tpu.memory_space<vmem>>)
        tpu.yield
      }) : () -> ()
      %run_scoped3A_74 = arith.constant 0 : i32
      "tpu.region"() ({
        %run_scoped3A_75 = tpu.sem_alloc : memref<!tpu.dma_semaphore, #tpu.memory_space<semaphore_mem>>
        %dma_start3A_76 = arith.constant 20 : i32
        %dma_start3A_77 = arith.constant 0 : i32
        %dma_start3A_78 = tpu.memref_slice %arg7[%dma_start3A_76, %dma_start3A_77] : memref<80x128xi32, #tpu.memory_space<vmem>> -> memref<60x128xi32, #tpu.memory_space<vmem>>
        %dma_start3A_79 = arith.constant 0 : i32
        %dma_start3A_80 = arith.constant 0 : i32
        %dma_start3A_81 = tpu.memref_slice %arg4[%run_scoped3A_74, %dma_start3A_79, %dma_start3A_80] : memref<2x60x128xi32, #tpu.memory_space<hbm>> -> memref<1x60x128xi32, #tpu.memory_space<hbm>>
        %dma_start3A_82 = tpu.memref_squeeze %dma_start3A_81 : memref<1x60x128xi32, #tpu.memory_space<hbm>> -> memref<60x128xi32, #tpu.memory_space<hbm>>
        %dma_start3A_83 = arith.constant 20 : i32
        %dma_start3A_84 = arith.constant 0 : i32
        %dma_start3A_85 = tpu.memref_slice %arg7[%dma_start3A_83, %dma_start3A_84] : memref<80x128xi32, #tpu.memory_space<vmem>> -> memref<60x128xi32, #tpu.memory_space<vmem>>
        %dma_start3A_86 = arith.constant 0 : i32
        %dma_start3A_87 = arith.constant 0 : i32
        %dma_start3A_88 = tpu.memref_slice %arg4[%run_scoped3A_74, %dma_start3A_86, %dma_start3A_87] : memref<2x60x128xi32, #tpu.memory_space<hbm>> -> memref<1x60x128xi32, #tpu.memory_space<hbm>>
        %dma_start3A_89 = tpu.memref_squeeze %dma_start3A_88 : memref<1x60x128xi32, #tpu.memory_space<hbm>> -> memref<60x128xi32, #tpu.memory_space<hbm>>
        tpu.enqueue_dma source(%dma_start3A_89 : memref<60x128xi32, #tpu.memory_space<hbm>>) target(%dma_start3A_85 : memref<60x128xi32, #tpu.memory_space<vmem>>) target_semaphore(%run_scoped3A_75 : memref<!tpu.dma_semaphore, #tpu.memory_space<semaphore_mem>>)
        %dma_wait3A_90 = arith.constant 20 : i32
        %dma_wait3A_91 = arith.constant 0 : i32
        %dma_wait3A_92 = tpu.memref_slice %arg7[%dma_wait3A_90, %dma_wait3A_91] : memref<80x128xi32, #tpu.memory_space<vmem>> -> memref<60x128xi32, #tpu.memory_space<vmem>>
        %dma_wait3A_93 = arith.constant 0 : i32
        %dma_wait3A_94 = arith.constant 0 : i32
        %dma_wait3A_95 = tpu.memref_slice %arg4[%run_scoped3A_74, %dma_wait3A_93, %dma_wait3A_94] : memref<2x60x128xi32, #tpu.memory_space<hbm>> -> memref<1x60x128xi32, #tpu.memory_space<hbm>>
        %dma_wait3A_96 = tpu.memref_squeeze %dma_wait3A_95 : memref<1x60x128xi32, #tpu.memory_space<hbm>> -> memref<60x128xi32, #tpu.memory_space<hbm>>
        %dma_wait3A_97 = arith.constant 20 : i32
        %dma_wait3A_98 = arith.constant 0 : i32
        %dma_wait3A_99 = tpu.memref_slice %arg7[%dma_wait3A_97, %dma_wait3A_98] : memref<80x128xi32, #tpu.memory_space<vmem>> -> memref<60x128xi32, #tpu.memory_space<vmem>>
        %dma_wait3A_100 = arith.constant 0 : i32
        %dma_wait3A_101 = arith.constant 0 : i32
        %dma_wait3A_102 = tpu.memref_slice %arg4[%run_scoped3A_74, %dma_wait3A_100, %dma_wait3A_101] : memref<2x60x128xi32, #tpu.memory_space<hbm>> -> memref<1x60x128xi32, #tpu.memory_space<hbm>>
        %dma_wait3A_103 = tpu.memref_squeeze %dma_wait3A_102 : memref<1x60x128xi32, #tpu.memory_space<hbm>> -> memref<60x128xi32, #tpu.memory_space<hbm>>
        tpu.wait_dma2 semaphore(%run_scoped3A_75 : memref<!tpu.dma_semaphore, #tpu.memory_space<semaphore_mem>>) src(%dma_wait3A_103 : memref<60x128xi32, #tpu.memory_space<hbm>>) dst(%dma_wait3A_99 : memref<60x128xi32, #tpu.memory_space<vmem>>)
        tpu.yield
      }) : () -> ()
    } else {
    }
    %lt3A_7 = arith.constant 31 : i32
    %lt3A_8 = arith.cmpi slt, %add3A, %lt3A_7 : i32
    %convert_element_type3A_9 = arith.extui %lt3A_8 : i1 to i32
    %cond3A_10 = arith.constant 0 : i32
    %cond3A_11 = arith.cmpi ne, %convert_element_type3A_9, %cond3A_10 : i32
    scf.if %cond3A_11 {
      %mul3A_74 = arith.constant 80 : i32
      %mul3A_75 = arith.muli %add3A, %mul3A_74 : i32
      %run_scoped3A = arith.constant 1 : i32
      "tpu.region"() ({
        %run_scoped3A_76 = tpu.sem_alloc : memref<!tpu.dma_semaphore, #tpu.memory_space<semaphore_mem>>
        %dma_start3A_77 = arith.constant 0 : i32
        %dma_start3A_78 = tpu.memref_slice %arg3[%run_scoped3A, %mul3A_75, %dma_start3A_77] : memref<2x2500x128xi32, #tpu.memory_space<hbm>> -> memref<1x80x128xi32, #tpu.memory_space<hbm>>
        %dma_start3A_79 = tpu.memref_squeeze %dma_start3A_78 : memref<1x80x128xi32, #tpu.memory_space<hbm>> -> memref<80x128xi32, #tpu.memory_space<hbm>>
        %dma_start3A_80 = arith.constant 0 : i32
        %dma_start3A_81 = tpu.memref_slice %arg3[%run_scoped3A, %mul3A_75, %dma_start3A_80] : memref<2x2500x128xi32, #tpu.memory_space<hbm>> -> memref<1x80x128xi32, #tpu.memory_space<hbm>>
        %dma_start3A_82 = tpu.memref_squeeze %dma_start3A_81 : memref<1x80x128xi32, #tpu.memory_space<hbm>> -> memref<80x128xi32, #tpu.memory_space<hbm>>
        tpu.enqueue_dma source(%dma_start3A_82 : memref<80x128xi32, #tpu.memory_space<hbm>>) target(%arg8 : memref<80x128xi32, #tpu.memory_space<vmem>>) target_semaphore(%run_scoped3A_76 : memref<!tpu.dma_semaphore, #tpu.memory_space<semaphore_mem>>)
        %dma_wait3A_83 = arith.constant 0 : i32
        %dma_wait3A_84 = tpu.memref_slice %arg3[%run_scoped3A, %mul3A_75, %dma_wait3A_83] : memref<2x2500x128xi32, #tpu.memory_space<hbm>> -> memref<1x80x128xi32, #tpu.memory_space<hbm>>
        %dma_wait3A_85 = tpu.memref_squeeze %dma_wait3A_84 : memref<1x80x128xi32, #tpu.memory_space<hbm>> -> memref<80x128xi32, #tpu.memory_space<hbm>>
        %dma_wait3A_86 = arith.constant 0 : i32
        %dma_wait3A_87 = tpu.memref_slice %arg3[%run_scoped3A, %mul3A_75, %dma_wait3A_86] : memref<2x2500x128xi32, #tpu.memory_space<hbm>> -> memref<1x80x128xi32, #tpu.memory_space<hbm>>
        %dma_wait3A_88 = tpu.memref_squeeze %dma_wait3A_87 : memref<1x80x128xi32, #tpu.memory_space<hbm>> -> memref<80x128xi32, #tpu.memory_space<hbm>>
        tpu.wait_dma2 semaphore(%run_scoped3A_76 : memref<!tpu.dma_semaphore, #tpu.memory_space<semaphore_mem>>) src(%dma_wait3A_88 : memref<80x128xi32, #tpu.memory_space<hbm>>) dst(%arg8 : memref<80x128xi32, #tpu.memory_space<vmem>>)
        tpu.yield
      }) : () -> ()
    } else {
    }
    %eq3A_12 = arith.constant 31 : i32
    %eq3A_13 = arith.cmpi eq, %add3A, %eq3A_12 : i32
    %convert_element_type3A_14 = arith.extui %eq3A_13 : i1 to i32
    %cond3A_15 = arith.constant 0 : i32
    %cond3A_16 = arith.cmpi ne, %convert_element_type3A_14, %cond3A_15 : i32
    scf.if %cond3A_16 {
      %run_scoped3A = arith.constant 1 : i32
      "tpu.region"() ({
        %run_scoped3A_75 = tpu.sem_alloc : memref<!tpu.dma_semaphore, #tpu.memory_space<semaphore_mem>>
        %dma_start3A_76 = arith.constant 0 : i32
        %dma_start3A_77 = arith.constant 0 : i32
        %dma_start3A_78 = tpu.memref_slice %arg8[%dma_start3A_76, %dma_start3A_77] : memref<80x128xi32, #tpu.memory_space<vmem>> -> memref<20x128xi32, #tpu.memory_space<vmem>>
        %dma_start3A_79 = arith.constant 2480 : i32
        %dma_start3A_80 = arith.constant 0 : i32
        %dma_start3A_81 = tpu.memref_slice %arg3[%run_scoped3A, %dma_start3A_79, %dma_start3A_80] : memref<2x2500x128xi32, #tpu.memory_space<hbm>> -> memref<1x20x128xi32, #tpu.memory_space<hbm>>
        %dma_start3A_82 = tpu.memref_squeeze %dma_start3A_81 : memref<1x20x128xi32, #tpu.memory_space<hbm>> -> memref<20x128xi32, #tpu.memory_space<hbm>>
        %dma_start3A_83 = arith.constant 0 : i32
        %dma_start3A_84 = arith.constant 0 : i32
        %dma_start3A_85 = tpu.memref_slice %arg8[%dma_start3A_83, %dma_start3A_84] : memref<80x128xi32, #tpu.memory_space<vmem>> -> memref<20x128xi32, #tpu.memory_space<vmem>>
        %dma_start3A_86 = arith.constant 2480 : i32
        %dma_start3A_87 = arith.constant 0 : i32
        %dma_start3A_88 = tpu.memref_slice %arg3[%run_scoped3A, %dma_start3A_86, %dma_start3A_87] : memref<2x2500x128xi32, #tpu.memory_space<hbm>> -> memref<1x20x128xi32, #tpu.memory_space<hbm>>
        %dma_start3A_89 = tpu.memref_squeeze %dma_start3A_88 : memref<1x20x128xi32, #tpu.memory_space<hbm>> -> memref<20x128xi32, #tpu.memory_space<hbm>>
        tpu.enqueue_dma source(%dma_start3A_89 : memref<20x128xi32, #tpu.memory_space<hbm>>) target(%dma_start3A_85 : memref<20x128xi32, #tpu.memory_space<vmem>>) target_semaphore(%run_scoped3A_75 : memref<!tpu.dma_semaphore, #tpu.memory_space<semaphore_mem>>)
        %dma_wait3A_90 = arith.constant 0 : i32
        %dma_wait3A_91 = arith.constant 0 : i32
        %dma_wait3A_92 = tpu.memref_slice %arg8[%dma_wait3A_90, %dma_wait3A_91] : memref<80x128xi32, #tpu.memory_space<vmem>> -> memref<20x128xi32, #tpu.memory_space<vmem>>
        %dma_wait3A_93 = arith.constant 2480 : i32
        %dma_wait3A_94 = arith.constant 0 : i32
        %dma_wait3A_95 = tpu.memref_slice %arg3[%run_scoped3A, %dma_wait3A_93, %dma_wait3A_94] : memref<2x2500x128xi32, #tpu.memory_space<hbm>> -> memref<1x20x128xi32, #tpu.memory_space<hbm>>
        %dma_wait3A_96 = tpu.memref_squeeze %dma_wait3A_95 : memref<1x20x128xi32, #tpu.memory_space<hbm>> -> memref<20x128xi32, #tpu.memory_space<hbm>>
        %dma_wait3A_97 = arith.constant 0 : i32
        %dma_wait3A_98 = arith.constant 0 : i32
        %dma_wait3A_99 = tpu.memref_slice %arg8[%dma_wait3A_97, %dma_wait3A_98] : memref<80x128xi32, #tpu.memory_space<vmem>> -> memref<20x128xi32, #tpu.memory_space<vmem>>
        %dma_wait3A_100 = arith.constant 2480 : i32
        %dma_wait3A_101 = arith.constant 0 : i32
        %dma_wait3A_102 = tpu.memref_slice %arg3[%run_scoped3A, %dma_wait3A_100, %dma_wait3A_101] : memref<2x2500x128xi32, #tpu.memory_space<hbm>> -> memref<1x20x128xi32, #tpu.memory_space<hbm>>
        %dma_wait3A_103 = tpu.memref_squeeze %dma_wait3A_102 : memref<1x20x128xi32, #tpu.memory_space<hbm>> -> memref<20x128xi32, #tpu.memory_space<hbm>>
        tpu.wait_dma2 semaphore(%run_scoped3A_75 : memref<!tpu.dma_semaphore, #tpu.memory_space<semaphore_mem>>) src(%dma_wait3A_103 : memref<20x128xi32, #tpu.memory_space<hbm>>) dst(%dma_wait3A_99 : memref<20x128xi32, #tpu.memory_space<vmem>>)
        tpu.yield
      }) : () -> ()
      %run_scoped3A_74 = arith.constant 1 : i32
      "tpu.region"() ({
        %run_scoped3A_75 = tpu.sem_alloc : memref<!tpu.dma_semaphore, #tpu.memory_space<semaphore_mem>>
        %dma_start3A_76 = arith.constant 20 : i32
        %dma_start3A_77 = arith.constant 0 : i32
        %dma_start3A_78 = tpu.memref_slice %arg8[%dma_start3A_76, %dma_start3A_77] : memref<80x128xi32, #tpu.memory_space<vmem>> -> memref<60x128xi32, #tpu.memory_space<vmem>>
        %dma_start3A_79 = arith.constant 0 : i32
        %dma_start3A_80 = arith.constant 0 : i32
        %dma_start3A_81 = tpu.memref_slice %arg4[%run_scoped3A_74, %dma_start3A_79, %dma_start3A_80] : memref<2x60x128xi32, #tpu.memory_space<hbm>> -> memref<1x60x128xi32, #tpu.memory_space<hbm>>
        %dma_start3A_82 = tpu.memref_squeeze %dma_start3A_81 : memref<1x60x128xi32, #tpu.memory_space<hbm>> -> memref<60x128xi32, #tpu.memory_space<hbm>>
        %dma_start3A_83 = arith.constant 20 : i32
        %dma_start3A_84 = arith.constant 0 : i32
        %dma_start3A_85 = tpu.memref_slice %arg8[%dma_start3A_83, %dma_start3A_84] : memref<80x128xi32, #tpu.memory_space<vmem>> -> memref<60x128xi32, #tpu.memory_space<vmem>>
        %dma_start3A_86 = arith.constant 0 : i32
        %dma_start3A_87 = arith.constant 0 : i32
        %dma_start3A_88 = tpu.memref_slice %arg4[%run_scoped3A_74, %dma_start3A_86, %dma_start3A_87] : memref<2x60x128xi32, #tpu.memory_space<hbm>> -> memref<1x60x128xi32, #tpu.memory_space<hbm>>
        %dma_start3A_89 = tpu.memref_squeeze %dma_start3A_88 : memref<1x60x128xi32, #tpu.memory_space<hbm>> -> memref<60x128xi32, #tpu.memory_space<hbm>>
        tpu.enqueue_dma source(%dma_start3A_89 : memref<60x128xi32, #tpu.memory_space<hbm>>) target(%dma_start3A_85 : memref<60x128xi32, #tpu.memory_space<vmem>>) target_semaphore(%run_scoped3A_75 : memref<!tpu.dma_semaphore, #tpu.memory_space<semaphore_mem>>)
        %dma_wait3A_90 = arith.constant 20 : i32
        %dma_wait3A_91 = arith.constant 0 : i32
        %dma_wait3A_92 = tpu.memref_slice %arg8[%dma_wait3A_90, %dma_wait3A_91] : memref<80x128xi32, #tpu.memory_space<vmem>> -> memref<60x128xi32, #tpu.memory_space<vmem>>
        %dma_wait3A_93 = arith.constant 0 : i32
        %dma_wait3A_94 = arith.constant 0 : i32
        %dma_wait3A_95 = tpu.memref_slice %arg4[%run_scoped3A_74, %dma_wait3A_93, %dma_wait3A_94] : memref<2x60x128xi32, #tpu.memory_space<hbm>> -> memref<1x60x128xi32, #tpu.memory_space<hbm>>
        %dma_wait3A_96 = tpu.memref_squeeze %dma_wait3A_95 : memref<1x60x128xi32, #tpu.memory_space<hbm>> -> memref<60x128xi32, #tpu.memory_space<hbm>>
        %dma_wait3A_97 = arith.constant 20 : i32
        %dma_wait3A_98 = arith.constant 0 : i32
        %dma_wait3A_99 = tpu.memref_slice %arg8[%dma_wait3A_97, %dma_wait3A_98] : memref<80x128xi32, #tpu.memory_space<vmem>> -> memref<60x128xi32, #tpu.memory_space<vmem>>
        %dma_wait3A_100 = arith.constant 0 : i32
        %dma_wait3A_101 = arith.constant 0 : i32
        %dma_wait3A_102 = tpu.memref_slice %arg4[%run_scoped3A_74, %dma_wait3A_100, %dma_wait3A_101] : memref<2x60x128xi32, #tpu.memory_space<hbm>> -> memref<1x60x128xi32, #tpu.memory_space<hbm>>
        %dma_wait3A_103 = tpu.memref_squeeze %dma_wait3A_102 : memref<1x60x128xi32, #tpu.memory_space<hbm>> -> memref<60x128xi32, #tpu.memory_space<hbm>>
        tpu.wait_dma2 semaphore(%run_scoped3A_75 : memref<!tpu.dma_semaphore, #tpu.memory_space<semaphore_mem>>) src(%dma_wait3A_103 : memref<60x128xi32, #tpu.memory_space<hbm>>) dst(%dma_wait3A_99 : memref<60x128xi32, #tpu.memory_space<vmem>>)
        tpu.yield
      }) : () -> ()
    } else {
    }
    %dma_start3A = arith.constant 0 : i32
    %dma_start3A_17 = arith.constant 0 : i32
    %dma_start3A_18 = tpu.memref_slice %arg7[%dma_start3A, %dma_start3A_17] : memref<80x128xi32, #tpu.memory_space<vmem>> -> memref<1x128xi32, #tpu.memory_space<vmem>>
    %dma_start3A_19 = tpu.memref_squeeze %dma_start3A_18 : memref<1x128xi32, #tpu.memory_space<vmem>> -> memref<128xi32, #tpu.memory_space<vmem>>
    %dma_start3A_20 = arith.constant 0 : i32
    %dma_start3A_21 = arith.constant 0 : i32
    %dma_start3A_22 = tpu.memref_slice %arg2[%dma_start3A_20, %dma_start3A_21] : memref<10000x64xf32, #tpu.memory_space<hbm>> -> memref<10000x64xf32, #tpu.memory_space<hbm>>
    tpu.enqueue_indirect_dma source(%dma_start3A_22 : memref<10000x64xf32, #tpu.memory_space<hbm>>) target(%arg9 : memref<128x64xf32, #tpu.memory_space<vmem>>) offsets(%dma_start3A_19 : memref<128xi32, #tpu.memory_space<vmem>>) semaphore(%arg13 : memref<!tpu.dma_semaphore, #tpu.memory_space<semaphore_mem>>)
    %dma_start3A_23 = arith.constant 1 : i32
    %dma_start3A_24 = arith.constant 0 : i32
    %dma_start3A_25 = tpu.memref_slice %arg7[%dma_start3A_23, %dma_start3A_24] : memref<80x128xi32, #tpu.memory_space<vmem>> -> memref<1x128xi32, #tpu.memory_space<vmem>>
    %dma_start3A_26 = tpu.memref_squeeze %dma_start3A_25 : memref<1x128xi32, #tpu.memory_space<vmem>> -> memref<128xi32, #tpu.memory_space<vmem>>
    %dma_start3A_27 = arith.constant 0 : i32
    %dma_start3A_28 = arith.constant 0 : i32
    %dma_start3A_29 = tpu.memref_slice %arg2[%dma_start3A_27, %dma_start3A_28] : memref<10000x64xf32, #tpu.memory_space<hbm>> -> memref<10000x64xf32, #tpu.memory_space<hbm>>
    tpu.enqueue_indirect_dma source(%dma_start3A_29 : memref<10000x64xf32, #tpu.memory_space<hbm>>) target(%arg10 : memref<128x64xf32, #tpu.memory_space<vmem>>) offsets(%dma_start3A_26 : memref<128xi32, #tpu.memory_space<vmem>>) semaphore(%arg14 : memref<!tpu.dma_semaphore, #tpu.memory_space<semaphore_mem>>)
    %dma_start3A_30 = arith.constant 2 : i32
    %dma_start3A_31 = arith.constant 0 : i32
    %dma_start3A_32 = tpu.memref_slice %arg7[%dma_start3A_30, %dma_start3A_31] : memref<80x128xi32, #tpu.memory_space<vmem>> -> memref<1x128xi32, #tpu.memory_space<vmem>>
    %dma_start3A_33 = tpu.memref_squeeze %dma_start3A_32 : memref<1x128xi32, #tpu.memory_space<vmem>> -> memref<128xi32, #tpu.memory_space<vmem>>
    %dma_start3A_34 = arith.constant 0 : i32
    %dma_start3A_35 = arith.constant 0 : i32
    %dma_start3A_36 = tpu.memref_slice %arg2[%dma_start3A_34, %dma_start3A_35] : memref<10000x64xf32, #tpu.memory_space<hbm>> -> memref<10000x64xf32, #tpu.memory_space<hbm>>
    tpu.enqueue_indirect_dma source(%dma_start3A_36 : memref<10000x64xf32, #tpu.memory_space<hbm>>) target(%arg11 : memref<128x64xf32, #tpu.memory_space<vmem>>) offsets(%dma_start3A_33 : memref<128xi32, #tpu.memory_space<vmem>>) semaphore(%arg15 : memref<!tpu.dma_semaphore, #tpu.memory_space<semaphore_mem>>)
    %mul3A_37 = arith.constant 640 : i32
    %mul3A_38 = arith.muli %arg1, %mul3A_37 : i32
    "tpu.region"() ({
      %run_scoped3A = tpu.sem_alloc : memref<!tpu.dma_semaphore, #tpu.memory_space<semaphore_mem>>
      %dma_start3A_74 = arith.constant 0 : i32
      %dma_start3A_75 = tpu.memref_slice %arg21[%mul3A_38, %dma_start3A_74] : memref<10240x64xf32, #tpu.memory_space<vmem_shared>> -> memref<640x64xf32, #tpu.memory_space<vmem_shared>>
      tpu.enqueue_dma source(%arg5 : memref<640x64xf32, #tpu.memory_space<hbm>>) target(%dma_start3A_75 : memref<640x64xf32, #tpu.memory_space<vmem_shared>>) target_semaphore(%run_scoped3A : memref<!tpu.dma_semaphore, #tpu.memory_space<semaphore_mem>>)
      %dma_wait3A_76 = arith.constant 0 : i32
      %dma_wait3A_77 = tpu.memref_slice %arg21[%mul3A_38, %dma_wait3A_76] : memref<10240x64xf32, #tpu.memory_space<vmem_shared>> -> memref<640x64xf32, #tpu.memory_space<vmem_shared>>
      tpu.wait_dma2 semaphore(%run_scoped3A : memref<!tpu.dma_semaphore, #tpu.memory_space<semaphore_mem>>) src(%arg5 : memref<640x64xf32, #tpu.memory_space<hbm>>) dst(%dma_wait3A_77 : memref<640x64xf32, #tpu.memory_space<vmem_shared>>)
      tpu.yield
    }) : () -> ()
    %barrier3A = arith.constant 0 : index
    tpu.barrier barrier_id(%barrier3A)
    %scan3A = arith.constant 0 : i32
    %scan3A_39 = arith.constant 0 : i32
    %scan3A_40 = arith.constant 20 : i32
    %scan3A_41 = arith.addi %scan3A_39, %scan3A_40 : i32
    %scan3A_42 = arith.constant 1 : i32
    scf.for %scan3A_74 = %scan3A_39 to %scan3A_41 step %scan3A_42  : i32 {
      %mul3A_75 = arith.constant 4 : i32
      %mul3A_76 = arith.muli %mul3A_75, %scan3A_74 : i32
      %add3A_77 = arith.constant 0 : i32
      %add3A_78 = arith.addi %mul3A_76, %add3A_77 : i32
      %add3A_79 = arith.constant 3 : i32
      %add3A_80 = arith.addi %add3A_78, %add3A_79 : i32
      %ge3A = arith.constant 4 : i32
      %ge3A_81 = arith.cmpi sge, %add3A_80, %ge3A : i32
      %lt3A_82 = arith.constant 80 : i32
      %lt3A_83 = arith.cmpi slt, %add3A_80, %lt3A_82 : i32
      %and3A = arith.andi %ge3A_81, %lt3A_83 : i1
      %convert_element_type3A_84 = arith.extui %and3A : i1 to i32
      %cond3A_85 = arith.constant 0 : i32
      %cond3A_86 = arith.cmpi ne, %convert_element_type3A_84, %cond3A_85 : i32
      scf.if %cond3A_86 {
        %dma_wait3A_199 = arith.constant 0 : i32
        %dma_wait3A_200 = arith.constant 0 : i32
        %dma_wait3A_201 = tpu.memref_slice %arg21[%dma_wait3A_199, %dma_wait3A_200] : memref<10240x64xf32, #tpu.memory_space<vmem_shared>> -> memref<128x64xf32, #tpu.memory_space<vmem_shared>>
        %dma_wait3A_202 = arith.constant 0 : i32
        %dma_wait3A_203 = arith.constant 0 : i32
        %dma_wait3A_204 = tpu.memref_slice %arg21[%dma_wait3A_202, %dma_wait3A_203] : memref<10240x64xf32, #tpu.memory_space<vmem_shared>> -> memref<128x64xf32, #tpu.memory_space<vmem_shared>>
        tpu.wait_dma2 semaphore(%arg20 : memref<!tpu.dma_semaphore, #tpu.memory_space<semaphore_mem>>) src(%arg12 : memref<128x64xf32, #tpu.memory_space<vmem>>) dst(%dma_wait3A_204 : memref<128x64xf32, #tpu.memory_space<vmem_shared>>)
      } else {
      }
      %lt3A_87 = arith.constant 80 : i32
      %lt3A_88 = arith.cmpi slt, %add3A_80, %lt3A_87 : i32
      %convert_element_type3A_89 = arith.extui %lt3A_88 : i1 to i32
      %cond3A_90 = arith.constant 0 : i32
      %cond3A_91 = arith.cmpi ne, %convert_element_type3A_89, %cond3A_90 : i32
      scf.if %cond3A_91 {
        %dma_start3A_199 = arith.constant 0 : i32
        %dma_start3A_200 = tpu.memref_slice %arg7[%add3A_80, %dma_start3A_199] : memref<80x128xi32, #tpu.memory_space<vmem>> -> memref<1x128xi32, #tpu.memory_space<vmem>>
        %dma_start3A_201 = tpu.memref_squeeze %dma_start3A_200 : memref<1x128xi32, #tpu.memory_space<vmem>> -> memref<128xi32, #tpu.memory_space<vmem>>
        %dma_start3A_202 = arith.constant 0 : i32
        %dma_start3A_203 = arith.constant 0 : i32
        %dma_start3A_204 = tpu.memref_slice %arg2[%dma_start3A_202, %dma_start3A_203] : memref<10000x64xf32, #tpu.memory_space<hbm>> -> memref<10000x64xf32, #tpu.memory_space<hbm>>
        tpu.enqueue_indirect_dma source(%dma_start3A_204 : memref<10000x64xf32, #tpu.memory_space<hbm>>) target(%arg12 : memref<128x64xf32, #tpu.memory_space<vmem>>) offsets(%dma_start3A_201 : memref<128xi32, #tpu.memory_space<vmem>>) semaphore(%arg16 : memref<!tpu.dma_semaphore, #tpu.memory_space<semaphore_mem>>)
      } else {
      }
      %dma_wait3A_92 = arith.constant 0 : i32
      %dma_wait3A_93 = arith.constant 0 : i32
      %dma_wait3A_94 = tpu.memref_slice %arg2[%dma_wait3A_92, %dma_wait3A_93] : memref<10000x64xf32, #tpu.memory_space<hbm>> -> memref<128x64xf32, #tpu.memory_space<hbm>>
      %dma_wait3A_95 = arith.constant 0 : i32
      %dma_wait3A_96 = arith.constant 0 : i32
      %dma_wait3A_97 = tpu.memref_slice %arg2[%dma_wait3A_95, %dma_wait3A_96] : memref<10000x64xf32, #tpu.memory_space<hbm>> -> memref<128x64xf32, #tpu.memory_space<hbm>>
      tpu.wait_dma2 semaphore(%arg13 : memref<!tpu.dma_semaphore, #tpu.memory_space<semaphore_mem>>) src(%dma_wait3A_97 : memref<128x64xf32, #tpu.memory_space<hbm>>) dst(%arg9 : memref<128x64xf32, #tpu.memory_space<vmem>>)
      %add3A_98 = arith.constant 0 : i32
      %add3A_99 = arith.addi %mul3A_76, %add3A_98 : i32
      %dma_start3A_100 = arith.constant 0 : i32
      %dma_start3A_101 = tpu.memref_slice %arg8[%add3A_99, %dma_start3A_100] : memref<80x128xi32, #tpu.memory_space<vmem>> -> memref<1x128xi32, #tpu.memory_space<vmem>>
      %dma_start3A_102 = tpu.memref_squeeze %dma_start3A_101 : memref<1x128xi32, #tpu.memory_space<vmem>> -> memref<128xi32, #tpu.memory_space<vmem>>
      %dma_start3A_103 = arith.constant 0 : i32
      %dma_start3A_104 = arith.constant 0 : i32
      %dma_start3A_105 = tpu.memref_slice %arg21[%dma_start3A_103, %dma_start3A_104] : memref<10240x64xf32, #tpu.memory_space<vmem_shared>> -> memref<10240x64xf32, #tpu.memory_space<vmem_shared>>
      tpu.enqueue_indirect_dma source(%arg9 : memref<128x64xf32, #tpu.memory_space<vmem>>) target(%dma_start3A_105 : memref<10240x64xf32, #tpu.memory_space<vmem_shared>>) offsets(%dma_start3A_102 : memref<128xi32, #tpu.memory_space<vmem>>) semaphore(%arg17 : memref<!tpu.dma_semaphore, #tpu.memory_space<semaphore_mem>>) {add = true}
      %add3A_106 = arith.constant 1 : i32
      %add3A_107 = arith.addi %mul3A_76, %add3A_106 : i32
      %add3A_108 = arith.constant 3 : i32
      %add3A_109 = arith.addi %add3A_107, %add3A_108 : i32
      %ge3A_110 = arith.constant 4 : i32
      %ge3A_111 = arith.cmpi sge, %add3A_109, %ge3A_110 : i32
      %lt3A_112 = arith.constant 80 : i32
      %lt3A_113 = arith.cmpi slt, %add3A_109, %lt3A_112 : i32
      %and3A_114 = arith.andi %ge3A_111, %lt3A_113 : i1
      %convert_element_type3A_115 = arith.extui %and3A_114 : i1 to i32
      %cond3A_116 = arith.constant 0 : i32
      %cond3A_117 = arith.cmpi ne, %convert_element_type3A_115, %cond3A_116 : i32
      scf.if %cond3A_117 {
        %dma_wait3A_199 = arith.constant 0 : i32
        %dma_wait3A_200 = arith.constant 0 : i32
        %dma_wait3A_201 = tpu.memref_slice %arg21[%dma_wait3A_199, %dma_wait3A_200] : memref<10240x64xf32, #tpu.memory_space<vmem_shared>> -> memref<128x64xf32, #tpu.memory_space<vmem_shared>>
        %dma_wait3A_202 = arith.constant 0 : i32
        %dma_wait3A_203 = arith.constant 0 : i32
        %dma_wait3A_204 = tpu.memref_slice %arg21[%dma_wait3A_202, %dma_wait3A_203] : memref<10240x64xf32, #tpu.memory_space<vmem_shared>> -> memref<128x64xf32, #tpu.memory_space<vmem_shared>>
        tpu.wait_dma2 semaphore(%arg17 : memref<!tpu.dma_semaphore, #tpu.memory_space<semaphore_mem>>) src(%arg9 : memref<128x64xf32, #tpu.memory_space<vmem>>) dst(%dma_wait3A_204 : memref<128x64xf32, #tpu.memory_space<vmem_shared>>)
      } else {
      }
      %lt3A_118 = arith.constant 80 : i32
      %lt3A_119 = arith.cmpi slt, %add3A_109, %lt3A_118 : i32
      %convert_element_type3A_120 = arith.extui %lt3A_119 : i1 to i32
      %cond3A_121 = arith.constant 0 : i32
      %cond3A_122 = arith.cmpi ne, %convert_element_type3A_120, %cond3A_121 : i32
      scf.if %cond3A_122 {
        %dma_start3A_199 = arith.constant 0 : i32
        %dma_start3A_200 = tpu.memref_slice %arg7[%add3A_109, %dma_start3A_199] : memref<80x128xi32, #tpu.memory_space<vmem>> -> memref<1x128xi32, #tpu.memory_space<vmem>>
        %dma_start3A_201 = tpu.memref_squeeze %dma_start3A_200 : memref<1x128xi32, #tpu.memory_space<vmem>> -> memref<128xi32, #tpu.memory_space<vmem>>
        %dma_start3A_202 = arith.constant 0 : i32
        %dma_start3A_203 = arith.constant 0 : i32
        %dma_start3A_204 = tpu.memref_slice %arg2[%dma_start3A_202, %dma_start3A_203] : memref<10000x64xf32, #tpu.memory_space<hbm>> -> memref<10000x64xf32, #tpu.memory_space<hbm>>
        tpu.enqueue_indirect_dma source(%dma_start3A_204 : memref<10000x64xf32, #tpu.memory_space<hbm>>) target(%arg9 : memref<128x64xf32, #tpu.memory_space<vmem>>) offsets(%dma_start3A_201 : memref<128xi32, #tpu.memory_space<vmem>>) semaphore(%arg13 : memref<!tpu.dma_semaphore, #tpu.memory_space<semaphore_mem>>)
      } else {
      }
      %dma_wait3A_123 = arith.constant 0 : i32
      %dma_wait3A_124 = arith.constant 0 : i32
      %dma_wait3A_125 = tpu.memref_slice %arg2[%dma_wait3A_123, %dma_wait3A_124] : memref<10000x64xf32, #tpu.memory_space<hbm>> -> memref<128x64xf32, #tpu.memory_space<hbm>>
      %dma_wait3A_126 = arith.constant 0 : i32
      %dma_wait3A_127 = arith.constant 0 : i32
      %dma_wait3A_128 = tpu.memref_slice %arg2[%dma_wait3A_126, %dma_wait3A_127] : memref<10000x64xf32, #tpu.memory_space<hbm>> -> memref<128x64xf32, #tpu.memory_space<hbm>>
      tpu.wait_dma2 semaphore(%arg14 : memref<!tpu.dma_semaphore, #tpu.memory_space<semaphore_mem>>) src(%dma_wait3A_128 : memref<128x64xf32, #tpu.memory_space<hbm>>) dst(%arg10 : memref<128x64xf32, #tpu.memory_space<vmem>>)
      %add3A_129 = arith.constant 1 : i32
      %add3A_130 = arith.addi %mul3A_76, %add3A_129 : i32
      %dma_start3A_131 = arith.constant 0 : i32
      %dma_start3A_132 = tpu.memref_slice %arg8[%add3A_130, %dma_start3A_131] : memref<80x128xi32, #tpu.memory_space<vmem>> -> memref<1x128xi32, #tpu.memory_space<vmem>>
      %dma_start3A_133 = tpu.memref_squeeze %dma_start3A_132 : memref<1x128xi32, #tpu.memory_space<vmem>> -> memref<128xi32, #tpu.memory_space<vmem>>
      %dma_start3A_134 = arith.constant 0 : i32
      %dma_start3A_135 = arith.constant 0 : i32
      %dma_start3A_136 = tpu.memref_slice %arg21[%dma_start3A_134, %dma_start3A_135] : memref<10240x64xf32, #tpu.memory_space<vmem_shared>> -> memref<10240x64xf32, #tpu.memory_space<vmem_shared>>
      tpu.enqueue_indirect_dma source(%arg10 : memref<128x64xf32, #tpu.memory_space<vmem>>) target(%dma_start3A_136 : memref<10240x64xf32, #tpu.memory_space<vmem_shared>>) offsets(%dma_start3A_133 : memref<128xi32, #tpu.memory_space<vmem>>) semaphore(%arg18 : memref<!tpu.dma_semaphore, #tpu.memory_space<semaphore_mem>>) {add = true}
      %add3A_137 = arith.constant 2 : i32
      %add3A_138 = arith.addi %mul3A_76, %add3A_137 : i32
      %add3A_139 = arith.constant 3 : i32
      %add3A_140 = arith.addi %add3A_138, %add3A_139 : i32
      %ge3A_141 = arith.constant 4 : i32
      %ge3A_142 = arith.cmpi sge, %add3A_140, %ge3A_141 : i32
      %lt3A_143 = arith.constant 80 : i32
      %lt3A_144 = arith.cmpi slt, %add3A_140, %lt3A_143 : i32
      %and3A_145 = arith.andi %ge3A_142, %lt3A_144 : i1
      %convert_element_type3A_146 = arith.extui %and3A_145 : i1 to i32
      %cond3A_147 = arith.constant 0 : i32
      %cond3A_148 = arith.cmpi ne, %convert_element_type3A_146, %cond3A_147 : i32
      scf.if %cond3A_148 {
        %dma_wait3A_199 = arith.constant 0 : i32
        %dma_wait3A_200 = arith.constant 0 : i32
        %dma_wait3A_201 = tpu.memref_slice %arg21[%dma_wait3A_199, %dma_wait3A_200] : memref<10240x64xf32, #tpu.memory_space<vmem_shared>> -> memref<128x64xf32, #tpu.memory_space<vmem_shared>>
        %dma_wait3A_202 = arith.constant 0 : i32
        %dma_wait3A_203 = arith.constant 0 : i32
        %dma_wait3A_204 = tpu.memref_slice %arg21[%dma_wait3A_202, %dma_wait3A_203] : memref<10240x64xf32, #tpu.memory_space<vmem_shared>> -> memref<128x64xf32, #tpu.memory_space<vmem_shared>>
        tpu.wait_dma2 semaphore(%arg18 : memref<!tpu.dma_semaphore, #tpu.memory_space<semaphore_mem>>) src(%arg10 : memref<128x64xf32, #tpu.memory_space<vmem>>) dst(%dma_wait3A_204 : memref<128x64xf32, #tpu.memory_space<vmem_shared>>)
      } else {
      }
      %lt3A_149 = arith.constant 80 : i32
      %lt3A_150 = arith.cmpi slt, %add3A_140, %lt3A_149 : i32
      %convert_element_type3A_151 = arith.extui %lt3A_150 : i1 to i32
      %cond3A_152 = arith.constant 0 : i32
      %cond3A_153 = arith.cmpi ne, %convert_element_type3A_151, %cond3A_152 : i32
      scf.if %cond3A_153 {
        %dma_start3A_199 = arith.constant 0 : i32
        %dma_start3A_200 = tpu.memref_slice %arg7[%add3A_140, %dma_start3A_199] : memref<80x128xi32, #tpu.memory_space<vmem>> -> memref<1x128xi32, #tpu.memory_space<vmem>>
        %dma_start3A_201 = tpu.memref_squeeze %dma_start3A_200 : memref<1x128xi32, #tpu.memory_space<vmem>> -> memref<128xi32, #tpu.memory_space<vmem>>
        %dma_start3A_202 = arith.constant 0 : i32
        %dma_start3A_203 = arith.constant 0 : i32
        %dma_start3A_204 = tpu.memref_slice %arg2[%dma_start3A_202, %dma_start3A_203] : memref<10000x64xf32, #tpu.memory_space<hbm>> -> memref<10000x64xf32, #tpu.memory_space<hbm>>
        tpu.enqueue_indirect_dma source(%dma_start3A_204 : memref<10000x64xf32, #tpu.memory_space<hbm>>) target(%arg10 : memref<128x64xf32, #tpu.memory_space<vmem>>) offsets(%dma_start3A_201 : memref<128xi32, #tpu.memory_space<vmem>>) semaphore(%arg14 : memref<!tpu.dma_semaphore, #tpu.memory_space<semaphore_mem>>)
      } else {
      }
      %dma_wait3A_154 = arith.constant 0 : i32
      %dma_wait3A_155 = arith.constant 0 : i32
      %dma_wait3A_156 = tpu.memref_slice %arg2[%dma_wait3A_154, %dma_wait3A_155] : memref<10000x64xf32, #tpu.memory_space<hbm>> -> memref<128x64xf32, #tpu.memory_space<hbm>>
      %dma_wait3A_157 = arith.constant 0 : i32
      %dma_wait3A_158 = arith.constant 0 : i32
      %dma_wait3A_159 = tpu.memref_slice %arg2[%dma_wait3A_157, %dma_wait3A_158] : memref<10000x64xf32, #tpu.memory_space<hbm>> -> memref<128x64xf32, #tpu.memory_space<hbm>>
      tpu.wait_dma2 semaphore(%arg15 : memref<!tpu.dma_semaphore, #tpu.memory_space<semaphore_mem>>) src(%dma_wait3A_159 : memref<128x64xf32, #tpu.memory_space<hbm>>) dst(%arg11 : memref<128x64xf32, #tpu.memory_space<vmem>>)
      %add3A_160 = arith.constant 2 : i32
      %add3A_161 = arith.addi %mul3A_76, %add3A_160 : i32
      %dma_start3A_162 = arith.constant 0 : i32
      %dma_start3A_163 = tpu.memref_slice %arg8[%add3A_161, %dma_start3A_162] : memref<80x128xi32, #tpu.memory_space<vmem>> -> memref<1x128xi32, #tpu.memory_space<vmem>>
      %dma_start3A_164 = tpu.memref_squeeze %dma_start3A_163 : memref<1x128xi32, #tpu.memory_space<vmem>> -> memref<128xi32, #tpu.memory_space<vmem>>
      %dma_start3A_165 = arith.constant 0 : i32
      %dma_start3A_166 = arith.constant 0 : i32
      %dma_start3A_167 = tpu.memref_slice %arg21[%dma_start3A_165, %dma_start3A_166] : memref<10240x64xf32, #tpu.memory_space<vmem_shared>> -> memref<10240x64xf32, #tpu.memory_space<vmem_shared>>
      tpu.enqueue_indirect_dma source(%arg11 : memref<128x64xf32, #tpu.memory_space<vmem>>) target(%dma_start3A_167 : memref<10240x64xf32, #tpu.memory_space<vmem_shared>>) offsets(%dma_start3A_164 : memref<128xi32, #tpu.memory_space<vmem>>) semaphore(%arg19 : memref<!tpu.dma_semaphore, #tpu.memory_space<semaphore_mem>>) {add = true}
      %add3A_168 = arith.constant 3 : i32
      %add3A_169 = arith.addi %mul3A_76, %add3A_168 : i32
      %add3A_170 = arith.constant 3 : i32
      %add3A_171 = arith.addi %add3A_169, %add3A_170 : i32
      %ge3A_172 = arith.constant 4 : i32
      %ge3A_173 = arith.cmpi sge, %add3A_171, %ge3A_172 : i32
      %lt3A_174 = arith.constant 80 : i32
      %lt3A_175 = arith.cmpi slt, %add3A_171, %lt3A_174 : i32
      %and3A_176 = arith.andi %ge3A_173, %lt3A_175 : i1
      %convert_element_type3A_177 = arith.extui %and3A_176 : i1 to i32
      %cond3A_178 = arith.constant 0 : i32
      %cond3A_179 = arith.cmpi ne, %convert_element_type3A_177, %cond3A_178 : i32
      scf.if %cond3A_179 {
        %dma_wait3A_199 = arith.constant 0 : i32
        %dma_wait3A_200 = arith.constant 0 : i32
        %dma_wait3A_201 = tpu.memref_slice %arg21[%dma_wait3A_199, %dma_wait3A_200] : memref<10240x64xf32, #tpu.memory_space<vmem_shared>> -> memref<128x64xf32, #tpu.memory_space<vmem_shared>>
        %dma_wait3A_202 = arith.constant 0 : i32
        %dma_wait3A_203 = arith.constant 0 : i32
        %dma_wait3A_204 = tpu.memref_slice %arg21[%dma_wait3A_202, %dma_wait3A_203] : memref<10240x64xf32, #tpu.memory_space<vmem_shared>> -> memref<128x64xf32, #tpu.memory_space<vmem_shared>>
        tpu.wait_dma2 semaphore(%arg19 : memref<!tpu.dma_semaphore, #tpu.memory_space<semaphore_mem>>) src(%arg11 : memref<128x64xf32, #tpu.memory_space<vmem>>) dst(%dma_wait3A_204 : memref<128x64xf32, #tpu.memory_space<vmem_shared>>)
      } else {
      }
      %lt3A_180 = arith.constant 80 : i32
      %lt3A_181 = arith.cmpi slt, %add3A_171, %lt3A_180 : i32
      %convert_element_type3A_182 = arith.extui %lt3A_181 : i1 to i32
      %cond3A_183 = arith.constant 0 : i32
      %cond3A_184 = arith.cmpi ne, %convert_element_type3A_182, %cond3A_183 : i32
      scf.if %cond3A_184 {
        %dma_start3A_199 = arith.constant 0 : i32
        %dma_start3A_200 = tpu.memref_slice %arg7[%add3A_171, %dma_start3A_199] : memref<80x128xi32, #tpu.memory_space<vmem>> -> memref<1x128xi32, #tpu.memory_space<vmem>>
        %dma_start3A_201 = tpu.memref_squeeze %dma_start3A_200 : memref<1x128xi32, #tpu.memory_space<vmem>> -> memref<128xi32, #tpu.memory_space<vmem>>
        %dma_start3A_202 = arith.constant 0 : i32
        %dma_start3A_203 = arith.constant 0 : i32
        %dma_start3A_204 = tpu.memref_slice %arg2[%dma_start3A_202, %dma_start3A_203] : memref<10000x64xf32, #tpu.memory_space<hbm>> -> memref<10000x64xf32, #tpu.memory_space<hbm>>
        tpu.enqueue_indirect_dma source(%dma_start3A_204 : memref<10000x64xf32, #tpu.memory_space<hbm>>) target(%arg11 : memref<128x64xf32, #tpu.memory_space<vmem>>) offsets(%dma_start3A_201 : memref<128xi32, #tpu.memory_space<vmem>>) semaphore(%arg15 : memref<!tpu.dma_semaphore, #tpu.memory_space<semaphore_mem>>)
      } else {
      }
      %dma_wait3A_185 = arith.constant 0 : i32
      %dma_wait3A_186 = arith.constant 0 : i32
      %dma_wait3A_187 = tpu.memref_slice %arg2[%dma_wait3A_185, %dma_wait3A_186] : memref<10000x64xf32, #tpu.memory_space<hbm>> -> memref<128x64xf32, #tpu.memory_space<hbm>>
      %dma_wait3A_188 = arith.constant 0 : i32
      %dma_wait3A_189 = arith.constant 0 : i32
      %dma_wait3A_190 = tpu.memref_slice %arg2[%dma_wait3A_188, %dma_wait3A_189] : memref<10000x64xf32, #tpu.memory_space<hbm>> -> memref<128x64xf32, #tpu.memory_space<hbm>>
      tpu.wait_dma2 semaphore(%arg16 : memref<!tpu.dma_semaphore, #tpu.memory_space<semaphore_mem>>) src(%dma_wait3A_190 : memref<128x64xf32, #tpu.memory_space<hbm>>) dst(%arg12 : memref<128x64xf32, #tpu.memory_space<vmem>>)
      %add3A_191 = arith.constant 3 : i32
      %add3A_192 = arith.addi %mul3A_76, %add3A_191 : i32
      %dma_start3A_193 = arith.constant 0 : i32
      %dma_start3A_194 = tpu.memref_slice %arg8[%add3A_192, %dma_start3A_193] : memref<80x128xi32, #tpu.memory_space<vmem>> -> memref<1x128xi32, #tpu.memory_space<vmem>>
      %dma_start3A_195 = tpu.memref_squeeze %dma_start3A_194 : memref<1x128xi32, #tpu.memory_space<vmem>> -> memref<128xi32, #tpu.memory_space<vmem>>
      %dma_start3A_196 = arith.constant 0 : i32
      %dma_start3A_197 = arith.constant 0 : i32
      %dma_start3A_198 = tpu.memref_slice %arg21[%dma_start3A_196, %dma_start3A_197] : memref<10240x64xf32, #tpu.memory_space<vmem_shared>> -> memref<10240x64xf32, #tpu.memory_space<vmem_shared>>
      tpu.enqueue_indirect_dma source(%arg12 : memref<128x64xf32, #tpu.memory_space<vmem>>) target(%dma_start3A_198 : memref<10240x64xf32, #tpu.memory_space<vmem_shared>>) offsets(%dma_start3A_195 : memref<128xi32, #tpu.memory_space<vmem>>) semaphore(%arg20 : memref<!tpu.dma_semaphore, #tpu.memory_space<semaphore_mem>>) {add = true}
    }
    %scan3A_43 = arith.constant 20 : i32
    %dma_wait3A = arith.constant 0 : i32
    %dma_wait3A_44 = arith.constant 0 : i32
    %dma_wait3A_45 = tpu.memref_slice %arg21[%dma_wait3A, %dma_wait3A_44] : memref<10240x64xf32, #tpu.memory_space<vmem_shared>> -> memref<128x64xf32, #tpu.memory_space<vmem_shared>>
    %dma_wait3A_46 = arith.constant 0 : i32
    %dma_wait3A_47 = arith.constant 0 : i32
    %dma_wait3A_48 = tpu.memref_slice %arg21[%dma_wait3A_46, %dma_wait3A_47] : memref<10240x64xf32, #tpu.memory_space<vmem_shared>> -> memref<128x64xf32, #tpu.memory_space<vmem_shared>>
    tpu.wait_dma2 semaphore(%arg17 : memref<!tpu.dma_semaphore, #tpu.memory_space<semaphore_mem>>) src(%arg9 : memref<128x64xf32, #tpu.memory_space<vmem>>) dst(%dma_wait3A_48 : memref<128x64xf32, #tpu.memory_space<vmem_shared>>)
    %dma_wait3A_49 = arith.constant 0 : i32
    %dma_wait3A_50 = arith.constant 0 : i32
    %dma_wait3A_51 = tpu.memref_slice %arg21[%dma_wait3A_49, %dma_wait3A_50] : memref<10240x64xf32, #tpu.memory_space<vmem_shared>> -> memref<128x64xf32, #tpu.memory_space<vmem_shared>>
    %dma_wait3A_52 = arith.constant 0 : i32
    %dma_wait3A_53 = arith.constant 0 : i32
    %dma_wait3A_54 = tpu.memref_slice %arg21[%dma_wait3A_52, %dma_wait3A_53] : memref<10240x64xf32, #tpu.memory_space<vmem_shared>> -> memref<128x64xf32, #tpu.memory_space<vmem_shared>>
    tpu.wait_dma2 semaphore(%arg18 : memref<!tpu.dma_semaphore, #tpu.memory_space<semaphore_mem>>) src(%arg10 : memref<128x64xf32, #tpu.memory_space<vmem>>) dst(%dma_wait3A_54 : memref<128x64xf32, #tpu.memory_space<vmem_shared>>)
    %dma_wait3A_55 = arith.constant 0 : i32
    %dma_wait3A_56 = arith.constant 0 : i32
    %dma_wait3A_57 = tpu.memref_slice %arg21[%dma_wait3A_55, %dma_wait3A_56] : memref<10240x64xf32, #tpu.memory_space<vmem_shared>> -> memref<128x64xf32, #tpu.memory_space<vmem_shared>>
    %dma_wait3A_58 = arith.constant 0 : i32
    %dma_wait3A_59 = arith.constant 0 : i32
    %dma_wait3A_60 = tpu.memref_slice %arg21[%dma_wait3A_58, %dma_wait3A_59] : memref<10240x64xf32, #tpu.memory_space<vmem_shared>> -> memref<128x64xf32, #tpu.memory_space<vmem_shared>>
    tpu.wait_dma2 semaphore(%arg19 : memref<!tpu.dma_semaphore, #tpu.memory_space<semaphore_mem>>) src(%arg11 : memref<128x64xf32, #tpu.memory_space<vmem>>) dst(%dma_wait3A_60 : memref<128x64xf32, #tpu.memory_space<vmem_shared>>)
    %dma_wait3A_61 = arith.constant 0 : i32
    %dma_wait3A_62 = arith.constant 0 : i32
    %dma_wait3A_63 = tpu.memref_slice %arg21[%dma_wait3A_61, %dma_wait3A_62] : memref<10240x64xf32, #tpu.memory_space<vmem_shared>> -> memref<128x64xf32, #tpu.memory_space<vmem_shared>>
    %dma_wait3A_64 = arith.constant 0 : i32
    %dma_wait3A_65 = arith.constant 0 : i32
    %dma_wait3A_66 = tpu.memref_slice %arg21[%dma_wait3A_64, %dma_wait3A_65] : memref<10240x64xf32, #tpu.memory_space<vmem_shared>> -> memref<128x64xf32, #tpu.memory_space<vmem_shared>>
    tpu.wait_dma2 semaphore(%arg20 : memref<!tpu.dma_semaphore, #tpu.memory_space<semaphore_mem>>) src(%arg12 : memref<128x64xf32, #tpu.memory_space<vmem>>) dst(%dma_wait3A_66 : memref<128x64xf32, #tpu.memory_space<vmem_shared>>)
    %barrier3A_67 = arith.constant 0 : index
    tpu.barrier barrier_id(%barrier3A_67)
    %mul3A_68 = arith.constant 640 : i32
    %mul3A_69 = arith.muli %arg1, %mul3A_68 : i32
    %mul3A_70 = arith.constant 640 : i32
    %mul3A_71 = arith.muli %arg1, %mul3A_70 : i32
    %mul3A_72 = arith.constant 64 : i32
    %mul3A_73 = arith.muli %arg0, %mul3A_72 : i32
    "tpu.region"() ({
      %run_scoped3A = tpu.sem_alloc : memref<!tpu.dma_semaphore, #tpu.memory_space<semaphore_mem>>
      %dma_start3A_74 = tpu.memref_slice %arg6[%mul3A_71, %mul3A_73] : memref<10240x128xf32, #tpu.memory_space<hbm>> -> memref<640x64xf32, #tpu.memory_space<hbm>>
      %dma_start3A_75 = arith.constant 0 : i32
      %dma_start3A_76 = tpu.memref_slice %arg21[%mul3A_69, %dma_start3A_75] : memref<10240x64xf32, #tpu.memory_space<vmem_shared>> -> memref<640x64xf32, #tpu.memory_space<vmem_shared>>
      tpu.enqueue_dma source(%dma_start3A_76 : memref<640x64xf32, #tpu.memory_space<vmem_shared>>) target(%dma_start3A_74 : memref<640x64xf32, #tpu.memory_space<hbm>>) target_semaphore(%run_scoped3A : memref<!tpu.dma_semaphore, #tpu.memory_space<semaphore_mem>>)
      %dma_wait3A_77 = tpu.memref_slice %arg6[%mul3A_71, %mul3A_73] : memref<10240x128xf32, #tpu.memory_space<hbm>> -> memref<640x64xf32, #tpu.memory_space<hbm>>
      %dma_wait3A_78 = arith.constant 0 : i32
      %dma_wait3A_79 = tpu.memref_slice %arg21[%mul3A_69, %dma_wait3A_78] : memref<10240x64xf32, #tpu.memory_space<vmem_shared>> -> memref<640x64xf32, #tpu.memory_space<vmem_shared>>
      tpu.wait_dma2 semaphore(%run_scoped3A : memref<!tpu.dma_semaphore, #tpu.memory_space<semaphore_mem>>) src(%dma_wait3A_79 : memref<640x64xf32, #tpu.memory_space<vmem_shared>>) dst(%dma_wait3A_77 : memref<640x64xf32, #tpu.memory_space<hbm>>)
      tpu.yield
    }) : () -> ()
    return
  }
}

module attributes {stable_mosaic.version = 14 : i64} {
  func.func @_tc_scale_body(%arg0: i32, %arg1: memref<1x2000x16xf32, #tpu.memory_space<vmem>>, %arg2: memref<1x2000x16xf32, #tpu.memory_space<vmem>>, %arg3: memref<2000x64xf32, #tpu.memory_space<vmem>>, %arg4: memref<2000x64xf32, #tpu.memory_space<vmem>>, %arg5: memref<2000x64xf32, #tpu.memory_space<vmem>>) attributes {dimension_semantics = [#tpu.dimension_semantics<arbitrary>], iteration_bounds = array<i64: 5>, scalar_prefetch = 0 : i64, scratch_operands = 0 : i64, tpu.core_type = #tpu.core_type<tc>, window_params = [{transform_indices = @transform_0, window_bounds = array<i64: 1, 2000, 16>}, {transform_indices = @transform_1, window_bounds = array<i64: 1, 2000, 16>}, {transform_indices = @transform_2, window_bounds = array<i64: 2000, 64>}, {transform_indices = @transform_3, window_bounds = array<i64: 2000, 64>}, {transform_indices = @transform_4, window_bounds = array<i64: 2000, 64>}]} {
    %get3A = arith.constant 0 : index
    %get3A_0 = arith.constant 0 : index
    %get3A_1 = arith.constant 0 : index
    %get3A_2 = vector.load %arg1[%get3A, %get3A_0, %get3A_1] : memref<1x2000x16xf32, #tpu.memory_space<vmem>>, vector<1x2000x16xf32>
    %get3A_3 = vector.shape_cast %get3A_2 : vector<1x2000x16xf32> to vector<2000x16xf32>
    %slice3A = vector.extract_strided_slice %get3A_3 {offsets = [0, 0], sizes = [2000, 1], strides = [1, 1]} : vector<2000x16xf32> to vector<2000x1xf32>
    %get3A_4 = arith.constant 0 : index
    %get3A_5 = arith.constant 0 : index
    %get3A_6 = arith.constant 0 : index
    %get3A_7 = vector.load %arg2[%get3A_4, %get3A_5, %get3A_6] : memref<1x2000x16xf32, #tpu.memory_space<vmem>>, vector<1x2000x16xf32>
    %get3A_8 = vector.shape_cast %get3A_7 : vector<1x2000x16xf32> to vector<2000x16xf32>
    %slice3A_9 = vector.extract_strided_slice %get3A_8 {offsets = [0, 0], sizes = [2000, 1], strides = [1, 1]} : vector<2000x16xf32> to vector<2000x1xf32>
    %add3A = arith.addf %slice3A, %slice3A_9 : vector<2000x1xf32>
    %add3A_10 = arith.constant 1.000000e+00 : f32
    %add3A_11 = vector.broadcast %add3A_10 : f32 to vector<2000x1xf32>
    %add3A_12 = arith.addf %add3A, %add3A_11 : vector<2000x1xf32>
    %rsqrt3A = math.rsqrt %add3A_12 : vector<2000x1xf32>
    %broadcast_in_dim3A = vector.shape_cast %rsqrt3A : vector<2000x1xf32> to vector<2000x1xf32>
    %broadcast_in_dim3A_13 = vector.broadcast %broadcast_in_dim3A : vector<2000x1xf32> to vector<2000x64xf32>
    %swap3A = arith.constant 0 : index
    %swap3A_14 = arith.constant 0 : index
    %swap3A_15 = vector.load %arg4[%swap3A, %swap3A_14] : memref<2000x64xf32, #tpu.memory_space<vmem>>, vector<2000x64xf32>
    tpu.vector_store %arg4[%swap3A, %swap3A_14], %broadcast_in_dim3A_13 {strides = array<i32>} : memref<2000x64xf32, #tpu.memory_space<vmem>>, vector<2000x64xf32>,
    %get3A_16 = arith.constant 0 : index
    %get3A_17 = arith.constant 0 : index
    %get3A_18 = vector.load %arg3[%get3A_16, %get3A_17] : memref<2000x64xf32, #tpu.memory_space<vmem>>, vector<2000x64xf32>
    %mul3A = arith.mulf %broadcast_in_dim3A_13, %get3A_18 : vector<2000x64xf32>
    %swap3A_19 = arith.constant 0 : index
    %swap3A_20 = arith.constant 0 : index
    %swap3A_21 = vector.load %arg5[%swap3A_19, %swap3A_20] : memref<2000x64xf32, #tpu.memory_space<vmem>>, vector<2000x64xf32>
    tpu.vector_store %arg5[%swap3A_19, %swap3A_20], %mul3A {strides = array<i32>} : memref<2000x64xf32, #tpu.memory_space<vmem>>, vector<2000x64xf32>,
    return
  }
  func.func @transform_0(%arg0: i32) -> (i32, i32, i32) {
    %c0_i32 = arith.constant 0 : i32
    %c0_i32_0 = arith.constant 0 : i32
    %c0_i32_1 = arith.constant 0 : i32
    return %c0_i32, %arg0, %c0_i32_0 : i32, i32, i32
  }
  func.func @transform_1(%arg0: i32) -> (i32, i32, i32) {
    %c1_i32 = arith.constant 1 : i32
    %c0_i32 = arith.constant 0 : i32
    %c0_i32_0 = arith.constant 0 : i32
    return %c1_i32, %arg0, %c0_i32 : i32, i32, i32
  }
  func.func @transform_2(%arg0: i32) -> (i32, i32) {
    %c0_i32 = arith.constant 0 : i32
    %c0_i32_0 = arith.constant 0 : i32
    return %arg0, %c0_i32 : i32, i32
  }
  func.func @transform_3(%arg0: i32) -> (i32, i32) {
    %c0_i32 = arith.constant 0 : i32
    %c0_i32_0 = arith.constant 0 : i32
    return %arg0, %c0_i32 : i32, i32
  }
  func.func @transform_4(%arg0: i32) -> (i32, i32) {
    %c0_i32 = arith.constant 0 : i32
    %c0_i32_0 = arith.constant 0 : i32
    return %arg0, %c0_i32 : i32, i32
  }
}

module attributes {stable_mosaic.version = 14 : i64} {
  func.func @_tc_first_body(%arg0: i32, %arg1: memref<2000x128xf32, #tpu.memory_space<vmem>>, %arg2: memref<128x64xf32, #tpu.memory_space<vmem>>, %arg3: memref<2000x64xf32, #tpu.memory_space<vmem>>) attributes {dimension_semantics = [#tpu.dimension_semantics<arbitrary>], iteration_bounds = array<i64: 5>, scalar_prefetch = 0 : i64, scratch_operands = 0 : i64, tpu.core_type = #tpu.core_type<tc>, window_params = [{transform_indices = @transform_0, window_bounds = array<i64: 2000, 128>}, {pipeline_mode = #tpu.pipeline_mode<synchronous>, transform_indices = @transform_1, window_bounds = array<i64: 128, 64>}, {transform_indices = @transform_2, window_bounds = array<i64: 2000, 64>}]} {
    %get3A = arith.constant 0 : index
    %get3A_0 = arith.constant 0 : index
    %get3A_1 = vector.load %arg1[%get3A, %get3A_0] : memref<2000x128xf32, #tpu.memory_space<vmem>>, vector<2000x128xf32>
    %get3A_2 = arith.constant 0 : index
    %get3A_3 = arith.constant 0 : index
    %get3A_4 = vector.load %arg2[%get3A_2, %get3A_3] : memref<128x64xf32, #tpu.memory_space<vmem>>, vector<128x64xf32>
    %dot_general3A = arith.constant dense<0.000000e+00> : vector<2000x64xf32>
    %dot_general3A_5 = tpu.matmul %get3A_1, %get3A_4, %dot_general3A {dimension_numbers = #tpu.dot_dimension_numbers<[1], [0], [0], [1], [0, 0, 1, 1], [], []>, transpose_lhs_hint = false} : vector<2000x128xf32>, vector<128x64xf32>, vector<2000x64xf32> -> vector<2000x64xf32>
    %swap3A = arith.constant 0 : index
    %swap3A_6 = arith.constant 0 : index
    %swap3A_7 = vector.load %arg3[%swap3A, %swap3A_6] : memref<2000x64xf32, #tpu.memory_space<vmem>>, vector<2000x64xf32>
    tpu.vector_store %arg3[%swap3A, %swap3A_6], %dot_general3A_5 {strides = array<i32>} : memref<2000x64xf32, #tpu.memory_space<vmem>>, vector<2000x64xf32>,
    return
  }
  func.func @transform_0(%arg0: i32) -> (i32, i32) {
    %c0_i32 = arith.constant 0 : i32
    %c0_i32_0 = arith.constant 0 : i32
    return %arg0, %c0_i32 : i32, i32
  }
  func.func @transform_1(%arg0: i32) -> (i32, i32) {
    %c0_i32 = arith.constant 0 : i32
    %c0_i32_0 = arith.constant 0 : i32
    %c0_i32_1 = arith.constant 0 : i32
    return %c0_i32, %c0_i32_0 : i32, i32
  }
  func.func @transform_2(%arg0: i32) -> (i32, i32) {
    %c0_i32 = arith.constant 0 : i32
    %c0_i32_0 = arith.constant 0 : i32
    return %arg0, %c0_i32 : i32, i32
  }
}

module attributes {stable_mosaic.version = 14 : i64} {
  func.func @_tc_mid_body(%arg0: i32, %arg1: memref<2000x128xf32, #tpu.memory_space<vmem>>, %arg2: memref<2000x64xf32, #tpu.memory_space<vmem>>, %arg3: memref<2000x64xf32, #tpu.memory_space<vmem>>, %arg4: memref<1x64xf32, #tpu.memory_space<vmem>>, %arg5: memref<64x64xf32, #tpu.memory_space<vmem>>, %arg6: memref<2000x64xf32, #tpu.memory_space<vmem>>) attributes {dimension_semantics = [#tpu.dimension_semantics<arbitrary>], iteration_bounds = array<i64: 5>, scalar_prefetch = 0 : i64, scratch_operands = 0 : i64, tpu.core_type = #tpu.core_type<tc>, window_params = [{transform_indices = @transform_0, window_bounds = array<i64: 2000, 128>}, {transform_indices = @transform_1, window_bounds = array<i64: 2000, 64>}, {transform_indices = @transform_2, window_bounds = array<i64: 2000, 64>}, {pipeline_mode = #tpu.pipeline_mode<synchronous>, transform_indices = @transform_3, window_bounds = array<i64: 1, 64>}, {pipeline_mode = #tpu.pipeline_mode<synchronous>, transform_indices = @transform_4, window_bounds = array<i64: 64, 64>}, {transform_indices = @transform_5, window_bounds = array<i64: 2000, 64>}]} {
    %get3A = arith.constant 0 : index
    %get3A_0 = arith.constant 0 : index
    %get3A_1 = vector.load %arg1[%get3A, %get3A_0] : memref<2000x128xf32, #tpu.memory_space<vmem>>, vector<2000x64xf32>
    %get3A_2 = arith.constant 0 : index
    %get3A_3 = arith.constant 64 : index
    %get3A_4 = vector.load %arg1[%get3A_2, %get3A_3] : memref<2000x128xf32, #tpu.memory_space<vmem>>, vector<2000x64xf32>
    %add3A = arith.addf %get3A_1, %get3A_4 : vector<2000x64xf32>
    %get3A_5 = arith.constant 0 : index
    %get3A_6 = arith.constant 0 : index
    %get3A_7 = vector.load %arg2[%get3A_5, %get3A_6] : memref<2000x64xf32, #tpu.memory_space<vmem>>, vector<2000x64xf32>
    %add3A_8 = arith.addf %add3A, %get3A_7 : vector<2000x64xf32>
    %get3A_9 = arith.constant 0 : index
    %get3A_10 = arith.constant 0 : index
    %get3A_11 = vector.load %arg3[%get3A_9, %get3A_10] : memref<2000x64xf32, #tpu.memory_space<vmem>>, vector<2000x64xf32>
    %mul3A = arith.mulf %add3A_8, %get3A_11 : vector<2000x64xf32>
    %get3A_12 = arith.constant 0 : index
    %get3A_13 = arith.constant 0 : index
    %get3A_14 = vector.load %arg4[%get3A_12, %get3A_13] : memref<1x64xf32, #tpu.memory_space<vmem>>, vector<1x64xf32>
    %add3A_15 = vector.broadcast %get3A_14 : vector<1x64xf32> to vector<2000x64xf32>
    %add3A_16 = arith.addf %mul3A, %add3A_15 : vector<2000x64xf32>
    %max3A = arith.constant 0.000000e+00 : f32
    %max3A_17 = vector.broadcast %max3A : f32 to vector<2000x64xf32>
    %max3A_18 = arith.maximumf %add3A_16, %max3A_17 : vector<2000x64xf32>
    %get3A_19 = arith.constant 0 : index
    %get3A_20 = arith.constant 0 : index
    %get3A_21 = vector.load %arg3[%get3A_19, %get3A_20] : memref<2000x64xf32, #tpu.memory_space<vmem>>, vector<2000x64xf32>
    %get3A_22 = arith.constant 0 : index
    %get3A_23 = arith.constant 0 : index
    %get3A_24 = vector.load %arg5[%get3A_22, %get3A_23] : memref<64x64xf32, #tpu.memory_space<vmem>>, vector<64x64xf32>
    %dot_general3A = arith.constant dense<0.000000e+00> : vector<2000x64xf32>
    %dot_general3A_25 = tpu.matmul %max3A_18, %get3A_24, %dot_general3A {dimension_numbers = #tpu.dot_dimension_numbers<[1], [0], [0], [1], [0, 0, 1, 1], [], []>, transpose_lhs_hint = false} : vector<2000x64xf32>, vector<64x64xf32>, vector<2000x64xf32> -> vector<2000x64xf32>
    %mul3A_26 = arith.mulf %get3A_21, %dot_general3A_25 : vector<2000x64xf32>
    %swap3A = arith.constant 0 : index
    %swap3A_27 = arith.constant 0 : index
    %swap3A_28 = vector.load %arg6[%swap3A, %swap3A_27] : memref<2000x64xf32, #tpu.memory_space<vmem>>, vector<2000x64xf32>
    tpu.vector_store %arg6[%swap3A, %swap3A_27], %mul3A_26 {strides = array<i32>} : memref<2000x64xf32, #tpu.memory_space<vmem>>, vector<2000x64xf32>,
    return
  }
  func.func @transform_0(%arg0: i32) -> (i32, i32) {
    %c0_i32 = arith.constant 0 : i32
    %c0_i32_0 = arith.constant 0 : i32
    return %arg0, %c0_i32 : i32, i32
  }
  func.func @transform_1(%arg0: i32) -> (i32, i32) {
    %c0_i32 = arith.constant 0 : i32
    %c0_i32_0 = arith.constant 0 : i32
    return %arg0, %c0_i32 : i32, i32
  }
  func.func @transform_2(%arg0: i32) -> (i32, i32) {
    %c0_i32 = arith.constant 0 : i32
    %c0_i32_0 = arith.constant 0 : i32
    return %arg0, %c0_i32 : i32, i32
  }
  func.func @transform_3(%arg0: i32) -> (i32, i32) {
    %c0_i32 = arith.constant 0 : i32
    %c0_i32_0 = arith.constant 0 : i32
    %c0_i32_1 = arith.constant 0 : i32
    return %c0_i32, %c0_i32_0 : i32, i32
  }
  func.func @transform_4(%arg0: i32) -> (i32, i32) {
    %c0_i32 = arith.constant 0 : i32
    %c0_i32_0 = arith.constant 0 : i32
    %c0_i32_1 = arith.constant 0 : i32
    return %c0_i32, %c0_i32_0 : i32, i32
  }
  func.func @transform_5(%arg0: i32) -> (i32, i32) {
    %c0_i32 = arith.constant 0 : i32
    %c0_i32_0 = arith.constant 0 : i32
    return %arg0, %c0_i32 : i32, i32
  }
}

module attributes {stable_mosaic.version = 14 : i64} {
  func.func @_tc_last_body(%arg0: i32, %arg1: memref<2000x128xf32, #tpu.memory_space<vmem>>, %arg2: memref<2000x64xf32, #tpu.memory_space<vmem>>, %arg3: memref<2000x64xf32, #tpu.memory_space<vmem>>, %arg4: memref<1x64xf32, #tpu.memory_space<vmem>>, %arg5: memref<2000x64xf32, #tpu.memory_space<vmem>>) attributes {dimension_semantics = [#tpu.dimension_semantics<arbitrary>], iteration_bounds = array<i64: 5>, scalar_prefetch = 0 : i64, scratch_operands = 0 : i64, tpu.core_type = #tpu.core_type<tc>, window_params = [{transform_indices = @transform_0, window_bounds = array<i64: 2000, 128>}, {transform_indices = @transform_1, window_bounds = array<i64: 2000, 64>}, {transform_indices = @transform_2, window_bounds = array<i64: 2000, 64>}, {pipeline_mode = #tpu.pipeline_mode<synchronous>, transform_indices = @transform_3, window_bounds = array<i64: 1, 64>}, {transform_indices = @transform_4, window_bounds = array<i64: 2000, 64>}]} {
    %get3A = arith.constant 0 : index
    %get3A_0 = arith.constant 0 : index
    %get3A_1 = vector.load %arg1[%get3A, %get3A_0] : memref<2000x128xf32, #tpu.memory_space<vmem>>, vector<2000x64xf32>
    %get3A_2 = arith.constant 0 : index
    %get3A_3 = arith.constant 64 : index
    %get3A_4 = vector.load %arg1[%get3A_2, %get3A_3] : memref<2000x128xf32, #tpu.memory_space<vmem>>, vector<2000x64xf32>
    %add3A = arith.addf %get3A_1, %get3A_4 : vector<2000x64xf32>
    %get3A_5 = arith.constant 0 : index
    %get3A_6 = arith.constant 0 : index
    %get3A_7 = vector.load %arg2[%get3A_5, %get3A_6] : memref<2000x64xf32, #tpu.memory_space<vmem>>, vector<2000x64xf32>
    %add3A_8 = arith.addf %add3A, %get3A_7 : vector<2000x64xf32>
    %get3A_9 = arith.constant 0 : index
    %get3A_10 = arith.constant 0 : index
    %get3A_11 = vector.load %arg3[%get3A_9, %get3A_10] : memref<2000x64xf32, #tpu.memory_space<vmem>>, vector<2000x64xf32>
    %mul3A = arith.mulf %add3A_8, %get3A_11 : vector<2000x64xf32>
    %get3A_12 = arith.constant 0 : index
    %get3A_13 = arith.constant 0 : index
    %get3A_14 = vector.load %arg4[%get3A_12, %get3A_13] : memref<1x64xf32, #tpu.memory_space<vmem>>, vector<1x64xf32>
    %add3A_15 = vector.broadcast %get3A_14 : vector<1x64xf32> to vector<2000x64xf32>
    %add3A_16 = arith.addf %mul3A, %add3A_15 : vector<2000x64xf32>
    %max3A = arith.constant 0.000000e+00 : f32
    %max3A_17 = vector.broadcast %max3A : f32 to vector<2000x64xf32>
    %max3A_18 = arith.maximumf %add3A_16, %max3A_17 : vector<2000x64xf32>
    %swap3A = arith.constant 0 : index
    %swap3A_19 = arith.constant 0 : index
    %swap3A_20 = vector.load %arg5[%swap3A, %swap3A_19] : memref<2000x64xf32, #tpu.memory_space<vmem>>, vector<2000x64xf32>
    tpu.vector_store %arg5[%swap3A, %swap3A_19], %max3A_18 {strides = array<i32>} : memref<2000x64xf32, #tpu.memory_space<vmem>>, vector<2000x64xf32>,
    return
  }
  func.func @transform_0(%arg0: i32) -> (i32, i32) {
    %c0_i32 = arith.constant 0 : i32
    %c0_i32_0 = arith.constant 0 : i32
    return %arg0, %c0_i32 : i32, i32
  }
  func.func @transform_1(%arg0: i32) -> (i32, i32) {
    %c0_i32 = arith.constant 0 : i32
    %c0_i32_0 = arith.constant 0 : i32
    return %arg0, %c0_i32 : i32, i32
  }
  func.func @transform_2(%arg0: i32) -> (i32, i32) {
    %c0_i32 = arith.constant 0 : i32
    %c0_i32_0 = arith.constant 0 : i32
    return %arg0, %c0_i32 : i32, i32
  }
  func.func @transform_3(%arg0: i32) -> (i32, i32) {
    %c0_i32 = arith.constant 0 : i32
    %c0_i32_0 = arith.constant 0 : i32
    %c0_i32_1 = arith.constant 0 : i32
    return %c0_i32, %c0_i32_0 : i32, i32
  }
  func.func @transform_4(%arg0: i32) -> (i32, i32) {
    %c0_i32 = arith.constant 0 : i32
    %c0_i32_0 = arith.constant 0 : i32
    return %arg0, %c0_i32 : i32, i32
  }
}

</mosaic_0001>

<sc_bundles>
// kernel: kernel.15.cloned.1.call-start
scs
__scs_entry_jumppad:
0x0: {  	(pc) =	sbr.rel $0x88, $3  }
0x1: {  	(tag) =	ssettag $0x0;
	lr =	simm.s32 $0x1  }
0x2: {  	[smem:$0x3F95] =	sst lr;
	_ =	strace $0xD0000000  }
0x3: {  	_ = 	snop  }
0x4: {  	_ = 	snop  }
0x5: {  	_ = 	snop  }
0x6: {  	_ = 	snop  }
0x7: {  	_ = 	snop  }
__scs_overlays_trampoline_lowered:
0x8: {  	[smem:$0x3FA4] =	sst s0  }
0x9: {  	[smem:$0x3FA5] =	sst s1  }
0xa: {  	[smem:$0x3FA6] =	sst s2  }
0xb: {  	[smem:$0x3FA7] =	sst s3  }
0xc: {  	[smem:$0x3FA8] =	sst s4  }
0xd: {  	[smem:$0x3FA9] =	sst s5  }
0xe: {  	[smem:$0x3FAA] =	sst s6  }
0xf: {  	[smem:$0x3FAB] =	sst s7  }
0x10: {  	[smem:$0x3FAC] =	sst s8  }
0x11: {  	[smem:$0x3FAD] =	sst s9;
	s0 =	simm.s32 @!p0 $0x0  }
0x12: {  	s1 =	sld [smem:$0x3F93];
	s0 =	simm.s32 @p0 $0x1  }
0x13: {  	[smem:$0x3FAE] =	sst s0;
	s0 =	simm.s32 @!p1 $0x0  }
0x14: {  	s2 =	sld [smem:$0x3F92];
	s0 =	simm.s32 @p1 $0x1  }
0x15: {  	[smem:$0x3FAF] =	sst s0;
	s0 =	simm.s32 @!p2 $0x0  }
0x16: {  	s3 =	sld [smem:$0x3FDB];
	s0 =	simm.s32 @p2 $0x1  }
0x17: {  	s4 =	simm.s32 $0x1BF5;
	[smem:$0x3FB1] =	sst s0  }
0x18: {  	s0 =	sld [smem:$0x3F94];
	_ =	swait.ge [sflag:s4], $0x0  }
0x19: {  	s7 =	sld [smem:$0x3F95]  }
0x1a: {  	s8 =	sadd.s32 $0xFFFFE003, lr  }
0x1b: {  	s9 =	sadd.s32 $0xFFFFFEF7, lr;
	s5 =	simm.s32 $0xFFFFFFFF;
	p2 =	slt.u32 s8, $0xFFFFF086  }
0x1c: {  	p1 =	slt.u32 s9, $0xF7A;
	s5 =	simm.s32 @!p2 $0x0  }
0x1d: {  	s5 =	simm.s32 @p1 $0x1;
	p0 =	seq.s32 s7, s2  }
0x1e: {  	s7 =	smul.u32 @!p0 $0xF7A, s2;
	p2 =	seq.s32 @!p0 s5, $0x0  }
0x1f: {  	s9 =	smul.u32 $0xF7A, s1;
	s8 =	simm.s32 @!p0 $0x1BF5;
	p2 =	por !p2, p0  }
0x20: {  	[sflag:s8] =	ssyncset.s32 @!p0 $0xFFFFF086;
	s6 =	sadd.s32 @!p0 s3, s7;
	s7 =	simm.s32 @!p0 $0x108  }
0x21: {  	s3 =	sadd.s32 s3, s9;
	s6 =	sadd.s32 @!p0 $0x88, s6;
	s7 =	simm.s32 @p2 $0x1082  }
0x22: {  	[simem:s7], [sflag:s8] =	dma.local @!p0 [hbm:s6], $0xF7A  }
0x23: {  	s9 =	sor.u32 $0xD0000000, s2;
	s6 =	simm.s32 $0x108;
	_ =	swait.ge @!p0 [sflag:s8], $0x0  }
0x24: {  	s3 =	sadd.s32 $0x88, s3;
	s6 =	simm.s32 @!p1 $0x1082;
	[sflag:s4] =	ssyncset.s32 $0xFFFFF086  }
0x25: {  	[simem:s6], [sflag:s4] =	dma.local [hbm:s3], $0xF7A  }
0x26: {  	[smem:$0x3F95] =	sst s1;
	(tag) =	ssettag s2;
	_ =	strace s9  }
0x27: {  	s1 =	sld [smem:$0x3FA5]  }
0x28: {  	s2 =	sld [smem:$0x3FA6]  }
0x29: {  	s4 =	sld [smem:$0x3FA8]  }
0x2a: {  	p0 =	seq.s32 s5, $0x0;
	s5 =	sld [smem:$0x3FA9]  }
0x2b: {  	s6 =	sld [smem:$0x3FAA]  }
0x2c: {  	s7 =	sld [smem:$0x3FAB]  }
0x2d: {  	s3 =	simm.s32 $0x108;
	s8 =	sld [smem:$0x3FAC]  }
0x2e: {  	s3 =	simm.s32 @!p0 $0x1082;
	s9 =	sld [smem:$0x3FAD]  }
0x2f: {  	lr =	sadd.s32 s0, s3;
	s0 =	sld [smem:$0x3FA4]  }
0x30: {  	s3 =	sld [smem:$0x3FA7]  }
0x31: {  	[smem:$0x3FB0] =	sst s10  }
0x32: {  	s10 =	sld [smem:$0x3FAE];
	_ =	sdelay $0x3  }
0x33: {  	p0 =	seq.s32 s10, $0x1;
	s10 =	sld [smem:$0x3FB0];
	_ =	sdelay $0x3  }
0x34: {  	[smem:$0x3FB0] =	sst s10  }
0x35: {  	s10 =	sld [smem:$0x3FAF];
	_ =	sdelay $0x3  }
0x36: {  	p1 =	seq.s32 s10, $0x1;
	s10 =	sld [smem:$0x3FB0];
	_ =	sdelay $0x3  }
0x37: {  	[smem:$0x3FB0] =	sst s10  }
0x38: {  	s10 =	sld [smem:$0x3FB1]  }
0x39: {  	_ = 	snop;
	(pc) =	sbr.ind lr, $3  }
0x3a: {  	_ = 	snop  }
0x3b: {  	_ = 	snop  }
0x3c: {  	p2 =	seq.s32 s10, $0x1;
	s10 =	sld [smem:$0x3FB0]  }
0x3d: {  	_ =	shalt  }
0x3e: {  	_ =	shalt  }
0x3f: {  	_ =	shalt  }
0x40: {  	_ =	shalt  }
0x41: {  	_ =	shalt  }
0x42: {  	_ =	shalt  }
0x43: {  	_ =	shalt  }
0x44: {  	_ =	shalt  }
0x45: {  	_ =	shalt  }
0x46: {  	_ =	shalt  }
0x47: {  	_ =	shalt  }
0x48: {  	_ =	shalt  }
0x49: {  	_ =	shalt  }
0x4a: {  	_ =	shalt  }
0x4b: {  	_ =	shalt  }
0x4c: {  	_ =	shalt  }
0x4d: {  	_ =	shalt  }
0x4e: {  	_ =	shalt  }
0x4f: {  	_ =	shalt  }
0x50: {  	_ =	shalt  }
0x51: {  	_ =	shalt  }
0x52: {  	_ =	shalt  }
0x53: {  	_ =	shalt  }
0x54: {  	_ =	shalt  }
0x55: {  	_ =	shalt  }
0x56: {  	_ =	shalt  }
0x57: {  	_ =	shalt  }
0x58: {  	_ =	shalt  }
0x59: {  	_ =	shalt  }
0x5a: {  	_ =	shalt  }
0x5b: {  	_ =	shalt  }
0x5c: {  	_ =	shalt  }
0x5d: {  	_ =	shalt  }
0x5e: {  	_ =	shalt  }
0x5f: {  	_ =	shalt  }
0x60: {  	_ =	shalt  }
0x61: {  	_ =	shalt  }
0x62: {  	_ =	shalt  }
0x63: {  	_ =	shalt  }
0x64: {  	_ =	shalt  }
0x65: {  	_ =	shalt  }
0x66: {  	_ =	shalt  }
0x67: {  	_ =	shalt  }
0x68: {  	_ =	shalt  }
0x69: {  	_ =	shalt  }
0x6a: {  	_ =	shalt  }
0x6b: {  	_ =	shalt  }
0x6c: {  	_ =	shalt  }
0x6d: {  	_ =	shalt  }
0x6e: {  	_ =	shalt  }
0x6f: {  	_ =	shalt  }
0x70: {  	_ =	shalt  }
0x71: {  	_ =	shalt  }
0x72: {  	_ =	shalt  }
0x73: {  	_ =	shalt  }
0x74: {  	_ =	shalt  }
0x75: {  	_ =	shalt  }
0x76: {  	_ =	shalt  }
0x77: {  	_ =	shalt  }
0x78: {  	_ =	shalt  }
0x79: {  	_ =	shalt  }
0x7a: {  	_ =	shalt  }
0x7b: {  	_ =	shalt  }
0x7c: {  	_ =	shalt  }
0x7d: {  	_ =	shalt  }
0x7e: {  	_ =	shalt  }
0x7f: {  	_ =	shalt  }
0x80: {  	_ =	shalt  }
0x81: {  	_ =	shalt  }
0x82: {  	_ =	shalt  }
0x83: {  	_ =	shalt  }
0x84: {  	_ =	shalt  }
0x85: {  	_ =	shalt  }
0x86: {  	_ =	shalt  }
0x87: {  	_ =	shalt  }
.Lfunc_end0:
.L_simem_size_0:
called_computation_lowered:
.L_overlay_start_0:
0x88: {  	s2 =	sld [smem:$0x3FD9]  }
0x89: {  	s3 =	sld [smem:$0x3FFE];
	_ =	sdelay $0x1  }
0x8a: {  	s1 =	srdreg.scid  }
0x8b: {  	s0 =	sand.u32 $0x1, s1  }
0x8c: {  	s17 =	sshll.u32 s0, $0xA;
	s2 =	sadd.s32 s3, s2  }
0x8d: {  	s2 =	sadd.s32 s2, s17  }
0x8e: {  	[smem:$0x3FBC] =	sst s2  }
0x8f: {  	_ = 	snop  }
0x90: {  	s2 =	sld [smem:$0x3FD0];
	(tm) =	ssettm $0x1  }
0x91: {  	s18 =	sld [smem:$0x3FFB];
	_ =	sdelay $0x3  }
0x92: {  	_ =	strace s18  }
0x93: {  	s3 =	sld [smem:$0x3FFC];
	_ =	sdelay $0x3  }
0x94: {  	_ =	strace s3  }
0x95: {  	s3 =	sld [smem:$0x3FFD];
	_ =	sdelay $0x3  }
0x96: {  	_ =	strace s3  }
0x97: {  	_ =	strace $0x8FFFFFFF  }
0x98: {  	s19 =	sld [smem:$0x3FDB];
	_ =	sdelay $0x1  }
0x99: {  	s4 =	simm.s32 $_scs_section_size  }
0x9a: {  	s5 =	simm.s32 $_size__tile_overlayer_lowered;
	s6 =	simm.s32 $_tile_overlayer_lowered  }
0x9b: {  	s22 =	simm.s32 $0x1BFF;
	s21 =	sshll.u32 s6, $0x1;
	s3 =	sadd.s32 s4, s19  }
0x9c: {  	s7 =	simm.s32 $0x0;
	s20 =	sshll.u32 s5, $0x1;
	s5 =	sadd.s32 s21, s3  }
0x9d: {  	[timem:s7], [sflag:s22] =	dma.local [hbm:s5], s20  }
0x9e: {  	_ =	swait.ge [sflag:s22], s20  }
0x9f: {  	s4 =	ssub.s32 $0x0, s20;
	[sflag:s22] =	ssyncset.done $0x0  }
0xa0: {  	[sflag:s22] =	ssyncadd.s32 s4;
	_ =	sdelay $0x1  }
0xa1: {  	s23 =	simm.s32 $0x1B8B  }
0xa2: {  	_ =	swait.ge [sflag:s23], $0x1  }
0xa3: {  	[sflag:s23] =	ssyncset.done $0x0  }
0xa4: {  	s25 =	simm.s32 $0x1B8E;
	s24 =	sld [smem:$0x3FFE];
	[sflag:s23] =	ssyncadd.s32 $0xFFFFFFFF  }
0xa5: {  	s26 =	simm.s32 $execute0_lowered;
	[smem:$0x3FD2] =	sst s25  }
0xa6: {  	s5 =	sshll.u32 s26, $0x1;
	_ =	strace $0x80000046;
	[dreg:$0x1] =	wrdreg $0xFFFFFFFF  }
0xa7: {  	s28 =	simm.s32 $_size_execute0_lowered;
	s3 =	sadd.s32 s3, s5;
	[dreg:$0x0] =	wrdreg $0x0  }
0xa8: {  	s5 =	sshll.u32 s28, $0x1;
	[dreg:$0x2] =	wrdreg s3  }
0xa9: {  	[dreg:$0x3] =	wrdreg s5  }
0xaa: {  	[dreg:$0x4] =	wrdreg $0xC0  }
0xab: {  	_ =	task [dreg:s7], $0x5FFFF  }
0xac: {  	[dreg:$0x1] =	wrdreg $0xFFFFFFFF  }
0xad: {  	[dreg:$0x0] =	wrdreg $0x60  }
0xae: {  	[dreg:$0x2] =	wrdreg s2  }
0xaf: {  	[dreg:$0x3] =	wrdreg s24  }
0xb0: {  	[dreg:$0x4] =	wrdreg $0x30000  }
0xb1: {  	[dreg:$0x5] =	wrdreg $0x9  }
0xb2: {  	_ =	task.clear_ibuf [dreg:s7], $0x6FFFF;
	_ =	strace $0x90000046  }
0xb3: {  	s29 =	simm.s32 $0x9;
	_ =	strace $0x80000048  }
0xb4: {  	_ =	swait.ge [sflag:s29], $0x1  }
0xb5: {  	[sflag:s29] =	ssyncadd.s32 $0xFFFFFFFF  }
0xb6: {  	_ =	strace $0x90000048  }
0xb7: {  	_ =	sfence  }
0xb8: {  	s30 =	sld [smem:$0x0];
	_ =	sdelay $0x2  }
0xb9: {  	s31 =	sshll.u32 s1, $0xD;
	s1 =	sshrl.u32 s1, $0x2  }
0xba: {  	s3 =	sand.u32 $0x4000, s31;
	s1 =	sadd.s32 s1, s30  }
0xbb: {  	s0 =	sor.u32 s3, s0;
	s1 =	sshll.u32 s1, $0x11  }
0xbc: {  	s0 =	sor.u32 s1, s0  }
0xbd: {  	s0 =	sadd.s32 $0x8F2B, s0  }
0xbe: {  	[sflag:s0] =	ssyncadd.remote.s32 $0x1  }
0xbf: {  	_ =	sfence.sel $0xFFFF  }
0xc0: {  	[dreg:$0x0] =	wrdreg $0xFFFFFFFF;
	(pc) =	sbr.abs _section_cstart, $3  }
0xc1: {  	[dreg:$0x1] =	wrdreg $0xFFFFFFFF  }
0xc2: {  	_ =	task.clear_ibuf [dreg:s7], $0x2FFFF;
	_ =	strace $0x9FFFFFFF  }
0xc3: {  	(tm) =	ssettm $0x7FFFFFFF  }
tec
execute0_lowered:
.L_overlay_start_1:
0x0: {  	(tag) =	ssettag $0x1  }
0x1: {  	s8 =	rddreg [dreg:$0x0]  }
0x2: {  	s9 =	rddreg [dreg:$0x1]  }
0x3: {  	s2 =	rddreg [dreg:$0x2]  }
0x4: {  	s0 =	rddreg [dreg:$0x3]  }
0x5: {  	s3 =	simm.s32 $0x0;
	s4 =	srdreg.scid;
	s1 =	stileid.u32  }
0x6: {  	s16 =	simm.s32 $0x100;
	s17 =	simm.s32 $0x180;
	s18 =	simm.s32 $0x1  }
0x7: {  	s19 =	simm.s32 $0x2;
	s20 =	simm.s32 $0x3;
	s21 =	simm.s32 $0x4  }
0x8: {  	s22 =	simm.s32 $0x0;
	[smem:$0x7FF] =	sst s3;
	s6 =	smul.u32 $0x500, s1  }
0x9: {  	s5 =	sand.u32 $0x1, s4;
	s4 =	sadd.s32 $0x5000, s9;
	s25 =	smul.u32 $0xA000, s1  }
0xa: {  	s31 =	sshll.u32 s1, $0x6;
	_ =	strace $0x80000047;
	s7 =	smul.u32 $0x5000, s5  }
0xb: {  	s10 =	sshll.u32 s5, $0x4;
	s26 =	ssub.s32 $0x2, s5;
	s5 =	sadd.s32 $0x4A00, s9  }
0xc: {  	s12 =	sor.u32 s1, s10;
	s28 =	sshrl.u32 s26, $0x1;
	s29 =	sshrl.u32 s25, $0x2  }
0xd: {  	s6 =	sadd.s32 s6, s7;
	s11 =	smul.u32 $0x2800, s12;
	s14 =	ssub.s32 s26, s28  }
0xe: {  	s15 =	sadd.s32 s29, s2;
	p0 =	seq.s32 s12, $0x1F;
	s13 =	sadd.s32 s6, s9  }
0xf: {  	s6 =	sor.u32 $0x1C05, s31;
	s9 =	sadd.s32 $0x45C0, s9;
	s12 =	sshrl.u32 s15, $0x3  }
0x10: {  	s15 =	simm.s32 $0x80;
	s30 =	sshrl.u32 s11, $0x3;
	s10 =	sadd.s32 $0x5200, s13  }
0x11: {  	s11 =	smax.u32 s14, $0x1;
	s13 =	simm.s32 $0x5;
	s7 =	sadd.s32 s8, s30  }
0x12: {  	s14 =	simm.s32 $0x2800;
	s8 =	sadd.s32 $0x13740, s8;
	s7 =	sadd.s32 $0x9C40, s7  }
.LBB2_1:
0x13: {  	[spmem:s12], [sflag:s6] =	dma.local [hbm:s5], $0x500  }
0x14: {  	_ =	swait.ge [sflag:s13], $0x500  }
0x15: {  	[sflag:s13] =	ssyncset.done $0x0  }
0x16: {  	[sflag:s13] =	ssyncadd.s32 $0xFFFFFB00  }
0x17: {  	[tilespmem:s14], [sflag:$0x5] =	stream.linear.gather [hbm4b:s4+s3], $0x800, $0x38;
	[tilespmem:$0x5800] =	vst v63  }
0x18: {  	_ =	swait.ge [sflag:s13], $0x800  }
0x19: {  	[sflag:s13] =	ssyncset.done $0x0  }
0x1a: {  	s23 =	simm.s32 @p0 $0x0;
	s24 =	simm.s32 @p0 $0x5;
	[sflag:s13] =	ssyncadd.s32 $0xFFFFF800  }
0x1b: {  	[tilespmem:s23], [sflag:$0x5] =	stream.linear.gather @p0 [hbm4b:s8+s23], $0xA00, $0x38;
	[tilespmem:$0x5800] =	vst v63  }
0x1c: {  	_ =	swait.ge @p0 [sflag:s24], $0xA00  }
0x1d: {  	[sflag:s24] =	ssyncset.done @p0 $0x0  }
0x1e: {  	s25 =	simm.s32 @p0 $0xA00;
	[sflag:s24] =	ssyncadd.s32 @p0 $0xFFFFF600  }
0x1f: {  	[tilespmem:s25], [sflag:$0x5] =	stream.linear.gather @p0 [hbm4b:s9+s23], $0x1E00, $0x38;
	[tilespmem:$0x5800] =	vst v63  }
0x20: {  	_ =	swait.ge @p0 [sflag:s24], $0x1E00  }
0x21: {  	[sflag:s24] =	ssyncset.done @p0 $0x0  }
0x22: {  	s23 =	simm.s32 @!p0 $0x0;
	[sflag:s24] =	ssyncadd.s32 @p0 $0xFFFFE200  }
0x23: {  	[tilespmem:s23], [sflag:$0x5] =	stream.linear.gather @!p0 [hbm4b:s7+s23], $0x2800, $0x38;
	[tilespmem:$0x5800] =	vst v63  }
0x24: {  	s23 =	simm.s32 @!p0 $0x5  }
0x25: {  	_ =	swait.ge @!p0 [sflag:s23], $0x2800  }
0x26: {  	[sflag:s23] =	ssyncset.done @!p0 $0x0  }
0x27: {  	[sflag:s23] =	ssyncadd.s32 @!p0 $0xFFFFD800  }
0x28: {  	[bflag:$0x0] =	sbarrier.arrive $0xFFFF  }
0x29: {  	[spmem:s2] =	stream.indirect.scatter.add.f32 [tilespmem:s14], [sflag:$0x1], $0x10, s3, s15, $0xb8;
	[tilespmem:$0x5800] =	vst v63  }
0x2a: {  	_ = 	snop  }
0x2b: {  	[spmem:s2] =	stream.indirect.scatter.add.f32 [tilespmem:s14], [sflag:$0x2], $0x10, s15, s15, $0xb8;
	[tilespmem:$0x5800] =	vst v63  }
0x2c: {  	_ = 	snop  }
0x2d: {  	[spmem:s2] =	stream.indirect.scatter.add.f32 [tilespmem:s14], [sflag:$0x3], $0x10, s16, s15, $0xb8;
	[tilespmem:$0x5800] =	vst v63  }
0x2e: {  	_ = 	snop  }
0x2f: {  	[spmem:s2] =	stream.indirect.scatter.add.f32 [tilespmem:s14], [sflag:$0x4], $0x10, s17, s15, $0xb8;
	[tilespmem:$0x5800] =	vst v63  }
0x30: {  	_ =	swait.ge [sflag:s18], $0x800  }
0x31: {  	[sflag:s18] =	ssyncset.done $0x0  }
0x32: {  	s29 =	simm.s32 $0x200;
	[sflag:s18] =	ssyncadd.s32 $0xFFFFF800  }
0x33: {  	[spmem:s2] =	stream.indirect.scatter.add.f32 [tilespmem:s14], [sflag:$0x1], $0x10, s29, s15, $0xb8;
	[tilespmem:$0x5800] =	vst v63  }
0x34: {  	_ =	swait.ge [sflag:s19], $0x800  }
0x35: {  	[sflag:s19] =	ssyncset.done $0x0  }
0x36: {  	s30 =	simm.s32 $0x280;
	[sflag:s19] =	ssyncadd.s32 $0xFFFFF800  }
0x37: {  	[spmem:s2] =	stream.indirect.scatter.add.f32 [tilespmem:s14], [sflag:$0x2], $0x10, s30, s15, $0xb8;
	[tilespmem:$0x5800] =	vst v63  }
0x38: {  	_ =	swait.ge [sflag:s20], $0x800  }
0x39: {  	[sflag:s20] =	ssyncset.done $0x0  }
0x3a: {  	s31 =	simm.s32 $0x300;
	[sflag:s20] =	ssyncadd.s32 $0xFFFFF800  }
0x3b: {  	[spmem:s2] =	stream.indirect.scatter.add.f32 [tilespmem:s14], [sflag:$0x3], $0x10, s31, s15, $0xb8;
	[tilespmem:$0x5800] =	vst v63  }
0x3c: {  	_ =	swait.ge [sflag:s21], $0x800  }
0x3d: {  	[sflag:s21] =	ssyncset.done $0x0  }
0x3e: {  	s24 =	simm.s32 $0x380;
	s23 =	simm.s32 $0xFFFF7000;
	[sflag:s21] =	ssyncadd.s32 $0xFFFFF800  }
.LBB2_2:
0x3f: {  	[spmem:s2] =	stream.indirect.scatter.add.f32 [tilespmem:s14], [sflag:$0x4], $0x10, s24, s15, $0xb8;
	[tilespmem:$0x5800] =	vst v63  }
0x40: {  	s24 =	smov.u32 s23  }
0x41: {  	p1 =	sne.s32 s23, $0xFFFFF800;
	s23 =	sadd.s32 $0x800, s23;
	_ =	swait.ge [sflag:s18], $0x800  }
0x42: {  	s24 =	sshra.s32 s24, $0x2;
	[sflag:s18] =	ssyncset.done $0x0  }
0x43: {  	s25 =	sadd.s32 $0x2800, s24;
	[sflag:s18] =	ssyncadd.s32 $0xFFFFF800  }
0x44: {  	[spmem:s2] =	stream.indirect.scatter.add.f32 [tilespmem:s14], [sflag:$0x1], $0x10, s25, s15, $0xb8;
	[tilespmem:$0x5800] =	vst v63  }
0x45: {  	_ =	swait.ge [sflag:s19], $0x800  }
0x46: {  	[sflag:s19] =	ssyncset.done $0x0  }
0x47: {  	s25 =	sadd.s32 $0x2880, s24;
	[sflag:s19] =	ssyncadd.s32 $0xFFFFF800  }
0x48: {  	[spmem:s2] =	stream.indirect.scatter.add.f32 [tilespmem:s14], [sflag:$0x2], $0x10, s25, s15, $0xb8;
	[tilespmem:$0x5800] =	vst v63  }
0x49: {  	_ =	swait.ge [sflag:s20], $0x800  }
0x4a: {  	[sflag:s20] =	ssyncset.done $0x0  }
.Ltmp0:
0x4b: {  	s25 =	sadd.s32 $0x2900, s24;
	[sflag:s20] =	ssyncadd.s32 $0xFFFFF800;
	(pc) =	sbr.rel @p1 .LBB2_2-.Ltmp0, $4  }
0x4c: {  	[spmem:s2] =	stream.indirect.scatter.add.f32 [tilespmem:s14], [sflag:$0x3], $0x10, s25, s15, $0xb8;
	[tilespmem:$0x5800] =	vst v63  }
0x4d: {  	_ =	swait.ge [sflag:s21], $0x800  }
0x4e: {  	[sflag:s21] =	ssyncset.done $0x0  }
0x4f: {  	s24 =	sadd.s32 $0x2980, s24;
	[sflag:s21] =	ssyncadd.s32 $0xFFFFF800  }
0x50: {  	[spmem:s2] =	stream.indirect.scatter.add.f32 [tilespmem:s14], [sflag:$0x4], $0x10, s24, s15, $0xb8;
	[tilespmem:$0x5800] =	vst v63  }
0x51: {  	_ =	swait.ge [sflag:s18], $0x800  }
0x52: {  	[sflag:s18] =	ssyncset.done $0x0  }
0x53: {  	[sflag:s18] =	ssyncadd.s32 $0xFFFFF800  }
0x54: {  	_ =	swait.ge [sflag:s19], $0x800  }
0x55: {  	[sflag:s19] =	ssyncset.done $0x0  }
0x56: {  	[sflag:s19] =	ssyncadd.s32 $0xFFFFF800  }
0x57: {  	_ =	swait.ge [sflag:s20], $0x800  }
0x58: {  	[sflag:s20] =	ssyncset.done $0x0  }
0x59: {  	[sflag:s20] =	ssyncadd.s32 $0xFFFFF800  }
0x5a: {  	_ =	swait.ge [sflag:s21], $0x800  }
0x5b: {  	s22 =	sadd.s32 $0x1, s22;
	[sflag:s21] =	ssyncset.done $0x0  }
0x5c: {  	p1 =	sne.s32 s22, s11;
	[sflag:s21] =	ssyncadd.s32 $0xFFFFF800  }
.Ltmp1:
0x5d: {  	[bflag:$0x0] =	sbarrier.arrive $0xFFFF;
	(pc) =	sbr.rel @p1 .LBB2_1-.Ltmp1, $4  }
0x5e: {  	[hbm:s10], [sflag:s6] =	dma.local [spmem:s12], $0x500  }
0x5f: {  	_ =	swait.ge [sflag:s13], $0x500  }
0x60: {  	[sflag:s13] =	ssyncset.done $0x0  }
0x61: {  	[sflag:s13] =	ssyncadd.s32 $0xFFFFFB00  }
0x62: {  	_ =	sfence.sel $0x180000  }
0x63: {  	[bflag:$0x0] =	sbarrier.arrive $0xFFFF  }
0x64: {  	p0 =	sne.s32 s1, $0x0;
	_ =	strace $0x90000047  }
0x65: {  	s0 =	sadd.s32 @!p0 $0x100000, s0;
	[bflag:$0x2] =	sbarrier.arrive $0xFFFF  }
0x66: {  	[sflag:s0] =	ssyncadd.tile.s32 @!p0 $0x1;
	_ =	shalt  }
.Lfunc_end2:
_tile_overlayer_lowered:
.L_overlay_start_2:
0x67: {  	(tag) =	ssettag $0x2  }
0x68: {  	s0 =	rddreg [dreg:$0x0];
	s2 =	stileid.u32  }
0x69: {  	s1 =	rddreg [dreg:$0x1];
	p0 =	sne.s32 s2, $0x0  }
0x6a: {  	s3 =	rddreg [dreg:$0x2];
	[bflag:$0x3] =	sbarrier.arrive $0xFFFF;
	s2 =	simm.s32 @!p0 $0x1C05  }
0x6b: {  	[timem:s3], [sflag:s2] =	dma.local @!p0 [hbm:s0], s1  }
0x6c: {  	s0 =	simm.s32 @!p0 $0x5  }
0x6d: {  	_ =	swait.ge @!p0 [sflag:s0], s1  }
0x6e: {  	s1 =	ssub.s32 @!p0 $0x0, s1;
	[sflag:s0] =	ssyncset.done @!p0 $0x0  }
0x6f: {  	[sflag:s0] =	ssyncadd.s32 @!p0 s1  }
0x70: {  	[bflag:$0x3] =	sbarrier.arrive $0xFFFF  }
0x71: {  	_ =	shalt  }

// kernel: kernel.18.cloned.1.call-start
scs
__scs_entry_jumppad:
0x0: {  	(pc) =	sbr.rel $0x88, $3  }
0x1: {  	(tag) =	ssettag $0x0;
	lr =	simm.s32 $0x1  }
0x2: {  	[smem:$0x3F95] =	sst lr;
	_ =	strace $0xD0000000  }
0x3: {  	_ = 	snop  }
0x4: {  	_ = 	snop  }
0x5: {  	_ = 	snop  }
0x6: {  	_ = 	snop  }
0x7: {  	_ = 	snop  }
__scs_overlays_trampoline_lowered:
0x8: {  	[smem:$0x3FA4] =	sst s0  }
0x9: {  	[smem:$0x3FA5] =	sst s1  }
0xa: {  	[smem:$0x3FA6] =	sst s2  }
0xb: {  	[smem:$0x3FA7] =	sst s3  }
0xc: {  	[smem:$0x3FA8] =	sst s4  }
0xd: {  	[smem:$0x3FA9] =	sst s5  }
0xe: {  	[smem:$0x3FAA] =	sst s6  }
0xf: {  	[smem:$0x3FAB] =	sst s7  }
0x10: {  	[smem:$0x3FAC] =	sst s8  }
0x11: {  	[smem:$0x3FAD] =	sst s9;
	s0 =	simm.s32 @!p0 $0x0  }
0x12: {  	s1 =	sld [smem:$0x3F93];
	s0 =	simm.s32 @p0 $0x1  }
0x13: {  	[smem:$0x3FAE] =	sst s0;
	s0 =	simm.s32 @!p1 $0x0  }
0x14: {  	s2 =	sld [smem:$0x3F92];
	s0 =	simm.s32 @p1 $0x1  }
0x15: {  	[smem:$0x3FAF] =	sst s0;
	s0 =	simm.s32 @!p2 $0x0  }
0x16: {  	s3 =	sld [smem:$0x3FDB];
	s0 =	simm.s32 @p2 $0x1  }
0x17: {  	s4 =	simm.s32 $0x1BF5;
	[smem:$0x3FB1] =	sst s0  }
0x18: {  	s0 =	sld [smem:$0x3F94];
	_ =	swait.ge [sflag:s4], $0x0  }
0x19: {  	s7 =	sld [smem:$0x3F95]  }
0x1a: {  	s8 =	sadd.s32 $0xFFFFE003, lr  }
0x1b: {  	s9 =	sadd.s32 $0xFFFFFEF7, lr;
	s5 =	simm.s32 $0xFFFFFFFF;
	p2 =	slt.u32 s8, $0xFFFFF086  }
0x1c: {  	p1 =	slt.u32 s9, $0xF7A;
	s5 =	simm.s32 @!p2 $0x0  }
0x1d: {  	s5 =	simm.s32 @p1 $0x1;
	p0 =	seq.s32 s7, s2  }
0x1e: {  	s7 =	smul.u32 @!p0 $0xF7A, s2;
	p2 =	seq.s32 @!p0 s5, $0x0  }
0x1f: {  	s9 =	smul.u32 $0xF7A, s1;
	s8 =	simm.s32 @!p0 $0x1BF5;
	p2 =	por !p2, p0  }
0x20: {  	[sflag:s8] =	ssyncset.s32 @!p0 $0xFFFFF086;
	s6 =	sadd.s32 @!p0 s3, s7;
	s7 =	simm.s32 @!p0 $0x108  }
0x21: {  	s3 =	sadd.s32 s3, s9;
	s6 =	sadd.s32 @!p0 $0x88, s6;
	s7 =	simm.s32 @p2 $0x1082  }
0x22: {  	[simem:s7], [sflag:s8] =	dma.local @!p0 [hbm:s6], $0xF7A  }
0x23: {  	s9 =	sor.u32 $0xD0000000, s2;
	s6 =	simm.s32 $0x108;
	_ =	swait.ge @!p0 [sflag:s8], $0x0  }
0x24: {  	s3 =	sadd.s32 $0x88, s3;
	s6 =	simm.s32 @!p1 $0x1082;
	[sflag:s4] =	ssyncset.s32 $0xFFFFF086  }
0x25: {  	[simem:s6], [sflag:s4] =	dma.local [hbm:s3], $0xF7A  }
0x26: {  	[smem:$0x3F95] =	sst s1;
	(tag) =	ssettag s2;
	_ =	strace s9  }
0x27: {  	s1 =	sld [smem:$0x3FA5]  }
0x28: {  	s2 =	sld [smem:$0x3FA6]  }
0x29: {  	s4 =	sld [smem:$0x3FA8]  }
0x2a: {  	p0 =	seq.s32 s5, $0x0;
	s5 =	sld [smem:$0x3FA9]  }
0x2b: {  	s6 =	sld [smem:$0x3FAA]  }
0x2c: {  	s7 =	sld [smem:$0x3FAB]  }
0x2d: {  	s3 =	simm.s32 $0x108;
	s8 =	sld [smem:$0x3FAC]  }
0x2e: {  	s3 =	simm.s32 @!p0 $0x1082;
	s9 =	sld [smem:$0x3FAD]  }
0x2f: {  	lr =	sadd.s32 s0, s3;
	s0 =	sld [smem:$0x3FA4]  }
0x30: {  	s3 =	sld [smem:$0x3FA7]  }
0x31: {  	[smem:$0x3FB0] =	sst s10  }
0x32: {  	s10 =	sld [smem:$0x3FAE];
	_ =	sdelay $0x3  }
0x33: {  	p0 =	seq.s32 s10, $0x1;
	s10 =	sld [smem:$0x3FB0];
	_ =	sdelay $0x3  }
0x34: {  	[smem:$0x3FB0] =	sst s10  }
0x35: {  	s10 =	sld [smem:$0x3FAF];
	_ =	sdelay $0x3  }
0x36: {  	p1 =	seq.s32 s10, $0x1;
	s10 =	sld [smem:$0x3FB0];
	_ =	sdelay $0x3  }
0x37: {  	[smem:$0x3FB0] =	sst s10  }
0x38: {  	s10 =	sld [smem:$0x3FB1]  }
0x39: {  	_ = 	snop;
	(pc) =	sbr.ind lr, $3  }
0x3a: {  	_ = 	snop  }
0x3b: {  	_ = 	snop  }
0x3c: {  	p2 =	seq.s32 s10, $0x1;
	s10 =	sld [smem:$0x3FB0]  }
0x3d: {  	_ =	shalt  }
0x3e: {  	_ =	shalt  }
0x3f: {  	_ =	shalt  }
0x40: {  	_ =	shalt  }
0x41: {  	_ =	shalt  }
0x42: {  	_ =	shalt  }
0x43: {  	_ =	shalt  }
0x44: {  	_ =	shalt  }
0x45: {  	_ =	shalt  }
0x46: {  	_ =	shalt  }
0x47: {  	_ =	shalt  }
0x48: {  	_ =	shalt  }
0x49: {  	_ =	shalt  }
0x4a: {  	_ =	shalt  }
0x4b: {  	_ =	shalt  }
0x4c: {  	_ =	shalt  }
0x4d: {  	_ =	shalt  }
0x4e: {  	_ =	shalt  }
0x4f: {  	_ =	shalt  }
0x50: {  	_ =	shalt  }
0x51: {  	_ =	shalt  }
0x52: {  	_ =	shalt  }
0x53: {  	_ =	shalt  }
0x54: {  	_ =	shalt  }
0x55: {  	_ =	shalt  }
0x56: {  	_ =	shalt  }
0x57: {  	_ =	shalt  }
0x58: {  	_ =	shalt  }
0x59: {  	_ =	shalt  }
0x5a: {  	_ =	shalt  }
0x5b: {  	_ =	shalt  }
0x5c: {  	_ =	shalt  }
0x5d: {  	_ =	shalt  }
0x5e: {  	_ =	shalt  }
0x5f: {  	_ =	shalt  }
0x60: {  	_ =	shalt  }
0x61: {  	_ =	shalt  }
0x62: {  	_ =	shalt  }
0x63: {  	_ =	shalt  }
0x64: {  	_ =	shalt  }
0x65: {  	_ =	shalt  }
0x66: {  	_ =	shalt  }
0x67: {  	_ =	shalt  }
0x68: {  	_ =	shalt  }
0x69: {  	_ =	shalt  }
0x6a: {  	_ =	shalt  }
0x6b: {  	_ =	shalt  }
0x6c: {  	_ =	shalt  }
0x6d: {  	_ =	shalt  }
0x6e: {  	_ =	shalt  }
0x6f: {  	_ =	shalt  }
0x70: {  	_ =	shalt  }
0x71: {  	_ =	shalt  }
0x72: {  	_ =	shalt  }
0x73: {  	_ =	shalt  }
0x74: {  	_ =	shalt  }
0x75: {  	_ =	shalt  }
0x76: {  	_ =	shalt  }
0x77: {  	_ =	shalt  }
0x78: {  	_ =	shalt  }
0x79: {  	_ =	shalt  }
0x7a: {  	_ =	shalt  }
0x7b: {  	_ =	shalt  }
0x7c: {  	_ =	shalt  }
0x7d: {  	_ =	shalt  }
0x7e: {  	_ =	shalt  }
0x7f: {  	_ =	shalt  }
0x80: {  	_ =	shalt  }
0x81: {  	_ =	shalt  }
0x82: {  	_ =	shalt  }
0x83: {  	_ =	shalt  }
0x84: {  	_ =	shalt  }
0x85: {  	_ =	shalt  }
0x86: {  	_ =	shalt  }
0x87: {  	_ =	shalt  }
.Lfunc_end0:
.L_simem_size_0:
called_computation.1_lowered:
.L_overlay_start_0:
0x88: {  	s2 =	sld [smem:$0x3FD9]  }
0x89: {  	s3 =	sld [smem:$0x3FFE];
	_ =	sdelay $0x1  }
0x8a: {  	s1 =	srdreg.scid  }
0x8b: {  	s0 =	sand.u32 $0x1, s1  }
0x8c: {  	s17 =	sshll.u32 s0, $0xA;
	s2 =	sadd.s32 s3, s2  }
0x8d: {  	s2 =	sadd.s32 s2, s17  }
0x8e: {  	[smem:$0x3FBC] =	sst s2  }
0x8f: {  	_ = 	snop  }
0x90: {  	s2 =	sld [smem:$0x3FD0];
	(tm) =	ssettm $0x1  }
0x91: {  	s18 =	sld [smem:$0x3FFB];
	_ =	sdelay $0x3  }
0x92: {  	_ =	strace s18  }
0x93: {  	s3 =	sld [smem:$0x3FFC];
	_ =	sdelay $0x3  }
0x94: {  	_ =	strace s3  }
0x95: {  	s3 =	sld [smem:$0x3FFD];
	_ =	sdelay $0x3  }
0x96: {  	_ =	strace s3  }
0x97: {  	_ =	strace $0x8FFFFFFF  }
0x98: {  	s19 =	sld [smem:$0x3FDB];
	_ =	sdelay $0x1  }
0x99: {  	s4 =	simm.s32 $_scs_section_size  }
0x9a: {  	s5 =	simm.s32 $_size__tile_overlayer_lowered;
	s6 =	simm.s32 $_tile_overlayer_lowered  }
0x9b: {  	s22 =	simm.s32 $0x1BFF;
	s21 =	sshll.u32 s6, $0x1;
	s3 =	sadd.s32 s4, s19  }
0x9c: {  	s7 =	simm.s32 $0x0;
	s20 =	sshll.u32 s5, $0x1;
	s5 =	sadd.s32 s21, s3  }
0x9d: {  	[timem:s7], [sflag:s22] =	dma.local [hbm:s5], s20  }
0x9e: {  	_ =	swait.ge [sflag:s22], s20  }
0x9f: {  	s4 =	ssub.s32 $0x0, s20;
	[sflag:s22] =	ssyncset.done $0x0  }
0xa0: {  	[sflag:s22] =	ssyncadd.s32 s4;
	_ =	sdelay $0x1  }
0xa1: {  	s23 =	simm.s32 $0x1B8B  }
0xa2: {  	_ =	swait.ge [sflag:s23], $0x1  }
0xa3: {  	[sflag:s23] =	ssyncset.done $0x0  }
0xa4: {  	s25 =	simm.s32 $0x1B8E;
	s24 =	sld [smem:$0x3FFE];
	[sflag:s23] =	ssyncadd.s32 $0xFFFFFFFF  }
0xa5: {  	s26 =	simm.s32 $execute0_lowered;
	[smem:$0x3FD2] =	sst s25  }
0xa6: {  	s5 =	sshll.u32 s26, $0x1;
	_ =	strace $0x80000049;
	[dreg:$0x1] =	wrdreg $0xFFFFFFFF  }
0xa7: {  	s28 =	simm.s32 $_size_execute0_lowered;
	s3 =	sadd.s32 s3, s5;
	[dreg:$0x0] =	wrdreg $0x0  }
0xa8: {  	s5 =	sshll.u32 s28, $0x1;
	[dreg:$0x2] =	wrdreg s3  }
0xa9: {  	[dreg:$0x3] =	wrdreg s5  }
0xaa: {  	[dreg:$0x4] =	wrdreg $0xC0  }
0xab: {  	_ =	task [dreg:s7], $0x5FFFF  }
0xac: {  	[dreg:$0x1] =	wrdreg $0xFFFFFFFF  }
0xad: {  	[dreg:$0x0] =	wrdreg $0x60  }
0xae: {  	[dreg:$0x2] =	wrdreg s24  }
0xaf: {  	[dreg:$0x3] =	wrdreg s2  }
0xb0: {  	[dreg:$0x4] =	wrdreg $0xD0000  }
0xb1: {  	[dreg:$0x5] =	wrdreg $0x9  }
0xb2: {  	_ =	task.clear_ibuf [dreg:s7], $0x6FFFF;
	_ =	strace $0x90000049  }
0xb3: {  	s29 =	simm.s32 $0x9;
	_ =	strace $0x8000004B  }
0xb4: {  	_ =	swait.ge [sflag:s29], $0x1  }
0xb5: {  	[sflag:s29] =	ssyncadd.s32 $0xFFFFFFFF  }
0xb6: {  	_ =	strace $0x9000004B  }
0xb7: {  	_ =	sfence  }
0xb8: {  	s30 =	sld [smem:$0x0];
	_ =	sdelay $0x2  }
0xb9: {  	s31 =	sshll.u32 s1, $0xD;
	s1 =	sshrl.u32 s1, $0x2  }
0xba: {  	s3 =	sand.u32 $0x4000, s31;
	s1 =	sadd.s32 s1, s30  }
0xbb: {  	s0 =	sor.u32 s3, s0;
	s1 =	sshll.u32 s1, $0x11  }
0xbc: {  	s0 =	sor.u32 s1, s0  }
0xbd: {  	s0 =	sadd.s32 $0x8F2B, s0  }
0xbe: {  	[sflag:s0] =	ssyncadd.remote.s32 $0x1  }
0xbf: {  	_ =	sfence.sel $0xFFFF  }
0xc0: {  	[dreg:$0x0] =	wrdreg $0xFFFFFFFF;
	(pc) =	sbr.abs _section_cstart, $3  }
0xc1: {  	[dreg:$0x1] =	wrdreg $0xFFFFFFFF  }
0xc2: {  	_ =	task.clear_ibuf [dreg:s7], $0x2FFFF;
	_ =	strace $0x9FFFFFFF  }
0xc3: {  	(tm) =	ssettm $0x7FFFFFFF  }
tec
execute0_lowered:
.L_overlay_start_1:
0x0: {  	(tag) =	ssettag $0x1  }
0x1: {  	s0 =	rddreg [dreg:$0x0]  }
0x2: {  	s2 =	rddreg [dreg:$0x1]  }
0x3: {  	s1 =	rddreg [dreg:$0x2];
	s3 =	simm.s32 $0x0  }
0x4: {  	s24 =	srdreg.scid;
	s17 =	stileid.u32;
	s15 =	simm.s32 $0x5000  }
0x5: {  	s16 =	simm.s32 $0x7000;
	s18 =	simm.s32 $0x9000;
	s21 =	simm.s32 $0x9  }
0x6: {  	s23 =	simm.s32 $0xB000;
	s29 =	simm.s32 $0x2;
	s31 =	simm.s32 $0x6  }
0x7: {  	s30 =	simm.s32 $0x8;
	s22 =	simm.s32 $0x0;
	[smem:$0x7FF] =	sst s3  }
0x8: {  	s3 =	sand.u32 $0x1, s24;
	s6 =	smul.u32 $0x14000, s17;
	s4 =	sadd.s32 $0x4A00, s0  }
0x9: {  	s5 =	sadd.s32 $0x4200, s0;
	s10 =	smul.u32 $0x28000, s17;
	s11 =	sadd.s32 $0x45C0, s0  }
0xa: {  	s28 =	sshll.u32 s17, $0x6;
	s24 =	simm.s32 $0x1;
	_ =	strace $0x8000004A  }
0xb: {  	s7 =	sshll.u32 s3, $0x6;
	s8 =	sshll.u32 s3, $0x4;
	s3 =	ssub.s32 $0x2, s3  }
0xc: {  	s19 =	sor.u32 $0x1C09, s28;
	s7 =	sor.u32 s7, s6;
	s14 =	sor.u32 s17, s8  }
0xd: {  	s6 =	sadd.s32 $0x18400, s0;
	s9 =	sshrl.u32 s3, $0x1;
	s13 =	sshrl.u32 s10, $0x2  }
0xe: {  	s10 =	sadd.s32 $0x13740, s2;
	s17 =	simm.s32 $0x7;
	s8 =	smul.u32 $0x2800, s14  }
0xf: {  	s7 =	sshrl.u32 s7, $0x3;
	s25 =	smul.u32 $0x500, s14;
	s3 =	ssub.s32 s3, s9  }
0x10: {  	s9 =	sadd.s32 $0x9B00, s2;
	s26 =	sadd.s32 s13, s1;
	p0 =	seq.s32 s14, $0x1F  }
0x11: {  	s14 =	simm.s32 $0x80;
	s12 =	sadd.s32 s7, s0;
	s13 =	smax.u32 s3, $0x1  }
0x12: {  	s20 =	sshrl.u32 s26, $0x3;
	s26 =	simm.s32 $0x5;
	s8 =	sshrl.u32 s8, $0x3  }
0x13: {  	s7 =	sadd.s32 s2, s25;
	s12 =	sadd.s32 $0x19800, s12;
	s8 =	sadd.s32 s2, s8  }
0x14: {  	s25 =	simm.s32 $0x4;
	s2 =	simm.s32 $0x3;
	s8 =	sadd.s32 $0x9C40, s8  }
.LBB2_1:
0x15: {  	s0 =	simm.s32 @p0 $0x0;
	s28 =	simm.s32 @p0 $0x9  }
0x16: {  	[tilespmem:s0], [sflag:$0x9] =	stream.linear.gather @p0 [hbm4b:s9+s0], $0xA00, $0x38;
	[tilespmem:$0x17000] =	vst v63  }
0x17: {  	_ =	swait.ge @p0 [sflag:s28], $0xA00  }
0x18: {  	[sflag:s28] =	ssyncset.done @p0 $0x0  }
0x19: {  	s3 =	simm.s32 @p0 $0xA00;
	[sflag:s28] =	ssyncadd.s32 @p0 $0xFFFFF600  }
0x1a: {  	[tilespmem:s3], [sflag:$0x9] =	stream.linear.gather @p0 [hbm4b:s5+s0], $0x1E00, $0x38;
	[tilespmem:$0x17000] =	vst v63  }
0x1b: {  	_ =	swait.ge @p0 [sflag:s28], $0x1E00  }
0x1c: {  	[sflag:s28] =	ssyncset.done @p0 $0x0  }
0x1d: {  	s3 =	simm.s32 @p0 $0x2800;
	[sflag:s28] =	ssyncadd.s32 @p0 $0xFFFFE200  }
0x1e: {  	[tilespmem:s3], [sflag:$0x9] =	stream.linear.gather @p0 [hbm4b:s10+s0], $0xA00, $0x38;
	[tilespmem:$0x17000] =	vst v63  }
0x1f: {  	_ =	swait.ge @p0 [sflag:s28], $0xA00  }
0x20: {  	[sflag:s28] =	ssyncset.done @p0 $0x0  }
0x21: {  	s3 =	simm.s32 @p0 $0x3200;
	[sflag:s28] =	ssyncadd.s32 @p0 $0xFFFFF600  }
0x22: {  	[tilespmem:s3], [sflag:$0x9] =	stream.linear.gather @p0 [hbm4b:s11+s0], $0x1E00, $0x38;
	[tilespmem:$0x17000] =	vst v63  }
0x23: {  	_ =	swait.ge @p0 [sflag:s28], $0x1E00  }
0x24: {  	[sflag:s28] =	ssyncset.done @p0 $0x0  }
0x25: {  	s0 =	simm.s32 @!p0 $0x0;
	s3 =	simm.s32 @!p0 $0x9;
	[sflag:s28] =	ssyncadd.s32 @p0 $0xFFFFE200  }
0x26: {  	[tilespmem:s0], [sflag:$0x9] =	stream.linear.gather @!p0 [hbm4b:s7+s0], $0x2800, $0x38;
	[tilespmem:$0x17000] =	vst v63  }
0x27: {  	_ =	swait.ge @!p0 [sflag:s3], $0x2800  }
0x28: {  	[sflag:s3] =	ssyncset.done @!p0 $0x0  }
0x29: {  	s28 =	simm.s32 @!p0 $0x2800;
	[sflag:s3] =	ssyncadd.s32 @!p0 $0xFFFFD800  }
0x2a: {  	[tilespmem:s28], [sflag:$0x9] =	stream.linear.gather @!p0 [hbm4b:s8+s0], $0x2800, $0x38;
	[tilespmem:$0x17000] =	vst v63  }
0x2b: {  	_ =	swait.ge @!p0 [sflag:s3], $0x2800  }
0x2c: {  	[sflag:s3] =	ssyncset.done @!p0 $0x0  }
0x2d: {  	[sflag:s3] =	ssyncadd.s32 @!p0 $0xFFFFD800;
	s3 =	simm.s32 $0x0  }
0x2e: {  	[tilespmem:s15], [sflag:$0x1] =	stream.indirect.gather [hbm4b:s4+s14], $0x40, s3, s14, $0xb8;
	[tilespmem:$0x17000] =	vst v63  }
0x2f: {  	_ = 	snop  }
0x30: {  	[tilespmem:s16], [sflag:$0x2] =	stream.indirect.gather [hbm4b:s4+s14], $0x40, s14, s14, $0xb8;
	[tilespmem:$0x17000] =	vst v63  }
0x31: {  	s3 =	simm.s32 $0x100  }
0x32: {  	[tilespmem:s18], [sflag:$0x3] =	stream.indirect.gather [hbm4b:s4+s14], $0x40, s3, s14, $0xb8;
	[tilespmem:$0x17000] =	vst v63  }
0x33: {  	[spmem:s20], [sflag:s19] =	dma.local [hbm:s6], $0x1400  }
0x34: {  	_ =	swait.ge [sflag:s21], $0x1400  }
0x35: {  	[sflag:s21] =	ssyncset.done $0x0  }
0x36: {  	[sflag:s21] =	ssyncadd.s32 $0xFFFFEC00  }
0x37: {  	s3 =	simm.s32 $0x180;
	[bflag:$0x0] =	sbarrier.arrive $0xFFFF  }
0x38: {  	[tilespmem:s23], [sflag:$0x4] =	stream.indirect.gather [hbm4b:s4+s14], $0x40, s3, s14, $0xb8;
	[tilespmem:$0x17000] =	vst v63  }
0x39: {  	_ =	swait.ge [sflag:s24], $0x2000  }
0x3a: {  	[sflag:s24] =	ssyncset.done $0x0  }
0x3b: {  	s3 =	simm.s32 $0x2800;
	[sflag:s24] =	ssyncadd.s32 $0xFFFFE000  }
0x3c: {  	[spmem:s1] =	stream.indirect.scatter.add.f32 [tilespmem:s15], [sflag:$0x5], $0x40, s3, s14, $0xb8;
	[tilespmem:$0x17000] =	vst v63  }
0x3d: {  	_ =	swait.ge [sflag:s26], $0x2000  }
0x3e: {  	[sflag:s26] =	ssyncset.done $0x0  }
0x3f: {  	s3 =	simm.s32 $0x200;
	[sflag:s26] =	ssyncadd.s32 $0xFFFFE000  }
0x40: {  	[tilespmem:s15], [sflag:$0x1] =	stream.indirect.gather [hbm4b:s4+s14], $0x40, s3, s14, $0xb8;
	[tilespmem:$0x17000] =	vst v63  }
0x41: {  	_ =	swait.ge [sflag:s29], $0x2000  }
0x42: {  	[sflag:s29] =	ssyncset.done $0x0  }
0x43: {  	s3 =	simm.s32 $0x2880;
	[sflag:s29] =	ssyncadd.s32 $0xFFFFE000  }
0x44: {  	[spmem:s1] =	stream.indirect.scatter.add.f32 [tilespmem:s16], [sflag:$0x6], $0x40, s3, s14, $0xb8;
	[tilespmem:$0x17000] =	vst v63  }
0x45: {  	_ =	swait.ge [sflag:s31], $0x2000  }
0x46: {  	[sflag:s31] =	ssyncset.done $0x0  }
0x47: {  	s3 =	simm.s32 $0x280;
	[sflag:s31] =	ssyncadd.s32 $0xFFFFE000  }
0x48: {  	[tilespmem:s16], [sflag:$0x2] =	stream.indirect.gather [hbm4b:s4+s14], $0x40, s3, s14, $0xb8;
	[tilespmem:$0x17000] =	vst v63  }
0x49: {  	_ =	swait.ge [sflag:s2], $0x2000  }
0x4a: {  	[sflag:s2] =	ssyncset.done $0x0  }
0x4b: {  	s3 =	simm.s32 $0x2900;
	[sflag:s2] =	ssyncadd.s32 $0xFFFFE000  }
0x4c: {  	[spmem:s1] =	stream.indirect.scatter.add.f32 [tilespmem:s18], [sflag:$0x7], $0x40, s3, s14, $0xb8;
	[tilespmem:$0x17000] =	vst v63  }
0x4d: {  	_ =	swait.ge [sflag:s17], $0x2000  }
0x4e: {  	[sflag:s17] =	ssyncset.done $0x0  }
0x4f: {  	s3 =	simm.s32 $0x300;
	[sflag:s17] =	ssyncadd.s32 $0xFFFFE000  }
0x50: {  	[tilespmem:s18], [sflag:$0x3] =	stream.indirect.gather [hbm4b:s4+s14], $0x40, s3, s14, $0xb8;
	[tilespmem:$0x17000] =	vst v63  }
0x51: {  	_ =	swait.ge [sflag:s25], $0x2000  }
0x52: {  	[sflag:s25] =	ssyncset.done $0x0  }
0x53: {  	s3 =	simm.s32 $0x2980;
	[sflag:s25] =	ssyncadd.s32 $0xFFFFE000  }
0x54: {  	[spmem:s1] =	stream.indirect.scatter.add.f32 [tilespmem:s23], [sflag:$0x8], $0x40, s3, s14, $0xb8;
	[tilespmem:$0x17000] =	vst v63  }
0x55: {  	_ =	swait.ge [sflag:s30], $0x2000  }
0x56: {  	[sflag:s30] =	ssyncset.done $0x0  }
0x57: {  	s3 =	simm.s32 $0x380;
	[sflag:s30] =	ssyncadd.s32 $0xFFFFE000  }
0x58: {  	[tilespmem:s23], [sflag:$0x4] =	stream.indirect.gather [hbm4b:s4+s14], $0x40, s3, s14, $0xb8;
	[tilespmem:$0x17000] =	vst v63  }
0x59: {  	_ =	swait.ge [sflag:s24], $0x2000  }
0x5a: {  	[sflag:s24] =	ssyncset.done $0x0  }
0x5b: {  	s3 =	simm.s32 $0x2A00;
	[sflag:s24] =	ssyncadd.s32 $0xFFFFE000  }
0x5c: {  	[spmem:s1] =	stream.indirect.scatter.add.f32 [tilespmem:s15], [sflag:$0x5], $0x40, s3, s14, $0xb8;
	[tilespmem:$0x17000] =	vst v63  }
0x5d: {  	_ =	swait.ge [sflag:s26], $0x2000  }
0x5e: {  	[sflag:s26] =	ssyncset.done $0x0  }
0x5f: {  	s3 =	simm.s32 $0x400;
	[sflag:s26] =	ssyncadd.s32 $0xFFFFE000  }
0x60: {  	[tilespmem:s15], [sflag:$0x1] =	stream.indirect.gather [hbm4b:s4+s14], $0x40, s3, s14, $0xb8;
	[tilespmem:$0x17000] =	vst v63  }
0x61: {  	_ =	swait.ge [sflag:s29], $0x2000  }
0x62: {  	[sflag:s29] =	ssyncset.done $0x0  }
0x63: {  	s3 =	simm.s32 $0x2A80;
	[sflag:s29] =	ssyncadd.s32 $0xFFFFE000  }
0x64: {  	[spmem:s1] =	stream.indirect.scatter.add.f32 [tilespmem:s16], [sflag:$0x6], $0x40, s3, s14, $0xb8;
	[tilespmem:$0x17000] =	vst v63  }
0x65: {  	_ =	swait.ge [sflag:s31], $0x2000  }
0x66: {  	[sflag:s31] =	ssyncset.done $0x0  }
0x67: {  	s3 =	simm.s32 $0x480;
	[sflag:s31] =	ssyncadd.s32 $0xFFFFE000  }
0x68: {  	[tilespmem:s16], [sflag:$0x2] =	stream.indirect.gather [hbm4b:s4+s14], $0x40, s3, s14, $0xb8;
	[tilespmem:$0x17000] =	vst v63  }
0x69: {  	_ =	swait.ge [sflag:s2], $0x2000  }
0x6a: {  	[sflag:s2] =	ssyncset.done $0x0  }
0x6b: {  	s3 =	simm.s32 $0x2B00;
	[sflag:s2] =	ssyncadd.s32 $0xFFFFE000  }
0x6c: {  	[spmem:s1] =	stream.indirect.scatter.add.f32 [tilespmem:s18], [sflag:$0x7], $0x40, s3, s14, $0xb8;
	[tilespmem:$0x17000] =	vst v63  }
0x6d: {  	_ =	swait.ge [sflag:s17], $0x2000  }
0x6e: {  	[sflag:s17] =	ssyncset.done $0x0  }
0x6f: {  	s3 =	simm.s32 $0x500;
	[sflag:s17] =	ssyncadd.s32 $0xFFFFE000  }
0x70: {  	[tilespmem:s18], [sflag:$0x3] =	stream.indirect.gather [hbm4b:s4+s14], $0x40, s3, s14, $0xb8;
	[tilespmem:$0x17000] =	vst v63  }
0x71: {  	_ =	swait.ge [sflag:s25], $0x2000  }
0x72: {  	[sflag:s25] =	ssyncset.done $0x0  }
0x73: {  	s28 =	simm.s32 $0x800;
	s0 =	simm.s32 $0x2B80;
	[sflag:s25] =	ssyncadd.s32 $0xFFFFE000  }
.LBB2_2:
0x74: {  	[spmem:s1] =	stream.indirect.scatter.add.f32 [tilespmem:s23], [sflag:$0x8], $0x40, s0, s14, $0xb8;
	[tilespmem:$0x17000] =	vst v63  }
0x75: {  	s0 =	smov.u32 s28  }
0x76: {  	p1 =	sne.s32 s28, $0x8800;
	s28 =	sadd.s32 $0x800, s28;
	_ =	swait.ge [sflag:s30], $0x2000  }
0x77: {  	s0 =	sshra.s32 s0, $0x2;
	[sflag:s30] =	ssyncset.done $0x0  }
0x78: {  	s3 =	sadd.s32 $0x380, s0;
	[sflag:s30] =	ssyncadd.s32 $0xFFFFE000  }
0x79: {  	[tilespmem:s23], [sflag:$0x4] =	stream.indirect.gather [hbm4b:s4+s14], $0x40, s3, s14, $0xb8;
	[tilespmem:$0x17000] =	vst v63  }
0x7a: {  	_ =	swait.ge [sflag:s24], $0x2000  }
0x7b: {  	[sflag:s24] =	ssyncset.done $0x0  }
0x7c: {  	s3 =	sadd.s32 $0x2A00, s0;
	[sflag:s24] =	ssyncadd.s32 $0xFFFFE000  }
0x7d: {  	[spmem:s1] =	stream.indirect.scatter.add.f32 [tilespmem:s15], [sflag:$0x5], $0x40, s3, s14, $0xb8;
	[tilespmem:$0x17000] =	vst v63  }
0x7e: {  	_ =	swait.ge [sflag:s26], $0x2000  }
0x7f: {  	[sflag:s26] =	ssyncset.done $0x0  }
0x80: {  	s3 =	sadd.s32 $0x400, s0;
	[sflag:s26] =	ssyncadd.s32 $0xFFFFE000  }
0x81: {  	[tilespmem:s15], [sflag:$0x1] =	stream.indirect.gather [hbm4b:s4+s14], $0x40, s3, s14, $0xb8;
	[tilespmem:$0x17000] =	vst v63  }
0x82: {  	_ =	swait.ge [sflag:s29], $0x2000  }
0x83: {  	[sflag:s29] =	ssyncset.done $0x0  }
0x84: {  	s3 =	sadd.s32 $0x2A80, s0;
	[sflag:s29] =	ssyncadd.s32 $0xFFFFE000  }
0x85: {  	[spmem:s1] =	stream.indirect.scatter.add.f32 [tilespmem:s16], [sflag:$0x6], $0x40, s3, s14, $0xb8;
	[tilespmem:$0x17000] =	vst v63  }
0x86: {  	_ =	swait.ge [sflag:s31], $0x2000  }
0x87: {  	[sflag:s31] =	ssyncset.done $0x0  }
0x88: {  	s3 =	sadd.s32 $0x480, s0;
	[sflag:s31] =	ssyncadd.s32 $0xFFFFE000  }
0x89: {  	[tilespmem:s16], [sflag:$0x2] =	stream.indirect.gather [hbm4b:s4+s14], $0x40, s3, s14, $0xb8;
	[tilespmem:$0x17000] =	vst v63  }
0x8a: {  	_ =	swait.ge [sflag:s2], $0x2000  }
0x8b: {  	[sflag:s2] =	ssyncset.done $0x0  }
0x8c: {  	s3 =	sadd.s32 $0x2B00, s0;
	[sflag:s2] =	ssyncadd.s32 $0xFFFFE000  }
0x8d: {  	[spmem:s1] =	stream.indirect.scatter.add.f32 [tilespmem:s18], [sflag:$0x7], $0x40, s3, s14, $0xb8;
	[tilespmem:$0x17000] =	vst v63  }
0x8e: {  	_ =	swait.ge [sflag:s17], $0x2000  }
0x8f: {  	[sflag:s17] =	ssyncset.done $0x0  }
.Ltmp0:
0x90: {  	s3 =	sadd.s32 $0x500, s0;
	[sflag:s17] =	ssyncadd.s32 $0xFFFFE000;
	(pc) =	sbr.rel @p1 .LBB2_2-.Ltmp0, $4  }
0x91: {  	[tilespmem:s18], [sflag:$0x3] =	stream.indirect.gather [hbm4b:s4+s14], $0x40, s3, s14, $0xb8;
	[tilespmem:$0x17000] =	vst v63  }
0x92: {  	_ =	swait.ge [sflag:s25], $0x2000  }
0x93: {  	[sflag:s25] =	ssyncset.done $0x0  }
0x94: {  	s0 =	sadd.s32 $0x2B80, s0;
	[sflag:s25] =	ssyncadd.s32 $0xFFFFE000  }
0x95: {  	[spmem:s1] =	stream.indirect.scatter.add.f32 [tilespmem:s23], [sflag:$0x8], $0x40, s0, s14, $0xb8;
	[tilespmem:$0x17000] =	vst v63  }
0x96: {  	_ =	swait.ge [sflag:s30], $0x2000  }
0x97: {  	[sflag:s30] =	ssyncset.done $0x0  }
0x98: {  	s3 =	simm.s32 $0x2780;
	[sflag:s30] =	ssyncadd.s32 $0xFFFFE000  }
0x99: {  	[tilespmem:s23], [sflag:$0x4] =	stream.indirect.gather [hbm4b:s4+s14], $0x40, s3, s14, $0xb8;
	[tilespmem:$0x17000] =	vst v63  }
0x9a: {  	_ =	swait.ge [sflag:s24], $0x2000  }
0x9b: {  	[sflag:s24] =	ssyncset.done $0x0  }
0x9c: {  	s28 =	simm.s32 $0x4E00;
	[sflag:s24] =	ssyncadd.s32 $0xFFFFE000  }
0x9d: {  	[spmem:s1] =	stream.indirect.scatter.add.f32 [tilespmem:s15], [sflag:$0x5], $0x40, s28, s14, $0xb8;
	[tilespmem:$0x17000] =	vst v63  }
0x9e: {  	_ =	swait.ge [sflag:s29], $0x2000  }
0x9f: {  	[sflag:s29] =	ssyncset.done $0x0  }
0xa0: {  	s3 =	simm.s32 $0x4E80;
	[sflag:s29] =	ssyncadd.s32 $0xFFFFE000  }
0xa1: {  	[spmem:s1] =	stream.indirect.scatter.add.f32 [tilespmem:s16], [sflag:$0x6], $0x40, s3, s14, $0xb8;
	[tilespmem:$0x17000] =	vst v63  }
0xa2: {  	_ =	swait.ge [sflag:s2], $0x2000  }
0xa3: {  	[sflag:s2] =	ssyncset.done $0x0  }
0xa4: {  	s28 =	simm.s32 $0x4F00;
	[sflag:s2] =	ssyncadd.s32 $0xFFFFE000  }
0xa5: {  	[spmem:s1] =	stream.indirect.scatter.add.f32 [tilespmem:s18], [sflag:$0x7], $0x40, s28, s14, $0xb8;
	[tilespmem:$0x17000] =	vst v63  }
0xa6: {  	_ =	swait.ge [sflag:s25], $0x2000  }
0xa7: {  	[sflag:s25] =	ssyncset.done $0x0  }
0xa8: {  	s3 =	simm.s32 $0x4F80;
	[sflag:s25] =	ssyncadd.s32 $0xFFFFE000  }
0xa9: {  	[spmem:s1] =	stream.indirect.scatter.add.f32 [tilespmem:s23], [sflag:$0x8], $0x40, s3, s14, $0xb8;
	[tilespmem:$0x17000] =	vst v63  }
0xaa: {  	_ =	swait.ge [sflag:s26], $0x2000  }
0xab: {  	[sflag:s26] =	ssyncset.done $0x0  }
0xac: {  	[sflag:s26] =	ssyncadd.s32 $0xFFFFE000  }
0xad: {  	_ =	swait.ge [sflag:s31], $0x2000  }
0xae: {  	[sflag:s31] =	ssyncset.done $0x0  }
0xaf: {  	[sflag:s31] =	ssyncadd.s32 $0xFFFFE000  }
0xb0: {  	_ =	swait.ge [sflag:s17], $0x2000  }
0xb1: {  	[sflag:s17] =	ssyncset.done $0x0  }
0xb2: {  	[sflag:s17] =	ssyncadd.s32 $0xFFFFE000  }
0xb3: {  	_ =	swait.ge [sflag:s30], $0x2000  }
0xb4: {  	s22 =	sadd.s32 $0x1, s22;
	[sflag:s30] =	ssyncset.done $0x0  }
0xb5: {  	p1 =	sne.s32 s22, s13;
	[sflag:s30] =	ssyncadd.s32 $0xFFFFE000  }
.Ltmp1:
0xb6: {  	s28 =	simm.s32 $0x10;
	[bflag:$0x0] =	sbarrier.arrive $0xFFFF;
	(pc) =	sbr.rel @p1 .LBB2_1-.Ltmp1, $4  }
0xb7: {  	[hbm:s12@s28], [sflag:s19] =	dma.strided [spmem:s20@s30], $0x1400, s24, $0x8   }
0xb8: {  	_ =	swait.ge [sflag:s21], $0x1400  }
0xb9: {  	[sflag:s21] =	ssyncset.done $0x0  }
0xba: {  	[sflag:s21] =	ssyncadd.s32 $0xFFFFEC00  }
0xbb: {  	_ =	sfence.sel $0x180000  }
0xbc: {  	[bflag:$0x0] =	sbarrier.arrive $0xFFFF  }
0xbd: {  	_ =	strace $0x9000004A  }
0xbe: {  	s0 =	stileid.u32;
	[bflag:$0x2] =	sbarrier.arrive $0xFFFF  }
0xbf: {  	p0 =	sne.s32 s0, $0x0;
	s0 =	rddreg [dreg:$0x3]  }
0xc0: {  	s0 =	sadd.s32 @!p0 $0x100000, s0  }
0xc1: {  	[sflag:s0] =	ssyncadd.tile.s32 @!p0 $0x1;
	_ =	shalt  }
.Lfunc_end2:
_tile_overlayer_lowered:
.L_overlay_start_2:
0xc2: {  	(tag) =	ssettag $0x2  }
0xc3: {  	s0 =	rddreg [dreg:$0x0];
	s2 =	stileid.u32  }
0xc4: {  	s1 =	rddreg [dreg:$0x1];
	p0 =	sne.s32 s2, $0x0  }
0xc5: {  	s3 =	rddreg [dreg:$0x2];
	[bflag:$0x3] =	sbarrier.arrive $0xFFFF;
	s2 =	simm.s32 @!p0 $0x1C09  }
0xc6: {  	[timem:s3], [sflag:s2] =	dma.local @!p0 [hbm:s0], s1  }
0xc7: {  	s0 =	simm.s32 @!p0 $0x9  }
0xc8: {  	_ =	swait.ge @!p0 [sflag:s0], s1  }
0xc9: {  	s1 =	ssub.s32 @!p0 $0x0, s1;
	[sflag:s0] =	ssyncset.done @!p0 $0x0  }
0xca: {  	[sflag:s0] =	ssyncadd.s32 @!p0 s1  }
0xcb: {  	[bflag:$0x3] =	sbarrier.arrive $0xFFFF  }
0xcc: {  	_ =	shalt  }

// kernel: kernel.21.cloned.1.call-start
scs
__scs_entry_jumppad:
0x0: {  	(pc) =	sbr.rel $0x88, $3  }
0x1: {  	(tag) =	ssettag $0x0;
	lr =	simm.s32 $0x1  }
0x2: {  	[smem:$0x3F95] =	sst lr;
	_ =	strace $0xD0000000  }
0x3: {  	_ = 	snop  }
0x4: {  	_ = 	snop  }
0x5: {  	_ = 	snop  }
0x6: {  	_ = 	snop  }
0x7: {  	_ = 	snop  }
__scs_overlays_trampoline_lowered:
0x8: {  	[smem:$0x3FA4] =	sst s0  }
0x9: {  	[smem:$0x3FA5] =	sst s1  }
0xa: {  	[smem:$0x3FA6] =	sst s2  }
0xb: {  	[smem:$0x3FA7] =	sst s3  }
0xc: {  	[smem:$0x3FA8] =	sst s4  }
0xd: {  	[smem:$0x3FA9] =	sst s5  }
0xe: {  	[smem:$0x3FAA] =	sst s6  }
0xf: {  	[smem:$0x3FAB] =	sst s7  }
0x10: {  	[smem:$0x3FAC] =	sst s8  }
0x11: {  	[smem:$0x3FAD] =	sst s9;
	s0 =	simm.s32 @!p0 $0x0  }
0x12: {  	s1 =	sld [smem:$0x3F93];
	s0 =	simm.s32 @p0 $0x1  }
0x13: {  	[smem:$0x3FAE] =	sst s0;
	s0 =	simm.s32 @!p1 $0x0  }
0x14: {  	s2 =	sld [smem:$0x3F92];
	s0 =	simm.s32 @p1 $0x1  }
0x15: {  	[smem:$0x3FAF] =	sst s0;
	s0 =	simm.s32 @!p2 $0x0  }
0x16: {  	s3 =	sld [smem:$0x3FDB];
	s0 =	simm.s32 @p2 $0x1  }
0x17: {  	s4 =	simm.s32 $0x1BF5;
	[smem:$0x3FB1] =	sst s0  }
0x18: {  	s0 =	sld [smem:$0x3F94];
	_ =	swait.ge [sflag:s4], $0x0  }
0x19: {  	s7 =	sld [smem:$0x3F95]  }
0x1a: {  	s8 =	sadd.s32 $0xFFFFE003, lr  }
0x1b: {  	s9 =	sadd.s32 $0xFFFFFEF7, lr;
	s5 =	simm.s32 $0xFFFFFFFF;
	p2 =	slt.u32 s8, $0xFFFFF086  }
0x1c: {  	p1 =	slt.u32 s9, $0xF7A;
	s5 =	simm.s32 @!p2 $0x0  }
0x1d: {  	s5 =	simm.s32 @p1 $0x1;
	p0 =	seq.s32 s7, s2  }
0x1e: {  	s7 =	smul.u32 @!p0 $0xF7A, s2;
	p2 =	seq.s32 @!p0 s5, $0x0  }
0x1f: {  	s9 =	smul.u32 $0xF7A, s1;
	s8 =	simm.s32 @!p0 $0x1BF5;
	p2 =	por !p2, p0  }
0x20: {  	[sflag:s8] =	ssyncset.s32 @!p0 $0xFFFFF086;
	s6 =	sadd.s32 @!p0 s3, s7;
	s7 =	simm.s32 @!p0 $0x108  }
0x21: {  	s3 =	sadd.s32 s3, s9;
	s6 =	sadd.s32 @!p0 $0x88, s6;
	s7 =	simm.s32 @p2 $0x1082  }
0x22: {  	[simem:s7], [sflag:s8] =	dma.local @!p0 [hbm:s6], $0xF7A  }
0x23: {  	s9 =	sor.u32 $0xD0000000, s2;
	s6 =	simm.s32 $0x108;
	_ =	swait.ge @!p0 [sflag:s8], $0x0  }
0x24: {  	s3 =	sadd.s32 $0x88, s3;
	s6 =	simm.s32 @!p1 $0x1082;
	[sflag:s4] =	ssyncset.s32 $0xFFFFF086  }
0x25: {  	[simem:s6], [sflag:s4] =	dma.local [hbm:s3], $0xF7A  }
0x26: {  	[smem:$0x3F95] =	sst s1;
	(tag) =	ssettag s2;
	_ =	strace s9  }
0x27: {  	s1 =	sld [smem:$0x3FA5]  }
0x28: {  	s2 =	sld [smem:$0x3FA6]  }
0x29: {  	s4 =	sld [smem:$0x3FA8]  }
0x2a: {  	p0 =	seq.s32 s5, $0x0;
	s5 =	sld [smem:$0x3FA9]  }
0x2b: {  	s6 =	sld [smem:$0x3FAA]  }
0x2c: {  	s7 =	sld [smem:$0x3FAB]  }
0x2d: {  	s3 =	simm.s32 $0x108;
	s8 =	sld [smem:$0x3FAC]  }
0x2e: {  	s3 =	simm.s32 @!p0 $0x1082;
	s9 =	sld [smem:$0x3FAD]  }
0x2f: {  	lr =	sadd.s32 s0, s3;
	s0 =	sld [smem:$0x3FA4]  }
0x30: {  	s3 =	sld [smem:$0x3FA7]  }
0x31: {  	[smem:$0x3FB0] =	sst s10  }
0x32: {  	s10 =	sld [smem:$0x3FAE];
	_ =	sdelay $0x3  }
0x33: {  	p0 =	seq.s32 s10, $0x1;
	s10 =	sld [smem:$0x3FB0];
	_ =	sdelay $0x3  }
0x34: {  	[smem:$0x3FB0] =	sst s10  }
0x35: {  	s10 =	sld [smem:$0x3FAF];
	_ =	sdelay $0x3  }
0x36: {  	p1 =	seq.s32 s10, $0x1;
	s10 =	sld [smem:$0x3FB0];
	_ =	sdelay $0x3  }
0x37: {  	[smem:$0x3FB0] =	sst s10  }
0x38: {  	s10 =	sld [smem:$0x3FB1]  }
0x39: {  	_ = 	snop;
	(pc) =	sbr.ind lr, $3  }
0x3a: {  	_ = 	snop  }
0x3b: {  	_ = 	snop  }
0x3c: {  	p2 =	seq.s32 s10, $0x1;
	s10 =	sld [smem:$0x3FB0]  }
0x3d: {  	_ =	shalt  }
0x3e: {  	_ =	shalt  }
0x3f: {  	_ =	shalt  }
0x40: {  	_ =	shalt  }
0x41: {  	_ =	shalt  }
0x42: {  	_ =	shalt  }
0x43: {  	_ =	shalt  }
0x44: {  	_ =	shalt  }
0x45: {  	_ =	shalt  }
0x46: {  	_ =	shalt  }
0x47: {  	_ =	shalt  }
0x48: {  	_ =	shalt  }
0x49: {  	_ =	shalt  }
0x4a: {  	_ =	shalt  }
0x4b: {  	_ =	shalt  }
0x4c: {  	_ =	shalt  }
0x4d: {  	_ =	shalt  }
0x4e: {  	_ =	shalt  }
0x4f: {  	_ =	shalt  }
0x50: {  	_ =	shalt  }
0x51: {  	_ =	shalt  }
0x52: {  	_ =	shalt  }
0x53: {  	_ =	shalt  }
0x54: {  	_ =	shalt  }
0x55: {  	_ =	shalt  }
0x56: {  	_ =	shalt  }
0x57: {  	_ =	shalt  }
0x58: {  	_ =	shalt  }
0x59: {  	_ =	shalt  }
0x5a: {  	_ =	shalt  }
0x5b: {  	_ =	shalt  }
0x5c: {  	_ =	shalt  }
0x5d: {  	_ =	shalt  }
0x5e: {  	_ =	shalt  }
0x5f: {  	_ =	shalt  }
0x60: {  	_ =	shalt  }
0x61: {  	_ =	shalt  }
0x62: {  	_ =	shalt  }
0x63: {  	_ =	shalt  }
0x64: {  	_ =	shalt  }
0x65: {  	_ =	shalt  }
0x66: {  	_ =	shalt  }
0x67: {  	_ =	shalt  }
0x68: {  	_ =	shalt  }
0x69: {  	_ =	shalt  }
0x6a: {  	_ =	shalt  }
0x6b: {  	_ =	shalt  }
0x6c: {  	_ =	shalt  }
0x6d: {  	_ =	shalt  }
0x6e: {  	_ =	shalt  }
0x6f: {  	_ =	shalt  }
0x70: {  	_ =	shalt  }
0x71: {  	_ =	shalt  }
0x72: {  	_ =	shalt  }
0x73: {  	_ =	shalt  }
0x74: {  	_ =	shalt  }
0x75: {  	_ =	shalt  }
0x76: {  	_ =	shalt  }
0x77: {  	_ =	shalt  }
0x78: {  	_ =	shalt  }
0x79: {  	_ =	shalt  }
0x7a: {  	_ =	shalt  }
0x7b: {  	_ =	shalt  }
0x7c: {  	_ =	shalt  }
0x7d: {  	_ =	shalt  }
0x7e: {  	_ =	shalt  }
0x7f: {  	_ =	shalt  }
0x80: {  	_ =	shalt  }
0x81: {  	_ =	shalt  }
0x82: {  	_ =	shalt  }
0x83: {  	_ =	shalt  }
0x84: {  	_ =	shalt  }
0x85: {  	_ =	shalt  }
0x86: {  	_ =	shalt  }
0x87: {  	_ =	shalt  }
.Lfunc_end0:
.L_simem_size_0:
called_computation.2_lowered:
.L_overlay_start_0:
0x88: {  	s2 =	sld [smem:$0x3FD9]  }
0x89: {  	s3 =	sld [smem:$0x3FFE];
	_ =	sdelay $0x1  }
0x8a: {  	s1 =	srdreg.scid  }
0x8b: {  	s0 =	sand.u32 $0x1, s1  }
0x8c: {  	s17 =	sshll.u32 s0, $0xA;
	s2 =	sadd.s32 s3, s2  }
0x8d: {  	s2 =	sadd.s32 s2, s17  }
0x8e: {  	[smem:$0x3FBC] =	sst s2  }
0x8f: {  	_ = 	snop  }
0x90: {  	s2 =	sld [smem:$0x3FD0];
	(tm) =	ssettm $0x1  }
0x91: {  	s18 =	sld [smem:$0x3FFB];
	_ =	sdelay $0x3  }
0x92: {  	_ =	strace s18  }
0x93: {  	s3 =	sld [smem:$0x3FFC];
	_ =	sdelay $0x3  }
0x94: {  	_ =	strace s3  }
0x95: {  	s3 =	sld [smem:$0x3FFD];
	_ =	sdelay $0x3  }
0x96: {  	_ =	strace s3  }
0x97: {  	_ =	strace $0x8FFFFFFF  }
0x98: {  	s19 =	sld [smem:$0x3FDB];
	_ =	sdelay $0x1  }
0x99: {  	s4 =	simm.s32 $_scs_section_size  }
0x9a: {  	s5 =	simm.s32 $_size__tile_overlayer_lowered;
	s6 =	simm.s32 $_tile_overlayer_lowered  }
0x9b: {  	s22 =	simm.s32 $0x1BFF;
	s21 =	sshll.u32 s6, $0x1;
	s3 =	sadd.s32 s4, s19  }
0x9c: {  	s7 =	simm.s32 $0x0;
	s20 =	sshll.u32 s5, $0x1;
	s5 =	sadd.s32 s21, s3  }
0x9d: {  	[timem:s7], [sflag:s22] =	dma.local [hbm:s5], s20  }
0x9e: {  	_ =	swait.ge [sflag:s22], s20  }
0x9f: {  	s4 =	ssub.s32 $0x0, s20;
	[sflag:s22] =	ssyncset.done $0x0  }
0xa0: {  	[sflag:s22] =	ssyncadd.s32 s4;
	_ =	sdelay $0x1  }
0xa1: {  	s23 =	simm.s32 $0x1B8B  }
0xa2: {  	_ =	swait.ge [sflag:s23], $0x1  }
0xa3: {  	[sflag:s23] =	ssyncset.done $0x0  }
0xa4: {  	s25 =	simm.s32 $0x1B8E;
	s24 =	sld [smem:$0x3FFE];
	[sflag:s23] =	ssyncadd.s32 $0xFFFFFFFF  }
0xa5: {  	s26 =	simm.s32 $execute0_lowered;
	[smem:$0x3FD2] =	sst s25  }
0xa6: {  	s5 =	sshll.u32 s26, $0x1;
	_ =	strace $0x8000004C;
	[dreg:$0x1] =	wrdreg $0xFFFFFFFF  }
0xa7: {  	s28 =	simm.s32 $_size_execute0_lowered;
	s3 =	sadd.s32 s3, s5;
	[dreg:$0x0] =	wrdreg $0x0  }
0xa8: {  	s5 =	sshll.u32 s28, $0x1;
	[dreg:$0x2] =	wrdreg s3  }
0xa9: {  	[dreg:$0x3] =	wrdreg s5  }
0xaa: {  	[dreg:$0x4] =	wrdreg $0xC0  }
0xab: {  	_ =	task [dreg:s7], $0x5FFFF  }
0xac: {  	[dreg:$0x1] =	wrdreg $0xFFFFFFFF  }
0xad: {  	[dreg:$0x0] =	wrdreg $0x60  }
0xae: {  	[dreg:$0x2] =	wrdreg s24  }
0xaf: {  	[dreg:$0x3] =	wrdreg s2  }
0xb0: {  	[dreg:$0x4] =	wrdreg $0xD0000  }
0xb1: {  	[dreg:$0x5] =	wrdreg $0x9  }
0xb2: {  	_ =	task.clear_ibuf [dreg:s7], $0x6FFFF;
	_ =	strace $0x9000004C  }
0xb3: {  	s29 =	simm.s32 $0x9;
	_ =	strace $0x8000004E  }
0xb4: {  	_ =	swait.ge [sflag:s29], $0x1  }
0xb5: {  	[sflag:s29] =	ssyncadd.s32 $0xFFFFFFFF  }
0xb6: {  	_ =	strace $0x9000004E  }
0xb7: {  	_ =	sfence  }
0xb8: {  	s30 =	sld [smem:$0x0];
	_ =	sdelay $0x2  }
0xb9: {  	s31 =	sshll.u32 s1, $0xD;
	s1 =	sshrl.u32 s1, $0x2  }
0xba: {  	s3 =	sand.u32 $0x4000, s31;
	s1 =	sadd.s32 s1, s30  }
0xbb: {  	s0 =	sor.u32 s3, s0;
	s1 =	sshll.u32 s1, $0x11  }
0xbc: {  	s0 =	sor.u32 s1, s0  }
0xbd: {  	s0 =	sadd.s32 $0x8F2B, s0  }
0xbe: {  	[sflag:s0] =	ssyncadd.remote.s32 $0x1  }
0xbf: {  	_ =	sfence.sel $0xFFFF  }
0xc0: {  	[dreg:$0x0] =	wrdreg $0xFFFFFFFF;
	(pc) =	sbr.abs _section_cstart, $3  }
0xc1: {  	[dreg:$0x1] =	wrdreg $0xFFFFFFFF  }
0xc2: {  	_ =	task.clear_ibuf [dreg:s7], $0x2FFFF;
	_ =	strace $0x9FFFFFFF  }
0xc3: {  	(tm) =	ssettm $0x7FFFFFFF  }
tec
execute0_lowered:
.L_overlay_start_1:
0x0: {  	(tag) =	ssettag $0x1  }
0x1: {  	s0 =	rddreg [dreg:$0x0]  }
0x2: {  	s2 =	rddreg [dreg:$0x1]  }
0x3: {  	s1 =	rddreg [dreg:$0x2];
	s3 =	simm.s32 $0x0  }
0x4: {  	s24 =	srdreg.scid;
	s17 =	stileid.u32;
	s15 =	simm.s32 $0x5000  }
0x5: {  	s16 =	simm.s32 $0x7000;
	s18 =	simm.s32 $0x9000;
	s21 =	simm.s32 $0x9  }
0x6: {  	s23 =	simm.s32 $0xB000;
	s29 =	simm.s32 $0x2;
	s31 =	simm.s32 $0x6  }
0x7: {  	s30 =	simm.s32 $0x8;
	s22 =	simm.s32 $0x0;
	[smem:$0x7FF] =	sst s3  }
0x8: {  	s3 =	sand.u32 $0x1, s24;
	s6 =	smul.u32 $0x14000, s17;
	s4 =	sadd.s32 $0x4A00, s0  }
0x9: {  	s5 =	sadd.s32 $0x4200, s0;
	s10 =	smul.u32 $0x28000, s17;
	s11 =	sadd.s32 $0x45C0, s0  }
0xa: {  	s28 =	sshll.u32 s17, $0x6;
	s24 =	simm.s32 $0x1;
	_ =	strace $0x8000004D  }
0xb: {  	s7 =	sshll.u32 s3, $0x6;
	s8 =	sshll.u32 s3, $0x4;
	s3 =	ssub.s32 $0x2, s3  }
0xc: {  	s19 =	sor.u32 $0x1C09, s28;
	s7 =	sor.u32 s7, s6;
	s14 =	sor.u32 s17, s8  }
0xd: {  	s6 =	sadd.s32 $0x18400, s0;
	s9 =	sshrl.u32 s3, $0x1;
	s13 =	sshrl.u32 s10, $0x2  }
0xe: {  	s10 =	sadd.s32 $0x13740, s2;
	s17 =	simm.s32 $0x7;
	s8 =	smul.u32 $0x2800, s14  }
0xf: {  	s7 =	sshrl.u32 s7, $0x3;
	s25 =	smul.u32 $0x500, s14;
	s3 =	ssub.s32 s3, s9  }
0x10: {  	s9 =	sadd.s32 $0x9B00, s2;
	s26 =	sadd.s32 s13, s1;
	p0 =	seq.s32 s14, $0x1F  }
0x11: {  	s14 =	simm.s32 $0x80;
	s12 =	sadd.s32 s7, s0;
	s13 =	smax.u32 s3, $0x1  }
0x12: {  	s20 =	sshrl.u32 s26, $0x3;
	s26 =	simm.s32 $0x5;
	s8 =	sshrl.u32 s8, $0x3  }
0x13: {  	s7 =	sadd.s32 s2, s25;
	s12 =	sadd.s32 $0x19800, s12;
	s8 =	sadd.s32 s2, s8  }
0x14: {  	s25 =	simm.s32 $0x4;
	s2 =	simm.s32 $0x3;
	s8 =	sadd.s32 $0x9C40, s8  }
.LBB2_1:
0x15: {  	s0 =	simm.s32 @p0 $0x0;
	s28 =	simm.s32 @p0 $0x9  }
0x16: {  	[tilespmem:s0], [sflag:$0x9] =	stream.linear.gather @p0 [hbm4b:s9+s0], $0xA00, $0x38;
	[tilespmem:$0x17000] =	vst v63  }
0x17: {  	_ =	swait.ge @p0 [sflag:s28], $0xA00  }
0x18: {  	[sflag:s28] =	ssyncset.done @p0 $0x0  }
0x19: {  	s3 =	simm.s32 @p0 $0xA00;
	[sflag:s28] =	ssyncadd.s32 @p0 $0xFFFFF600  }
0x1a: {  	[tilespmem:s3], [sflag:$0x9] =	stream.linear.gather @p0 [hbm4b:s5+s0], $0x1E00, $0x38;
	[tilespmem:$0x17000] =	vst v63  }
0x1b: {  	_ =	swait.ge @p0 [sflag:s28], $0x1E00  }
0x1c: {  	[sflag:s28] =	ssyncset.done @p0 $0x0  }
0x1d: {  	s3 =	simm.s32 @p0 $0x2800;
	[sflag:s28] =	ssyncadd.s32 @p0 $0xFFFFE200  }
0x1e: {  	[tilespmem:s3], [sflag:$0x9] =	stream.linear.gather @p0 [hbm4b:s10+s0], $0xA00, $0x38;
	[tilespmem:$0x17000] =	vst v63  }
0x1f: {  	_ =	swait.ge @p0 [sflag:s28], $0xA00  }
0x20: {  	[sflag:s28] =	ssyncset.done @p0 $0x0  }
0x21: {  	s3 =	simm.s32 @p0 $0x3200;
	[sflag:s28] =	ssyncadd.s32 @p0 $0xFFFFF600  }
0x22: {  	[tilespmem:s3], [sflag:$0x9] =	stream.linear.gather @p0 [hbm4b:s11+s0], $0x1E00, $0x38;
	[tilespmem:$0x17000] =	vst v63  }
0x23: {  	_ =	swait.ge @p0 [sflag:s28], $0x1E00  }
0x24: {  	[sflag:s28] =	ssyncset.done @p0 $0x0  }
0x25: {  	s0 =	simm.s32 @!p0 $0x0;
	s3 =	simm.s32 @!p0 $0x9;
	[sflag:s28] =	ssyncadd.s32 @p0 $0xFFFFE200  }
0x26: {  	[tilespmem:s0], [sflag:$0x9] =	stream.linear.gather @!p0 [hbm4b:s7+s0], $0x2800, $0x38;
	[tilespmem:$0x17000] =	vst v63  }
0x27: {  	_ =	swait.ge @!p0 [sflag:s3], $0x2800  }
0x28: {  	[sflag:s3] =	ssyncset.done @!p0 $0x0  }
0x29: {  	s28 =	simm.s32 @!p0 $0x2800;
	[sflag:s3] =	ssyncadd.s32 @!p0 $0xFFFFD800  }
0x2a: {  	[tilespmem:s28], [sflag:$0x9] =	stream.linear.gather @!p0 [hbm4b:s8+s0], $0x2800, $0x38;
	[tilespmem:$0x17000] =	vst v63  }
0x2b: {  	_ =	swait.ge @!p0 [sflag:s3], $0x2800  }
0x2c: {  	[sflag:s3] =	ssyncset.done @!p0 $0x0  }
0x2d: {  	[sflag:s3] =	ssyncadd.s32 @!p0 $0xFFFFD800;
	s3 =	simm.s32 $0x0  }
0x2e: {  	[tilespmem:s15], [sflag:$0x1] =	stream.indirect.gather [hbm4b:s4+s14], $0x40, s3, s14, $0xb8;
	[tilespmem:$0x17000] =	vst v63  }
0x2f: {  	_ = 	snop  }
0x30: {  	[tilespmem:s16], [sflag:$0x2] =	stream.indirect.gather [hbm4b:s4+s14], $0x40, s14, s14, $0xb8;
	[tilespmem:$0x17000] =	vst v63  }
0x31: {  	s3 =	simm.s32 $0x100  }
0x32: {  	[tilespmem:s18], [sflag:$0x3] =	stream.indirect.gather [hbm4b:s4+s14], $0x40, s3, s14, $0xb8;
	[tilespmem:$0x17000] =	vst v63  }
0x33: {  	[spmem:s20], [sflag:s19] =	dma.local [hbm:s6], $0x1400  }
0x34: {  	_ =	swait.ge [sflag:s21], $0x1400  }
0x35: {  	[sflag:s21] =	ssyncset.done $0x0  }
0x36: {  	[sflag:s21] =	ssyncadd.s32 $0xFFFFEC00  }
0x37: {  	s3 =	simm.s32 $0x180;
	[bflag:$0x0] =	sbarrier.arrive $0xFFFF  }
0x38: {  	[tilespmem:s23], [sflag:$0x4] =	stream.indirect.gather [hbm4b:s4+s14], $0x40, s3, s14, $0xb8;
	[tilespmem:$0x17000] =	vst v63  }
0x39: {  	_ =	swait.ge [sflag:s24], $0x2000  }
0x3a: {  	[sflag:s24] =	ssyncset.done $0x0  }
0x3b: {  	s3 =	simm.s32 $0x2800;
	[sflag:s24] =	ssyncadd.s32 $0xFFFFE000  }
0x3c: {  	[spmem:s1] =	stream.indirect.scatter.add.f32 [tilespmem:s15], [sflag:$0x5], $0x40, s3, s14, $0xb8;
	[tilespmem:$0x17000] =	vst v63  }
0x3d: {  	_ =	swait.ge [sflag:s26], $0x2000  }
0x3e: {  	[sflag:s26] =	ssyncset.done $0x0  }
0x3f: {  	s3 =	simm.s32 $0x200;
	[sflag:s26] =	ssyncadd.s32 $0xFFFFE000  }
0x40: {  	[tilespmem:s15], [sflag:$0x1] =	stream.indirect.gather [hbm4b:s4+s14], $0x40, s3, s14, $0xb8;
	[tilespmem:$0x17000] =	vst v63  }
0x41: {  	_ =	swait.ge [sflag:s29], $0x2000  }
0x42: {  	[sflag:s29] =	ssyncset.done $0x0  }
0x43: {  	s3 =	simm.s32 $0x2880;
	[sflag:s29] =	ssyncadd.s32 $0xFFFFE000  }
0x44: {  	[spmem:s1] =	stream.indirect.scatter.add.f32 [tilespmem:s16], [sflag:$0x6], $0x40, s3, s14, $0xb8;
	[tilespmem:$0x17000] =	vst v63  }
0x45: {  	_ =	swait.ge [sflag:s31], $0x2000  }
0x46: {  	[sflag:s31] =	ssyncset.done $0x0  }
0x47: {  	s3 =	simm.s32 $0x280;
	[sflag:s31] =	ssyncadd.s32 $0xFFFFE000  }
0x48: {  	[tilespmem:s16], [sflag:$0x2] =	stream.indirect.gather [hbm4b:s4+s14], $0x40, s3, s14, $0xb8;
	[tilespmem:$0x17000] =	vst v63  }
0x49: {  	_ =	swait.ge [sflag:s2], $0x2000  }
0x4a: {  	[sflag:s2] =	ssyncset.done $0x0  }
0x4b: {  	s3 =	simm.s32 $0x2900;
	[sflag:s2] =	ssyncadd.s32 $0xFFFFE000  }
0x4c: {  	[spmem:s1] =	stream.indirect.scatter.add.f32 [tilespmem:s18], [sflag:$0x7], $0x40, s3, s14, $0xb8;
	[tilespmem:$0x17000] =	vst v63  }
0x4d: {  	_ =	swait.ge [sflag:s17], $0x2000  }
0x4e: {  	[sflag:s17] =	ssyncset.done $0x0  }
0x4f: {  	s3 =	simm.s32 $0x300;
	[sflag:s17] =	ssyncadd.s32 $0xFFFFE000  }
0x50: {  	[tilespmem:s18], [sflag:$0x3] =	stream.indirect.gather [hbm4b:s4+s14], $0x40, s3, s14, $0xb8;
	[tilespmem:$0x17000] =	vst v63  }
0x51: {  	_ =	swait.ge [sflag:s25], $0x2000  }
0x52: {  	[sflag:s25] =	ssyncset.done $0x0  }
0x53: {  	s3 =	simm.s32 $0x2980;
	[sflag:s25] =	ssyncadd.s32 $0xFFFFE000  }
0x54: {  	[spmem:s1] =	stream.indirect.scatter.add.f32 [tilespmem:s23], [sflag:$0x8], $0x40, s3, s14, $0xb8;
	[tilespmem:$0x17000] =	vst v63  }
0x55: {  	_ =	swait.ge [sflag:s30], $0x2000  }
0x56: {  	[sflag:s30] =	ssyncset.done $0x0  }
0x57: {  	s3 =	simm.s32 $0x380;
	[sflag:s30] =	ssyncadd.s32 $0xFFFFE000  }
0x58: {  	[tilespmem:s23], [sflag:$0x4] =	stream.indirect.gather [hbm4b:s4+s14], $0x40, s3, s14, $0xb8;
	[tilespmem:$0x17000] =	vst v63  }
0x59: {  	_ =	swait.ge [sflag:s24], $0x2000  }
0x5a: {  	[sflag:s24] =	ssyncset.done $0x0  }
0x5b: {  	s3 =	simm.s32 $0x2A00;
	[sflag:s24] =	ssyncadd.s32 $0xFFFFE000  }
0x5c: {  	[spmem:s1] =	stream.indirect.scatter.add.f32 [tilespmem:s15], [sflag:$0x5], $0x40, s3, s14, $0xb8;
	[tilespmem:$0x17000] =	vst v63  }
0x5d: {  	_ =	swait.ge [sflag:s26], $0x2000  }
0x5e: {  	[sflag:s26] =	ssyncset.done $0x0  }
0x5f: {  	s3 =	simm.s32 $0x400;
	[sflag:s26] =	ssyncadd.s32 $0xFFFFE000  }
0x60: {  	[tilespmem:s15], [sflag:$0x1] =	stream.indirect.gather [hbm4b:s4+s14], $0x40, s3, s14, $0xb8;
	[tilespmem:$0x17000] =	vst v63  }
0x61: {  	_ =	swait.ge [sflag:s29], $0x2000  }
0x62: {  	[sflag:s29] =	ssyncset.done $0x0  }
0x63: {  	s3 =	simm.s32 $0x2A80;
	[sflag:s29] =	ssyncadd.s32 $0xFFFFE000  }
0x64: {  	[spmem:s1] =	stream.indirect.scatter.add.f32 [tilespmem:s16], [sflag:$0x6], $0x40, s3, s14, $0xb8;
	[tilespmem:$0x17000] =	vst v63  }
0x65: {  	_ =	swait.ge [sflag:s31], $0x2000  }
0x66: {  	[sflag:s31] =	ssyncset.done $0x0  }
0x67: {  	s3 =	simm.s32 $0x480;
	[sflag:s31] =	ssyncadd.s32 $0xFFFFE000  }
0x68: {  	[tilespmem:s16], [sflag:$0x2] =	stream.indirect.gather [hbm4b:s4+s14], $0x40, s3, s14, $0xb8;
	[tilespmem:$0x17000] =	vst v63  }
0x69: {  	_ =	swait.ge [sflag:s2], $0x2000  }
0x6a: {  	[sflag:s2] =	ssyncset.done $0x0  }
0x6b: {  	s3 =	simm.s32 $0x2B00;
	[sflag:s2] =	ssyncadd.s32 $0xFFFFE000  }
0x6c: {  	[spmem:s1] =	stream.indirect.scatter.add.f32 [tilespmem:s18], [sflag:$0x7], $0x40, s3, s14, $0xb8;
	[tilespmem:$0x17000] =	vst v63  }
0x6d: {  	_ =	swait.ge [sflag:s17], $0x2000  }
0x6e: {  	[sflag:s17] =	ssyncset.done $0x0  }
0x6f: {  	s3 =	simm.s32 $0x500;
	[sflag:s17] =	ssyncadd.s32 $0xFFFFE000  }
0x70: {  	[tilespmem:s18], [sflag:$0x3] =	stream.indirect.gather [hbm4b:s4+s14], $0x40, s3, s14, $0xb8;
	[tilespmem:$0x17000] =	vst v63  }
0x71: {  	_ =	swait.ge [sflag:s25], $0x2000  }
0x72: {  	[sflag:s25] =	ssyncset.done $0x0  }
0x73: {  	s28 =	simm.s32 $0x800;
	s0 =	simm.s32 $0x2B80;
	[sflag:s25] =	ssyncadd.s32 $0xFFFFE000  }
.LBB2_2:
0x74: {  	[spmem:s1] =	stream.indirect.scatter.add.f32 [tilespmem:s23], [sflag:$0x8], $0x40, s0, s14, $0xb8;
	[tilespmem:$0x17000] =	vst v63  }
0x75: {  	s0 =	smov.u32 s28  }
0x76: {  	p1 =	sne.s32 s28, $0x8800;
	s28 =	sadd.s32 $0x800, s28;
	_ =	swait.ge [sflag:s30], $0x2000  }
0x77: {  	s0 =	sshra.s32 s0, $0x2;
	[sflag:s30] =	ssyncset.done $0x0  }
0x78: {  	s3 =	sadd.s32 $0x380, s0;
	[sflag:s30] =	ssyncadd.s32 $0xFFFFE000  }
0x79: {  	[tilespmem:s23], [sflag:$0x4] =	stream.indirect.gather [hbm4b:s4+s14], $0x40, s3, s14, $0xb8;
	[tilespmem:$0x17000] =	vst v63  }
0x7a: {  	_ =	swait.ge [sflag:s24], $0x2000  }
0x7b: {  	[sflag:s24] =	ssyncset.done $0x0  }
0x7c: {  	s3 =	sadd.s32 $0x2A00, s0;
	[sflag:s24] =	ssyncadd.s32 $0xFFFFE000  }
0x7d: {  	[spmem:s1] =	stream.indirect.scatter.add.f32 [tilespmem:s15], [sflag:$0x5], $0x40, s3, s14, $0xb8;
	[tilespmem:$0x17000] =	vst v63  }
0x7e: {  	_ =	swait.ge [sflag:s26], $0x2000  }
0x7f: {  	[sflag:s26] =	ssyncset.done $0x0  }
0x80: {  	s3 =	sadd.s32 $0x400, s0;
	[sflag:s26] =	ssyncadd.s32 $0xFFFFE000  }
0x81: {  	[tilespmem:s15], [sflag:$0x1] =	stream.indirect.gather [hbm4b:s4+s14], $0x40, s3, s14, $0xb8;
	[tilespmem:$0x17000] =	vst v63  }
0x82: {  	_ =	swait.ge [sflag:s29], $0x2000  }
0x83: {  	[sflag:s29] =	ssyncset.done $0x0  }
0x84: {  	s3 =	sadd.s32 $0x2A80, s0;
	[sflag:s29] =	ssyncadd.s32 $0xFFFFE000  }
0x85: {  	[spmem:s1] =	stream.indirect.scatter.add.f32 [tilespmem:s16], [sflag:$0x6], $0x40, s3, s14, $0xb8;
	[tilespmem:$0x17000] =	vst v63  }
0x86: {  	_ =	swait.ge [sflag:s31], $0x2000  }
0x87: {  	[sflag:s31] =	ssyncset.done $0x0  }
0x88: {  	s3 =	sadd.s32 $0x480, s0;
	[sflag:s31] =	ssyncadd.s32 $0xFFFFE000  }
0x89: {  	[tilespmem:s16], [sflag:$0x2] =	stream.indirect.gather [hbm4b:s4+s14], $0x40, s3, s14, $0xb8;
	[tilespmem:$0x17000] =	vst v63  }
0x8a: {  	_ =	swait.ge [sflag:s2], $0x2000  }
0x8b: {  	[sflag:s2] =	ssyncset.done $0x0  }
0x8c: {  	s3 =	sadd.s32 $0x2B00, s0;
	[sflag:s2] =	ssyncadd.s32 $0xFFFFE000  }
0x8d: {  	[spmem:s1] =	stream.indirect.scatter.add.f32 [tilespmem:s18], [sflag:$0x7], $0x40, s3, s14, $0xb8;
	[tilespmem:$0x17000] =	vst v63  }
0x8e: {  	_ =	swait.ge [sflag:s17], $0x2000  }
0x8f: {  	[sflag:s17] =	ssyncset.done $0x0  }
.Ltmp0:
0x90: {  	s3 =	sadd.s32 $0x500, s0;
	[sflag:s17] =	ssyncadd.s32 $0xFFFFE000;
	(pc) =	sbr.rel @p1 .LBB2_2-.Ltmp0, $4  }
0x91: {  	[tilespmem:s18], [sflag:$0x3] =	stream.indirect.gather [hbm4b:s4+s14], $0x40, s3, s14, $0xb8;
	[tilespmem:$0x17000] =	vst v63  }
0x92: {  	_ =	swait.ge [sflag:s25], $0x2000  }
0x93: {  	[sflag:s25] =	ssyncset.done $0x0  }
0x94: {  	s0 =	sadd.s32 $0x2B80, s0;
	[sflag:s25] =	ssyncadd.s32 $0xFFFFE000  }
0x95: {  	[spmem:s1] =	stream.indirect.scatter.add.f32 [tilespmem:s23], [sflag:$0x8], $0x40, s0, s14, $0xb8;
	[tilespmem:$0x17000] =	vst v63  }
0x96: {  	_ =	swait.ge [sflag:s30], $0x2000  }
0x97: {  	[sflag:s30] =	ssyncset.done $0x0  }
0x98: {  	s3 =	simm.s32 $0x2780;
	[sflag:s30] =	ssyncadd.s32 $0xFFFFE000  }
0x99: {  	[tilespmem:s23], [sflag:$0x4] =	stream.indirect.gather [hbm4b:s4+s14], $0x40, s3, s14, $0xb8;
	[tilespmem:$0x17000] =	vst v63  }
0x9a: {  	_ =	swait.ge [sflag:s24], $0x2000  }
0x9b: {  	[sflag:s24] =	ssyncset.done $0x0  }
0x9c: {  	s28 =	simm.s32 $0x4E00;
	[sflag:s24] =	ssyncadd.s32 $0xFFFFE000  }
0x9d: {  	[spmem:s1] =	stream.indirect.scatter.add.f32 [tilespmem:s15], [sflag:$0x5], $0x40, s28, s14, $0xb8;
	[tilespmem:$0x17000] =	vst v63  }
0x9e: {  	_ =	swait.ge [sflag:s29], $0x2000  }
0x9f: {  	[sflag:s29] =	ssyncset.done $0x0  }
0xa0: {  	s3 =	simm.s32 $0x4E80;
	[sflag:s29] =	ssyncadd.s32 $0xFFFFE000  }
0xa1: {  	[spmem:s1] =	stream.indirect.scatter.add.f32 [tilespmem:s16], [sflag:$0x6], $0x40, s3, s14, $0xb8;
	[tilespmem:$0x17000] =	vst v63  }
0xa2: {  	_ =	swait.ge [sflag:s2], $0x2000  }
0xa3: {  	[sflag:s2] =	ssyncset.done $0x0  }
0xa4: {  	s28 =	simm.s32 $0x4F00;
	[sflag:s2] =	ssyncadd.s32 $0xFFFFE000  }
0xa5: {  	[spmem:s1] =	stream.indirect.scatter.add.f32 [tilespmem:s18], [sflag:$0x7], $0x40, s28, s14, $0xb8;
	[tilespmem:$0x17000] =	vst v63  }
0xa6: {  	_ =	swait.ge [sflag:s25], $0x2000  }
0xa7: {  	[sflag:s25] =	ssyncset.done $0x0  }
0xa8: {  	s3 =	simm.s32 $0x4F80;
	[sflag:s25] =	ssyncadd.s32 $0xFFFFE000  }
0xa9: {  	[spmem:s1] =	stream.indirect.scatter.add.f32 [tilespmem:s23], [sflag:$0x8], $0x40, s3, s14, $0xb8;
	[tilespmem:$0x17000] =	vst v63  }
0xaa: {  	_ =	swait.ge [sflag:s26], $0x2000  }
0xab: {  	[sflag:s26] =	ssyncset.done $0x0  }
0xac: {  	[sflag:s26] =	ssyncadd.s32 $0xFFFFE000  }
0xad: {  	_ =	swait.ge [sflag:s31], $0x2000  }
0xae: {  	[sflag:s31] =	ssyncset.done $0x0  }
0xaf: {  	[sflag:s31] =	ssyncadd.s32 $0xFFFFE000  }
0xb0: {  	_ =	swait.ge [sflag:s17], $0x2000  }
0xb1: {  	[sflag:s17] =	ssyncset.done $0x0  }
0xb2: {  	[sflag:s17] =	ssyncadd.s32 $0xFFFFE000  }
0xb3: {  	_ =	swait.ge [sflag:s30], $0x2000  }
0xb4: {  	s22 =	sadd.s32 $0x1, s22;
	[sflag:s30] =	ssyncset.done $0x0  }
0xb5: {  	p1 =	sne.s32 s22, s13;
	[sflag:s30] =	ssyncadd.s32 $0xFFFFE000  }
.Ltmp1:
0xb6: {  	s28 =	simm.s32 $0x10;
	[bflag:$0x0] =	sbarrier.arrive $0xFFFF;
	(pc) =	sbr.rel @p1 .LBB2_1-.Ltmp1, $4  }
0xb7: {  	[hbm:s12@s28], [sflag:s19] =	dma.strided [spmem:s20@s30], $0x1400, s24, $0x8   }
0xb8: {  	_ =	swait.ge [sflag:s21], $0x1400  }
0xb9: {  	[sflag:s21] =	ssyncset.done $0x0  }
0xba: {  	[sflag:s21] =	ssyncadd.s32 $0xFFFFEC00  }
0xbb: {  	_ =	sfence.sel $0x180000  }
0xbc: {  	[bflag:$0x0] =	sbarrier.arrive $0xFFFF  }
0xbd: {  	_ =	strace $0x9000004D  }
0xbe: {  	s0 =	stileid.u32;
	[bflag:$0x2] =	sbarrier.arrive $0xFFFF  }
0xbf: {  	p0 =	sne.s32 s0, $0x0;
	s0 =	rddreg [dreg:$0x3]  }
0xc0: {  	s0 =	sadd.s32 @!p0 $0x100000, s0  }
0xc1: {  	[sflag:s0] =	ssyncadd.tile.s32 @!p0 $0x1;
	_ =	shalt  }
.Lfunc_end2:
_tile_overlayer_lowered:
.L_overlay_start_2:
0xc2: {  	(tag) =	ssettag $0x2  }
0xc3: {  	s0 =	rddreg [dreg:$0x0];
	s2 =	stileid.u32  }
0xc4: {  	s1 =	rddreg [dreg:$0x1];
	p0 =	sne.s32 s2, $0x0  }
0xc5: {  	s3 =	rddreg [dreg:$0x2];
	[bflag:$0x3] =	sbarrier.arrive $0xFFFF;
	s2 =	simm.s32 @!p0 $0x1C09  }
0xc6: {  	[timem:s3], [sflag:s2] =	dma.local @!p0 [hbm:s0], s1  }
0xc7: {  	s0 =	simm.s32 @!p0 $0x9  }
0xc8: {  	_ =	swait.ge @!p0 [sflag:s0], s1  }
0xc9: {  	s1 =	ssub.s32 @!p0 $0x0, s1;
	[sflag:s0] =	ssyncset.done @!p0 $0x0  }
0xca: {  	[sflag:s0] =	ssyncadd.s32 @!p0 s1  }
0xcb: {  	[bflag:$0x3] =	sbarrier.arrive $0xFFFF  }
0xcc: {  	_ =	shalt  }

// kernel: kernel.24.cloned.1.call-start
scs
__scs_entry_jumppad:
0x0: {  	(pc) =	sbr.rel $0x88, $3  }
0x1: {  	(tag) =	ssettag $0x0;
	lr =	simm.s32 $0x1  }
0x2: {  	[smem:$0x3F95] =	sst lr;
	_ =	strace $0xD0000000  }
0x3: {  	_ = 	snop  }
0x4: {  	_ = 	snop  }
0x5: {  	_ = 	snop  }
0x6: {  	_ = 	snop  }
0x7: {  	_ = 	snop  }
__scs_overlays_trampoline_lowered:
0x8: {  	[smem:$0x3FA4] =	sst s0  }
0x9: {  	[smem:$0x3FA5] =	sst s1  }
0xa: {  	[smem:$0x3FA6] =	sst s2  }
0xb: {  	[smem:$0x3FA7] =	sst s3  }
0xc: {  	[smem:$0x3FA8] =	sst s4  }
0xd: {  	[smem:$0x3FA9] =	sst s5  }
0xe: {  	[smem:$0x3FAA] =	sst s6  }
0xf: {  	[smem:$0x3FAB] =	sst s7  }
0x10: {  	[smem:$0x3FAC] =	sst s8  }
0x11: {  	[smem:$0x3FAD] =	sst s9;
	s0 =	simm.s32 @!p0 $0x0  }
0x12: {  	s1 =	sld [smem:$0x3F93];
	s0 =	simm.s32 @p0 $0x1  }
0x13: {  	[smem:$0x3FAE] =	sst s0;
	s0 =	simm.s32 @!p1 $0x0  }
0x14: {  	s2 =	sld [smem:$0x3F92];
	s0 =	simm.s32 @p1 $0x1  }
0x15: {  	[smem:$0x3FAF] =	sst s0;
	s0 =	simm.s32 @!p2 $0x0  }
0x16: {  	s3 =	sld [smem:$0x3FDB];
	s0 =	simm.s32 @p2 $0x1  }
0x17: {  	s4 =	simm.s32 $0x1BF5;
	[smem:$0x3FB1] =	sst s0  }
0x18: {  	s0 =	sld [smem:$0x3F94];
	_ =	swait.ge [sflag:s4], $0x0  }
0x19: {  	s7 =	sld [smem:$0x3F95]  }
0x1a: {  	s8 =	sadd.s32 $0xFFFFE003, lr  }
0x1b: {  	s9 =	sadd.s32 $0xFFFFFEF7, lr;
	s5 =	simm.s32 $0xFFFFFFFF;
	p2 =	slt.u32 s8, $0xFFFFF086  }
0x1c: {  	p1 =	slt.u32 s9, $0xF7A;
	s5 =	simm.s32 @!p2 $0x0  }
0x1d: {  	s5 =	simm.s32 @p1 $0x1;
	p0 =	seq.s32 s7, s2  }
0x1e: {  	s7 =	smul.u32 @!p0 $0xF7A, s2;
	p2 =	seq.s32 @!p0 s5, $0x0  }
0x1f: {  	s9 =	smul.u32 $0xF7A, s1;
	s8 =	simm.s32 @!p0 $0x1BF5;
	p2 =	por !p2, p0  }
0x20: {  	[sflag:s8] =	ssyncset.s32 @!p0 $0xFFFFF086;
	s6 =	sadd.s32 @!p0 s3, s7;
	s7 =	simm.s32 @!p0 $0x108  }
0x21: {  	s3 =	sadd.s32 s3, s9;
	s6 =	sadd.s32 @!p0 $0x88, s6;
	s7 =	simm.s32 @p2 $0x1082  }
0x22: {  	[simem:s7], [sflag:s8] =	dma.local @!p0 [hbm:s6], $0xF7A  }
0x23: {  	s9 =	sor.u32 $0xD0000000, s2;
	s6 =	simm.s32 $0x108;
	_ =	swait.ge @!p0 [sflag:s8], $0x0  }
0x24: {  	s3 =	sadd.s32 $0x88, s3;
	s6 =	simm.s32 @!p1 $0x1082;
	[sflag:s4] =	ssyncset.s32 $0xFFFFF086  }
0x25: {  	[simem:s6], [sflag:s4] =	dma.local [hbm:s3], $0xF7A  }
0x26: {  	[smem:$0x3F95] =	sst s1;
	(tag) =	ssettag s2;
	_ =	strace s9  }
0x27: {  	s1 =	sld [smem:$0x3FA5]  }
0x28: {  	s2 =	sld [smem:$0x3FA6]  }
0x29: {  	s4 =	sld [smem:$0x3FA8]  }
0x2a: {  	p0 =	seq.s32 s5, $0x0;
	s5 =	sld [smem:$0x3FA9]  }
0x2b: {  	s6 =	sld [smem:$0x3FAA]  }
0x2c: {  	s7 =	sld [smem:$0x3FAB]  }
0x2d: {  	s3 =	simm.s32 $0x108;
	s8 =	sld [smem:$0x3FAC]  }
0x2e: {  	s3 =	simm.s32 @!p0 $0x1082;
	s9 =	sld [smem:$0x3FAD]  }
0x2f: {  	lr =	sadd.s32 s0, s3;
	s0 =	sld [smem:$0x3FA4]  }
0x30: {  	s3 =	sld [smem:$0x3FA7]  }
0x31: {  	[smem:$0x3FB0] =	sst s10  }
0x32: {  	s10 =	sld [smem:$0x3FAE];
	_ =	sdelay $0x3  }
0x33: {  	p0 =	seq.s32 s10, $0x1;
	s10 =	sld [smem:$0x3FB0];
	_ =	sdelay $0x3  }
0x34: {  	[smem:$0x3FB0] =	sst s10  }
0x35: {  	s10 =	sld [smem:$0x3FAF];
	_ =	sdelay $0x3  }
0x36: {  	p1 =	seq.s32 s10, $0x1;
	s10 =	sld [smem:$0x3FB0];
	_ =	sdelay $0x3  }
0x37: {  	[smem:$0x3FB0] =	sst s10  }
0x38: {  	s10 =	sld [smem:$0x3FB1]  }
0x39: {  	_ = 	snop;
	(pc) =	sbr.ind lr, $3  }
0x3a: {  	_ = 	snop  }
0x3b: {  	_ = 	snop  }
0x3c: {  	p2 =	seq.s32 s10, $0x1;
	s10 =	sld [smem:$0x3FB0]  }
0x3d: {  	_ =	shalt  }
0x3e: {  	_ =	shalt  }
0x3f: {  	_ =	shalt  }
0x40: {  	_ =	shalt  }
0x41: {  	_ =	shalt  }
0x42: {  	_ =	shalt  }
0x43: {  	_ =	shalt  }
0x44: {  	_ =	shalt  }
0x45: {  	_ =	shalt  }
0x46: {  	_ =	shalt  }
0x47: {  	_ =	shalt  }
0x48: {  	_ =	shalt  }
0x49: {  	_ =	shalt  }
0x4a: {  	_ =	shalt  }
0x4b: {  	_ =	shalt  }
0x4c: {  	_ =	shalt  }
0x4d: {  	_ =	shalt  }
0x4e: {  	_ =	shalt  }
0x4f: {  	_ =	shalt  }
0x50: {  	_ =	shalt  }
0x51: {  	_ =	shalt  }
0x52: {  	_ =	shalt  }
0x53: {  	_ =	shalt  }
0x54: {  	_ =	shalt  }
0x55: {  	_ =	shalt  }
0x56: {  	_ =	shalt  }
0x57: {  	_ =	shalt  }
0x58: {  	_ =	shalt  }
0x59: {  	_ =	shalt  }
0x5a: {  	_ =	shalt  }
0x5b: {  	_ =	shalt  }
0x5c: {  	_ =	shalt  }
0x5d: {  	_ =	shalt  }
0x5e: {  	_ =	shalt  }
0x5f: {  	_ =	shalt  }
0x60: {  	_ =	shalt  }
0x61: {  	_ =	shalt  }
0x62: {  	_ =	shalt  }
0x63: {  	_ =	shalt  }
0x64: {  	_ =	shalt  }
0x65: {  	_ =	shalt  }
0x66: {  	_ =	shalt  }
0x67: {  	_ =	shalt  }
0x68: {  	_ =	shalt  }
0x69: {  	_ =	shalt  }
0x6a: {  	_ =	shalt  }
0x6b: {  	_ =	shalt  }
0x6c: {  	_ =	shalt  }
0x6d: {  	_ =	shalt  }
0x6e: {  	_ =	shalt  }
0x6f: {  	_ =	shalt  }
0x70: {  	_ =	shalt  }
0x71: {  	_ =	shalt  }
0x72: {  	_ =	shalt  }
0x73: {  	_ =	shalt  }
0x74: {  	_ =	shalt  }
0x75: {  	_ =	shalt  }
0x76: {  	_ =	shalt  }
0x77: {  	_ =	shalt  }
0x78: {  	_ =	shalt  }
0x79: {  	_ =	shalt  }
0x7a: {  	_ =	shalt  }
0x7b: {  	_ =	shalt  }
0x7c: {  	_ =	shalt  }
0x7d: {  	_ =	shalt  }
0x7e: {  	_ =	shalt  }
0x7f: {  	_ =	shalt  }
0x80: {  	_ =	shalt  }
0x81: {  	_ =	shalt  }
0x82: {  	_ =	shalt  }
0x83: {  	_ =	shalt  }
0x84: {  	_ =	shalt  }
0x85: {  	_ =	shalt  }
0x86: {  	_ =	shalt  }
0x87: {  	_ =	shalt  }
.Lfunc_end0:
.L_simem_size_0:
called_computation.3_lowered:
.L_overlay_start_0:
0x88: {  	s2 =	sld [smem:$0x3FD9]  }
0x89: {  	s3 =	sld [smem:$0x3FFE];
	_ =	sdelay $0x1  }
0x8a: {  	s1 =	srdreg.scid  }
0x8b: {  	s0 =	sand.u32 $0x1, s1  }
0x8c: {  	s17 =	sshll.u32 s0, $0xA;
	s2 =	sadd.s32 s3, s2  }
0x8d: {  	s2 =	sadd.s32 s2, s17  }
0x8e: {  	[smem:$0x3FBC] =	sst s2  }
0x8f: {  	_ = 	snop  }
0x90: {  	s2 =	sld [smem:$0x3FD0];
	(tm) =	ssettm $0x1  }
0x91: {  	s18 =	sld [smem:$0x3FFB];
	_ =	sdelay $0x3  }
0x92: {  	_ =	strace s18  }
0x93: {  	s3 =	sld [smem:$0x3FFC];
	_ =	sdelay $0x3  }
0x94: {  	_ =	strace s3  }
0x95: {  	s3 =	sld [smem:$0x3FFD];
	_ =	sdelay $0x3  }
0x96: {  	_ =	strace s3  }
0x97: {  	_ =	strace $0x8FFFFFFF  }
0x98: {  	s19 =	sld [smem:$0x3FDB];
	_ =	sdelay $0x1  }
0x99: {  	s4 =	simm.s32 $_scs_section_size  }
0x9a: {  	s5 =	simm.s32 $_size__tile_overlayer_lowered;
	s6 =	simm.s32 $_tile_overlayer_lowered  }
0x9b: {  	s22 =	simm.s32 $0x1BFF;
	s21 =	sshll.u32 s6, $0x1;
	s3 =	sadd.s32 s4, s19  }
0x9c: {  	s7 =	simm.s32 $0x0;
	s20 =	sshll.u32 s5, $0x1;
	s5 =	sadd.s32 s21, s3  }
0x9d: {  	[timem:s7], [sflag:s22] =	dma.local [hbm:s5], s20  }
0x9e: {  	_ =	swait.ge [sflag:s22], s20  }
0x9f: {  	s4 =	ssub.s32 $0x0, s20;
	[sflag:s22] =	ssyncset.done $0x0  }
0xa0: {  	[sflag:s22] =	ssyncadd.s32 s4;
	_ =	sdelay $0x1  }
0xa1: {  	s23 =	simm.s32 $0x1B8B  }
0xa2: {  	_ =	swait.ge [sflag:s23], $0x1  }
0xa3: {  	[sflag:s23] =	ssyncset.done $0x0  }
0xa4: {  	s25 =	simm.s32 $0x1B8E;
	s24 =	sld [smem:$0x3FFE];
	[sflag:s23] =	ssyncadd.s32 $0xFFFFFFFF  }
0xa5: {  	s26 =	simm.s32 $execute0_lowered;
	[smem:$0x3FD2] =	sst s25  }
0xa6: {  	s5 =	sshll.u32 s26, $0x1;
	_ =	strace $0x8000004F;
	[dreg:$0x1] =	wrdreg $0xFFFFFFFF  }
0xa7: {  	s28 =	simm.s32 $_size_execute0_lowered;
	s3 =	sadd.s32 s3, s5;
	[dreg:$0x0] =	wrdreg $0x0  }
0xa8: {  	s5 =	sshll.u32 s28, $0x1;
	[dreg:$0x2] =	wrdreg s3  }
0xa9: {  	[dreg:$0x3] =	wrdreg s5  }
0xaa: {  	[dreg:$0x4] =	wrdreg $0xC0  }
0xab: {  	_ =	task [dreg:s7], $0x5FFFF  }
0xac: {  	[dreg:$0x1] =	wrdreg $0xFFFFFFFF  }
0xad: {  	[dreg:$0x0] =	wrdreg $0x60  }
0xae: {  	[dreg:$0x2] =	wrdreg s24  }
0xaf: {  	[dreg:$0x3] =	wrdreg s2  }
0xb0: {  	[dreg:$0x4] =	wrdreg $0xD0000  }
0xb1: {  	[dreg:$0x5] =	wrdreg $0x9  }
0xb2: {  	_ =	task.clear_ibuf [dreg:s7], $0x6FFFF;
	_ =	strace $0x9000004F  }
0xb3: {  	s29 =	simm.s32 $0x9;
	_ =	strace $0x80000051  }
0xb4: {  	_ =	swait.ge [sflag:s29], $0x1  }
0xb5: {  	[sflag:s29] =	ssyncadd.s32 $0xFFFFFFFF  }
0xb6: {  	_ =	strace $0x90000051  }
0xb7: {  	_ =	sfence  }
0xb8: {  	s30 =	sld [smem:$0x0];
	_ =	sdelay $0x2  }
0xb9: {  	s31 =	sshll.u32 s1, $0xD;
	s1 =	sshrl.u32 s1, $0x2  }
0xba: {  	s3 =	sand.u32 $0x4000, s31;
	s1 =	sadd.s32 s1, s30  }
0xbb: {  	s0 =	sor.u32 s3, s0;
	s1 =	sshll.u32 s1, $0x11  }
0xbc: {  	s0 =	sor.u32 s1, s0  }
0xbd: {  	s0 =	sadd.s32 $0x8F2B, s0  }
0xbe: {  	[sflag:s0] =	ssyncadd.remote.s32 $0x1  }
0xbf: {  	_ =	sfence.sel $0xFFFF  }
0xc0: {  	[dreg:$0x0] =	wrdreg $0xFFFFFFFF;
	(pc) =	sbr.abs _section_cstart, $3  }
0xc1: {  	[dreg:$0x1] =	wrdreg $0xFFFFFFFF  }
0xc2: {  	_ =	task.clear_ibuf [dreg:s7], $0x2FFFF;
	_ =	strace $0x9FFFFFFF  }
0xc3: {  	(tm) =	ssettm $0x7FFFFFFF  }
tec
execute0_lowered:
.L_overlay_start_1:
0x0: {  	(tag) =	ssettag $0x1  }
0x1: {  	s0 =	rddreg [dreg:$0x0]  }
0x2: {  	s2 =	rddreg [dreg:$0x1]  }
0x3: {  	s1 =	rddreg [dreg:$0x2];
	s3 =	simm.s32 $0x0  }
0x4: {  	s24 =	srdreg.scid;
	s17 =	stileid.u32;
	s15 =	simm.s32 $0x5000  }
0x5: {  	s16 =	simm.s32 $0x7000;
	s18 =	simm.s32 $0x9000;
	s21 =	simm.s32 $0x9  }
0x6: {  	s23 =	simm.s32 $0xB000;
	s29 =	simm.s32 $0x2;
	s31 =	simm.s32 $0x6  }
0x7: {  	s30 =	simm.s32 $0x8;
	s22 =	simm.s32 $0x0;
	[smem:$0x7FF] =	sst s3  }
0x8: {  	s3 =	sand.u32 $0x1, s24;
	s6 =	smul.u32 $0x14000, s17;
	s4 =	sadd.s32 $0x4A00, s0  }
0x9: {  	s5 =	sadd.s32 $0x4200, s0;
	s10 =	smul.u32 $0x28000, s17;
	s11 =	sadd.s32 $0x45C0, s0  }
0xa: {  	s28 =	sshll.u32 s17, $0x6;
	s24 =	simm.s32 $0x1;
	_ =	strace $0x80000050  }
0xb: {  	s7 =	sshll.u32 s3, $0x6;
	s8 =	sshll.u32 s3, $0x4;
	s3 =	ssub.s32 $0x2, s3  }
0xc: {  	s19 =	sor.u32 $0x1C09, s28;
	s7 =	sor.u32 s7, s6;
	s14 =	sor.u32 s17, s8  }
0xd: {  	s6 =	sadd.s32 $0x18400, s0;
	s9 =	sshrl.u32 s3, $0x1;
	s13 =	sshrl.u32 s10, $0x2  }
0xe: {  	s10 =	sadd.s32 $0x13740, s2;
	s17 =	simm.s32 $0x7;
	s8 =	smul.u32 $0x2800, s14  }
0xf: {  	s7 =	sshrl.u32 s7, $0x3;
	s25 =	smul.u32 $0x500, s14;
	s3 =	ssub.s32 s3, s9  }
0x10: {  	s9 =	sadd.s32 $0x9B00, s2;
	s26 =	sadd.s32 s13, s1;
	p0 =	seq.s32 s14, $0x1F  }
0x11: {  	s14 =	simm.s32 $0x80;
	s12 =	sadd.s32 s7, s0;
	s13 =	smax.u32 s3, $0x1  }
0x12: {  	s20 =	sshrl.u32 s26, $0x3;
	s26 =	simm.s32 $0x5;
	s8 =	sshrl.u32 s8, $0x3  }
0x13: {  	s7 =	sadd.s32 s2, s25;
	s12 =	sadd.s32 $0x19800, s12;
	s8 =	sadd.s32 s2, s8  }
0x14: {  	s25 =	simm.s32 $0x4;
	s2 =	simm.s32 $0x3;
	s8 =	sadd.s32 $0x9C40, s8  }
.LBB2_1:
0x15: {  	s0 =	simm.s32 @p0 $0x0;
	s28 =	simm.s32 @p0 $0x9  }
0x16: {  	[tilespmem:s0], [sflag:$0x9] =	stream.linear.gather @p0 [hbm4b:s9+s0], $0xA00, $0x38;
	[tilespmem:$0x17000] =	vst v63  }
0x17: {  	_ =	swait.ge @p0 [sflag:s28], $0xA00  }
0x18: {  	[sflag:s28] =	ssyncset.done @p0 $0x0  }
0x19: {  	s3 =	simm.s32 @p0 $0xA00;
	[sflag:s28] =	ssyncadd.s32 @p0 $0xFFFFF600  }
0x1a: {  	[tilespmem:s3], [sflag:$0x9] =	stream.linear.gather @p0 [hbm4b:s5+s0], $0x1E00, $0x38;
	[tilespmem:$0x17000] =	vst v63  }
0x1b: {  	_ =	swait.ge @p0 [sflag:s28], $0x1E00  }
0x1c: {  	[sflag:s28] =	ssyncset.done @p0 $0x0  }
0x1d: {  	s3 =	simm.s32 @p0 $0x2800;
	[sflag:s28] =	ssyncadd.s32 @p0 $0xFFFFE200  }
0x1e: {  	[tilespmem:s3], [sflag:$0x9] =	stream.linear.gather @p0 [hbm4b:s10+s0], $0xA00, $0x38;
	[tilespmem:$0x17000] =	vst v63  }
0x1f: {  	_ =	swait.ge @p0 [sflag:s28], $0xA00  }
0x20: {  	[sflag:s28] =	ssyncset.done @p0 $0x0  }
0x21: {  	s3 =	simm.s32 @p0 $0x3200;
	[sflag:s28] =	ssyncadd.s32 @p0 $0xFFFFF600  }
0x22: {  	[tilespmem:s3], [sflag:$0x9] =	stream.linear.gather @p0 [hbm4b:s11+s0], $0x1E00, $0x38;
	[tilespmem:$0x17000] =	vst v63  }
0x23: {  	_ =	swait.ge @p0 [sflag:s28], $0x1E00  }
0x24: {  	[sflag:s28] =	ssyncset.done @p0 $0x0  }
0x25: {  	s0 =	simm.s32 @!p0 $0x0;
	s3 =	simm.s32 @!p0 $0x9;
	[sflag:s28] =	ssyncadd.s32 @p0 $0xFFFFE200  }
0x26: {  	[tilespmem:s0], [sflag:$0x9] =	stream.linear.gather @!p0 [hbm4b:s7+s0], $0x2800, $0x38;
	[tilespmem:$0x17000] =	vst v63  }
0x27: {  	_ =	swait.ge @!p0 [sflag:s3], $0x2800  }
0x28: {  	[sflag:s3] =	ssyncset.done @!p0 $0x0  }
0x29: {  	s28 =	simm.s32 @!p0 $0x2800;
	[sflag:s3] =	ssyncadd.s32 @!p0 $0xFFFFD800  }
0x2a: {  	[tilespmem:s28], [sflag:$0x9] =	stream.linear.gather @!p0 [hbm4b:s8+s0], $0x2800, $0x38;
	[tilespmem:$0x17000] =	vst v63  }
0x2b: {  	_ =	swait.ge @!p0 [sflag:s3], $0x2800  }
0x2c: {  	[sflag:s3] =	ssyncset.done @!p0 $0x0  }
0x2d: {  	[sflag:s3] =	ssyncadd.s32 @!p0 $0xFFFFD800;
	s3 =	simm.s32 $0x0  }
0x2e: {  	[tilespmem:s15], [sflag:$0x1] =	stream.indirect.gather [hbm4b:s4+s14], $0x40, s3, s14, $0xb8;
	[tilespmem:$0x17000] =	vst v63  }
0x2f: {  	_ = 	snop  }
0x30: {  	[tilespmem:s16], [sflag:$0x2] =	stream.indirect.gather [hbm4b:s4+s14], $0x40, s14, s14, $0xb8;
	[tilespmem:$0x17000] =	vst v63  }
0x31: {  	s3 =	simm.s32 $0x100  }
0x32: {  	[tilespmem:s18], [sflag:$0x3] =	stream.indirect.gather [hbm4b:s4+s14], $0x40, s3, s14, $0xb8;
	[tilespmem:$0x17000] =	vst v63  }
0x33: {  	[spmem:s20], [sflag:s19] =	dma.local [hbm:s6], $0x1400  }
0x34: {  	_ =	swait.ge [sflag:s21], $0x1400  }
0x35: {  	[sflag:s21] =	ssyncset.done $0x0  }
0x36: {  	[sflag:s21] =	ssyncadd.s32 $0xFFFFEC00  }
0x37: {  	s3 =	simm.s32 $0x180;
	[bflag:$0x0] =	sbarrier.arrive $0xFFFF  }
0x38: {  	[tilespmem:s23], [sflag:$0x4] =	stream.indirect.gather [hbm4b:s4+s14], $0x40, s3, s14, $0xb8;
	[tilespmem:$0x17000] =	vst v63  }
0x39: {  	_ =	swait.ge [sflag:s24], $0x2000  }
0x3a: {  	[sflag:s24] =	ssyncset.done $0x0  }
0x3b: {  	s3 =	simm.s32 $0x2800;
	[sflag:s24] =	ssyncadd.s32 $0xFFFFE000  }
0x3c: {  	[spmem:s1] =	stream.indirect.scatter.add.f32 [tilespmem:s15], [sflag:$0x5], $0x40, s3, s14, $0xb8;
	[tilespmem:$0x17000] =	vst v63  }
0x3d: {  	_ =	swait.ge [sflag:s26], $0x2000  }
0x3e: {  	[sflag:s26] =	ssyncset.done $0x0  }
0x3f: {  	s3 =	simm.s32 $0x200;
	[sflag:s26] =	ssyncadd.s32 $0xFFFFE000  }
0x40: {  	[tilespmem:s15], [sflag:$0x1] =	stream.indirect.gather [hbm4b:s4+s14], $0x40, s3, s14, $0xb8;
	[tilespmem:$0x17000] =	vst v63  }
0x41: {  	_ =	swait.ge [sflag:s29], $0x2000  }
0x42: {  	[sflag:s29] =	ssyncset.done $0x0  }
0x43: {  	s3 =	simm.s32 $0x2880;
	[sflag:s29] =	ssyncadd.s32 $0xFFFFE000  }
0x44: {  	[spmem:s1] =	stream.indirect.scatter.add.f32 [tilespmem:s16], [sflag:$0x6], $0x40, s3, s14, $0xb8;
	[tilespmem:$0x17000] =	vst v63  }
0x45: {  	_ =	swait.ge [sflag:s31], $0x2000  }
0x46: {  	[sflag:s31] =	ssyncset.done $0x0  }
0x47: {  	s3 =	simm.s32 $0x280;
	[sflag:s31] =	ssyncadd.s32 $0xFFFFE000  }
0x48: {  	[tilespmem:s16], [sflag:$0x2] =	stream.indirect.gather [hbm4b:s4+s14], $0x40, s3, s14, $0xb8;
	[tilespmem:$0x17000] =	vst v63  }
0x49: {  	_ =	swait.ge [sflag:s2], $0x2000  }
0x4a: {  	[sflag:s2] =	ssyncset.done $0x0  }
0x4b: {  	s3 =	simm.s32 $0x2900;
	[sflag:s2] =	ssyncadd.s32 $0xFFFFE000  }
0x4c: {  	[spmem:s1] =	stream.indirect.scatter.add.f32 [tilespmem:s18], [sflag:$0x7], $0x40, s3, s14, $0xb8;
	[tilespmem:$0x17000] =	vst v63  }
0x4d: {  	_ =	swait.ge [sflag:s17], $0x2000  }
0x4e: {  	[sflag:s17] =	ssyncset.done $0x0  }
0x4f: {  	s3 =	simm.s32 $0x300;
	[sflag:s17] =	ssyncadd.s32 $0xFFFFE000  }
0x50: {  	[tilespmem:s18], [sflag:$0x3] =	stream.indirect.gather [hbm4b:s4+s14], $0x40, s3, s14, $0xb8;
	[tilespmem:$0x17000] =	vst v63  }
0x51: {  	_ =	swait.ge [sflag:s25], $0x2000  }
0x52: {  	[sflag:s25] =	ssyncset.done $0x0  }
0x53: {  	s3 =	simm.s32 $0x2980;
	[sflag:s25] =	ssyncadd.s32 $0xFFFFE000  }
0x54: {  	[spmem:s1] =	stream.indirect.scatter.add.f32 [tilespmem:s23], [sflag:$0x8], $0x40, s3, s14, $0xb8;
	[tilespmem:$0x17000] =	vst v63  }
0x55: {  	_ =	swait.ge [sflag:s30], $0x2000  }
0x56: {  	[sflag:s30] =	ssyncset.done $0x0  }
0x57: {  	s3 =	simm.s32 $0x380;
	[sflag:s30] =	ssyncadd.s32 $0xFFFFE000  }
0x58: {  	[tilespmem:s23], [sflag:$0x4] =	stream.indirect.gather [hbm4b:s4+s14], $0x40, s3, s14, $0xb8;
	[tilespmem:$0x17000] =	vst v63  }
0x59: {  	_ =	swait.ge [sflag:s24], $0x2000  }
0x5a: {  	[sflag:s24] =	ssyncset.done $0x0  }
0x5b: {  	s3 =	simm.s32 $0x2A00;
	[sflag:s24] =	ssyncadd.s32 $0xFFFFE000  }
0x5c: {  	[spmem:s1] =	stream.indirect.scatter.add.f32 [tilespmem:s15], [sflag:$0x5], $0x40, s3, s14, $0xb8;
	[tilespmem:$0x17000] =	vst v63  }
0x5d: {  	_ =	swait.ge [sflag:s26], $0x2000  }
0x5e: {  	[sflag:s26] =	ssyncset.done $0x0  }
0x5f: {  	s3 =	simm.s32 $0x400;
	[sflag:s26] =	ssyncadd.s32 $0xFFFFE000  }
0x60: {  	[tilespmem:s15], [sflag:$0x1] =	stream.indirect.gather [hbm4b:s4+s14], $0x40, s3, s14, $0xb8;
	[tilespmem:$0x17000] =	vst v63  }
0x61: {  	_ =	swait.ge [sflag:s29], $0x2000  }
0x62: {  	[sflag:s29] =	ssyncset.done $0x0  }
0x63: {  	s3 =	simm.s32 $0x2A80;
	[sflag:s29] =	ssyncadd.s32 $0xFFFFE000  }
0x64: {  	[spmem:s1] =	stream.indirect.scatter.add.f32 [tilespmem:s16], [sflag:$0x6], $0x40, s3, s14, $0xb8;
	[tilespmem:$0x17000] =	vst v63  }
0x65: {  	_ =	swait.ge [sflag:s31], $0x2000  }
0x66: {  	[sflag:s31] =	ssyncset.done $0x0  }
0x67: {  	s3 =	simm.s32 $0x480;
	[sflag:s31] =	ssyncadd.s32 $0xFFFFE000  }
0x68: {  	[tilespmem:s16], [sflag:$0x2] =	stream.indirect.gather [hbm4b:s4+s14], $0x40, s3, s14, $0xb8;
	[tilespmem:$0x17000] =	vst v63  }
0x69: {  	_ =	swait.ge [sflag:s2], $0x2000  }
0x6a: {  	[sflag:s2] =	ssyncset.done $0x0  }
0x6b: {  	s3 =	simm.s32 $0x2B00;
	[sflag:s2] =	ssyncadd.s32 $0xFFFFE000  }
0x6c: {  	[spmem:s1] =	stream.indirect.scatter.add.f32 [tilespmem:s18], [sflag:$0x7], $0x40, s3, s14, $0xb8;
	[tilespmem:$0x17000] =	vst v63  }
0x6d: {  	_ =	swait.ge [sflag:s17], $0x2000  }
0x6e: {  	[sflag:s17] =	ssyncset.done $0x0  }
0x6f: {  	s3 =	simm.s32 $0x500;
	[sflag:s17] =	ssyncadd.s32 $0xFFFFE000  }
0x70: {  	[tilespmem:s18], [sflag:$0x3] =	stream.indirect.gather [hbm4b:s4+s14], $0x40, s3, s14, $0xb8;
	[tilespmem:$0x17000] =	vst v63  }
0x71: {  	_ =	swait.ge [sflag:s25], $0x2000  }
0x72: {  	[sflag:s25] =	ssyncset.done $0x0  }
0x73: {  	s28 =	simm.s32 $0x800;
	s0 =	simm.s32 $0x2B80;
	[sflag:s25] =	ssyncadd.s32 $0xFFFFE000  }
.LBB2_2:
0x74: {  	[spmem:s1] =	stream.indirect.scatter.add.f32 [tilespmem:s23], [sflag:$0x8], $0x40, s0, s14, $0xb8;
	[tilespmem:$0x17000] =	vst v63  }
0x75: {  	s0 =	smov.u32 s28  }
0x76: {  	p1 =	sne.s32 s28, $0x8800;
	s28 =	sadd.s32 $0x800, s28;
	_ =	swait.ge [sflag:s30], $0x2000  }
0x77: {  	s0 =	sshra.s32 s0, $0x2;
	[sflag:s30] =	ssyncset.done $0x0  }
0x78: {  	s3 =	sadd.s32 $0x380, s0;
	[sflag:s30] =	ssyncadd.s32 $0xFFFFE000  }
0x79: {  	[tilespmem:s23], [sflag:$0x4] =	stream.indirect.gather [hbm4b:s4+s14], $0x40, s3, s14, $0xb8;
	[tilespmem:$0x17000] =	vst v63  }
0x7a: {  	_ =	swait.ge [sflag:s24], $0x2000  }
0x7b: {  	[sflag:s24] =	ssyncset.done $0x0  }
0x7c: {  	s3 =	sadd.s32 $0x2A00, s0;
	[sflag:s24] =	ssyncadd.s32 $0xFFFFE000  }
0x7d: {  	[spmem:s1] =	stream.indirect.scatter.add.f32 [tilespmem:s15], [sflag:$0x5], $0x40, s3, s14, $0xb8;
	[tilespmem:$0x17000] =	vst v63  }
0x7e: {  	_ =	swait.ge [sflag:s26], $0x2000  }
0x7f: {  	[sflag:s26] =	ssyncset.done $0x0  }
0x80: {  	s3 =	sadd.s32 $0x400, s0;
	[sflag:s26] =	ssyncadd.s32 $0xFFFFE000  }
0x81: {  	[tilespmem:s15], [sflag:$0x1] =	stream.indirect.gather [hbm4b:s4+s14], $0x40, s3, s14, $0xb8;
	[tilespmem:$0x17000] =	vst v63  }
0x82: {  	_ =	swait.ge [sflag:s29], $0x2000  }
0x83: {  	[sflag:s29] =	ssyncset.done $0x0  }
0x84: {  	s3 =	sadd.s32 $0x2A80, s0;
	[sflag:s29] =	ssyncadd.s32 $0xFFFFE000  }
0x85: {  	[spmem:s1] =	stream.indirect.scatter.add.f32 [tilespmem:s16], [sflag:$0x6], $0x40, s3, s14, $0xb8;
	[tilespmem:$0x17000] =	vst v63  }
0x86: {  	_ =	swait.ge [sflag:s31], $0x2000  }
0x87: {  	[sflag:s31] =	ssyncset.done $0x0  }
0x88: {  	s3 =	sadd.s32 $0x480, s0;
	[sflag:s31] =	ssyncadd.s32 $0xFFFFE000  }
0x89: {  	[tilespmem:s16], [sflag:$0x2] =	stream.indirect.gather [hbm4b:s4+s14], $0x40, s3, s14, $0xb8;
	[tilespmem:$0x17000] =	vst v63  }
0x8a: {  	_ =	swait.ge [sflag:s2], $0x2000  }
0x8b: {  	[sflag:s2] =	ssyncset.done $0x0  }
0x8c: {  	s3 =	sadd.s32 $0x2B00, s0;
	[sflag:s2] =	ssyncadd.s32 $0xFFFFE000  }
0x8d: {  	[spmem:s1] =	stream.indirect.scatter.add.f32 [tilespmem:s18], [sflag:$0x7], $0x40, s3, s14, $0xb8;
	[tilespmem:$0x17000] =	vst v63  }
0x8e: {  	_ =	swait.ge [sflag:s17], $0x2000  }
0x8f: {  	[sflag:s17] =	ssyncset.done $0x0  }
.Ltmp0:
0x90: {  	s3 =	sadd.s32 $0x500, s0;
	[sflag:s17] =	ssyncadd.s32 $0xFFFFE000;
	(pc) =	sbr.rel @p1 .LBB2_2-.Ltmp0, $4  }
0x91: {  	[tilespmem:s18], [sflag:$0x3] =	stream.indirect.gather [hbm4b:s4+s14], $0x40, s3, s14, $0xb8;
	[tilespmem:$0x17000] =	vst v63  }
0x92: {  	_ =	swait.ge [sflag:s25], $0x2000  }
0x93: {  	[sflag:s25] =	ssyncset.done $0x0  }
0x94: {  	s0 =	sadd.s32 $0x2B80, s0;
	[sflag:s25] =	ssyncadd.s32 $0xFFFFE000  }
0x95: {  	[spmem:s1] =	stream.indirect.scatter.add.f32 [tilespmem:s23], [sflag:$0x8], $0x40, s0, s14, $0xb8;
	[tilespmem:$0x17000] =	vst v63  }
0x96: {  	_ =	swait.ge [sflag:s30], $0x2000  }
0x97: {  	[sflag:s30] =	ssyncset.done $0x0  }
0x98: {  	s3 =	simm.s32 $0x2780;
	[sflag:s30] =	ssyncadd.s32 $0xFFFFE000  }
0x99: {  	[tilespmem:s23], [sflag:$0x4] =	stream.indirect.gather [hbm4b:s4+s14], $0x40, s3, s14, $0xb8;
	[tilespmem:$0x17000] =	vst v63  }
0x9a: {  	_ =	swait.ge [sflag:s24], $0x2000  }
0x9b: {  	[sflag:s24] =	ssyncset.done $0x0  }
0x9c: {  	s28 =	simm.s32 $0x4E00;
	[sflag:s24] =	ssyncadd.s32 $0xFFFFE000  }
0x9d: {  	[spmem:s1] =	stream.indirect.scatter.add.f32 [tilespmem:s15], [sflag:$0x5], $0x40, s28, s14, $0xb8;
	[tilespmem:$0x17000] =	vst v63  }
0x9e: {  	_ =	swait.ge [sflag:s29], $0x2000  }
0x9f: {  	[sflag:s29] =	ssyncset.done $0x0  }
0xa0: {  	s3 =	simm.s32 $0x4E80;
	[sflag:s29] =	ssyncadd.s32 $0xFFFFE000  }
0xa1: {  	[spmem:s1] =	stream.indirect.scatter.add.f32 [tilespmem:s16], [sflag:$0x6], $0x40, s3, s14, $0xb8;
	[tilespmem:$0x17000] =	vst v63  }
0xa2: {  	_ =	swait.ge [sflag:s2], $0x2000  }
0xa3: {  	[sflag:s2] =	ssyncset.done $0x0  }
0xa4: {  	s28 =	simm.s32 $0x4F00;
	[sflag:s2] =	ssyncadd.s32 $0xFFFFE000  }
0xa5: {  	[spmem:s1] =	stream.indirect.scatter.add.f32 [tilespmem:s18], [sflag:$0x7], $0x40, s28, s14, $0xb8;
	[tilespmem:$0x17000] =	vst v63  }
0xa6: {  	_ =	swait.ge [sflag:s25], $0x2000  }
0xa7: {  	[sflag:s25] =	ssyncset.done $0x0  }
0xa8: {  	s3 =	simm.s32 $0x4F80;
	[sflag:s25] =	ssyncadd.s32 $0xFFFFE000  }
0xa9: {  	[spmem:s1] =	stream.indirect.scatter.add.f32 [tilespmem:s23], [sflag:$0x8], $0x40, s3, s14, $0xb8;
	[tilespmem:$0x17000] =	vst v63  }
0xaa: {  	_ =	swait.ge [sflag:s26], $0x2000  }
0xab: {  	[sflag:s26] =	ssyncset.done $0x0  }
0xac: {  	[sflag:s26] =	ssyncadd.s32 $0xFFFFE000  }
0xad: {  	_ =	swait.ge [sflag:s31], $0x2000  }
0xae: {  	[sflag:s31] =	ssyncset.done $0x0  }
0xaf: {  	[sflag:s31] =	ssyncadd.s32 $0xFFFFE000  }
0xb0: {  	_ =	swait.ge [sflag:s17], $0x2000  }
0xb1: {  	[sflag:s17] =	ssyncset.done $0x0  }
0xb2: {  	[sflag:s17] =	ssyncadd.s32 $0xFFFFE000  }
0xb3: {  	_ =	swait.ge [sflag:s30], $0x2000  }
0xb4: {  	s22 =	sadd.s32 $0x1, s22;
	[sflag:s30] =	ssyncset.done $0x0  }
0xb5: {  	p1 =	sne.s32 s22, s13;
	[sflag:s30] =	ssyncadd.s32 $0xFFFFE000  }
.Ltmp1:
0xb6: {  	s28 =	simm.s32 $0x10;
	[bflag:$0x0] =	sbarrier.arrive $0xFFFF;
	(pc) =	sbr.rel @p1 .LBB2_1-.Ltmp1, $4  }
0xb7: {  	[hbm:s12@s28], [sflag:s19] =	dma.strided [spmem:s20@s30], $0x1400, s24, $0x8   }
0xb8: {  	_ =	swait.ge [sflag:s21], $0x1400  }
0xb9: {  	[sflag:s21] =	ssyncset.done $0x0  }
0xba: {  	[sflag:s21] =	ssyncadd.s32 $0xFFFFEC00  }
0xbb: {  	_ =	sfence.sel $0x180000  }
0xbc: {  	[bflag:$0x0] =	sbarrier.arrive $0xFFFF  }
0xbd: {  	_ =	strace $0x90000050  }
0xbe: {  	s0 =	stileid.u32;
	[bflag:$0x2] =	sbarrier.arrive $0xFFFF  }
0xbf: {  	p0 =	sne.s32 s0, $0x0;
	s0 =	rddreg [dreg:$0x3]  }
0xc0: {  	s0 =	sadd.s32 @!p0 $0x100000, s0  }
0xc1: {  	[sflag:s0] =	ssyncadd.tile.s32 @!p0 $0x1;
	_ =	shalt  }
.Lfunc_end2:
_tile_overlayer_lowered:
.L_overlay_start_2:
0xc2: {  	(tag) =	ssettag $0x2  }
0xc3: {  	s0 =	rddreg [dreg:$0x0];
	s2 =	stileid.u32  }
0xc4: {  	s1 =	rddreg [dreg:$0x1];
	p0 =	sne.s32 s2, $0x0  }
0xc5: {  	s3 =	rddreg [dreg:$0x2];
	[bflag:$0x3] =	sbarrier.arrive $0xFFFF;
	s2 =	simm.s32 @!p0 $0x1C09  }
0xc6: {  	[timem:s3], [sflag:s2] =	dma.local @!p0 [hbm:s0], s1  }
0xc7: {  	s0 =	simm.s32 @!p0 $0x9  }
0xc8: {  	_ =	swait.ge @!p0 [sflag:s0], s1  }
0xc9: {  	s1 =	ssub.s32 @!p0 $0x0, s1;
	[sflag:s0] =	ssyncset.done @!p0 $0x0  }
0xca: {  	[sflag:s0] =	ssyncadd.s32 @!p0 s1  }
0xcb: {  	[bflag:$0x3] =	sbarrier.arrive $0xFFFF  }
0xcc: {  	_ =	shalt  }

// kernel: kernel.27.cloned.1.call-start
scs
__scs_entry_jumppad:
0x0: {  	(pc) =	sbr.rel $0x88, $3  }
0x1: {  	(tag) =	ssettag $0x0;
	lr =	simm.s32 $0x1  }
0x2: {  	[smem:$0x3F95] =	sst lr;
	_ =	strace $0xD0000000  }
0x3: {  	_ = 	snop  }
0x4: {  	_ = 	snop  }
0x5: {  	_ = 	snop  }
0x6: {  	_ = 	snop  }
0x7: {  	_ = 	snop  }
__scs_overlays_trampoline_lowered:
0x8: {  	[smem:$0x3FA4] =	sst s0  }
0x9: {  	[smem:$0x3FA5] =	sst s1  }
0xa: {  	[smem:$0x3FA6] =	sst s2  }
0xb: {  	[smem:$0x3FA7] =	sst s3  }
0xc: {  	[smem:$0x3FA8] =	sst s4  }
0xd: {  	[smem:$0x3FA9] =	sst s5  }
0xe: {  	[smem:$0x3FAA] =	sst s6  }
0xf: {  	[smem:$0x3FAB] =	sst s7  }
0x10: {  	[smem:$0x3FAC] =	sst s8  }
0x11: {  	[smem:$0x3FAD] =	sst s9;
	s0 =	simm.s32 @!p0 $0x0  }
0x12: {  	s1 =	sld [smem:$0x3F93];
	s0 =	simm.s32 @p0 $0x1  }
0x13: {  	[smem:$0x3FAE] =	sst s0;
	s0 =	simm.s32 @!p1 $0x0  }
0x14: {  	s2 =	sld [smem:$0x3F92];
	s0 =	simm.s32 @p1 $0x1  }
0x15: {  	[smem:$0x3FAF] =	sst s0;
	s0 =	simm.s32 @!p2 $0x0  }
0x16: {  	s3 =	sld [smem:$0x3FDB];
	s0 =	simm.s32 @p2 $0x1  }
0x17: {  	s4 =	simm.s32 $0x1BF5;
	[smem:$0x3FB1] =	sst s0  }
0x18: {  	s0 =	sld [smem:$0x3F94];
	_ =	swait.ge [sflag:s4], $0x0  }
0x19: {  	s7 =	sld [smem:$0x3F95]  }
0x1a: {  	s8 =	sadd.s32 $0xFFFFE003, lr  }
0x1b: {  	s9 =	sadd.s32 $0xFFFFFEF7, lr;
	s5 =	simm.s32 $0xFFFFFFFF;
	p2 =	slt.u32 s8, $0xFFFFF086  }
0x1c: {  	p1 =	slt.u32 s9, $0xF7A;
	s5 =	simm.s32 @!p2 $0x0  }
0x1d: {  	s5 =	simm.s32 @p1 $0x1;
	p0 =	seq.s32 s7, s2  }
0x1e: {  	s7 =	smul.u32 @!p0 $0xF7A, s2;
	p2 =	seq.s32 @!p0 s5, $0x0  }
0x1f: {  	s9 =	smul.u32 $0xF7A, s1;
	s8 =	simm.s32 @!p0 $0x1BF5;
	p2 =	por !p2, p0  }
0x20: {  	[sflag:s8] =	ssyncset.s32 @!p0 $0xFFFFF086;
	s6 =	sadd.s32 @!p0 s3, s7;
	s7 =	simm.s32 @!p0 $0x108  }
0x21: {  	s3 =	sadd.s32 s3, s9;
	s6 =	sadd.s32 @!p0 $0x88, s6;
	s7 =	simm.s32 @p2 $0x1082  }
0x22: {  	[simem:s7], [sflag:s8] =	dma.local @!p0 [hbm:s6], $0xF7A  }
0x23: {  	s9 =	sor.u32 $0xD0000000, s2;
	s6 =	simm.s32 $0x108;
	_ =	swait.ge @!p0 [sflag:s8], $0x0  }
0x24: {  	s3 =	sadd.s32 $0x88, s3;
	s6 =	simm.s32 @!p1 $0x1082;
	[sflag:s4] =	ssyncset.s32 $0xFFFFF086  }
0x25: {  	[simem:s6], [sflag:s4] =	dma.local [hbm:s3], $0xF7A  }
0x26: {  	[smem:$0x3F95] =	sst s1;
	(tag) =	ssettag s2;
	_ =	strace s9  }
0x27: {  	s1 =	sld [smem:$0x3FA5]  }
0x28: {  	s2 =	sld [smem:$0x3FA6]  }
0x29: {  	s4 =	sld [smem:$0x3FA8]  }
0x2a: {  	p0 =	seq.s32 s5, $0x0;
	s5 =	sld [smem:$0x3FA9]  }
0x2b: {  	s6 =	sld [smem:$0x3FAA]  }
0x2c: {  	s7 =	sld [smem:$0x3FAB]  }
0x2d: {  	s3 =	simm.s32 $0x108;
	s8 =	sld [smem:$0x3FAC]  }
0x2e: {  	s3 =	simm.s32 @!p0 $0x1082;
	s9 =	sld [smem:$0x3FAD]  }
0x2f: {  	lr =	sadd.s32 s0, s3;
	s0 =	sld [smem:$0x3FA4]  }
0x30: {  	s3 =	sld [smem:$0x3FA7]  }
0x31: {  	[smem:$0x3FB0] =	sst s10  }
0x32: {  	s10 =	sld [smem:$0x3FAE];
	_ =	sdelay $0x3  }
0x33: {  	p0 =	seq.s32 s10, $0x1;
	s10 =	sld [smem:$0x3FB0];
	_ =	sdelay $0x3  }
0x34: {  	[smem:$0x3FB0] =	sst s10  }
0x35: {  	s10 =	sld [smem:$0x3FAF];
	_ =	sdelay $0x3  }
0x36: {  	p1 =	seq.s32 s10, $0x1;
	s10 =	sld [smem:$0x3FB0];
	_ =	sdelay $0x3  }
0x37: {  	[smem:$0x3FB0] =	sst s10  }
0x38: {  	s10 =	sld [smem:$0x3FB1]  }
0x39: {  	_ = 	snop;
	(pc) =	sbr.ind lr, $3  }
0x3a: {  	_ = 	snop  }
0x3b: {  	_ = 	snop  }
0x3c: {  	p2 =	seq.s32 s10, $0x1;
	s10 =	sld [smem:$0x3FB0]  }
0x3d: {  	_ =	shalt  }
0x3e: {  	_ =	shalt  }
0x3f: {  	_ =	shalt  }
0x40: {  	_ =	shalt  }
0x41: {  	_ =	shalt  }
0x42: {  	_ =	shalt  }
0x43: {  	_ =	shalt  }
0x44: {  	_ =	shalt  }
0x45: {  	_ =	shalt  }
0x46: {  	_ =	shalt  }
0x47: {  	_ =	shalt  }
0x48: {  	_ =	shalt  }
0x49: {  	_ =	shalt  }
0x4a: {  	_ =	shalt  }
0x4b: {  	_ =	shalt  }
0x4c: {  	_ =	shalt  }
0x4d: {  	_ =	shalt  }
0x4e: {  	_ =	shalt  }
0x4f: {  	_ =	shalt  }
0x50: {  	_ =	shalt  }
0x51: {  	_ =	shalt  }
0x52: {  	_ =	shalt  }
0x53: {  	_ =	shalt  }
0x54: {  	_ =	shalt  }
0x55: {  	_ =	shalt  }
0x56: {  	_ =	shalt  }
0x57: {  	_ =	shalt  }
0x58: {  	_ =	shalt  }
0x59: {  	_ =	shalt  }
0x5a: {  	_ =	shalt  }
0x5b: {  	_ =	shalt  }
0x5c: {  	_ =	shalt  }
0x5d: {  	_ =	shalt  }
0x5e: {  	_ =	shalt  }
0x5f: {  	_ =	shalt  }
0x60: {  	_ =	shalt  }
0x61: {  	_ =	shalt  }
0x62: {  	_ =	shalt  }
0x63: {  	_ =	shalt  }
0x64: {  	_ =	shalt  }
0x65: {  	_ =	shalt  }
0x66: {  	_ =	shalt  }
0x67: {  	_ =	shalt  }
0x68: {  	_ =	shalt  }
0x69: {  	_ =	shalt  }
0x6a: {  	_ =	shalt  }
0x6b: {  	_ =	shalt  }
0x6c: {  	_ =	shalt  }
0x6d: {  	_ =	shalt  }
0x6e: {  	_ =	shalt  }
0x6f: {  	_ =	shalt  }
0x70: {  	_ =	shalt  }
0x71: {  	_ =	shalt  }
0x72: {  	_ =	shalt  }
0x73: {  	_ =	shalt  }
0x74: {  	_ =	shalt  }
0x75: {  	_ =	shalt  }
0x76: {  	_ =	shalt  }
0x77: {  	_ =	shalt  }
0x78: {  	_ =	shalt  }
0x79: {  	_ =	shalt  }
0x7a: {  	_ =	shalt  }
0x7b: {  	_ =	shalt  }
0x7c: {  	_ =	shalt  }
0x7d: {  	_ =	shalt  }
0x7e: {  	_ =	shalt  }
0x7f: {  	_ =	shalt  }
0x80: {  	_ =	shalt  }
0x81: {  	_ =	shalt  }
0x82: {  	_ =	shalt  }
0x83: {  	_ =	shalt  }
0x84: {  	_ =	shalt  }
0x85: {  	_ =	shalt  }
0x86: {  	_ =	shalt  }
0x87: {  	_ =	shalt  }
.Lfunc_end0:
.L_simem_size_0:
called_computation.4_lowered:
.L_overlay_start_0:
0x88: {  	s2 =	sld [smem:$0x3FD9]  }
0x89: {  	s3 =	sld [smem:$0x3FFE];
	_ =	sdelay $0x1  }
0x8a: {  	s1 =	srdreg.scid  }
0x8b: {  	s0 =	sand.u32 $0x1, s1  }
0x8c: {  	s17 =	sshll.u32 s0, $0xA;
	s2 =	sadd.s32 s3, s2  }
0x8d: {  	s2 =	sadd.s32 s2, s17  }
0x8e: {  	[smem:$0x3FBC] =	sst s2  }
0x8f: {  	_ = 	snop  }
0x90: {  	s2 =	sld [smem:$0x3FD0];
	(tm) =	ssettm $0x1  }
0x91: {  	s18 =	sld [smem:$0x3FFB];
	_ =	sdelay $0x3  }
0x92: {  	_ =	strace s18  }
0x93: {  	s3 =	sld [smem:$0x3FFC];
	_ =	sdelay $0x3  }
0x94: {  	_ =	strace s3  }
0x95: {  	s3 =	sld [smem:$0x3FFD];
	_ =	sdelay $0x3  }
0x96: {  	_ =	strace s3  }
0x97: {  	_ =	strace $0x8FFFFFFF  }
0x98: {  	s19 =	sld [smem:$0x3FDB];
	_ =	sdelay $0x1  }
0x99: {  	s4 =	simm.s32 $_scs_section_size  }
0x9a: {  	s5 =	simm.s32 $_size__tile_overlayer_lowered;
	s6 =	simm.s32 $_tile_overlayer_lowered  }
0x9b: {  	s22 =	simm.s32 $0x1BFF;
	s21 =	sshll.u32 s6, $0x1;
	s3 =	sadd.s32 s4, s19  }
0x9c: {  	s7 =	simm.s32 $0x0;
	s20 =	sshll.u32 s5, $0x1;
	s5 =	sadd.s32 s21, s3  }
0x9d: {  	[timem:s7], [sflag:s22] =	dma.local [hbm:s5], s20  }
0x9e: {  	_ =	swait.ge [sflag:s22], s20  }
0x9f: {  	s4 =	ssub.s32 $0x0, s20;
	[sflag:s22] =	ssyncset.done $0x0  }
0xa0: {  	[sflag:s22] =	ssyncadd.s32 s4;
	_ =	sdelay $0x1  }
0xa1: {  	s23 =	simm.s32 $0x1B8B  }
0xa2: {  	_ =	swait.ge [sflag:s23], $0x1  }
0xa3: {  	[sflag:s23] =	ssyncset.done $0x0  }
0xa4: {  	s25 =	simm.s32 $0x1B8E;
	s24 =	sld [smem:$0x3FFE];
	[sflag:s23] =	ssyncadd.s32 $0xFFFFFFFF  }
0xa5: {  	s26 =	simm.s32 $execute0_lowered;
	[smem:$0x3FD2] =	sst s25  }
0xa6: {  	s5 =	sshll.u32 s26, $0x1;
	_ =	strace $0x80000052;
	[dreg:$0x1] =	wrdreg $0xFFFFFFFF  }
0xa7: {  	s28 =	simm.s32 $_size_execute0_lowered;
	s3 =	sadd.s32 s3, s5;
	[dreg:$0x0] =	wrdreg $0x0  }
0xa8: {  	s5 =	sshll.u32 s28, $0x1;
	[dreg:$0x2] =	wrdreg s3  }
0xa9: {  	[dreg:$0x3] =	wrdreg s5  }
0xaa: {  	[dreg:$0x4] =	wrdreg $0xC0  }
0xab: {  	_ =	task [dreg:s7], $0x5FFFF  }
0xac: {  	[dreg:$0x1] =	wrdreg $0xFFFFFFFF  }
0xad: {  	[dreg:$0x0] =	wrdreg $0x60  }
0xae: {  	[dreg:$0x2] =	wrdreg s24  }
0xaf: {  	[dreg:$0x3] =	wrdreg s2  }
0xb0: {  	[dreg:$0x4] =	wrdreg $0xD0000  }
0xb1: {  	[dreg:$0x5] =	wrdreg $0x9  }
0xb2: {  	_ =	task.clear_ibuf [dreg:s7], $0x6FFFF;
	_ =	strace $0x90000052  }
0xb3: {  	s29 =	simm.s32 $0x9;
	_ =	strace $0x80000054  }
0xb4: {  	_ =	swait.ge [sflag:s29], $0x1  }
0xb5: {  	[sflag:s29] =	ssyncadd.s32 $0xFFFFFFFF  }
0xb6: {  	_ =	strace $0x90000054  }
0xb7: {  	_ =	sfence  }
0xb8: {  	s30 =	sld [smem:$0x0];
	_ =	sdelay $0x2  }
0xb9: {  	s31 =	sshll.u32 s1, $0xD;
	s1 =	sshrl.u32 s1, $0x2  }
0xba: {  	s3 =	sand.u32 $0x4000, s31;
	s1 =	sadd.s32 s1, s30  }
0xbb: {  	s0 =	sor.u32 s3, s0;
	s1 =	sshll.u32 s1, $0x11  }
0xbc: {  	s0 =	sor.u32 s1, s0  }
0xbd: {  	s0 =	sadd.s32 $0x8F2B, s0  }
0xbe: {  	[sflag:s0] =	ssyncadd.remote.s32 $0x1  }
0xbf: {  	_ =	sfence.sel $0xFFFF  }
0xc0: {  	[dreg:$0x0] =	wrdreg $0xFFFFFFFF;
	(pc) =	sbr.abs _section_cstart, $3  }
0xc1: {  	[dreg:$0x1] =	wrdreg $0xFFFFFFFF  }
0xc2: {  	_ =	task.clear_ibuf [dreg:s7], $0x2FFFF;
	_ =	strace $0x9FFFFFFF  }
0xc3: {  	(tm) =	ssettm $0x7FFFFFFF  }
tec
execute0_lowered:
.L_overlay_start_1:
0x0: {  	(tag) =	ssettag $0x1  }
0x1: {  	s0 =	rddreg [dreg:$0x0]  }
0x2: {  	s2 =	rddreg [dreg:$0x1]  }
0x3: {  	s1 =	rddreg [dreg:$0x2];
	s3 =	simm.s32 $0x0  }
0x4: {  	s24 =	srdreg.scid;
	s17 =	stileid.u32;
	s15 =	simm.s32 $0x5000  }
0x5: {  	s16 =	simm.s32 $0x7000;
	s18 =	simm.s32 $0x9000;
	s21 =	simm.s32 $0x9  }
0x6: {  	s23 =	simm.s32 $0xB000;
	s29 =	simm.s32 $0x2;
	s31 =	simm.s32 $0x6  }
0x7: {  	s30 =	simm.s32 $0x8;
	s22 =	simm.s32 $0x0;
	[smem:$0x7FF] =	sst s3  }
0x8: {  	s3 =	sand.u32 $0x1, s24;
	s6 =	smul.u32 $0x14000, s17;
	s4 =	sadd.s32 $0x4A00, s0  }
0x9: {  	s5 =	sadd.s32 $0x4200, s0;
	s10 =	smul.u32 $0x28000, s17;
	s11 =	sadd.s32 $0x45C0, s0  }
0xa: {  	s28 =	sshll.u32 s17, $0x6;
	s24 =	simm.s32 $0x1;
	_ =	strace $0x80000053  }
0xb: {  	s7 =	sshll.u32 s3, $0x6;
	s8 =	sshll.u32 s3, $0x4;
	s3 =	ssub.s32 $0x2, s3  }
0xc: {  	s19 =	sor.u32 $0x1C09, s28;
	s7 =	sor.u32 s7, s6;
	s14 =	sor.u32 s17, s8  }
0xd: {  	s6 =	sadd.s32 $0x18400, s0;
	s9 =	sshrl.u32 s3, $0x1;
	s13 =	sshrl.u32 s10, $0x2  }
0xe: {  	s10 =	sadd.s32 $0x13740, s2;
	s17 =	simm.s32 $0x7;
	s8 =	smul.u32 $0x2800, s14  }
0xf: {  	s7 =	sshrl.u32 s7, $0x3;
	s25 =	smul.u32 $0x500, s14;
	s3 =	ssub.s32 s3, s9  }
0x10: {  	s9 =	sadd.s32 $0x9B00, s2;
	s26 =	sadd.s32 s13, s1;
	p0 =	seq.s32 s14, $0x1F  }
0x11: {  	s14 =	simm.s32 $0x80;
	s12 =	sadd.s32 s7, s0;
	s13 =	smax.u32 s3, $0x1  }
0x12: {  	s20 =	sshrl.u32 s26, $0x3;
	s26 =	simm.s32 $0x5;
	s8 =	sshrl.u32 s8, $0x3  }
0x13: {  	s7 =	sadd.s32 s2, s25;
	s12 =	sadd.s32 $0x19800, s12;
	s8 =	sadd.s32 s2, s8  }
0x14: {  	s25 =	simm.s32 $0x4;
	s2 =	simm.s32 $0x3;
	s8 =	sadd.s32 $0x9C40, s8  }
.LBB2_1:
0x15: {  	s0 =	simm.s32 @p0 $0x0;
	s28 =	simm.s32 @p0 $0x9  }
0x16: {  	[tilespmem:s0], [sflag:$0x9] =	stream.linear.gather @p0 [hbm4b:s9+s0], $0xA00, $0x38;
	[tilespmem:$0x17000] =	vst v63  }
0x17: {  	_ =	swait.ge @p0 [sflag:s28], $0xA00  }
0x18: {  	[sflag:s28] =	ssyncset.done @p0 $0x0  }
0x19: {  	s3 =	simm.s32 @p0 $0xA00;
	[sflag:s28] =	ssyncadd.s32 @p0 $0xFFFFF600  }
0x1a: {  	[tilespmem:s3], [sflag:$0x9] =	stream.linear.gather @p0 [hbm4b:s5+s0], $0x1E00, $0x38;
	[tilespmem:$0x17000] =	vst v63  }
0x1b: {  	_ =	swait.ge @p0 [sflag:s28], $0x1E00  }
0x1c: {  	[sflag:s28] =	ssyncset.done @p0 $0x0  }
0x1d: {  	s3 =	simm.s32 @p0 $0x2800;
	[sflag:s28] =	ssyncadd.s32 @p0 $0xFFFFE200  }
0x1e: {  	[tilespmem:s3], [sflag:$0x9] =	stream.linear.gather @p0 [hbm4b:s10+s0], $0xA00, $0x38;
	[tilespmem:$0x17000] =	vst v63  }
0x1f: {  	_ =	swait.ge @p0 [sflag:s28], $0xA00  }
0x20: {  	[sflag:s28] =	ssyncset.done @p0 $0x0  }
0x21: {  	s3 =	simm.s32 @p0 $0x3200;
	[sflag:s28] =	ssyncadd.s32 @p0 $0xFFFFF600  }
0x22: {  	[tilespmem:s3], [sflag:$0x9] =	stream.linear.gather @p0 [hbm4b:s11+s0], $0x1E00, $0x38;
	[tilespmem:$0x17000] =	vst v63  }
0x23: {  	_ =	swait.ge @p0 [sflag:s28], $0x1E00  }
0x24: {  	[sflag:s28] =	ssyncset.done @p0 $0x0  }
0x25: {  	s0 =	simm.s32 @!p0 $0x0;
	s3 =	simm.s32 @!p0 $0x9;
	[sflag:s28] =	ssyncadd.s32 @p0 $0xFFFFE200  }
0x26: {  	[tilespmem:s0], [sflag:$0x9] =	stream.linear.gather @!p0 [hbm4b:s7+s0], $0x2800, $0x38;
	[tilespmem:$0x17000] =	vst v63  }
0x27: {  	_ =	swait.ge @!p0 [sflag:s3], $0x2800  }
0x28: {  	[sflag:s3] =	ssyncset.done @!p0 $0x0  }
0x29: {  	s28 =	simm.s32 @!p0 $0x2800;
	[sflag:s3] =	ssyncadd.s32 @!p0 $0xFFFFD800  }
0x2a: {  	[tilespmem:s28], [sflag:$0x9] =	stream.linear.gather @!p0 [hbm4b:s8+s0], $0x2800, $0x38;
	[tilespmem:$0x17000] =	vst v63  }
0x2b: {  	_ =	swait.ge @!p0 [sflag:s3], $0x2800  }
0x2c: {  	[sflag:s3] =	ssyncset.done @!p0 $0x0  }
0x2d: {  	[sflag:s3] =	ssyncadd.s32 @!p0 $0xFFFFD800;
	s3 =	simm.s32 $0x0  }
0x2e: {  	[tilespmem:s15], [sflag:$0x1] =	stream.indirect.gather [hbm4b:s4+s14], $0x40, s3, s14, $0xb8;
	[tilespmem:$0x17000] =	vst v63  }
0x2f: {  	_ = 	snop  }
0x30: {  	[tilespmem:s16], [sflag:$0x2] =	stream.indirect.gather [hbm4b:s4+s14], $0x40, s14, s14, $0xb8;
	[tilespmem:$0x17000] =	vst v63  }
0x31: {  	s3 =	simm.s32 $0x100  }
0x32: {  	[tilespmem:s18], [sflag:$0x3] =	stream.indirect.gather [hbm4b:s4+s14], $0x40, s3, s14, $0xb8;
	[tilespmem:$0x17000] =	vst v63  }
0x33: {  	[spmem:s20], [sflag:s19] =	dma.local [hbm:s6], $0x1400  }
0x34: {  	_ =	swait.ge [sflag:s21], $0x1400  }
0x35: {  	[sflag:s21] =	ssyncset.done $0x0  }
0x36: {  	[sflag:s21] =	ssyncadd.s32 $0xFFFFEC00  }
0x37: {  	s3 =	simm.s32 $0x180;
	[bflag:$0x0] =	sbarrier.arrive $0xFFFF  }
0x38: {  	[tilespmem:s23], [sflag:$0x4] =	stream.indirect.gather [hbm4b:s4+s14], $0x40, s3, s14, $0xb8;
	[tilespmem:$0x17000] =	vst v63  }
0x39: {  	_ =	swait.ge [sflag:s24], $0x2000  }
0x3a: {  	[sflag:s24] =	ssyncset.done $0x0  }
0x3b: {  	s3 =	simm.s32 $0x2800;
	[sflag:s24] =	ssyncadd.s32 $0xFFFFE000  }
0x3c: {  	[spmem:s1] =	stream.indirect.scatter.add.f32 [tilespmem:s15], [sflag:$0x5], $0x40, s3, s14, $0xb8;
	[tilespmem:$0x17000] =	vst v63  }
0x3d: {  	_ =	swait.ge [sflag:s26], $0x2000  }
0x3e: {  	[sflag:s26] =	ssyncset.done $0x0  }
0x3f: {  	s3 =	simm.s32 $0x200;
	[sflag:s26] =	ssyncadd.s32 $0xFFFFE000  }
0x40: {  	[tilespmem:s15], [sflag:$0x1] =	stream.indirect.gather [hbm4b:s4+s14], $0x40, s3, s14, $0xb8;
	[tilespmem:$0x17000] =	vst v63  }
0x41: {  	_ =	swait.ge [sflag:s29], $0x2000  }
0x42: {  	[sflag:s29] =	ssyncset.done $0x0  }
0x43: {  	s3 =	simm.s32 $0x2880;
	[sflag:s29] =	ssyncadd.s32 $0xFFFFE000  }
0x44: {  	[spmem:s1] =	stream.indirect.scatter.add.f32 [tilespmem:s16], [sflag:$0x6], $0x40, s3, s14, $0xb8;
	[tilespmem:$0x17000] =	vst v63  }
0x45: {  	_ =	swait.ge [sflag:s31], $0x2000  }
0x46: {  	[sflag:s31] =	ssyncset.done $0x0  }
0x47: {  	s3 =	simm.s32 $0x280;
	[sflag:s31] =	ssyncadd.s32 $0xFFFFE000  }
0x48: {  	[tilespmem:s16], [sflag:$0x2] =	stream.indirect.gather [hbm4b:s4+s14], $0x40, s3, s14, $0xb8;
	[tilespmem:$0x17000] =	vst v63  }
0x49: {  	_ =	swait.ge [sflag:s2], $0x2000  }
0x4a: {  	[sflag:s2] =	ssyncset.done $0x0  }
0x4b: {  	s3 =	simm.s32 $0x2900;
	[sflag:s2] =	ssyncadd.s32 $0xFFFFE000  }
0x4c: {  	[spmem:s1] =	stream.indirect.scatter.add.f32 [tilespmem:s18], [sflag:$0x7], $0x40, s3, s14, $0xb8;
	[tilespmem:$0x17000] =	vst v63  }
0x4d: {  	_ =	swait.ge [sflag:s17], $0x2000  }
0x4e: {  	[sflag:s17] =	ssyncset.done $0x0  }
0x4f: {  	s3 =	simm.s32 $0x300;
	[sflag:s17] =	ssyncadd.s32 $0xFFFFE000  }
0x50: {  	[tilespmem:s18], [sflag:$0x3] =	stream.indirect.gather [hbm4b:s4+s14], $0x40, s3, s14, $0xb8;
	[tilespmem:$0x17000] =	vst v63  }
0x51: {  	_ =	swait.ge [sflag:s25], $0x2000  }
0x52: {  	[sflag:s25] =	ssyncset.done $0x0  }
0x53: {  	s3 =	simm.s32 $0x2980;
	[sflag:s25] =	ssyncadd.s32 $0xFFFFE000  }
0x54: {  	[spmem:s1] =	stream.indirect.scatter.add.f32 [tilespmem:s23], [sflag:$0x8], $0x40, s3, s14, $0xb8;
	[tilespmem:$0x17000] =	vst v63  }
0x55: {  	_ =	swait.ge [sflag:s30], $0x2000  }
0x56: {  	[sflag:s30] =	ssyncset.done $0x0  }
0x57: {  	s3 =	simm.s32 $0x380;
	[sflag:s30] =	ssyncadd.s32 $0xFFFFE000  }
0x58: {  	[tilespmem:s23], [sflag:$0x4] =	stream.indirect.gather [hbm4b:s4+s14], $0x40, s3, s14, $0xb8;
	[tilespmem:$0x17000] =	vst v63  }
0x59: {  	_ =	swait.ge [sflag:s24], $0x2000  }
0x5a: {  	[sflag:s24] =	ssyncset.done $0x0  }
0x5b: {  	s3 =	simm.s32 $0x2A00;
	[sflag:s24] =	ssyncadd.s32 $0xFFFFE000  }
0x5c: {  	[spmem:s1] =	stream.indirect.scatter.add.f32 [tilespmem:s15], [sflag:$0x5], $0x40, s3, s14, $0xb8;
	[tilespmem:$0x17000] =	vst v63  }
0x5d: {  	_ =	swait.ge [sflag:s26], $0x2000  }
0x5e: {  	[sflag:s26] =	ssyncset.done $0x0  }
0x5f: {  	s3 =	simm.s32 $0x400;
	[sflag:s26] =	ssyncadd.s32 $0xFFFFE000  }
0x60: {  	[tilespmem:s15], [sflag:$0x1] =	stream.indirect.gather [hbm4b:s4+s14], $0x40, s3, s14, $0xb8;
	[tilespmem:$0x17000] =	vst v63  }
0x61: {  	_ =	swait.ge [sflag:s29], $0x2000  }
0x62: {  	[sflag:s29] =	ssyncset.done $0x0  }
0x63: {  	s3 =	simm.s32 $0x2A80;
	[sflag:s29] =	ssyncadd.s32 $0xFFFFE000  }
0x64: {  	[spmem:s1] =	stream.indirect.scatter.add.f32 [tilespmem:s16], [sflag:$0x6], $0x40, s3, s14, $0xb8;
	[tilespmem:$0x17000] =	vst v63  }
0x65: {  	_ =	swait.ge [sflag:s31], $0x2000  }
0x66: {  	[sflag:s31] =	ssyncset.done $0x0  }
0x67: {  	s3 =	simm.s32 $0x480;
	[sflag:s31] =	ssyncadd.s32 $0xFFFFE000  }
0x68: {  	[tilespmem:s16], [sflag:$0x2] =	stream.indirect.gather [hbm4b:s4+s14], $0x40, s3, s14, $0xb8;
	[tilespmem:$0x17000] =	vst v63  }
0x69: {  	_ =	swait.ge [sflag:s2], $0x2000  }
0x6a: {  	[sflag:s2] =	ssyncset.done $0x0  }
0x6b: {  	s3 =	simm.s32 $0x2B00;
	[sflag:s2] =	ssyncadd.s32 $0xFFFFE000  }
0x6c: {  	[spmem:s1] =	stream.indirect.scatter.add.f32 [tilespmem:s18], [sflag:$0x7], $0x40, s3, s14, $0xb8;
	[tilespmem:$0x17000] =	vst v63  }
0x6d: {  	_ =	swait.ge [sflag:s17], $0x2000  }
0x6e: {  	[sflag:s17] =	ssyncset.done $0x0  }
0x6f: {  	s3 =	simm.s32 $0x500;
	[sflag:s17] =	ssyncadd.s32 $0xFFFFE000  }
0x70: {  	[tilespmem:s18], [sflag:$0x3] =	stream.indirect.gather [hbm4b:s4+s14], $0x40, s3, s14, $0xb8;
	[tilespmem:$0x17000] =	vst v63  }
0x71: {  	_ =	swait.ge [sflag:s25], $0x2000  }
0x72: {  	[sflag:s25] =	ssyncset.done $0x0  }
0x73: {  	s28 =	simm.s32 $0x800;
	s0 =	simm.s32 $0x2B80;
	[sflag:s25] =	ssyncadd.s32 $0xFFFFE000  }
.LBB2_2:
0x74: {  	[spmem:s1] =	stream.indirect.scatter.add.f32 [tilespmem:s23], [sflag:$0x8], $0x40, s0, s14, $0xb8;
	[tilespmem:$0x17000] =	vst v63  }
0x75: {  	s0 =	smov.u32 s28  }
0x76: {  	p1 =	sne.s32 s28, $0x8800;
	s28 =	sadd.s32 $0x800, s28;
	_ =	swait.ge [sflag:s30], $0x2000  }
0x77: {  	s0 =	sshra.s32 s0, $0x2;
	[sflag:s30] =	ssyncset.done $0x0  }
0x78: {  	s3 =	sadd.s32 $0x380, s0;
	[sflag:s30] =	ssyncadd.s32 $0xFFFFE000  }
0x79: {  	[tilespmem:s23], [sflag:$0x4] =	stream.indirect.gather [hbm4b:s4+s14], $0x40, s3, s14, $0xb8;
	[tilespmem:$0x17000] =	vst v63  }
0x7a: {  	_ =	swait.ge [sflag:s24], $0x2000  }
0x7b: {  	[sflag:s24] =	ssyncset.done $0x0  }
0x7c: {  	s3 =	sadd.s32 $0x2A00, s0;
	[sflag:s24] =	ssyncadd.s32 $0xFFFFE000  }
0x7d: {  	[spmem:s1] =	stream.indirect.scatter.add.f32 [tilespmem:s15], [sflag:$0x5], $0x40, s3, s14, $0xb8;
	[tilespmem:$0x17000] =	vst v63  }
0x7e: {  	_ =	swait.ge [sflag:s26], $0x2000  }
0x7f: {  	[sflag:s26] =	ssyncset.done $0x0  }
0x80: {  	s3 =	sadd.s32 $0x400, s0;
	[sflag:s26] =	ssyncadd.s32 $0xFFFFE000  }
0x81: {  	[tilespmem:s15], [sflag:$0x1] =	stream.indirect.gather [hbm4b:s4+s14], $0x40, s3, s14, $0xb8;
	[tilespmem:$0x17000] =	vst v63  }
0x82: {  	_ =	swait.ge [sflag:s29], $0x2000  }
0x83: {  	[sflag:s29] =	ssyncset.done $0x0  }
0x84: {  	s3 =	sadd.s32 $0x2A80, s0;
	[sflag:s29] =	ssyncadd.s32 $0xFFFFE000  }
0x85: {  	[spmem:s1] =	stream.indirect.scatter.add.f32 [tilespmem:s16], [sflag:$0x6], $0x40, s3, s14, $0xb8;
	[tilespmem:$0x17000] =	vst v63  }
0x86: {  	_ =	swait.ge [sflag:s31], $0x2000  }
0x87: {  	[sflag:s31] =	ssyncset.done $0x0  }
0x88: {  	s3 =	sadd.s32 $0x480, s0;
	[sflag:s31] =	ssyncadd.s32 $0xFFFFE000  }
0x89: {  	[tilespmem:s16], [sflag:$0x2] =	stream.indirect.gather [hbm4b:s4+s14], $0x40, s3, s14, $0xb8;
	[tilespmem:$0x17000] =	vst v63  }
0x8a: {  	_ =	swait.ge [sflag:s2], $0x2000  }
0x8b: {  	[sflag:s2] =	ssyncset.done $0x0  }
0x8c: {  	s3 =	sadd.s32 $0x2B00, s0;
	[sflag:s2] =	ssyncadd.s32 $0xFFFFE000  }
0x8d: {  	[spmem:s1] =	stream.indirect.scatter.add.f32 [tilespmem:s18], [sflag:$0x7], $0x40, s3, s14, $0xb8;
	[tilespmem:$0x17000] =	vst v63  }
0x8e: {  	_ =	swait.ge [sflag:s17], $0x2000  }
0x8f: {  	[sflag:s17] =	ssyncset.done $0x0  }
.Ltmp0:
0x90: {  	s3 =	sadd.s32 $0x500, s0;
	[sflag:s17] =	ssyncadd.s32 $0xFFFFE000;
	(pc) =	sbr.rel @p1 .LBB2_2-.Ltmp0, $4  }
0x91: {  	[tilespmem:s18], [sflag:$0x3] =	stream.indirect.gather [hbm4b:s4+s14], $0x40, s3, s14, $0xb8;
	[tilespmem:$0x17000] =	vst v63  }
0x92: {  	_ =	swait.ge [sflag:s25], $0x2000  }
0x93: {  	[sflag:s25] =	ssyncset.done $0x0  }
0x94: {  	s0 =	sadd.s32 $0x2B80, s0;
	[sflag:s25] =	ssyncadd.s32 $0xFFFFE000  }
0x95: {  	[spmem:s1] =	stream.indirect.scatter.add.f32 [tilespmem:s23], [sflag:$0x8], $0x40, s0, s14, $0xb8;
	[tilespmem:$0x17000] =	vst v63  }
0x96: {  	_ =	swait.ge [sflag:s30], $0x2000  }
0x97: {  	[sflag:s30] =	ssyncset.done $0x0  }
0x98: {  	s3 =	simm.s32 $0x2780;
	[sflag:s30] =	ssyncadd.s32 $0xFFFFE000  }
0x99: {  	[tilespmem:s23], [sflag:$0x4] =	stream.indirect.gather [hbm4b:s4+s14], $0x40, s3, s14, $0xb8;
	[tilespmem:$0x17000] =	vst v63  }
0x9a: {  	_ =	swait.ge [sflag:s24], $0x2000  }
0x9b: {  	[sflag:s24] =	ssyncset.done $0x0  }
0x9c: {  	s28 =	simm.s32 $0x4E00;
	[sflag:s24] =	ssyncadd.s32 $0xFFFFE000  }
0x9d: {  	[spmem:s1] =	stream.indirect.scatter.add.f32 [tilespmem:s15], [sflag:$0x5], $0x40, s28, s14, $0xb8;
	[tilespmem:$0x17000] =	vst v63  }
0x9e: {  	_ =	swait.ge [sflag:s29], $0x2000  }
0x9f: {  	[sflag:s29] =	ssyncset.done $0x0  }
0xa0: {  	s3 =	simm.s32 $0x4E80;
	[sflag:s29] =	ssyncadd.s32 $0xFFFFE000  }
0xa1: {  	[spmem:s1] =	stream.indirect.scatter.add.f32 [tilespmem:s16], [sflag:$0x6], $0x40, s3, s14, $0xb8;
	[tilespmem:$0x17000] =	vst v63  }
0xa2: {  	_ =	swait.ge [sflag:s2], $0x2000  }
0xa3: {  	[sflag:s2] =	ssyncset.done $0x0  }
0xa4: {  	s28 =	simm.s32 $0x4F00;
	[sflag:s2] =	ssyncadd.s32 $0xFFFFE000  }
0xa5: {  	[spmem:s1] =	stream.indirect.scatter.add.f32 [tilespmem:s18], [sflag:$0x7], $0x40, s28, s14, $0xb8;
	[tilespmem:$0x17000] =	vst v63  }
0xa6: {  	_ =	swait.ge [sflag:s25], $0x2000  }
0xa7: {  	[sflag:s25] =	ssyncset.done $0x0  }
0xa8: {  	s3 =	simm.s32 $0x4F80;
	[sflag:s25] =	ssyncadd.s32 $0xFFFFE000  }
0xa9: {  	[spmem:s1] =	stream.indirect.scatter.add.f32 [tilespmem:s23], [sflag:$0x8], $0x40, s3, s14, $0xb8;
	[tilespmem:$0x17000] =	vst v63  }
0xaa: {  	_ =	swait.ge [sflag:s26], $0x2000  }
0xab: {  	[sflag:s26] =	ssyncset.done $0x0  }
0xac: {  	[sflag:s26] =	ssyncadd.s32 $0xFFFFE000  }
0xad: {  	_ =	swait.ge [sflag:s31], $0x2000  }
0xae: {  	[sflag:s31] =	ssyncset.done $0x0  }
0xaf: {  	[sflag:s31] =	ssyncadd.s32 $0xFFFFE000  }
0xb0: {  	_ =	swait.ge [sflag:s17], $0x2000  }
0xb1: {  	[sflag:s17] =	ssyncset.done $0x0  }
0xb2: {  	[sflag:s17] =	ssyncadd.s32 $0xFFFFE000  }
0xb3: {  	_ =	swait.ge [sflag:s30], $0x2000  }
0xb4: {  	s22 =	sadd.s32 $0x1, s22;
	[sflag:s30] =	ssyncset.done $0x0  }
0xb5: {  	p1 =	sne.s32 s22, s13;
	[sflag:s30] =	ssyncadd.s32 $0xFFFFE000  }
.Ltmp1:
0xb6: {  	s28 =	simm.s32 $0x10;
	[bflag:$0x0] =	sbarrier.arrive $0xFFFF;
	(pc) =	sbr.rel @p1 .LBB2_1-.Ltmp1, $4  }
0xb7: {  	[hbm:s12@s28], [sflag:s19] =	dma.strided [spmem:s20@s30], $0x1400, s24, $0x8   }
0xb8: {  	_ =	swait.ge [sflag:s21], $0x1400  }
0xb9: {  	[sflag:s21] =	ssyncset.done $0x0  }
0xba: {  	[sflag:s21] =	ssyncadd.s32 $0xFFFFEC00  }
0xbb: {  	_ =	sfence.sel $0x180000  }
0xbc: {  	[bflag:$0x0] =	sbarrier.arrive $0xFFFF  }
0xbd: {  	_ =	strace $0x90000053  }
0xbe: {  	s0 =	stileid.u32;
	[bflag:$0x2] =	sbarrier.arrive $0xFFFF  }
0xbf: {  	p0 =	sne.s32 s0, $0x0;
	s0 =	rddreg [dreg:$0x3]  }
0xc0: {  	s0 =	sadd.s32 @!p0 $0x100000, s0  }
0xc1: {  	[sflag:s0] =	ssyncadd.tile.s32 @!p0 $0x1;
	_ =	shalt  }
.Lfunc_end2:
_tile_overlayer_lowered:
.L_overlay_start_2:
0xc2: {  	(tag) =	ssettag $0x2  }
0xc3: {  	s0 =	rddreg [dreg:$0x0];
	s2 =	stileid.u32  }
0xc4: {  	s1 =	rddreg [dreg:$0x1];
	p0 =	sne.s32 s2, $0x0  }
0xc5: {  	s3 =	rddreg [dreg:$0x2];
	[bflag:$0x3] =	sbarrier.arrive $0xFFFF;
	s2 =	simm.s32 @!p0 $0x1C09  }
0xc6: {  	[timem:s3], [sflag:s2] =	dma.local @!p0 [hbm:s0], s1  }
0xc7: {  	s0 =	simm.s32 @!p0 $0x9  }
0xc8: {  	_ =	swait.ge @!p0 [sflag:s0], s1  }
0xc9: {  	s1 =	ssub.s32 @!p0 $0x0, s1;
	[sflag:s0] =	ssyncset.done @!p0 $0x0  }
0xca: {  	[sflag:s0] =	ssyncadd.s32 @!p0 s1  }
0xcb: {  	[bflag:$0x3] =	sbarrier.arrive $0xFFFF  }
0xcc: {  	_ =	shalt  }

// kernel: kernel.30.cloned.1.call-start
scs
__scs_entry_jumppad:
0x0: {  	(pc) =	sbr.rel $0x88, $3  }
0x1: {  	(tag) =	ssettag $0x0;
	lr =	simm.s32 $0x1  }
0x2: {  	[smem:$0x3F95] =	sst lr;
	_ =	strace $0xD0000000  }
0x3: {  	_ = 	snop  }
0x4: {  	_ = 	snop  }
0x5: {  	_ = 	snop  }
0x6: {  	_ = 	snop  }
0x7: {  	_ = 	snop  }
__scs_overlays_trampoline_lowered:
0x8: {  	[smem:$0x3FA4] =	sst s0  }
0x9: {  	[smem:$0x3FA5] =	sst s1  }
0xa: {  	[smem:$0x3FA6] =	sst s2  }
0xb: {  	[smem:$0x3FA7] =	sst s3  }
0xc: {  	[smem:$0x3FA8] =	sst s4  }
0xd: {  	[smem:$0x3FA9] =	sst s5  }
0xe: {  	[smem:$0x3FAA] =	sst s6  }
0xf: {  	[smem:$0x3FAB] =	sst s7  }
0x10: {  	[smem:$0x3FAC] =	sst s8  }
0x11: {  	[smem:$0x3FAD] =	sst s9;
	s0 =	simm.s32 @!p0 $0x0  }
0x12: {  	s1 =	sld [smem:$0x3F93];
	s0 =	simm.s32 @p0 $0x1  }
0x13: {  	[smem:$0x3FAE] =	sst s0;
	s0 =	simm.s32 @!p1 $0x0  }
0x14: {  	s2 =	sld [smem:$0x3F92];
	s0 =	simm.s32 @p1 $0x1  }
0x15: {  	[smem:$0x3FAF] =	sst s0;
	s0 =	simm.s32 @!p2 $0x0  }
0x16: {  	s3 =	sld [smem:$0x3FDB];
	s0 =	simm.s32 @p2 $0x1  }
0x17: {  	s4 =	simm.s32 $0x1BF5;
	[smem:$0x3FB1] =	sst s0  }
0x18: {  	s0 =	sld [smem:$0x3F94];
	_ =	swait.ge [sflag:s4], $0x0  }
0x19: {  	s7 =	sld [smem:$0x3F95]  }
0x1a: {  	s8 =	sadd.s32 $0xFFFFE003, lr  }
0x1b: {  	s9 =	sadd.s32 $0xFFFFFEF7, lr;
	s5 =	simm.s32 $0xFFFFFFFF;
	p2 =	slt.u32 s8, $0xFFFFF086  }
0x1c: {  	p1 =	slt.u32 s9, $0xF7A;
	s5 =	simm.s32 @!p2 $0x0  }
0x1d: {  	s5 =	simm.s32 @p1 $0x1;
	p0 =	seq.s32 s7, s2  }
0x1e: {  	s7 =	smul.u32 @!p0 $0xF7A, s2;
	p2 =	seq.s32 @!p0 s5, $0x0  }
0x1f: {  	s9 =	smul.u32 $0xF7A, s1;
	s8 =	simm.s32 @!p0 $0x1BF5;
	p2 =	por !p2, p0  }
0x20: {  	[sflag:s8] =	ssyncset.s32 @!p0 $0xFFFFF086;
	s6 =	sadd.s32 @!p0 s3, s7;
	s7 =	simm.s32 @!p0 $0x108  }
0x21: {  	s3 =	sadd.s32 s3, s9;
	s6 =	sadd.s32 @!p0 $0x88, s6;
	s7 =	simm.s32 @p2 $0x1082  }
0x22: {  	[simem:s7], [sflag:s8] =	dma.local @!p0 [hbm:s6], $0xF7A  }
0x23: {  	s9 =	sor.u32 $0xD0000000, s2;
	s6 =	simm.s32 $0x108;
	_ =	swait.ge @!p0 [sflag:s8], $0x0  }
0x24: {  	s3 =	sadd.s32 $0x88, s3;
	s6 =	simm.s32 @!p1 $0x1082;
	[sflag:s4] =	ssyncset.s32 $0xFFFFF086  }
0x25: {  	[simem:s6], [sflag:s4] =	dma.local [hbm:s3], $0xF7A  }
0x26: {  	[smem:$0x3F95] =	sst s1;
	(tag) =	ssettag s2;
	_ =	strace s9  }
0x27: {  	s1 =	sld [smem:$0x3FA5]  }
0x28: {  	s2 =	sld [smem:$0x3FA6]  }
0x29: {  	s4 =	sld [smem:$0x3FA8]  }
0x2a: {  	p0 =	seq.s32 s5, $0x0;
	s5 =	sld [smem:$0x3FA9]  }
0x2b: {  	s6 =	sld [smem:$0x3FAA]  }
0x2c: {  	s7 =	sld [smem:$0x3FAB]  }
0x2d: {  	s3 =	simm.s32 $0x108;
	s8 =	sld [smem:$0x3FAC]  }
0x2e: {  	s3 =	simm.s32 @!p0 $0x1082;
	s9 =	sld [smem:$0x3FAD]  }
0x2f: {  	lr =	sadd.s32 s0, s3;
	s0 =	sld [smem:$0x3FA4]  }
0x30: {  	s3 =	sld [smem:$0x3FA7]  }
0x31: {  	[smem:$0x3FB0] =	sst s10  }
0x32: {  	s10 =	sld [smem:$0x3FAE];
	_ =	sdelay $0x3  }
0x33: {  	p0 =	seq.s32 s10, $0x1;
	s10 =	sld [smem:$0x3FB0];
	_ =	sdelay $0x3  }
0x34: {  	[smem:$0x3FB0] =	sst s10  }
0x35: {  	s10 =	sld [smem:$0x3FAF];
	_ =	sdelay $0x3  }
0x36: {  	p1 =	seq.s32 s10, $0x1;
	s10 =	sld [smem:$0x3FB0];
	_ =	sdelay $0x3  }
0x37: {  	[smem:$0x3FB0] =	sst s10  }
0x38: {  	s10 =	sld [smem:$0x3FB1]  }
0x39: {  	_ = 	snop;
	(pc) =	sbr.ind lr, $3  }
0x3a: {  	_ = 	snop  }
0x3b: {  	_ = 	snop  }
0x3c: {  	p2 =	seq.s32 s10, $0x1;
	s10 =	sld [smem:$0x3FB0]  }
0x3d: {  	_ =	shalt  }
0x3e: {  	_ =	shalt  }
0x3f: {  	_ =	shalt  }
0x40: {  	_ =	shalt  }
0x41: {  	_ =	shalt  }
0x42: {  	_ =	shalt  }
0x43: {  	_ =	shalt  }
0x44: {  	_ =	shalt  }
0x45: {  	_ =	shalt  }
0x46: {  	_ =	shalt  }
0x47: {  	_ =	shalt  }
0x48: {  	_ =	shalt  }
0x49: {  	_ =	shalt  }
0x4a: {  	_ =	shalt  }
0x4b: {  	_ =	shalt  }
0x4c: {  	_ =	shalt  }
0x4d: {  	_ =	shalt  }
0x4e: {  	_ =	shalt  }
0x4f: {  	_ =	shalt  }
0x50: {  	_ =	shalt  }
0x51: {  	_ =	shalt  }
0x52: {  	_ =	shalt  }
0x53: {  	_ =	shalt  }
0x54: {  	_ =	shalt  }
0x55: {  	_ =	shalt  }
0x56: {  	_ =	shalt  }
0x57: {  	_ =	shalt  }
0x58: {  	_ =	shalt  }
0x59: {  	_ =	shalt  }
0x5a: {  	_ =	shalt  }
0x5b: {  	_ =	shalt  }
0x5c: {  	_ =	shalt  }
0x5d: {  	_ =	shalt  }
0x5e: {  	_ =	shalt  }
0x5f: {  	_ =	shalt  }
0x60: {  	_ =	shalt  }
0x61: {  	_ =	shalt  }
0x62: {  	_ =	shalt  }
0x63: {  	_ =	shalt  }
0x64: {  	_ =	shalt  }
0x65: {  	_ =	shalt  }
0x66: {  	_ =	shalt  }
0x67: {  	_ =	shalt  }
0x68: {  	_ =	shalt  }
0x69: {  	_ =	shalt  }
0x6a: {  	_ =	shalt  }
0x6b: {  	_ =	shalt  }
0x6c: {  	_ =	shalt  }
0x6d: {  	_ =	shalt  }
0x6e: {  	_ =	shalt  }
0x6f: {  	_ =	shalt  }
0x70: {  	_ =	shalt  }
0x71: {  	_ =	shalt  }
0x72: {  	_ =	shalt  }
0x73: {  	_ =	shalt  }
0x74: {  	_ =	shalt  }
0x75: {  	_ =	shalt  }
0x76: {  	_ =	shalt  }
0x77: {  	_ =	shalt  }
0x78: {  	_ =	shalt  }
0x79: {  	_ =	shalt  }
0x7a: {  	_ =	shalt  }
0x7b: {  	_ =	shalt  }
0x7c: {  	_ =	shalt  }
0x7d: {  	_ =	shalt  }
0x7e: {  	_ =	shalt  }
0x7f: {  	_ =	shalt  }
0x80: {  	_ =	shalt  }
0x81: {  	_ =	shalt  }
0x82: {  	_ =	shalt  }
0x83: {  	_ =	shalt  }
0x84: {  	_ =	shalt  }
0x85: {  	_ =	shalt  }
0x86: {  	_ =	shalt  }
0x87: {  	_ =	shalt  }
.Lfunc_end0:
.L_simem_size_0:
called_computation.5_lowered:
.L_overlay_start_0:
0x88: {  	s2 =	sld [smem:$0x3FD9]  }
0x89: {  	s3 =	sld [smem:$0x3FFE];
	_ =	sdelay $0x1  }
0x8a: {  	s1 =	srdreg.scid  }
0x8b: {  	s0 =	sand.u32 $0x1, s1  }
0x8c: {  	s17 =	sshll.u32 s0, $0xA;
	s2 =	sadd.s32 s3, s2  }
0x8d: {  	s2 =	sadd.s32 s2, s17  }
0x8e: {  	[smem:$0x3FBC] =	sst s2  }
0x8f: {  	_ = 	snop  }
0x90: {  	s2 =	sld [smem:$0x3FD0];
	(tm) =	ssettm $0x1  }
0x91: {  	s18 =	sld [smem:$0x3FFB];
	_ =	sdelay $0x3  }
0x92: {  	_ =	strace s18  }
0x93: {  	s3 =	sld [smem:$0x3FFC];
	_ =	sdelay $0x3  }
0x94: {  	_ =	strace s3  }
0x95: {  	s3 =	sld [smem:$0x3FFD];
	_ =	sdelay $0x3  }
0x96: {  	_ =	strace s3  }
0x97: {  	_ =	strace $0x8FFFFFFF  }
0x98: {  	s19 =	sld [smem:$0x3FDB];
	_ =	sdelay $0x1  }
0x99: {  	s4 =	simm.s32 $_scs_section_size  }
0x9a: {  	s5 =	simm.s32 $_size__tile_overlayer_lowered;
	s6 =	simm.s32 $_tile_overlayer_lowered  }
0x9b: {  	s22 =	simm.s32 $0x1BFF;
	s21 =	sshll.u32 s6, $0x1;
	s3 =	sadd.s32 s4, s19  }
0x9c: {  	s7 =	simm.s32 $0x0;
	s20 =	sshll.u32 s5, $0x1;
	s5 =	sadd.s32 s21, s3  }
0x9d: {  	[timem:s7], [sflag:s22] =	dma.local [hbm:s5], s20  }
0x9e: {  	_ =	swait.ge [sflag:s22], s20  }
0x9f: {  	s4 =	ssub.s32 $0x0, s20;
	[sflag:s22] =	ssyncset.done $0x0  }
0xa0: {  	[sflag:s22] =	ssyncadd.s32 s4;
	_ =	sdelay $0x1  }
0xa1: {  	s23 =	simm.s32 $0x1B8B  }
0xa2: {  	_ =	swait.ge [sflag:s23], $0x1  }
0xa3: {  	[sflag:s23] =	ssyncset.done $0x0  }
0xa4: {  	s25 =	simm.s32 $0x1B8E;
	s24 =	sld [smem:$0x3FFE];
	[sflag:s23] =	ssyncadd.s32 $0xFFFFFFFF  }
0xa5: {  	s26 =	simm.s32 $execute0_lowered;
	[smem:$0x3FD2] =	sst s25  }
0xa6: {  	s5 =	sshll.u32 s26, $0x1;
	_ =	strace $0x80000055;
	[dreg:$0x1] =	wrdreg $0xFFFFFFFF  }
0xa7: {  	s28 =	simm.s32 $_size_execute0_lowered;
	s3 =	sadd.s32 s3, s5;
	[dreg:$0x0] =	wrdreg $0x0  }
0xa8: {  	s5 =	sshll.u32 s28, $0x1;
	[dreg:$0x2] =	wrdreg s3  }
0xa9: {  	[dreg:$0x3] =	wrdreg s5  }
0xaa: {  	[dreg:$0x4] =	wrdreg $0xC0  }
0xab: {  	_ =	task [dreg:s7], $0x5FFFF  }
0xac: {  	[dreg:$0x1] =	wrdreg $0xFFFFFFFF  }
0xad: {  	[dreg:$0x0] =	wrdreg $0x60  }
0xae: {  	[dreg:$0x2] =	wrdreg s24  }
0xaf: {  	[dreg:$0x3] =	wrdreg s2  }
0xb0: {  	[dreg:$0x4] =	wrdreg $0xD0000  }
0xb1: {  	[dreg:$0x5] =	wrdreg $0x9  }
0xb2: {  	_ =	task.clear_ibuf [dreg:s7], $0x6FFFF;
	_ =	strace $0x90000055  }
0xb3: {  	s29 =	simm.s32 $0x9;
	_ =	strace $0x80000057  }
0xb4: {  	_ =	swait.ge [sflag:s29], $0x1  }
0xb5: {  	[sflag:s29] =	ssyncadd.s32 $0xFFFFFFFF  }
0xb6: {  	_ =	strace $0x90000057  }
0xb7: {  	_ =	sfence  }
0xb8: {  	s30 =	sld [smem:$0x0];
	_ =	sdelay $0x2  }
0xb9: {  	s31 =	sshll.u32 s1, $0xD;
	s1 =	sshrl.u32 s1, $0x2  }
0xba: {  	s3 =	sand.u32 $0x4000, s31;
	s1 =	sadd.s32 s1, s30  }
0xbb: {  	s0 =	sor.u32 s3, s0;
	s1 =	sshll.u32 s1, $0x11  }
0xbc: {  	s0 =	sor.u32 s1, s0  }
0xbd: {  	s0 =	sadd.s32 $0x8F2B, s0  }
0xbe: {  	[sflag:s0] =	ssyncadd.remote.s32 $0x1  }
0xbf: {  	_ =	sfence.sel $0xFFFF  }
0xc0: {  	[dreg:$0x0] =	wrdreg $0xFFFFFFFF;
	(pc) =	sbr.abs _section_cstart, $3  }
0xc1: {  	[dreg:$0x1] =	wrdreg $0xFFFFFFFF  }
0xc2: {  	_ =	task.clear_ibuf [dreg:s7], $0x2FFFF;
	_ =	strace $0x9FFFFFFF  }
0xc3: {  	(tm) =	ssettm $0x7FFFFFFF  }
tec
execute0_lowered:
.L_overlay_start_1:
0x0: {  	(tag) =	ssettag $0x1  }
0x1: {  	s0 =	rddreg [dreg:$0x0]  }
0x2: {  	s2 =	rddreg [dreg:$0x1]  }
0x3: {  	s1 =	rddreg [dreg:$0x2];
	s3 =	simm.s32 $0x0  }
0x4: {  	s24 =	srdreg.scid;
	s17 =	stileid.u32;
	s15 =	simm.s32 $0x5000  }
0x5: {  	s16 =	simm.s32 $0x7000;
	s18 =	simm.s32 $0x9000;
	s21 =	simm.s32 $0x9  }
0x6: {  	s23 =	simm.s32 $0xB000;
	s29 =	simm.s32 $0x2;
	s31 =	simm.s32 $0x6  }
0x7: {  	s30 =	simm.s32 $0x8;
	s22 =	simm.s32 $0x0;
	[smem:$0x7FF] =	sst s3  }
0x8: {  	s3 =	sand.u32 $0x1, s24;
	s6 =	smul.u32 $0x14000, s17;
	s4 =	sadd.s32 $0x4A00, s0  }
0x9: {  	s5 =	sadd.s32 $0x4200, s0;
	s10 =	smul.u32 $0x28000, s17;
	s11 =	sadd.s32 $0x45C0, s0  }
0xa: {  	s28 =	sshll.u32 s17, $0x6;
	s24 =	simm.s32 $0x1;
	_ =	strace $0x80000056  }
0xb: {  	s7 =	sshll.u32 s3, $0x6;
	s8 =	sshll.u32 s3, $0x4;
	s3 =	ssub.s32 $0x2, s3  }
0xc: {  	s19 =	sor.u32 $0x1C09, s28;
	s7 =	sor.u32 s7, s6;
	s14 =	sor.u32 s17, s8  }
0xd: {  	s6 =	sadd.s32 $0x18400, s0;
	s9 =	sshrl.u32 s3, $0x1;
	s13 =	sshrl.u32 s10, $0x2  }
0xe: {  	s10 =	sadd.s32 $0x13740, s2;
	s17 =	simm.s32 $0x7;
	s8 =	smul.u32 $0x2800, s14  }
0xf: {  	s7 =	sshrl.u32 s7, $0x3;
	s25 =	smul.u32 $0x500, s14;
	s3 =	ssub.s32 s3, s9  }
0x10: {  	s9 =	sadd.s32 $0x9B00, s2;
	s26 =	sadd.s32 s13, s1;
	p0 =	seq.s32 s14, $0x1F  }
0x11: {  	s14 =	simm.s32 $0x80;
	s12 =	sadd.s32 s7, s0;
	s13 =	smax.u32 s3, $0x1  }
0x12: {  	s20 =	sshrl.u32 s26, $0x3;
	s26 =	simm.s32 $0x5;
	s8 =	sshrl.u32 s8, $0x3  }
0x13: {  	s7 =	sadd.s32 s2, s25;
	s12 =	sadd.s32 $0x19800, s12;
	s8 =	sadd.s32 s2, s8  }
0x14: {  	s25 =	simm.s32 $0x4;
	s2 =	simm.s32 $0x3;
	s8 =	sadd.s32 $0x9C40, s8  }
.LBB2_1:
0x15: {  	s0 =	simm.s32 @p0 $0x0;
	s28 =	simm.s32 @p0 $0x9  }
0x16: {  	[tilespmem:s0], [sflag:$0x9] =	stream.linear.gather @p0 [hbm4b:s9+s0], $0xA00, $0x38;
	[tilespmem:$0x17000] =	vst v63  }
0x17: {  	_ =	swait.ge @p0 [sflag:s28], $0xA00  }
0x18: {  	[sflag:s28] =	ssyncset.done @p0 $0x0  }
0x19: {  	s3 =	simm.s32 @p0 $0xA00;
	[sflag:s28] =	ssyncadd.s32 @p0 $0xFFFFF600  }
0x1a: {  	[tilespmem:s3], [sflag:$0x9] =	stream.linear.gather @p0 [hbm4b:s5+s0], $0x1E00, $0x38;
	[tilespmem:$0x17000] =	vst v63  }
0x1b: {  	_ =	swait.ge @p0 [sflag:s28], $0x1E00  }
0x1c: {  	[sflag:s28] =	ssyncset.done @p0 $0x0  }
0x1d: {  	s3 =	simm.s32 @p0 $0x2800;
	[sflag:s28] =	ssyncadd.s32 @p0 $0xFFFFE200  }
0x1e: {  	[tilespmem:s3], [sflag:$0x9] =	stream.linear.gather @p0 [hbm4b:s10+s0], $0xA00, $0x38;
	[tilespmem:$0x17000] =	vst v63  }
0x1f: {  	_ =	swait.ge @p0 [sflag:s28], $0xA00  }
0x20: {  	[sflag:s28] =	ssyncset.done @p0 $0x0  }
0x21: {  	s3 =	simm.s32 @p0 $0x3200;
	[sflag:s28] =	ssyncadd.s32 @p0 $0xFFFFF600  }
0x22: {  	[tilespmem:s3], [sflag:$0x9] =	stream.linear.gather @p0 [hbm4b:s11+s0], $0x1E00, $0x38;
	[tilespmem:$0x17000] =	vst v63  }
0x23: {  	_ =	swait.ge @p0 [sflag:s28], $0x1E00  }
0x24: {  	[sflag:s28] =	ssyncset.done @p0 $0x0  }
0x25: {  	s0 =	simm.s32 @!p0 $0x0;
	s3 =	simm.s32 @!p0 $0x9;
	[sflag:s28] =	ssyncadd.s32 @p0 $0xFFFFE200  }
0x26: {  	[tilespmem:s0], [sflag:$0x9] =	stream.linear.gather @!p0 [hbm4b:s7+s0], $0x2800, $0x38;
	[tilespmem:$0x17000] =	vst v63  }
0x27: {  	_ =	swait.ge @!p0 [sflag:s3], $0x2800  }
0x28: {  	[sflag:s3] =	ssyncset.done @!p0 $0x0  }
0x29: {  	s28 =	simm.s32 @!p0 $0x2800;
	[sflag:s3] =	ssyncadd.s32 @!p0 $0xFFFFD800  }
0x2a: {  	[tilespmem:s28], [sflag:$0x9] =	stream.linear.gather @!p0 [hbm4b:s8+s0], $0x2800, $0x38;
	[tilespmem:$0x17000] =	vst v63  }
0x2b: {  	_ =	swait.ge @!p0 [sflag:s3], $0x2800  }
0x2c: {  	[sflag:s3] =	ssyncset.done @!p0 $0x0  }
0x2d: {  	[sflag:s3] =	ssyncadd.s32 @!p0 $0xFFFFD800;
	s3 =	simm.s32 $0x0  }
0x2e: {  	[tilespmem:s15], [sflag:$0x1] =	stream.indirect.gather [hbm4b:s4+s14], $0x40, s3, s14, $0xb8;
	[tilespmem:$0x17000] =	vst v63  }
0x2f: {  	_ = 	snop  }
0x30: {  	[tilespmem:s16], [sflag:$0x2] =	stream.indirect.gather [hbm4b:s4+s14], $0x40, s14, s14, $0xb8;
	[tilespmem:$0x17000] =	vst v63  }
0x31: {  	s3 =	simm.s32 $0x100  }
0x32: {  	[tilespmem:s18], [sflag:$0x3] =	stream.indirect.gather [hbm4b:s4+s14], $0x40, s3, s14, $0xb8;
	[tilespmem:$0x17000] =	vst v63  }
0x33: {  	[spmem:s20], [sflag:s19] =	dma.local [hbm:s6], $0x1400  }
0x34: {  	_ =	swait.ge [sflag:s21], $0x1400  }
0x35: {  	[sflag:s21] =	ssyncset.done $0x0  }
0x36: {  	[sflag:s21] =	ssyncadd.s32 $0xFFFFEC00  }
0x37: {  	s3 =	simm.s32 $0x180;
	[bflag:$0x0] =	sbarrier.arrive $0xFFFF  }
0x38: {  	[tilespmem:s23], [sflag:$0x4] =	stream.indirect.gather [hbm4b:s4+s14], $0x40, s3, s14, $0xb8;
	[tilespmem:$0x17000] =	vst v63  }
0x39: {  	_ =	swait.ge [sflag:s24], $0x2000  }
0x3a: {  	[sflag:s24] =	ssyncset.done $0x0  }
0x3b: {  	s3 =	simm.s32 $0x2800;
	[sflag:s24] =	ssyncadd.s32 $0xFFFFE000  }
0x3c: {  	[spmem:s1] =	stream.indirect.scatter.add.f32 [tilespmem:s15], [sflag:$0x5], $0x40, s3, s14, $0xb8;
	[tilespmem:$0x17000] =	vst v63  }
0x3d: {  	_ =	swait.ge [sflag:s26], $0x2000  }
0x3e: {  	[sflag:s26] =	ssyncset.done $0x0  }
0x3f: {  	s3 =	simm.s32 $0x200;
	[sflag:s26] =	ssyncadd.s32 $0xFFFFE000  }
0x40: {  	[tilespmem:s15], [sflag:$0x1] =	stream.indirect.gather [hbm4b:s4+s14], $0x40, s3, s14, $0xb8;
	[tilespmem:$0x17000] =	vst v63  }
0x41: {  	_ =	swait.ge [sflag:s29], $0x2000  }
0x42: {  	[sflag:s29] =	ssyncset.done $0x0  }
0x43: {  	s3 =	simm.s32 $0x2880;
	[sflag:s29] =	ssyncadd.s32 $0xFFFFE000  }
0x44: {  	[spmem:s1] =	stream.indirect.scatter.add.f32 [tilespmem:s16], [sflag:$0x6], $0x40, s3, s14, $0xb8;
	[tilespmem:$0x17000] =	vst v63  }
0x45: {  	_ =	swait.ge [sflag:s31], $0x2000  }
0x46: {  	[sflag:s31] =	ssyncset.done $0x0  }
0x47: {  	s3 =	simm.s32 $0x280;
	[sflag:s31] =	ssyncadd.s32 $0xFFFFE000  }
0x48: {  	[tilespmem:s16], [sflag:$0x2] =	stream.indirect.gather [hbm4b:s4+s14], $0x40, s3, s14, $0xb8;
	[tilespmem:$0x17000] =	vst v63  }
0x49: {  	_ =	swait.ge [sflag:s2], $0x2000  }
0x4a: {  	[sflag:s2] =	ssyncset.done $0x0  }
0x4b: {  	s3 =	simm.s32 $0x2900;
	[sflag:s2] =	ssyncadd.s32 $0xFFFFE000  }
0x4c: {  	[spmem:s1] =	stream.indirect.scatter.add.f32 [tilespmem:s18], [sflag:$0x7], $0x40, s3, s14, $0xb8;
	[tilespmem:$0x17000] =	vst v63  }
0x4d: {  	_ =	swait.ge [sflag:s17], $0x2000  }
0x4e: {  	[sflag:s17] =	ssyncset.done $0x0  }
0x4f: {  	s3 =	simm.s32 $0x300;
	[sflag:s17] =	ssyncadd.s32 $0xFFFFE000  }
0x50: {  	[tilespmem:s18], [sflag:$0x3] =	stream.indirect.gather [hbm4b:s4+s14], $0x40, s3, s14, $0xb8;
	[tilespmem:$0x17000] =	vst v63  }
0x51: {  	_ =	swait.ge [sflag:s25], $0x2000  }
0x52: {  	[sflag:s25] =	ssyncset.done $0x0  }
0x53: {  	s3 =	simm.s32 $0x2980;
	[sflag:s25] =	ssyncadd.s32 $0xFFFFE000  }
0x54: {  	[spmem:s1] =	stream.indirect.scatter.add.f32 [tilespmem:s23], [sflag:$0x8], $0x40, s3, s14, $0xb8;
	[tilespmem:$0x17000] =	vst v63  }
0x55: {  	_ =	swait.ge [sflag:s30], $0x2000  }
0x56: {  	[sflag:s30] =	ssyncset.done $0x0  }
0x57: {  	s3 =	simm.s32 $0x380;
	[sflag:s30] =	ssyncadd.s32 $0xFFFFE000  }
0x58: {  	[tilespmem:s23], [sflag:$0x4] =	stream.indirect.gather [hbm4b:s4+s14], $0x40, s3, s14, $0xb8;
	[tilespmem:$0x17000] =	vst v63  }
0x59: {  	_ =	swait.ge [sflag:s24], $0x2000  }
0x5a: {  	[sflag:s24] =	ssyncset.done $0x0  }
0x5b: {  	s3 =	simm.s32 $0x2A00;
	[sflag:s24] =	ssyncadd.s32 $0xFFFFE000  }
0x5c: {  	[spmem:s1] =	stream.indirect.scatter.add.f32 [tilespmem:s15], [sflag:$0x5], $0x40, s3, s14, $0xb8;
	[tilespmem:$0x17000] =	vst v63  }
0x5d: {  	_ =	swait.ge [sflag:s26], $0x2000  }
0x5e: {  	[sflag:s26] =	ssyncset.done $0x0  }
0x5f: {  	s3 =	simm.s32 $0x400;
	[sflag:s26] =	ssyncadd.s32 $0xFFFFE000  }
0x60: {  	[tilespmem:s15], [sflag:$0x1] =	stream.indirect.gather [hbm4b:s4+s14], $0x40, s3, s14, $0xb8;
	[tilespmem:$0x17000] =	vst v63  }
0x61: {  	_ =	swait.ge [sflag:s29], $0x2000  }
0x62: {  	[sflag:s29] =	ssyncset.done $0x0  }
0x63: {  	s3 =	simm.s32 $0x2A80;
	[sflag:s29] =	ssyncadd.s32 $0xFFFFE000  }
0x64: {  	[spmem:s1] =	stream.indirect.scatter.add.f32 [tilespmem:s16], [sflag:$0x6], $0x40, s3, s14, $0xb8;
	[tilespmem:$0x17000] =	vst v63  }
0x65: {  	_ =	swait.ge [sflag:s31], $0x2000  }
0x66: {  	[sflag:s31] =	ssyncset.done $0x0  }
0x67: {  	s3 =	simm.s32 $0x480;
	[sflag:s31] =	ssyncadd.s32 $0xFFFFE000  }
0x68: {  	[tilespmem:s16], [sflag:$0x2] =	stream.indirect.gather [hbm4b:s4+s14], $0x40, s3, s14, $0xb8;
	[tilespmem:$0x17000] =	vst v63  }
0x69: {  	_ =	swait.ge [sflag:s2], $0x2000  }
0x6a: {  	[sflag:s2] =	ssyncset.done $0x0  }
0x6b: {  	s3 =	simm.s32 $0x2B00;
	[sflag:s2] =	ssyncadd.s32 $0xFFFFE000  }
0x6c: {  	[spmem:s1] =	stream.indirect.scatter.add.f32 [tilespmem:s18], [sflag:$0x7], $0x40, s3, s14, $0xb8;
	[tilespmem:$0x17000] =	vst v63  }
0x6d: {  	_ =	swait.ge [sflag:s17], $0x2000  }
0x6e: {  	[sflag:s17] =	ssyncset.done $0x0  }
0x6f: {  	s3 =	simm.s32 $0x500;
	[sflag:s17] =	ssyncadd.s32 $0xFFFFE000  }
0x70: {  	[tilespmem:s18], [sflag:$0x3] =	stream.indirect.gather [hbm4b:s4+s14], $0x40, s3, s14, $0xb8;
	[tilespmem:$0x17000] =	vst v63  }
0x71: {  	_ =	swait.ge [sflag:s25], $0x2000  }
0x72: {  	[sflag:s25] =	ssyncset.done $0x0  }
0x73: {  	s28 =	simm.s32 $0x800;
	s0 =	simm.s32 $0x2B80;
	[sflag:s25] =	ssyncadd.s32 $0xFFFFE000  }
.LBB2_2:
0x74: {  	[spmem:s1] =	stream.indirect.scatter.add.f32 [tilespmem:s23], [sflag:$0x8], $0x40, s0, s14, $0xb8;
	[tilespmem:$0x17000] =	vst v63  }
0x75: {  	s0 =	smov.u32 s28  }
0x76: {  	p1 =	sne.s32 s28, $0x8800;
	s28 =	sadd.s32 $0x800, s28;
	_ =	swait.ge [sflag:s30], $0x2000  }
0x77: {  	s0 =	sshra.s32 s0, $0x2;
	[sflag:s30] =	ssyncset.done $0x0  }
0x78: {  	s3 =	sadd.s32 $0x380, s0;
	[sflag:s30] =	ssyncadd.s32 $0xFFFFE000  }
0x79: {  	[tilespmem:s23], [sflag:$0x4] =	stream.indirect.gather [hbm4b:s4+s14], $0x40, s3, s14, $0xb8;
	[tilespmem:$0x17000] =	vst v63  }
0x7a: {  	_ =	swait.ge [sflag:s24], $0x2000  }
0x7b: {  	[sflag:s24] =	ssyncset.done $0x0  }
0x7c: {  	s3 =	sadd.s32 $0x2A00, s0;
	[sflag:s24] =	ssyncadd.s32 $0xFFFFE000  }
0x7d: {  	[spmem:s1] =	stream.indirect.scatter.add.f32 [tilespmem:s15], [sflag:$0x5], $0x40, s3, s14, $0xb8;
	[tilespmem:$0x17000] =	vst v63  }
0x7e: {  	_ =	swait.ge [sflag:s26], $0x2000  }
0x7f: {  	[sflag:s26] =	ssyncset.done $0x0  }
0x80: {  	s3 =	sadd.s32 $0x400, s0;
	[sflag:s26] =	ssyncadd.s32 $0xFFFFE000  }
0x81: {  	[tilespmem:s15], [sflag:$0x1] =	stream.indirect.gather [hbm4b:s4+s14], $0x40, s3, s14, $0xb8;
	[tilespmem:$0x17000] =	vst v63  }
0x82: {  	_ =	swait.ge [sflag:s29], $0x2000  }
0x83: {  	[sflag:s29] =	ssyncset.done $0x0  }
0x84: {  	s3 =	sadd.s32 $0x2A80, s0;
	[sflag:s29] =	ssyncadd.s32 $0xFFFFE000  }
0x85: {  	[spmem:s1] =	stream.indirect.scatter.add.f32 [tilespmem:s16], [sflag:$0x6], $0x40, s3, s14, $0xb8;
	[tilespmem:$0x17000] =	vst v63  }
0x86: {  	_ =	swait.ge [sflag:s31], $0x2000  }
0x87: {  	[sflag:s31] =	ssyncset.done $0x0  }
0x88: {  	s3 =	sadd.s32 $0x480, s0;
	[sflag:s31] =	ssyncadd.s32 $0xFFFFE000  }
0x89: {  	[tilespmem:s16], [sflag:$0x2] =	stream.indirect.gather [hbm4b:s4+s14], $0x40, s3, s14, $0xb8;
	[tilespmem:$0x17000] =	vst v63  }
0x8a: {  	_ =	swait.ge [sflag:s2], $0x2000  }
0x8b: {  	[sflag:s2] =	ssyncset.done $0x0  }
0x8c: {  	s3 =	sadd.s32 $0x2B00, s0;
	[sflag:s2] =	ssyncadd.s32 $0xFFFFE000  }
0x8d: {  	[spmem:s1] =	stream.indirect.scatter.add.f32 [tilespmem:s18], [sflag:$0x7], $0x40, s3, s14, $0xb8;
	[tilespmem:$0x17000] =	vst v63  }
0x8e: {  	_ =	swait.ge [sflag:s17], $0x2000  }
0x8f: {  	[sflag:s17] =	ssyncset.done $0x0  }
.Ltmp0:
0x90: {  	s3 =	sadd.s32 $0x500, s0;
	[sflag:s17] =	ssyncadd.s32 $0xFFFFE000;
	(pc) =	sbr.rel @p1 .LBB2_2-.Ltmp0, $4  }
0x91: {  	[tilespmem:s18], [sflag:$0x3] =	stream.indirect.gather [hbm4b:s4+s14], $0x40, s3, s14, $0xb8;
	[tilespmem:$0x17000] =	vst v63  }
0x92: {  	_ =	swait.ge [sflag:s25], $0x2000  }
0x93: {  	[sflag:s25] =	ssyncset.done $0x0  }
0x94: {  	s0 =	sadd.s32 $0x2B80, s0;
	[sflag:s25] =	ssyncadd.s32 $0xFFFFE000  }
0x95: {  	[spmem:s1] =	stream.indirect.scatter.add.f32 [tilespmem:s23], [sflag:$0x8], $0x40, s0, s14, $0xb8;
	[tilespmem:$0x17000] =	vst v63  }
0x96: {  	_ =	swait.ge [sflag:s30], $0x2000  }
0x97: {  	[sflag:s30] =	ssyncset.done $0x0  }
0x98: {  	s3 =	simm.s32 $0x2780;
	[sflag:s30] =	ssyncadd.s32 $0xFFFFE000  }
0x99: {  	[tilespmem:s23], [sflag:$0x4] =	stream.indirect.gather [hbm4b:s4+s14], $0x40, s3, s14, $0xb8;
	[tilespmem:$0x17000] =	vst v63  }
0x9a: {  	_ =	swait.ge [sflag:s24], $0x2000  }
0x9b: {  	[sflag:s24] =	ssyncset.done $0x0  }
0x9c: {  	s28 =	simm.s32 $0x4E00;
	[sflag:s24] =	ssyncadd.s32 $0xFFFFE000  }
0x9d: {  	[spmem:s1] =	stream.indirect.scatter.add.f32 [tilespmem:s15], [sflag:$0x5], $0x40, s28, s14, $0xb8;
	[tilespmem:$0x17000] =	vst v63  }
0x9e: {  	_ =	swait.ge [sflag:s29], $0x2000  }
0x9f: {  	[sflag:s29] =	ssyncset.done $0x0  }
0xa0: {  	s3 =	simm.s32 $0x4E80;
	[sflag:s29] =	ssyncadd.s32 $0xFFFFE000  }
0xa1: {  	[spmem:s1] =	stream.indirect.scatter.add.f32 [tilespmem:s16], [sflag:$0x6], $0x40, s3, s14, $0xb8;
	[tilespmem:$0x17000] =	vst v63  }
0xa2: {  	_ =	swait.ge [sflag:s2], $0x2000  }
0xa3: {  	[sflag:s2] =	ssyncset.done $0x0  }
0xa4: {  	s28 =	simm.s32 $0x4F00;
	[sflag:s2] =	ssyncadd.s32 $0xFFFFE000  }
0xa5: {  	[spmem:s1] =	stream.indirect.scatter.add.f32 [tilespmem:s18], [sflag:$0x7], $0x40, s28, s14, $0xb8;
	[tilespmem:$0x17000] =	vst v63  }
0xa6: {  	_ =	swait.ge [sflag:s25], $0x2000  }
0xa7: {  	[sflag:s25] =	ssyncset.done $0x0  }
0xa8: {  	s3 =	simm.s32 $0x4F80;
	[sflag:s25] =	ssyncadd.s32 $0xFFFFE000  }
0xa9: {  	[spmem:s1] =	stream.indirect.scatter.add.f32 [tilespmem:s23], [sflag:$0x8], $0x40, s3, s14, $0xb8;
	[tilespmem:$0x17000] =	vst v63  }
0xaa: {  	_ =	swait.ge [sflag:s26], $0x2000  }
0xab: {  	[sflag:s26] =	ssyncset.done $0x0  }
0xac: {  	[sflag:s26] =	ssyncadd.s32 $0xFFFFE000  }
0xad: {  	_ =	swait.ge [sflag:s31], $0x2000  }
0xae: {  	[sflag:s31] =	ssyncset.done $0x0  }
0xaf: {  	[sflag:s31] =	ssyncadd.s32 $0xFFFFE000  }
0xb0: {  	_ =	swait.ge [sflag:s17], $0x2000  }
0xb1: {  	[sflag:s17] =	ssyncset.done $0x0  }
0xb2: {  	[sflag:s17] =	ssyncadd.s32 $0xFFFFE000  }
0xb3: {  	_ =	swait.ge [sflag:s30], $0x2000  }
0xb4: {  	s22 =	sadd.s32 $0x1, s22;
	[sflag:s30] =	ssyncset.done $0x0  }
0xb5: {  	p1 =	sne.s32 s22, s13;
	[sflag:s30] =	ssyncadd.s32 $0xFFFFE000  }
.Ltmp1:
0xb6: {  	s28 =	simm.s32 $0x10;
	[bflag:$0x0] =	sbarrier.arrive $0xFFFF;
	(pc) =	sbr.rel @p1 .LBB2_1-.Ltmp1, $4  }
0xb7: {  	[hbm:s12@s28], [sflag:s19] =	dma.strided [spmem:s20@s30], $0x1400, s24, $0x8   }
0xb8: {  	_ =	swait.ge [sflag:s21], $0x1400  }
0xb9: {  	[sflag:s21] =	ssyncset.done $0x0  }
0xba: {  	[sflag:s21] =	ssyncadd.s32 $0xFFFFEC00  }
0xbb: {  	_ =	sfence.sel $0x180000  }
0xbc: {  	[bflag:$0x0] =	sbarrier.arrive $0xFFFF  }
0xbd: {  	_ =	strace $0x90000056  }
0xbe: {  	s0 =	stileid.u32;
	[bflag:$0x2] =	sbarrier.arrive $0xFFFF  }
0xbf: {  	p0 =	sne.s32 s0, $0x0;
	s0 =	rddreg [dreg:$0x3]  }
0xc0: {  	s0 =	sadd.s32 @!p0 $0x100000, s0  }
0xc1: {  	[sflag:s0] =	ssyncadd.tile.s32 @!p0 $0x1;
	_ =	shalt  }
.Lfunc_end2:
_tile_overlayer_lowered:
.L_overlay_start_2:
0xc2: {  	(tag) =	ssettag $0x2  }
0xc3: {  	s0 =	rddreg [dreg:$0x0];
	s2 =	stileid.u32  }
0xc4: {  	s1 =	rddreg [dreg:$0x1];
	p0 =	sne.s32 s2, $0x0  }
0xc5: {  	s3 =	rddreg [dreg:$0x2];
	[bflag:$0x3] =	sbarrier.arrive $0xFFFF;
	s2 =	simm.s32 @!p0 $0x1C09  }
0xc6: {  	[timem:s3], [sflag:s2] =	dma.local @!p0 [hbm:s0], s1  }
0xc7: {  	s0 =	simm.s32 @!p0 $0x9  }
0xc8: {  	_ =	swait.ge @!p0 [sflag:s0], s1  }
0xc9: {  	s1 =	ssub.s32 @!p0 $0x0, s1;
	[sflag:s0] =	ssyncset.done @!p0 $0x0  }
0xca: {  	[sflag:s0] =	ssyncadd.s32 @!p0 s1  }
0xcb: {  	[bflag:$0x3] =	sbarrier.arrive $0xFFFF  }
0xcc: {  	_ =	shalt  }

</sc_bundles>
